<compile_context>
chip_gen: v7x
topology: tpu7x:2x2x1
jax: 0.10.2.dev20260603
libtpu: 0.0.44.dev20260713+nightly
codegen_flags: <defaults>
</compile_context>

<pallas_src>
import functools

import jax
import jax.numpy as jnp
from jax import lax
from jax.experimental import pallas as pl
from jax.experimental.pallas import tpu as pltpu
from jax.experimental.pallas import tpu_sc as plsc

_N = 10000
_E = 320000
_NC = 2
_NS = 16
_CH = 80
_NB = 5


def _make_agg(feature_split):
    rows_per_tile = 624
    tail_rows = _N - _NS * rows_per_tile
    tail_r0 = _NS * rows_per_tile
    n_workers = _NS if feature_split else _NC * _NS
    n_chunks = _E // (n_workers * _CH)
    mesh = plsc.VectorSubcoreMesh(core_axis_name="c", subcore_axis_name="s")

    @functools.partial(
        pl.kernel,
        out_type=jax.ShapeDtypeStruct((_NC, _N, 64), jnp.float32),
        mesh=mesh,
        scratch_types=[
            pltpu.VMEM((n_chunks, _CH), jnp.int32),
            pltpu.VMEM((n_chunks, _CH), jnp.int32),
            pltpu.VMEM((8, _CH), jnp.int32),
        ] + [pltpu.VMEM((_CH, 64), jnp.float32) for _ in range(_NB)]
          + [pltpu.VMEM_SHARED((_N, 64), jnp.float32)]
          + [pltpu.SemaphoreType.DMA for _ in range(2 * _NB)],
        compiler_params=pltpu.CompilerParams(use_tc_tiling_on_sc=False,
                                             disable_bounds_checks=True),
    )
    def agg(x_hbm, src_hbm, dst_hbm, out_hbm, srcs, dsts, sidx, *rest):
        bufs = rest[:_NB]
        acc = rest[_NB]
        gsems = rest[_NB + 1:2 * _NB + 1]
        ssems = rest[2 * _NB + 1:]
        c = lax.axis_index("c")
        s = lax.axis_index("s")
        table = x_hbm
        r0 = pl.multiple_of(s * rows_per_tile, 8)
        if feature_split:
            half = n_chunks // 2
            pltpu.sync_copy(src_hbm.at[2 * s], srcs.at[pl.ds(0, half)])
            pltpu.sync_copy(src_hbm.at[2 * s + 1], srcs.at[pl.ds(half, half)])
            pltpu.sync_copy(dst_hbm.at[2 * s], dsts.at[pl.ds(0, half)])
            pltpu.sync_copy(dst_hbm.at[2 * s + 1], dsts.at[pl.ds(half, half)])
        else:
            w = c * _NS + s
            pltpu.sync_copy(src_hbm.at[w], srcs)
            pltpu.sync_copy(dst_hbm.at[w], dsts)

        if feature_split:
            def xform(j):
                for k in range(_CH // 16):
                    v = srcs[j, pl.ds(16 * k, 16)]
                    srcs[j, pl.ds(16 * k, 16)] = 2 * v + c

            sizes = [_CH] * 7 + [rows_per_tile - 7 * _CH]

            def sfill(t):
                for k in range(_CH // 16):
                    sidx[t, pl.ds(16 * k, 16)] = (
                        2 * (r0 + _CH * t + 16 * k +
                             lax.iota(jnp.int32, 16)) + c)

            def sgather(t, k):
                return pltpu.async_copy(
                    table.at[sidx.at[t, pl.ds(0, sizes[t])]],
                    bufs[k].at[pl.ds(0, sizes[t])], gsems[k])

            def sgwait(t, k):
                pltpu.make_async_copy(
                    table.at[sidx.at[t, pl.ds(0, sizes[t])]],
                    bufs[k].at[pl.ds(0, sizes[t])], gsems[k]).wait()

            for t in range(_NB):
                sfill(t)
                sgather(t, t)
            for t in range(len(sizes)):
                k = t % _NB
                sgwait(t, k)
                pltpu.sync_copy(bufs[k].at[pl.ds(0, sizes[t])],
                                acc.at[pl.ds(r0 + _CH * t, sizes[t])])
                if t + _NB < len(sizes):
                    sfill(t + _NB)
                    sgather(t + _NB, k)

            @pl.when(s == 0)
            def _seed_tail():
                for k in range(_CH // 16):
                    sidx[0, pl.ds(16 * k, 16)] = (
                        2 * (tail_r0 + 16 * k + lax.iota(jnp.int32, 16)) + c)
                pltpu.async_copy(table.at[sidx.at[0, pl.ds(0, tail_rows)]],
                                 bufs[0].at[pl.ds(0, tail_rows)],
                                 gsems[0]).wait()
                pltpu.sync_copy(bufs[0].at[pl.ds(0, tail_rows)],
                                acc.at[pl.ds(tail_r0, tail_rows)])
        else:
            pltpu.sync_copy(table.at[pl.ds(r0, rows_per_tile)],
                            acc.at[pl.ds(r0, rows_per_tile)])

            @pl.when(s == 0)
            def _seed_tail():
                pltpu.sync_copy(table.at[pl.ds(tail_r0, tail_rows)],
                                acc.at[pl.ds(tail_r0, tail_rows)])

        plsc.subcore_barrier()

        def gather(j, k):
            return pltpu.async_copy(table.at[srcs.at[j]], bufs[k], gsems[k])

        def gwait(j, k):
            pltpu.make_async_copy(table.at[srcs.at[j]], bufs[k],
                                  gsems[k]).wait()

        def scat(j, k):
            return pltpu.async_copy(bufs[k], acc.at[dsts.at[j]], ssems[k],
                                    add=True)

        def swait(j, k):
            pltpu.make_async_copy(bufs[k], acc.at[dsts.at[j]],
                                  ssems[k]).wait()

        for k in range(_NB):
            if feature_split:
                xform(k)
            gather(k, k)

        def body(i, carry):
            j = _NB * i
            for k in range(_NB):
                gwait(j + k, k)
                scat(j + k, k)
            for k in range(_NB):
                swait(j + k, k)

                @pl.when(j + k + _NB < n_chunks)
                def _refill(j=j, k=k):
                    if feature_split:
                        xform(j + k + _NB)
                    gather(j + k + _NB, k)
            return carry

        lax.fori_loop(0, n_chunks // _NB, body, 0)
        plsc.subcore_barrier()
        pltpu.sync_copy(acc.at[pl.ds(r0, rows_per_tile)],
                        out_hbm.at[c, pl.ds(r0, rows_per_tile)])

        @pl.when(s == 0)
        def _write_tail():
            pltpu.sync_copy(acc.at[pl.ds(tail_r0, tail_rows)],
                            out_hbm.at[c, pl.ds(tail_r0, tail_rows)])

    return agg


_agg_l1 = _make_agg(feature_split=True)
_agg_l2 = _make_agg(feature_split=False)


def _halves_bn_relu(te, to, g, bt):
    mu = 0.5 * (jnp.mean(te, axis=0) + jnp.mean(to, axis=0))
    m2 = 0.5 * (jnp.mean(te * te, axis=0) + jnp.mean(to * to, axis=0))
    var = m2 - mu * mu
    a = g * lax.rsqrt(var + 1e-5)
    b = bt - mu * a
    return jnp.maximum(te * a + b, 0.0), jnp.maximum(to * a + b, 0.0)


def _dot(x, w):
    return jnp.dot(x, w, preferred_element_type=jnp.float32)


def _mlp1_body(a_ref, w1_ref, b1_ref, g_ref, bt_ref, w2_ref, b2_ref, o_ref):
    a0 = a_ref[0]
    a1 = a_ref[1]
    w1a = w1_ref[:64, :]
    w1b = w1_ref[64:, :]
    b1 = b1_ref[...]
    te = _dot(a0[:, :64], w1a) + _dot(a1[:, :64], w1b) + b1
    to = _dot(a0[:, 64:], w1a) + _dot(a1[:, 64:], w1b) + b1
    te, to = _halves_bn_relu(te, to, g_ref[...], bt_ref[...])
    w2 = w2_ref[...]
    b2 = b2_ref[...]
    o_ref[:, :64] = jnp.maximum(_dot(te, w2) + b2, 0.0)
    o_ref[:, 64:] = jnp.maximum(_dot(to, w2) + b2, 0.0)


def _mlp2_body(x_ref, a_ref, w1_ref, b1_ref, g_ref, bt_ref, w2_ref, b2_ref,
               fcw_ref, fcb_ref, emb_ref, out_ref):
    hp = a_ref[0] + a_ref[1] - x_ref[...]
    w1 = w1_ref[...]
    b1 = b1_ref[...]
    te = _dot(hp[:, :64], w1) + b1
    to = _dot(hp[:, 64:], w1) + b1
    te, to = _halves_bn_relu(te, to, g_ref[...], bt_ref[...])
    w2 = w2_ref[...]
    b2 = b2_ref[...]
    h2e = jnp.maximum(_dot(te, w2) + b2, 0.0)
    h2o = jnp.maximum(_dot(to, w2) + b2, 0.0)
    emb_ref[:, :32] = h2e
    emb_ref[:, 32:] = h2o
    fcw = fcw_ref[...]
    fcb = fcb_ref[...]
    out_ref[:, :64] = _dot(h2e, fcw) + fcb
    out_ref[:, 64:] = _dot(h2o, fcw) + fcb


def kernel(x, edge_index, l1_w1, l1_b1, l1_bn_g, l1_bn_b, l1_w2, l1_b2,
           l2_w1, l2_b1, l2_bn_g, l2_bn_b, l2_w2, l2_b2, fc_w, fc_b):
    src = edge_index[0].reshape(_NC * _NS, _E // (_NC * _NS * _CH), _CH)
    dst = edge_index[1].reshape(_NC * _NS, _E // (_NC * _NS * _CH), _CH)

    agg1 = _agg_l1(x.reshape(2 * _N, 64), src, dst)
    h1p = pl.pallas_call(
        _mlp1_body,
        out_shape=jax.ShapeDtypeStruct((_N // 2, 128), jnp.float32),
    )(agg1.reshape(_NC, _N // 2, 128), l1_w1, l1_b1, l1_bn_g, l1_bn_b,
      l1_w2, l1_b2)

    agg2 = _agg_l2(h1p.reshape(_N, 64), src, dst)
    emb_p, out_p = pl.pallas_call(
        _mlp2_body,
        out_shape=(
            jax.ShapeDtypeStruct((_N // 2, 64), jnp.float32),
            jax.ShapeDtypeStruct((_N // 2, 128), jnp.float32),
        ),
    )(h1p, agg2.reshape(_NC, _N // 2, 128), l2_w1, l2_b1, l2_bn_g, l2_bn_b,
      l2_w2, l2_b2, fc_w, fc_b)

    return emb_p.reshape(_N, 32), out_p.reshape(_N, 64)

# --- scband reference (transcript-rebuilt; emitter-appended) ---
"""Pipeline reference for scband-gin-5686536700272 (READ-ONLY COPY).

The authoritative reference and input builder live on the scoring server;
editing this copy changes nothing except your own understanding.
"""

import jax, jax.numpy as jnp
import numpy as np

N = 10000
E = 320000
D = 128
H1 = 64
H2 = 32
OUT = 64


def setup_inputs(seed: int = 0) -> dict:
    key = jax.random.key(seed)
    ks = jax.random.split(key, 16)

    def w(k, shape, scale=0.1):
        return jax.random.normal(k, shape, dtype=jnp.float32) * scale

    inp = {}
    inp["x"] = jax.random.normal(ks[0], (N, D), dtype=jnp.float32)
    inp["edge_index"] = jax.random.randint(ks[1], (2, E), 0, N, dtype=jnp.int32)
    # layer 1 MLP: Linear(D,D), BN(D), ReLU, Linear(D,H1), ReLU
    inp["l1_w1"] = w(ks[2], (D, D))
    inp["l1_b1"] = jnp.zeros((D,), dtype=jnp.float32)
    inp["l1_bn_g"] = jnp.ones((D,), dtype=jnp.float32)
    inp["l1_bn_b"] = jnp.zeros((D,), dtype=jnp.float32)
    inp["l1_w2"] = w(ks[3], (D, H1))
    inp["l1_b2"] = jnp.zeros((H1,), dtype=jnp.float32)
    # layer 2 MLP: Linear(H1,H1), BN(H1), ReLU, Linear(H1,H2), ReLU
    inp["l2_w1"] = w(ks[4], (H1, H1))
    inp["l2_b1"] = jnp.zeros((H1,), dtype=jnp.float32)
    inp["l2_bn_g"] = jnp.ones((H1,), dtype=jnp.float32)
    inp["l2_bn_b"] = jnp.zeros((H1,), dtype=jnp.float32)
    inp["l2_w2"] = w(ks[5], (H1, H2))
    inp["l2_b2"] = jnp.zeros((H2,), dtype=jnp.float32)
    # final fc: Linear(H2, OUT)
    inp["fc_w"] = w(ks[6], (H2, OUT))
    inp["fc_b"] = jnp.zeros((OUT,), dtype=jnp.float32)
    return inp


def _gin_layer(x, edge_index, w1, b1, g, bt, w2, b2):
    src = edge_index[0]
    dst = edge_index[1]
    # GINConv aggregation: sum of neighbor (source) features at destination nodes
    agg = jax.ops.segment_sum(x[src], dst, num_segments=x.shape[0])
    # eps = 0 (PyG default): (1 + eps) * x + aggregated neighbors
    h = x + agg
    # MLP: Linear -> BatchNorm1d (training-mode batch stats) -> ReLU -> Linear -> ReLU
    h = h @ w1 + b1
    mu = jnp.mean(h, axis=0)
    var = jnp.var(h, axis=0)
    h = (h - mu) / jnp.sqrt(var + 1e-5) * g + bt
    h = jax.nn.relu(h)
    h = h @ w2 + b2
    return jax.nn.relu(h)


def reference(x, edge_index, l1_w1, l1_b1, l1_bn_g, l1_bn_b, l1_w2, l1_b2,
              l2_w1, l2_b1, l2_bn_g, l2_bn_b, l2_w2, l2_b2, fc_w, fc_b):
    h = _gin_layer(x, edge_index, l1_w1, l1_b1, l1_bn_g, l1_bn_b, l1_w2, l1_b2)
    h = _gin_layer(h, edge_index, l2_w1, l2_b1, l2_bn_g, l2_bn_b, l2_w2, l2_b2)
    embedding = h
    out = h @ fc_w + fc_b
    return (embedding, out)

if __name__ == "__main__":
    import jax
    _d = setup_inputs()
    print(jax.jit(kernel)(*tuple(_d.values())))

</pallas_src>

<mosaic_0001>
#map = affine_map<(d0, d1) -> (0, 0)>
#map1 = affine_map<(d0, d1) -> (0, 0, 0)>
module attributes {stable_mosaic.version = 14 : i64} {
  func.func @agg(%arg0: i32, %arg1: i32, %arg2: memref<20000x64xf32, #tpu.memory_space<hbm>>, %arg3: memref<32x125x80xi32, #tpu.memory_space<hbm>>, %arg4: memref<32x125x80xi32, #tpu.memory_space<hbm>>, %arg5: memref<2x10000x64xf32, #tpu.memory_space<hbm>>, %arg6: memref<250x80xi32, #tpu.memory_space<vmem>>, %arg7: memref<250x80xi32, #tpu.memory_space<vmem>>, %arg8: memref<8x80xi32, #tpu.memory_space<vmem>>, %arg9: memref<80x64xf32, #tpu.memory_space<vmem>>, %arg10: memref<80x64xf32, #tpu.memory_space<vmem>>, %arg11: memref<80x64xf32, #tpu.memory_space<vmem>>, %arg12: memref<80x64xf32, #tpu.memory_space<vmem>>, %arg13: memref<80x64xf32, #tpu.memory_space<vmem>>, %arg14: memref<10000x64xf32, #tpu.memory_space<vmem_shared>>, %arg15: memref<!tpu.dma_semaphore, #tpu.memory_space<semaphore_mem>>, %arg16: memref<!tpu.dma_semaphore, #tpu.memory_space<semaphore_mem>>, %arg17: memref<!tpu.dma_semaphore, #tpu.memory_space<semaphore_mem>>, %arg18: memref<!tpu.dma_semaphore, #tpu.memory_space<semaphore_mem>>, %arg19: memref<!tpu.dma_semaphore, #tpu.memory_space<semaphore_mem>>, %arg20: memref<!tpu.dma_semaphore, #tpu.memory_space<semaphore_mem>>, %arg21: memref<!tpu.dma_semaphore, #tpu.memory_space<semaphore_mem>>, %arg22: memref<!tpu.dma_semaphore, #tpu.memory_space<semaphore_mem>>, %arg23: memref<!tpu.dma_semaphore, #tpu.memory_space<semaphore_mem>>, %arg24: memref<!tpu.dma_semaphore, #tpu.memory_space<semaphore_mem>>) attributes {dimension_semantics = [#tpu.dimension_semantics<core_parallel>, #tpu.dimension_semantics<subcore_parallel>], iteration_bounds = array<i64: 2, 16>, scalar_prefetch = 0 : i64, scratch_operands = 19 : i64, tpu.core_type = #tpu.core_type<sc_vector_subcore>, window_params = [{transform_indices = #map}, {transform_indices = #map1}, {transform_indices = #map1}, {transform_indices = #map1}]} {
    %mul3A = arith.constant 624 : i32
    %mul3A_0 = arith.muli %arg1, %mul3A : i32
    %multiple_of3A = tpu.assume_multiple %mul3A_0, 8 : i32
    %mul3A_1 = arith.constant 2 : i32
    %mul3A_2 = arith.muli %mul3A_1, %arg1 : i32
    "tpu.region"() ({
      %run_scoped3A = tpu.sem_alloc : memref<!tpu.dma_semaphore, #tpu.memory_space<semaphore_mem>>
      %dma_start3A_1351 = arith.constant 0 : i32
      %dma_start3A_1352 = arith.constant 0 : i32
      %dma_start3A_1353 = tpu.memref_slice %arg6[%dma_start3A_1351, %dma_start3A_1352] : memref<250x80xi32, #tpu.memory_space<vmem>> -> memref<125x80xi32, #tpu.memory_space<vmem>>
      %dma_start3A_1354 = arith.constant 0 : i32
      %dma_start3A_1355 = arith.constant 0 : i32
      %dma_start3A_1356 = tpu.memref_slice %arg3[%mul3A_2, %dma_start3A_1354, %dma_start3A_1355] : memref<32x125x80xi32, #tpu.memory_space<hbm>> -> memref<1x125x80xi32, #tpu.memory_space<hbm>>
      %dma_start3A_1357 = tpu.memref_squeeze %dma_start3A_1356 : memref<1x125x80xi32, #tpu.memory_space<hbm>> -> memref<125x80xi32, #tpu.memory_space<hbm>>
      %dma_start3A_1358 = arith.constant 0 : i32
      %dma_start3A_1359 = arith.constant 0 : i32
      %dma_start3A_1360 = tpu.memref_slice %arg6[%dma_start3A_1358, %dma_start3A_1359] : memref<250x80xi32, #tpu.memory_space<vmem>> -> memref<125x80xi32, #tpu.memory_space<vmem>>
      %dma_start3A_1361 = arith.constant 0 : i32
      %dma_start3A_1362 = arith.constant 0 : i32
      %dma_start3A_1363 = tpu.memref_slice %arg3[%mul3A_2, %dma_start3A_1361, %dma_start3A_1362] : memref<32x125x80xi32, #tpu.memory_space<hbm>> -> memref<1x125x80xi32, #tpu.memory_space<hbm>>
      %dma_start3A_1364 = tpu.memref_squeeze %dma_start3A_1363 : memref<1x125x80xi32, #tpu.memory_space<hbm>> -> memref<125x80xi32, #tpu.memory_space<hbm>>
      tpu.enqueue_dma source(%dma_start3A_1364 : memref<125x80xi32, #tpu.memory_space<hbm>>) target(%dma_start3A_1360 : memref<125x80xi32, #tpu.memory_space<vmem>>) target_semaphore(%run_scoped3A : memref<!tpu.dma_semaphore, #tpu.memory_space<semaphore_mem>>)
      %dma_wait3A_1365 = arith.constant 0 : i32
      %dma_wait3A_1366 = arith.constant 0 : i32
      %dma_wait3A_1367 = tpu.memref_slice %arg6[%dma_wait3A_1365, %dma_wait3A_1366] : memref<250x80xi32, #tpu.memory_space<vmem>> -> memref<125x80xi32, #tpu.memory_space<vmem>>
      %dma_wait3A_1368 = arith.constant 0 : i32
      %dma_wait3A_1369 = arith.constant 0 : i32
      %dma_wait3A_1370 = tpu.memref_slice %arg3[%mul3A_2, %dma_wait3A_1368, %dma_wait3A_1369] : memref<32x125x80xi32, #tpu.memory_space<hbm>> -> memref<1x125x80xi32, #tpu.memory_space<hbm>>
      %dma_wait3A_1371 = tpu.memref_squeeze %dma_wait3A_1370 : memref<1x125x80xi32, #tpu.memory_space<hbm>> -> memref<125x80xi32, #tpu.memory_space<hbm>>
      %dma_wait3A_1372 = arith.constant 0 : i32
      %dma_wait3A_1373 = arith.constant 0 : i32
      %dma_wait3A_1374 = tpu.memref_slice %arg6[%dma_wait3A_1372, %dma_wait3A_1373] : memref<250x80xi32, #tpu.memory_space<vmem>> -> memref<125x80xi32, #tpu.memory_space<vmem>>
      %dma_wait3A_1375 = arith.constant 0 : i32
      %dma_wait3A_1376 = arith.constant 0 : i32
      %dma_wait3A_1377 = tpu.memref_slice %arg3[%mul3A_2, %dma_wait3A_1375, %dma_wait3A_1376] : memref<32x125x80xi32, #tpu.memory_space<hbm>> -> memref<1x125x80xi32, #tpu.memory_space<hbm>>
      %dma_wait3A_1378 = tpu.memref_squeeze %dma_wait3A_1377 : memref<1x125x80xi32, #tpu.memory_space<hbm>> -> memref<125x80xi32, #tpu.memory_space<hbm>>
      tpu.wait_dma2 semaphore(%run_scoped3A : memref<!tpu.dma_semaphore, #tpu.memory_space<semaphore_mem>>) src(%dma_wait3A_1378 : memref<125x80xi32, #tpu.memory_space<hbm>>) dst(%dma_wait3A_1374 : memref<125x80xi32, #tpu.memory_space<vmem>>)
      tpu.yield
    }) : () -> ()
    %mul3A_3 = arith.constant 2 : i32
    %mul3A_4 = arith.muli %mul3A_3, %arg1 : i32
    %add3A = arith.constant 1 : i32
    %add3A_5 = arith.addi %mul3A_4, %add3A : i32
    "tpu.region"() ({
      %run_scoped3A = tpu.sem_alloc : memref<!tpu.dma_semaphore, #tpu.memory_space<semaphore_mem>>
      %dma_start3A_1351 = arith.constant 125 : i32
      %dma_start3A_1352 = arith.constant 0 : i32
      %dma_start3A_1353 = tpu.memref_slice %arg6[%dma_start3A_1351, %dma_start3A_1352] : memref<250x80xi32, #tpu.memory_space<vmem>> -> memref<125x80xi32, #tpu.memory_space<vmem>>
      %dma_start3A_1354 = arith.constant 0 : i32
      %dma_start3A_1355 = arith.constant 0 : i32
      %dma_start3A_1356 = tpu.memref_slice %arg3[%add3A_5, %dma_start3A_1354, %dma_start3A_1355] : memref<32x125x80xi32, #tpu.memory_space<hbm>> -> memref<1x125x80xi32, #tpu.memory_space<hbm>>
      %dma_start3A_1357 = tpu.memref_squeeze %dma_start3A_1356 : memref<1x125x80xi32, #tpu.memory_space<hbm>> -> memref<125x80xi32, #tpu.memory_space<hbm>>
      %dma_start3A_1358 = arith.constant 125 : i32
      %dma_start3A_1359 = arith.constant 0 : i32
      %dma_start3A_1360 = tpu.memref_slice %arg6[%dma_start3A_1358, %dma_start3A_1359] : memref<250x80xi32, #tpu.memory_space<vmem>> -> memref<125x80xi32, #tpu.memory_space<vmem>>
      %dma_start3A_1361 = arith.constant 0 : i32
      %dma_start3A_1362 = arith.constant 0 : i32
      %dma_start3A_1363 = tpu.memref_slice %arg3[%add3A_5, %dma_start3A_1361, %dma_start3A_1362] : memref<32x125x80xi32, #tpu.memory_space<hbm>> -> memref<1x125x80xi32, #tpu.memory_space<hbm>>
      %dma_start3A_1364 = tpu.memref_squeeze %dma_start3A_1363 : memref<1x125x80xi32, #tpu.memory_space<hbm>> -> memref<125x80xi32, #tpu.memory_space<hbm>>
      tpu.enqueue_dma source(%dma_start3A_1364 : memref<125x80xi32, #tpu.memory_space<hbm>>) target(%dma_start3A_1360 : memref<125x80xi32, #tpu.memory_space<vmem>>) target_semaphore(%run_scoped3A : memref<!tpu.dma_semaphore, #tpu.memory_space<semaphore_mem>>)
      %dma_wait3A_1365 = arith.constant 125 : i32
      %dma_wait3A_1366 = arith.constant 0 : i32
      %dma_wait3A_1367 = tpu.memref_slice %arg6[%dma_wait3A_1365, %dma_wait3A_1366] : memref<250x80xi32, #tpu.memory_space<vmem>> -> memref<125x80xi32, #tpu.memory_space<vmem>>
      %dma_wait3A_1368 = arith.constant 0 : i32
      %dma_wait3A_1369 = arith.constant 0 : i32
      %dma_wait3A_1370 = tpu.memref_slice %arg3[%add3A_5, %dma_wait3A_1368, %dma_wait3A_1369] : memref<32x125x80xi32, #tpu.memory_space<hbm>> -> memref<1x125x80xi32, #tpu.memory_space<hbm>>
      %dma_wait3A_1371 = tpu.memref_squeeze %dma_wait3A_1370 : memref<1x125x80xi32, #tpu.memory_space<hbm>> -> memref<125x80xi32, #tpu.memory_space<hbm>>
      %dma_wait3A_1372 = arith.constant 125 : i32
      %dma_wait3A_1373 = arith.constant 0 : i32
      %dma_wait3A_1374 = tpu.memref_slice %arg6[%dma_wait3A_1372, %dma_wait3A_1373] : memref<250x80xi32, #tpu.memory_space<vmem>> -> memref<125x80xi32, #tpu.memory_space<vmem>>
      %dma_wait3A_1375 = arith.constant 0 : i32
      %dma_wait3A_1376 = arith.constant 0 : i32
      %dma_wait3A_1377 = tpu.memref_slice %arg3[%add3A_5, %dma_wait3A_1375, %dma_wait3A_1376] : memref<32x125x80xi32, #tpu.memory_space<hbm>> -> memref<1x125x80xi32, #tpu.memory_space<hbm>>
      %dma_wait3A_1378 = tpu.memref_squeeze %dma_wait3A_1377 : memref<1x125x80xi32, #tpu.memory_space<hbm>> -> memref<125x80xi32, #tpu.memory_space<hbm>>
      tpu.wait_dma2 semaphore(%run_scoped3A : memref<!tpu.dma_semaphore, #tpu.memory_space<semaphore_mem>>) src(%dma_wait3A_1378 : memref<125x80xi32, #tpu.memory_space<hbm>>) dst(%dma_wait3A_1374 : memref<125x80xi32, #tpu.memory_space<vmem>>)
      tpu.yield
    }) : () -> ()
    %mul3A_6 = arith.constant 2 : i32
    %mul3A_7 = arith.muli %mul3A_6, %arg1 : i32
    "tpu.region"() ({
      %run_scoped3A = tpu.sem_alloc : memref<!tpu.dma_semaphore, #tpu.memory_space<semaphore_mem>>
      %dma_start3A_1351 = arith.constant 0 : i32
      %dma_start3A_1352 = arith.constant 0 : i32
      %dma_start3A_1353 = tpu.memref_slice %arg7[%dma_start3A_1351, %dma_start3A_1352] : memref<250x80xi32, #tpu.memory_space<vmem>> -> memref<125x80xi32, #tpu.memory_space<vmem>>
      %dma_start3A_1354 = arith.constant 0 : i32
      %dma_start3A_1355 = arith.constant 0 : i32
      %dma_start3A_1356 = tpu.memref_slice %arg4[%mul3A_7, %dma_start3A_1354, %dma_start3A_1355] : memref<32x125x80xi32, #tpu.memory_space<hbm>> -> memref<1x125x80xi32, #tpu.memory_space<hbm>>
      %dma_start3A_1357 = tpu.memref_squeeze %dma_start3A_1356 : memref<1x125x80xi32, #tpu.memory_space<hbm>> -> memref<125x80xi32, #tpu.memory_space<hbm>>
      %dma_start3A_1358 = arith.constant 0 : i32
      %dma_start3A_1359 = arith.constant 0 : i32
      %dma_start3A_1360 = tpu.memref_slice %arg7[%dma_start3A_1358, %dma_start3A_1359] : memref<250x80xi32, #tpu.memory_space<vmem>> -> memref<125x80xi32, #tpu.memory_space<vmem>>
      %dma_start3A_1361 = arith.constant 0 : i32
      %dma_start3A_1362 = arith.constant 0 : i32
      %dma_start3A_1363 = tpu.memref_slice %arg4[%mul3A_7, %dma_start3A_1361, %dma_start3A_1362] : memref<32x125x80xi32, #tpu.memory_space<hbm>> -> memref<1x125x80xi32, #tpu.memory_space<hbm>>
      %dma_start3A_1364 = tpu.memref_squeeze %dma_start3A_1363 : memref<1x125x80xi32, #tpu.memory_space<hbm>> -> memref<125x80xi32, #tpu.memory_space<hbm>>
      tpu.enqueue_dma source(%dma_start3A_1364 : memref<125x80xi32, #tpu.memory_space<hbm>>) target(%dma_start3A_1360 : memref<125x80xi32, #tpu.memory_space<vmem>>) target_semaphore(%run_scoped3A : memref<!tpu.dma_semaphore, #tpu.memory_space<semaphore_mem>>)
      %dma_wait3A_1365 = arith.constant 0 : i32
      %dma_wait3A_1366 = arith.constant 0 : i32
      %dma_wait3A_1367 = tpu.memref_slice %arg7[%dma_wait3A_1365, %dma_wait3A_1366] : memref<250x80xi32, #tpu.memory_space<vmem>> -> memref<125x80xi32, #tpu.memory_space<vmem>>
      %dma_wait3A_1368 = arith.constant 0 : i32
      %dma_wait3A_1369 = arith.constant 0 : i32
      %dma_wait3A_1370 = tpu.memref_slice %arg4[%mul3A_7, %dma_wait3A_1368, %dma_wait3A_1369] : memref<32x125x80xi32, #tpu.memory_space<hbm>> -> memref<1x125x80xi32, #tpu.memory_space<hbm>>
      %dma_wait3A_1371 = tpu.memref_squeeze %dma_wait3A_1370 : memref<1x125x80xi32, #tpu.memory_space<hbm>> -> memref<125x80xi32, #tpu.memory_space<hbm>>
      %dma_wait3A_1372 = arith.constant 0 : i32
      %dma_wait3A_1373 = arith.constant 0 : i32
      %dma_wait3A_1374 = tpu.memref_slice %arg7[%dma_wait3A_1372, %dma_wait3A_1373] : memref<250x80xi32, #tpu.memory_space<vmem>> -> memref<125x80xi32, #tpu.memory_space<vmem>>
      %dma_wait3A_1375 = arith.constant 0 : i32
      %dma_wait3A_1376 = arith.constant 0 : i32
      %dma_wait3A_1377 = tpu.memref_slice %arg4[%mul3A_7, %dma_wait3A_1375, %dma_wait3A_1376] : memref<32x125x80xi32, #tpu.memory_space<hbm>> -> memref<1x125x80xi32, #tpu.memory_space<hbm>>
      %dma_wait3A_1378 = tpu.memref_squeeze %dma_wait3A_1377 : memref<1x125x80xi32, #tpu.memory_space<hbm>> -> memref<125x80xi32, #tpu.memory_space<hbm>>
      tpu.wait_dma2 semaphore(%run_scoped3A : memref<!tpu.dma_semaphore, #tpu.memory_space<semaphore_mem>>) src(%dma_wait3A_1378 : memref<125x80xi32, #tpu.memory_space<hbm>>) dst(%dma_wait3A_1374 : memref<125x80xi32, #tpu.memory_space<vmem>>)
      tpu.yield
    }) : () -> ()
    %mul3A_8 = arith.constant 2 : i32
    %mul3A_9 = arith.muli %mul3A_8, %arg1 : i32
    %add3A_10 = arith.constant 1 : i32
    %add3A_11 = arith.addi %mul3A_9, %add3A_10 : i32
    "tpu.region"() ({
      %run_scoped3A = tpu.sem_alloc : memref<!tpu.dma_semaphore, #tpu.memory_space<semaphore_mem>>
      %dma_start3A_1351 = arith.constant 125 : i32
      %dma_start3A_1352 = arith.constant 0 : i32
      %dma_start3A_1353 = tpu.memref_slice %arg7[%dma_start3A_1351, %dma_start3A_1352] : memref<250x80xi32, #tpu.memory_space<vmem>> -> memref<125x80xi32, #tpu.memory_space<vmem>>
      %dma_start3A_1354 = arith.constant 0 : i32
      %dma_start3A_1355 = arith.constant 0 : i32
      %dma_start3A_1356 = tpu.memref_slice %arg4[%add3A_11, %dma_start3A_1354, %dma_start3A_1355] : memref<32x125x80xi32, #tpu.memory_space<hbm>> -> memref<1x125x80xi32, #tpu.memory_space<hbm>>
      %dma_start3A_1357 = tpu.memref_squeeze %dma_start3A_1356 : memref<1x125x80xi32, #tpu.memory_space<hbm>> -> memref<125x80xi32, #tpu.memory_space<hbm>>
      %dma_start3A_1358 = arith.constant 125 : i32
      %dma_start3A_1359 = arith.constant 0 : i32
      %dma_start3A_1360 = tpu.memref_slice %arg7[%dma_start3A_1358, %dma_start3A_1359] : memref<250x80xi32, #tpu.memory_space<vmem>> -> memref<125x80xi32, #tpu.memory_space<vmem>>
      %dma_start3A_1361 = arith.constant 0 : i32
      %dma_start3A_1362 = arith.constant 0 : i32
      %dma_start3A_1363 = tpu.memref_slice %arg4[%add3A_11, %dma_start3A_1361, %dma_start3A_1362] : memref<32x125x80xi32, #tpu.memory_space<hbm>> -> memref<1x125x80xi32, #tpu.memory_space<hbm>>
      %dma_start3A_1364 = tpu.memref_squeeze %dma_start3A_1363 : memref<1x125x80xi32, #tpu.memory_space<hbm>> -> memref<125x80xi32, #tpu.memory_space<hbm>>
      tpu.enqueue_dma source(%dma_start3A_1364 : memref<125x80xi32, #tpu.memory_space<hbm>>) target(%dma_start3A_1360 : memref<125x80xi32, #tpu.memory_space<vmem>>) target_semaphore(%run_scoped3A : memref<!tpu.dma_semaphore, #tpu.memory_space<semaphore_mem>>)
      %dma_wait3A_1365 = arith.constant 125 : i32
      %dma_wait3A_1366 = arith.constant 0 : i32
      %dma_wait3A_1367 = tpu.memref_slice %arg7[%dma_wait3A_1365, %dma_wait3A_1366] : memref<250x80xi32, #tpu.memory_space<vmem>> -> memref<125x80xi32, #tpu.memory_space<vmem>>
      %dma_wait3A_1368 = arith.constant 0 : i32
      %dma_wait3A_1369 = arith.constant 0 : i32
      %dma_wait3A_1370 = tpu.memref_slice %arg4[%add3A_11, %dma_wait3A_1368, %dma_wait3A_1369] : memref<32x125x80xi32, #tpu.memory_space<hbm>> -> memref<1x125x80xi32, #tpu.memory_space<hbm>>
      %dma_wait3A_1371 = tpu.memref_squeeze %dma_wait3A_1370 : memref<1x125x80xi32, #tpu.memory_space<hbm>> -> memref<125x80xi32, #tpu.memory_space<hbm>>
      %dma_wait3A_1372 = arith.constant 125 : i32
      %dma_wait3A_1373 = arith.constant 0 : i32
      %dma_wait3A_1374 = tpu.memref_slice %arg7[%dma_wait3A_1372, %dma_wait3A_1373] : memref<250x80xi32, #tpu.memory_space<vmem>> -> memref<125x80xi32, #tpu.memory_space<vmem>>
      %dma_wait3A_1375 = arith.constant 0 : i32
      %dma_wait3A_1376 = arith.constant 0 : i32
      %dma_wait3A_1377 = tpu.memref_slice %arg4[%add3A_11, %dma_wait3A_1375, %dma_wait3A_1376] : memref<32x125x80xi32, #tpu.memory_space<hbm>> -> memref<1x125x80xi32, #tpu.memory_space<hbm>>
      %dma_wait3A_1378 = tpu.memref_squeeze %dma_wait3A_1377 : memref<1x125x80xi32, #tpu.memory_space<hbm>> -> memref<125x80xi32, #tpu.memory_space<hbm>>
      tpu.wait_dma2 semaphore(%run_scoped3A : memref<!tpu.dma_semaphore, #tpu.memory_space<semaphore_mem>>) src(%dma_wait3A_1378 : memref<125x80xi32, #tpu.memory_space<hbm>>) dst(%dma_wait3A_1374 : memref<125x80xi32, #tpu.memory_space<vmem>>)
      tpu.yield
    }) : () -> ()
    %add3A_12 = arith.constant 0 : i32
    %add3A_13 = arith.addi %multiple_of3A, %add3A_12 : i32
    %add3A_14 = arith.constant 0 : i32
    %add3A_15 = arith.addi %add3A_13, %add3A_14 : i32
    %iota3A = tpu.iota {dimensions = array<i32: 0>} : vector<16xi32>
    %add3A_16 = vector.broadcast %add3A_15 : i32 to vector<16xi32>
    %add3A_17 = arith.addi %add3A_16, %iota3A : vector<16xi32>
    %mul3A_18 = arith.constant 2 : i32
    %mul3A_19 = vector.broadcast %mul3A_18 : i32 to vector<16xi32>
    %mul3A_20 = arith.muli %mul3A_19, %add3A_17 : vector<16xi32>
    %add3A_21 = vector.broadcast %arg0 : i32 to vector<16xi32>
    %add3A_22 = arith.addi %mul3A_20, %add3A_21 : vector<16xi32>
    %swap3A = arith.constant 0 : i32
    %swap3A_23 = arith.index_cast %swap3A : i32 to index
    %swap3A_24 = arith.constant 0 : index
    %swap3A_25 = tpu.vector_load %arg8[%swap3A_23, %swap3A_24] {strides = array<i32>} : memref<8x80xi32, #tpu.memory_space<vmem>>, vector<1x16xi32>,
    %swap3A_26 = vector.shape_cast %swap3A_25 : vector<1x16xi32> to vector<16xi32>
    %swap3A_27 = vector.shape_cast %add3A_22 : vector<16xi32> to vector<1x16xi32>
    tpu.vector_store %arg8[%swap3A_23, %swap3A_24], %swap3A_27 {strides = array<i32>} : memref<8x80xi32, #tpu.memory_space<vmem>>, vector<1x16xi32>,
    %add3A_28 = arith.constant 0 : i32
    %add3A_29 = arith.addi %multiple_of3A, %add3A_28 : i32
    %add3A_30 = arith.constant 16 : i32
    %add3A_31 = arith.addi %add3A_29, %add3A_30 : i32
    %iota3A_32 = tpu.iota {dimensions = array<i32: 0>} : vector<16xi32>
    %add3A_33 = vector.broadcast %add3A_31 : i32 to vector<16xi32>
    %add3A_34 = arith.addi %add3A_33, %iota3A_32 : vector<16xi32>
    %mul3A_35 = arith.constant 2 : i32
    %mul3A_36 = vector.broadcast %mul3A_35 : i32 to vector<16xi32>
    %mul3A_37 = arith.muli %mul3A_36, %add3A_34 : vector<16xi32>
    %add3A_38 = vector.broadcast %arg0 : i32 to vector<16xi32>
    %add3A_39 = arith.addi %mul3A_37, %add3A_38 : vector<16xi32>
    %swap3A_40 = arith.constant 0 : i32
    %swap3A_41 = arith.index_cast %swap3A_40 : i32 to index
    %swap3A_42 = arith.constant 16 : index
    %swap3A_43 = tpu.vector_load %arg8[%swap3A_41, %swap3A_42] {strides = array<i32>} : memref<8x80xi32, #tpu.memory_space<vmem>>, vector<1x16xi32>,
    %swap3A_44 = vector.shape_cast %swap3A_43 : vector<1x16xi32> to vector<16xi32>
    %swap3A_45 = vector.shape_cast %add3A_39 : vector<16xi32> to vector<1x16xi32>
    tpu.vector_store %arg8[%swap3A_41, %swap3A_42], %swap3A_45 {strides = array<i32>} : memref<8x80xi32, #tpu.memory_space<vmem>>, vector<1x16xi32>,
    %add3A_46 = arith.constant 0 : i32
    %add3A_47 = arith.addi %multiple_of3A, %add3A_46 : i32
    %add3A_48 = arith.constant 32 : i32
    %add3A_49 = arith.addi %add3A_47, %add3A_48 : i32
    %iota3A_50 = tpu.iota {dimensions = array<i32: 0>} : vector<16xi32>
    %add3A_51 = vector.broadcast %add3A_49 : i32 to vector<16xi32>
    %add3A_52 = arith.addi %add3A_51, %iota3A_50 : vector<16xi32>
    %mul3A_53 = arith.constant 2 : i32
    %mul3A_54 = vector.broadcast %mul3A_53 : i32 to vector<16xi32>
    %mul3A_55 = arith.muli %mul3A_54, %add3A_52 : vector<16xi32>
    %add3A_56 = vector.broadcast %arg0 : i32 to vector<16xi32>
    %add3A_57 = arith.addi %mul3A_55, %add3A_56 : vector<16xi32>
    %swap3A_58 = arith.constant 0 : i32
    %swap3A_59 = arith.index_cast %swap3A_58 : i32 to index
    %swap3A_60 = arith.constant 32 : index
    %swap3A_61 = tpu.vector_load %arg8[%swap3A_59, %swap3A_60] {strides = array<i32>} : memref<8x80xi32, #tpu.memory_space<vmem>>, vector<1x16xi32>,
    %swap3A_62 = vector.shape_cast %swap3A_61 : vector<1x16xi32> to vector<16xi32>
    %swap3A_63 = vector.shape_cast %add3A_57 : vector<16xi32> to vector<1x16xi32>
    tpu.vector_store %arg8[%swap3A_59, %swap3A_60], %swap3A_63 {strides = array<i32>} : memref<8x80xi32, #tpu.memory_space<vmem>>, vector<1x16xi32>,
    %add3A_64 = arith.constant 0 : i32
    %add3A_65 = arith.addi %multiple_of3A, %add3A_64 : i32
    %add3A_66 = arith.constant 48 : i32
    %add3A_67 = arith.addi %add3A_65, %add3A_66 : i32
    %iota3A_68 = tpu.iota {dimensions = array<i32: 0>} : vector<16xi32>
    %add3A_69 = vector.broadcast %add3A_67 : i32 to vector<16xi32>
    %add3A_70 = arith.addi %add3A_69, %iota3A_68 : vector<16xi32>
    %mul3A_71 = arith.constant 2 : i32
    %mul3A_72 = vector.broadcast %mul3A_71 : i32 to vector<16xi32>
    %mul3A_73 = arith.muli %mul3A_72, %add3A_70 : vector<16xi32>
    %add3A_74 = vector.broadcast %arg0 : i32 to vector<16xi32>
    %add3A_75 = arith.addi %mul3A_73, %add3A_74 : vector<16xi32>
    %swap3A_76 = arith.constant 0 : i32
    %swap3A_77 = arith.index_cast %swap3A_76 : i32 to index
    %swap3A_78 = arith.constant 48 : index
    %swap3A_79 = tpu.vector_load %arg8[%swap3A_77, %swap3A_78] {strides = array<i32>} : memref<8x80xi32, #tpu.memory_space<vmem>>, vector<1x16xi32>,
    %swap3A_80 = vector.shape_cast %swap3A_79 : vector<1x16xi32> to vector<16xi32>
    %swap3A_81 = vector.shape_cast %add3A_75 : vector<16xi32> to vector<1x16xi32>
    tpu.vector_store %arg8[%swap3A_77, %swap3A_78], %swap3A_81 {strides = array<i32>} : memref<8x80xi32, #tpu.memory_space<vmem>>, vector<1x16xi32>,
    %add3A_82 = arith.constant 0 : i32
    %add3A_83 = arith.addi %multiple_of3A, %add3A_82 : i32
    %add3A_84 = arith.constant 64 : i32
    %add3A_85 = arith.addi %add3A_83, %add3A_84 : i32
    %iota3A_86 = tpu.iota {dimensions = array<i32: 0>} : vector<16xi32>
    %add3A_87 = vector.broadcast %add3A_85 : i32 to vector<16xi32>
    %add3A_88 = arith.addi %add3A_87, %iota3A_86 : vector<16xi32>
    %mul3A_89 = arith.constant 2 : i32
    %mul3A_90 = vector.broadcast %mul3A_89 : i32 to vector<16xi32>
    %mul3A_91 = arith.muli %mul3A_90, %add3A_88 : vector<16xi32>
    %add3A_92 = vector.broadcast %arg0 : i32 to vector<16xi32>
    %add3A_93 = arith.addi %mul3A_91, %add3A_92 : vector<16xi32>
    %swap3A_94 = arith.constant 0 : i32
    %swap3A_95 = arith.index_cast %swap3A_94 : i32 to index
    %swap3A_96 = arith.constant 64 : index
    %swap3A_97 = tpu.vector_load %arg8[%swap3A_95, %swap3A_96] {strides = array<i32>} : memref<8x80xi32, #tpu.memory_space<vmem>>, vector<1x16xi32>,
    %swap3A_98 = vector.shape_cast %swap3A_97 : vector<1x16xi32> to vector<16xi32>
    %swap3A_99 = vector.shape_cast %add3A_93 : vector<16xi32> to vector<1x16xi32>
    tpu.vector_store %arg8[%swap3A_95, %swap3A_96], %swap3A_99 {strides = array<i32>} : memref<8x80xi32, #tpu.memory_space<vmem>>, vector<1x16xi32>,
    %dma_start3A = arith.constant 0 : i32
    %dma_start3A_100 = arith.constant 0 : i32
    %dma_start3A_101 = arith.constant 0 : i32
    %dma_start3A_102 = tpu.memref_slice %arg9[%dma_start3A_100, %dma_start3A_101] : memref<80x64xf32, #tpu.memory_space<vmem>> -> memref<80x64xf32, #tpu.memory_space<vmem>>
    %dma_start3A_103 = arith.constant 0 : i32
    %dma_start3A_104 = tpu.memref_slice %arg8[%dma_start3A, %dma_start3A_103] : memref<8x80xi32, #tpu.memory_space<vmem>> -> memref<1x80xi32, #tpu.memory_space<vmem>>
    %dma_start3A_105 = tpu.memref_squeeze %dma_start3A_104 : memref<1x80xi32, #tpu.memory_space<vmem>> -> memref<80xi32, #tpu.memory_space<vmem>>
    %dma_start3A_106 = arith.constant 0 : i32
    %dma_start3A_107 = arith.constant 0 : i32
    %dma_start3A_108 = tpu.memref_slice %arg2[%dma_start3A_106, %dma_start3A_107] : memref<20000x64xf32, #tpu.memory_space<hbm>> -> memref<20000x64xf32, #tpu.memory_space<hbm>>
    tpu.enqueue_indirect_dma source(%dma_start3A_108 : memref<20000x64xf32, #tpu.memory_space<hbm>>) target(%dma_start3A_102 : memref<80x64xf32, #tpu.memory_space<vmem>>) offsets(%dma_start3A_105 : memref<80xi32, #tpu.memory_space<vmem>>) semaphore(%arg15 : memref<!tpu.dma_semaphore, #tpu.memory_space<semaphore_mem>>)
    %add3A_109 = arith.constant 80 : i32
    %add3A_110 = arith.addi %multiple_of3A, %add3A_109 : i32
    %add3A_111 = arith.constant 0 : i32
    %add3A_112 = arith.addi %add3A_110, %add3A_111 : i32
    %iota3A_113 = tpu.iota {dimensions = array<i32: 0>} : vector<16xi32>
    %add3A_114 = vector.broadcast %add3A_112 : i32 to vector<16xi32>
    %add3A_115 = arith.addi %add3A_114, %iota3A_113 : vector<16xi32>
    %mul3A_116 = arith.constant 2 : i32
    %mul3A_117 = vector.broadcast %mul3A_116 : i32 to vector<16xi32>
    %mul3A_118 = arith.muli %mul3A_117, %add3A_115 : vector<16xi32>
    %add3A_119 = vector.broadcast %arg0 : i32 to vector<16xi32>
    %add3A_120 = arith.addi %mul3A_118, %add3A_119 : vector<16xi32>
    %swap3A_121 = arith.constant 1 : i32
    %swap3A_122 = arith.index_cast %swap3A_121 : i32 to index
    %swap3A_123 = arith.constant 0 : index
    %swap3A_124 = tpu.vector_load %arg8[%swap3A_122, %swap3A_123] {strides = array<i32>} : memref<8x80xi32, #tpu.memory_space<vmem>>, vector<1x16xi32>,
    %swap3A_125 = vector.shape_cast %swap3A_124 : vector<1x16xi32> to vector<16xi32>
    %swap3A_126 = vector.shape_cast %add3A_120 : vector<16xi32> to vector<1x16xi32>
    tpu.vector_store %arg8[%swap3A_122, %swap3A_123], %swap3A_126 {strides = array<i32>} : memref<8x80xi32, #tpu.memory_space<vmem>>, vector<1x16xi32>,
    %add3A_127 = arith.constant 80 : i32
    %add3A_128 = arith.addi %multiple_of3A, %add3A_127 : i32
    %add3A_129 = arith.constant 16 : i32
    %add3A_130 = arith.addi %add3A_128, %add3A_129 : i32
    %iota3A_131 = tpu.iota {dimensions = array<i32: 0>} : vector<16xi32>
    %add3A_132 = vector.broadcast %add3A_130 : i32 to vector<16xi32>
    %add3A_133 = arith.addi %add3A_132, %iota3A_131 : vector<16xi32>
    %mul3A_134 = arith.constant 2 : i32
    %mul3A_135 = vector.broadcast %mul3A_134 : i32 to vector<16xi32>
    %mul3A_136 = arith.muli %mul3A_135, %add3A_133 : vector<16xi32>
    %add3A_137 = vector.broadcast %arg0 : i32 to vector<16xi32>
    %add3A_138 = arith.addi %mul3A_136, %add3A_137 : vector<16xi32>
    %swap3A_139 = arith.constant 1 : i32
    %swap3A_140 = arith.index_cast %swap3A_139 : i32 to index
    %swap3A_141 = arith.constant 16 : index
    %swap3A_142 = tpu.vector_load %arg8[%swap3A_140, %swap3A_141] {strides = array<i32>} : memref<8x80xi32, #tpu.memory_space<vmem>>, vector<1x16xi32>,
    %swap3A_143 = vector.shape_cast %swap3A_142 : vector<1x16xi32> to vector<16xi32>
    %swap3A_144 = vector.shape_cast %add3A_138 : vector<16xi32> to vector<1x16xi32>
    tpu.vector_store %arg8[%swap3A_140, %swap3A_141], %swap3A_144 {strides = array<i32>} : memref<8x80xi32, #tpu.memory_space<vmem>>, vector<1x16xi32>,
    %add3A_145 = arith.constant 80 : i32
    %add3A_146 = arith.addi %multiple_of3A, %add3A_145 : i32
    %add3A_147 = arith.constant 32 : i32
    %add3A_148 = arith.addi %add3A_146, %add3A_147 : i32
    %iota3A_149 = tpu.iota {dimensions = array<i32: 0>} : vector<16xi32>
    %add3A_150 = vector.broadcast %add3A_148 : i32 to vector<16xi32>
    %add3A_151 = arith.addi %add3A_150, %iota3A_149 : vector<16xi32>
    %mul3A_152 = arith.constant 2 : i32
    %mul3A_153 = vector.broadcast %mul3A_152 : i32 to vector<16xi32>
    %mul3A_154 = arith.muli %mul3A_153, %add3A_151 : vector<16xi32>
    %add3A_155 = vector.broadcast %arg0 : i32 to vector<16xi32>
    %add3A_156 = arith.addi %mul3A_154, %add3A_155 : vector<16xi32>
    %swap3A_157 = arith.constant 1 : i32
    %swap3A_158 = arith.index_cast %swap3A_157 : i32 to index
    %swap3A_159 = arith.constant 32 : index
    %swap3A_160 = tpu.vector_load %arg8[%swap3A_158, %swap3A_159] {strides = array<i32>} : memref<8x80xi32, #tpu.memory_space<vmem>>, vector<1x16xi32>,
    %swap3A_161 = vector.shape_cast %swap3A_160 : vector<1x16xi32> to vector<16xi32>
    %swap3A_162 = vector.shape_cast %add3A_156 : vector<16xi32> to vector<1x16xi32>
    tpu.vector_store %arg8[%swap3A_158, %swap3A_159], %swap3A_162 {strides = array<i32>} : memref<8x80xi32, #tpu.memory_space<vmem>>, vector<1x16xi32>,
    %add3A_163 = arith.constant 80 : i32
    %add3A_164 = arith.addi %multiple_of3A, %add3A_163 : i32
    %add3A_165 = arith.constant 48 : i32
    %add3A_166 = arith.addi %add3A_164, %add3A_165 : i32
    %iota3A_167 = tpu.iota {dimensions = array<i32: 0>} : vector<16xi32>
    %add3A_168 = vector.broadcast %add3A_166 : i32 to vector<16xi32>
    %add3A_169 = arith.addi %add3A_168, %iota3A_167 : vector<16xi32>
    %mul3A_170 = arith.constant 2 : i32
    %mul3A_171 = vector.broadcast %mul3A_170 : i32 to vector<16xi32>
    %mul3A_172 = arith.muli %mul3A_171, %add3A_169 : vector<16xi32>
    %add3A_173 = vector.broadcast %arg0 : i32 to vector<16xi32>
    %add3A_174 = arith.addi %mul3A_172, %add3A_173 : vector<16xi32>
    %swap3A_175 = arith.constant 1 : i32
    %swap3A_176 = arith.index_cast %swap3A_175 : i32 to index
    %swap3A_177 = arith.constant 48 : index
    %swap3A_178 = tpu.vector_load %arg8[%swap3A_176, %swap3A_177] {strides = array<i32>} : memref<8x80xi32, #tpu.memory_space<vmem>>, vector<1x16xi32>,
    %swap3A_179 = vector.shape_cast %swap3A_178 : vector<1x16xi32> to vector<16xi32>
    %swap3A_180 = vector.shape_cast %add3A_174 : vector<16xi32> to vector<1x16xi32>
    tpu.vector_store %arg8[%swap3A_176, %swap3A_177], %swap3A_180 {strides = array<i32>} : memref<8x80xi32, #tpu.memory_space<vmem>>, vector<1x16xi32>,
    %add3A_181 = arith.constant 80 : i32
    %add3A_182 = arith.addi %multiple_of3A, %add3A_181 : i32
    %add3A_183 = arith.constant 64 : i32
    %add3A_184 = arith.addi %add3A_182, %add3A_183 : i32
    %iota3A_185 = tpu.iota {dimensions = array<i32: 0>} : vector<16xi32>
    %add3A_186 = vector.broadcast %add3A_184 : i32 to vector<16xi32>
    %add3A_187 = arith.addi %add3A_186, %iota3A_185 : vector<16xi32>
    %mul3A_188 = arith.constant 2 : i32
    %mul3A_189 = vector.broadcast %mul3A_188 : i32 to vector<16xi32>
    %mul3A_190 = arith.muli %mul3A_189, %add3A_187 : vector<16xi32>
    %add3A_191 = vector.broadcast %arg0 : i32 to vector<16xi32>
    %add3A_192 = arith.addi %mul3A_190, %add3A_191 : vector<16xi32>
    %swap3A_193 = arith.constant 1 : i32
    %swap3A_194 = arith.index_cast %swap3A_193 : i32 to index
    %swap3A_195 = arith.constant 64 : index
    %swap3A_196 = tpu.vector_load %arg8[%swap3A_194, %swap3A_195] {strides = array<i32>} : memref<8x80xi32, #tpu.memory_space<vmem>>, vector<1x16xi32>,
    %swap3A_197 = vector.shape_cast %swap3A_196 : vector<1x16xi32> to vector<16xi32>
    %swap3A_198 = vector.shape_cast %add3A_192 : vector<16xi32> to vector<1x16xi32>
    tpu.vector_store %arg8[%swap3A_194, %swap3A_195], %swap3A_198 {strides = array<i32>} : memref<8x80xi32, #tpu.memory_space<vmem>>, vector<1x16xi32>,
    %dma_start3A_199 = arith.constant 1 : i32
    %dma_start3A_200 = arith.constant 0 : i32
    %dma_start3A_201 = arith.constant 0 : i32
    %dma_start3A_202 = tpu.memref_slice %arg10[%dma_start3A_200, %dma_start3A_201] : memref<80x64xf32, #tpu.memory_space<vmem>> -> memref<80x64xf32, #tpu.memory_space<vmem>>
    %dma_start3A_203 = arith.constant 0 : i32
    %dma_start3A_204 = tpu.memref_slice %arg8[%dma_start3A_199, %dma_start3A_203] : memref<8x80xi32, #tpu.memory_space<vmem>> -> memref<1x80xi32, #tpu.memory_space<vmem>>
    %dma_start3A_205 = tpu.memref_squeeze %dma_start3A_204 : memref<1x80xi32, #tpu.memory_space<vmem>> -> memref<80xi32, #tpu.memory_space<vmem>>
    %dma_start3A_206 = arith.constant 0 : i32
    %dma_start3A_207 = arith.constant 0 : i32
    %dma_start3A_208 = tpu.memref_slice %arg2[%dma_start3A_206, %dma_start3A_207] : memref<20000x64xf32, #tpu.memory_space<hbm>> -> memref<20000x64xf32, #tpu.memory_space<hbm>>
    tpu.enqueue_indirect_dma source(%dma_start3A_208 : memref<20000x64xf32, #tpu.memory_space<hbm>>) target(%dma_start3A_202 : memref<80x64xf32, #tpu.memory_space<vmem>>) offsets(%dma_start3A_205 : memref<80xi32, #tpu.memory_space<vmem>>) semaphore(%arg16 : memref<!tpu.dma_semaphore, #tpu.memory_space<semaphore_mem>>)
    %add3A_209 = arith.constant 160 : i32
    %add3A_210 = arith.addi %multiple_of3A, %add3A_209 : i32
    %add3A_211 = arith.constant 0 : i32
    %add3A_212 = arith.addi %add3A_210, %add3A_211 : i32
    %iota3A_213 = tpu.iota {dimensions = array<i32: 0>} : vector<16xi32>
    %add3A_214 = vector.broadcast %add3A_212 : i32 to vector<16xi32>
    %add3A_215 = arith.addi %add3A_214, %iota3A_213 : vector<16xi32>
    %mul3A_216 = arith.constant 2 : i32
    %mul3A_217 = vector.broadcast %mul3A_216 : i32 to vector<16xi32>
    %mul3A_218 = arith.muli %mul3A_217, %add3A_215 : vector<16xi32>
    %add3A_219 = vector.broadcast %arg0 : i32 to vector<16xi32>
    %add3A_220 = arith.addi %mul3A_218, %add3A_219 : vector<16xi32>
    %swap3A_221 = arith.constant 2 : i32
    %swap3A_222 = arith.index_cast %swap3A_221 : i32 to index
    %swap3A_223 = arith.constant 0 : index
    %swap3A_224 = tpu.vector_load %arg8[%swap3A_222, %swap3A_223] {strides = array<i32>} : memref<8x80xi32, #tpu.memory_space<vmem>>, vector<1x16xi32>,
    %swap3A_225 = vector.shape_cast %swap3A_224 : vector<1x16xi32> to vector<16xi32>
    %swap3A_226 = vector.shape_cast %add3A_220 : vector<16xi32> to vector<1x16xi32>
    tpu.vector_store %arg8[%swap3A_222, %swap3A_223], %swap3A_226 {strides = array<i32>} : memref<8x80xi32, #tpu.memory_space<vmem>>, vector<1x16xi32>,
    %add3A_227 = arith.constant 160 : i32
    %add3A_228 = arith.addi %multiple_of3A, %add3A_227 : i32
    %add3A_229 = arith.constant 16 : i32
    %add3A_230 = arith.addi %add3A_228, %add3A_229 : i32
    %iota3A_231 = tpu.iota {dimensions = array<i32: 0>} : vector<16xi32>
    %add3A_232 = vector.broadcast %add3A_230 : i32 to vector<16xi32>
    %add3A_233 = arith.addi %add3A_232, %iota3A_231 : vector<16xi32>
    %mul3A_234 = arith.constant 2 : i32
    %mul3A_235 = vector.broadcast %mul3A_234 : i32 to vector<16xi32>
    %mul3A_236 = arith.muli %mul3A_235, %add3A_233 : vector<16xi32>
    %add3A_237 = vector.broadcast %arg0 : i32 to vector<16xi32>
    %add3A_238 = arith.addi %mul3A_236, %add3A_237 : vector<16xi32>
    %swap3A_239 = arith.constant 2 : i32
    %swap3A_240 = arith.index_cast %swap3A_239 : i32 to index
    %swap3A_241 = arith.constant 16 : index
    %swap3A_242 = tpu.vector_load %arg8[%swap3A_240, %swap3A_241] {strides = array<i32>} : memref<8x80xi32, #tpu.memory_space<vmem>>, vector<1x16xi32>,
    %swap3A_243 = vector.shape_cast %swap3A_242 : vector<1x16xi32> to vector<16xi32>
    %swap3A_244 = vector.shape_cast %add3A_238 : vector<16xi32> to vector<1x16xi32>
    tpu.vector_store %arg8[%swap3A_240, %swap3A_241], %swap3A_244 {strides = array<i32>} : memref<8x80xi32, #tpu.memory_space<vmem>>, vector<1x16xi32>,
    %add3A_245 = arith.constant 160 : i32
    %add3A_246 = arith.addi %multiple_of3A, %add3A_245 : i32
    %add3A_247 = arith.constant 32 : i32
    %add3A_248 = arith.addi %add3A_246, %add3A_247 : i32
    %iota3A_249 = tpu.iota {dimensions = array<i32: 0>} : vector<16xi32>
    %add3A_250 = vector.broadcast %add3A_248 : i32 to vector<16xi32>
    %add3A_251 = arith.addi %add3A_250, %iota3A_249 : vector<16xi32>
    %mul3A_252 = arith.constant 2 : i32
    %mul3A_253 = vector.broadcast %mul3A_252 : i32 to vector<16xi32>
    %mul3A_254 = arith.muli %mul3A_253, %add3A_251 : vector<16xi32>
    %add3A_255 = vector.broadcast %arg0 : i32 to vector<16xi32>
    %add3A_256 = arith.addi %mul3A_254, %add3A_255 : vector<16xi32>
    %swap3A_257 = arith.constant 2 : i32
    %swap3A_258 = arith.index_cast %swap3A_257 : i32 to index
    %swap3A_259 = arith.constant 32 : index
    %swap3A_260 = tpu.vector_load %arg8[%swap3A_258, %swap3A_259] {strides = array<i32>} : memref<8x80xi32, #tpu.memory_space<vmem>>, vector<1x16xi32>,
    %swap3A_261 = vector.shape_cast %swap3A_260 : vector<1x16xi32> to vector<16xi32>
    %swap3A_262 = vector.shape_cast %add3A_256 : vector<16xi32> to vector<1x16xi32>
    tpu.vector_store %arg8[%swap3A_258, %swap3A_259], %swap3A_262 {strides = array<i32>} : memref<8x80xi32, #tpu.memory_space<vmem>>, vector<1x16xi32>,
    %add3A_263 = arith.constant 160 : i32
    %add3A_264 = arith.addi %multiple_of3A, %add3A_263 : i32
    %add3A_265 = arith.constant 48 : i32
    %add3A_266 = arith.addi %add3A_264, %add3A_265 : i32
    %iota3A_267 = tpu.iota {dimensions = array<i32: 0>} : vector<16xi32>
    %add3A_268 = vector.broadcast %add3A_266 : i32 to vector<16xi32>
    %add3A_269 = arith.addi %add3A_268, %iota3A_267 : vector<16xi32>
    %mul3A_270 = arith.constant 2 : i32
    %mul3A_271 = vector.broadcast %mul3A_270 : i32 to vector<16xi32>
    %mul3A_272 = arith.muli %mul3A_271, %add3A_269 : vector<16xi32>
    %add3A_273 = vector.broadcast %arg0 : i32 to vector<16xi32>
    %add3A_274 = arith.addi %mul3A_272, %add3A_273 : vector<16xi32>
    %swap3A_275 = arith.constant 2 : i32
    %swap3A_276 = arith.index_cast %swap3A_275 : i32 to index
    %swap3A_277 = arith.constant 48 : index
    %swap3A_278 = tpu.vector_load %arg8[%swap3A_276, %swap3A_277] {strides = array<i32>} : memref<8x80xi32, #tpu.memory_space<vmem>>, vector<1x16xi32>,
    %swap3A_279 = vector.shape_cast %swap3A_278 : vector<1x16xi32> to vector<16xi32>
    %swap3A_280 = vector.shape_cast %add3A_274 : vector<16xi32> to vector<1x16xi32>
    tpu.vector_store %arg8[%swap3A_276, %swap3A_277], %swap3A_280 {strides = array<i32>} : memref<8x80xi32, #tpu.memory_space<vmem>>, vector<1x16xi32>,
    %add3A_281 = arith.constant 160 : i32
    %add3A_282 = arith.addi %multiple_of3A, %add3A_281 : i32
    %add3A_283 = arith.constant 64 : i32
    %add3A_284 = arith.addi %add3A_282, %add3A_283 : i32
    %iota3A_285 = tpu.iota {dimensions = array<i32: 0>} : vector<16xi32>
    %add3A_286 = vector.broadcast %add3A_284 : i32 to vector<16xi32>
    %add3A_287 = arith.addi %add3A_286, %iota3A_285 : vector<16xi32>
    %mul3A_288 = arith.constant 2 : i32
    %mul3A_289 = vector.broadcast %mul3A_288 : i32 to vector<16xi32>
    %mul3A_290 = arith.muli %mul3A_289, %add3A_287 : vector<16xi32>
    %add3A_291 = vector.broadcast %arg0 : i32 to vector<16xi32>
    %add3A_292 = arith.addi %mul3A_290, %add3A_291 : vector<16xi32>
    %swap3A_293 = arith.constant 2 : i32
    %swap3A_294 = arith.index_cast %swap3A_293 : i32 to index
    %swap3A_295 = arith.constant 64 : index
    %swap3A_296 = tpu.vector_load %arg8[%swap3A_294, %swap3A_295] {strides = array<i32>} : memref<8x80xi32, #tpu.memory_space<vmem>>, vector<1x16xi32>,
    %swap3A_297 = vector.shape_cast %swap3A_296 : vector<1x16xi32> to vector<16xi32>
    %swap3A_298 = vector.shape_cast %add3A_292 : vector<16xi32> to vector<1x16xi32>
    tpu.vector_store %arg8[%swap3A_294, %swap3A_295], %swap3A_298 {strides = array<i32>} : memref<8x80xi32, #tpu.memory_space<vmem>>, vector<1x16xi32>,
    %dma_start3A_299 = arith.constant 2 : i32
    %dma_start3A_300 = arith.constant 0 : i32
    %dma_start3A_301 = arith.constant 0 : i32
    %dma_start3A_302 = tpu.memref_slice %arg11[%dma_start3A_300, %dma_start3A_301] : memref<80x64xf32, #tpu.memory_space<vmem>> -> memref<80x64xf32, #tpu.memory_space<vmem>>
    %dma_start3A_303 = arith.constant 0 : i32
    %dma_start3A_304 = tpu.memref_slice %arg8[%dma_start3A_299, %dma_start3A_303] : memref<8x80xi32, #tpu.memory_space<vmem>> -> memref<1x80xi32, #tpu.memory_space<vmem>>
    %dma_start3A_305 = tpu.memref_squeeze %dma_start3A_304 : memref<1x80xi32, #tpu.memory_space<vmem>> -> memref<80xi32, #tpu.memory_space<vmem>>
    %dma_start3A_306 = arith.constant 0 : i32
    %dma_start3A_307 = arith.constant 0 : i32
    %dma_start3A_308 = tpu.memref_slice %arg2[%dma_start3A_306, %dma_start3A_307] : memref<20000x64xf32, #tpu.memory_space<hbm>> -> memref<20000x64xf32, #tpu.memory_space<hbm>>
    tpu.enqueue_indirect_dma source(%dma_start3A_308 : memref<20000x64xf32, #tpu.memory_space<hbm>>) target(%dma_start3A_302 : memref<80x64xf32, #tpu.memory_space<vmem>>) offsets(%dma_start3A_305 : memref<80xi32, #tpu.memory_space<vmem>>) semaphore(%arg17 : memref<!tpu.dma_semaphore, #tpu.memory_space<semaphore_mem>>)
    %add3A_309 = arith.constant 240 : i32
    %add3A_310 = arith.addi %multiple_of3A, %add3A_309 : i32
    %add3A_311 = arith.constant 0 : i32
    %add3A_312 = arith.addi %add3A_310, %add3A_311 : i32
    %iota3A_313 = tpu.iota {dimensions = array<i32: 0>} : vector<16xi32>
    %add3A_314 = vector.broadcast %add3A_312 : i32 to vector<16xi32>
    %add3A_315 = arith.addi %add3A_314, %iota3A_313 : vector<16xi32>
    %mul3A_316 = arith.constant 2 : i32
    %mul3A_317 = vector.broadcast %mul3A_316 : i32 to vector<16xi32>
    %mul3A_318 = arith.muli %mul3A_317, %add3A_315 : vector<16xi32>
    %add3A_319 = vector.broadcast %arg0 : i32 to vector<16xi32>
    %add3A_320 = arith.addi %mul3A_318, %add3A_319 : vector<16xi32>
    %swap3A_321 = arith.constant 3 : i32
    %swap3A_322 = arith.index_cast %swap3A_321 : i32 to index
    %swap3A_323 = arith.constant 0 : index
    %swap3A_324 = tpu.vector_load %arg8[%swap3A_322, %swap3A_323] {strides = array<i32>} : memref<8x80xi32, #tpu.memory_space<vmem>>, vector<1x16xi32>,
    %swap3A_325 = vector.shape_cast %swap3A_324 : vector<1x16xi32> to vector<16xi32>
    %swap3A_326 = vector.shape_cast %add3A_320 : vector<16xi32> to vector<1x16xi32>
    tpu.vector_store %arg8[%swap3A_322, %swap3A_323], %swap3A_326 {strides = array<i32>} : memref<8x80xi32, #tpu.memory_space<vmem>>, vector<1x16xi32>,
    %add3A_327 = arith.constant 240 : i32
    %add3A_328 = arith.addi %multiple_of3A, %add3A_327 : i32
    %add3A_329 = arith.constant 16 : i32
    %add3A_330 = arith.addi %add3A_328, %add3A_329 : i32
    %iota3A_331 = tpu.iota {dimensions = array<i32: 0>} : vector<16xi32>
    %add3A_332 = vector.broadcast %add3A_330 : i32 to vector<16xi32>
    %add3A_333 = arith.addi %add3A_332, %iota3A_331 : vector<16xi32>
    %mul3A_334 = arith.constant 2 : i32
    %mul3A_335 = vector.broadcast %mul3A_334 : i32 to vector<16xi32>
    %mul3A_336 = arith.muli %mul3A_335, %add3A_333 : vector<16xi32>
    %add3A_337 = vector.broadcast %arg0 : i32 to vector<16xi32>
    %add3A_338 = arith.addi %mul3A_336, %add3A_337 : vector<16xi32>
    %swap3A_339 = arith.constant 3 : i32
    %swap3A_340 = arith.index_cast %swap3A_339 : i32 to index
    %swap3A_341 = arith.constant 16 : index
    %swap3A_342 = tpu.vector_load %arg8[%swap3A_340, %swap3A_341] {strides = array<i32>} : memref<8x80xi32, #tpu.memory_space<vmem>>, vector<1x16xi32>,
    %swap3A_343 = vector.shape_cast %swap3A_342 : vector<1x16xi32> to vector<16xi32>
    %swap3A_344 = vector.shape_cast %add3A_338 : vector<16xi32> to vector<1x16xi32>
    tpu.vector_store %arg8[%swap3A_340, %swap3A_341], %swap3A_344 {strides = array<i32>} : memref<8x80xi32, #tpu.memory_space<vmem>>, vector<1x16xi32>,
    %add3A_345 = arith.constant 240 : i32
    %add3A_346 = arith.addi %multiple_of3A, %add3A_345 : i32
    %add3A_347 = arith.constant 32 : i32
    %add3A_348 = arith.addi %add3A_346, %add3A_347 : i32
    %iota3A_349 = tpu.iota {dimensions = array<i32: 0>} : vector<16xi32>
    %add3A_350 = vector.broadcast %add3A_348 : i32 to vector<16xi32>
    %add3A_351 = arith.addi %add3A_350, %iota3A_349 : vector<16xi32>
    %mul3A_352 = arith.constant 2 : i32
    %mul3A_353 = vector.broadcast %mul3A_352 : i32 to vector<16xi32>
    %mul3A_354 = arith.muli %mul3A_353, %add3A_351 : vector<16xi32>
    %add3A_355 = vector.broadcast %arg0 : i32 to vector<16xi32>
    %add3A_356 = arith.addi %mul3A_354, %add3A_355 : vector<16xi32>
    %swap3A_357 = arith.constant 3 : i32
    %swap3A_358 = arith.index_cast %swap3A_357 : i32 to index
    %swap3A_359 = arith.constant 32 : index
    %swap3A_360 = tpu.vector_load %arg8[%swap3A_358, %swap3A_359] {strides = array<i32>} : memref<8x80xi32, #tpu.memory_space<vmem>>, vector<1x16xi32>,
    %swap3A_361 = vector.shape_cast %swap3A_360 : vector<1x16xi32> to vector<16xi32>
    %swap3A_362 = vector.shape_cast %add3A_356 : vector<16xi32> to vector<1x16xi32>
    tpu.vector_store %arg8[%swap3A_358, %swap3A_359], %swap3A_362 {strides = array<i32>} : memref<8x80xi32, #tpu.memory_space<vmem>>, vector<1x16xi32>,
    %add3A_363 = arith.constant 240 : i32
    %add3A_364 = arith.addi %multiple_of3A, %add3A_363 : i32
    %add3A_365 = arith.constant 48 : i32
    %add3A_366 = arith.addi %add3A_364, %add3A_365 : i32
    %iota3A_367 = tpu.iota {dimensions = array<i32: 0>} : vector<16xi32>
    %add3A_368 = vector.broadcast %add3A_366 : i32 to vector<16xi32>
    %add3A_369 = arith.addi %add3A_368, %iota3A_367 : vector<16xi32>
    %mul3A_370 = arith.constant 2 : i32
    %mul3A_371 = vector.broadcast %mul3A_370 : i32 to vector<16xi32>
    %mul3A_372 = arith.muli %mul3A_371, %add3A_369 : vector<16xi32>
    %add3A_373 = vector.broadcast %arg0 : i32 to vector<16xi32>
    %add3A_374 = arith.addi %mul3A_372, %add3A_373 : vector<16xi32>
    %swap3A_375 = arith.constant 3 : i32
    %swap3A_376 = arith.index_cast %swap3A_375 : i32 to index
    %swap3A_377 = arith.constant 48 : index
    %swap3A_378 = tpu.vector_load %arg8[%swap3A_376, %swap3A_377] {strides = array<i32>} : memref<8x80xi32, #tpu.memory_space<vmem>>, vector<1x16xi32>,
    %swap3A_379 = vector.shape_cast %swap3A_378 : vector<1x16xi32> to vector<16xi32>
    %swap3A_380 = vector.shape_cast %add3A_374 : vector<16xi32> to vector<1x16xi32>
    tpu.vector_store %arg8[%swap3A_376, %swap3A_377], %swap3A_380 {strides = array<i32>} : memref<8x80xi32, #tpu.memory_space<vmem>>, vector<1x16xi32>,
    %add3A_381 = arith.constant 240 : i32
    %add3A_382 = arith.addi %multiple_of3A, %add3A_381 : i32
    %add3A_383 = arith.constant 64 : i32
    %add3A_384 = arith.addi %add3A_382, %add3A_383 : i32
    %iota3A_385 = tpu.iota {dimensions = array<i32: 0>} : vector<16xi32>
    %add3A_386 = vector.broadcast %add3A_384 : i32 to vector<16xi32>
    %add3A_387 = arith.addi %add3A_386, %iota3A_385 : vector<16xi32>
    %mul3A_388 = arith.constant 2 : i32
    %mul3A_389 = vector.broadcast %mul3A_388 : i32 to vector<16xi32>
    %mul3A_390 = arith.muli %mul3A_389, %add3A_387 : vector<16xi32>
    %add3A_391 = vector.broadcast %arg0 : i32 to vector<16xi32>
    %add3A_392 = arith.addi %mul3A_390, %add3A_391 : vector<16xi32>
    %swap3A_393 = arith.constant 3 : i32
    %swap3A_394 = arith.index_cast %swap3A_393 : i32 to index
    %swap3A_395 = arith.constant 64 : index
    %swap3A_396 = tpu.vector_load %arg8[%swap3A_394, %swap3A_395] {strides = array<i32>} : memref<8x80xi32, #tpu.memory_space<vmem>>, vector<1x16xi32>,
    %swap3A_397 = vector.shape_cast %swap3A_396 : vector<1x16xi32> to vector<16xi32>
    %swap3A_398 = vector.shape_cast %add3A_392 : vector<16xi32> to vector<1x16xi32>
    tpu.vector_store %arg8[%swap3A_394, %swap3A_395], %swap3A_398 {strides = array<i32>} : memref<8x80xi32, #tpu.memory_space<vmem>>, vector<1x16xi32>,
    %dma_start3A_399 = arith.constant 3 : i32
    %dma_start3A_400 = arith.constant 0 : i32
    %dma_start3A_401 = arith.constant 0 : i32
    %dma_start3A_402 = tpu.memref_slice %arg12[%dma_start3A_400, %dma_start3A_401] : memref<80x64xf32, #tpu.memory_space<vmem>> -> memref<80x64xf32, #tpu.memory_space<vmem>>
    %dma_start3A_403 = arith.constant 0 : i32
    %dma_start3A_404 = tpu.memref_slice %arg8[%dma_start3A_399, %dma_start3A_403] : memref<8x80xi32, #tpu.memory_space<vmem>> -> memref<1x80xi32, #tpu.memory_space<vmem>>
    %dma_start3A_405 = tpu.memref_squeeze %dma_start3A_404 : memref<1x80xi32, #tpu.memory_space<vmem>> -> memref<80xi32, #tpu.memory_space<vmem>>
    %dma_start3A_406 = arith.constant 0 : i32
    %dma_start3A_407 = arith.constant 0 : i32
    %dma_start3A_408 = tpu.memref_slice %arg2[%dma_start3A_406, %dma_start3A_407] : memref<20000x64xf32, #tpu.memory_space<hbm>> -> memref<20000x64xf32, #tpu.memory_space<hbm>>
    tpu.enqueue_indirect_dma source(%dma_start3A_408 : memref<20000x64xf32, #tpu.memory_space<hbm>>) target(%dma_start3A_402 : memref<80x64xf32, #tpu.memory_space<vmem>>) offsets(%dma_start3A_405 : memref<80xi32, #tpu.memory_space<vmem>>) semaphore(%arg18 : memref<!tpu.dma_semaphore, #tpu.memory_space<semaphore_mem>>)
    %add3A_409 = arith.constant 320 : i32
    %add3A_410 = arith.addi %multiple_of3A, %add3A_409 : i32
    %add3A_411 = arith.constant 0 : i32
    %add3A_412 = arith.addi %add3A_410, %add3A_411 : i32
    %iota3A_413 = tpu.iota {dimensions = array<i32: 0>} : vector<16xi32>
    %add3A_414 = vector.broadcast %add3A_412 : i32 to vector<16xi32>
    %add3A_415 = arith.addi %add3A_414, %iota3A_413 : vector<16xi32>
    %mul3A_416 = arith.constant 2 : i32
    %mul3A_417 = vector.broadcast %mul3A_416 : i32 to vector<16xi32>
    %mul3A_418 = arith.muli %mul3A_417, %add3A_415 : vector<16xi32>
    %add3A_419 = vector.broadcast %arg0 : i32 to vector<16xi32>
    %add3A_420 = arith.addi %mul3A_418, %add3A_419 : vector<16xi32>
    %swap3A_421 = arith.constant 4 : i32
    %swap3A_422 = arith.index_cast %swap3A_421 : i32 to index
    %swap3A_423 = arith.constant 0 : index
    %swap3A_424 = tpu.vector_load %arg8[%swap3A_422, %swap3A_423] {strides = array<i32>} : memref<8x80xi32, #tpu.memory_space<vmem>>, vector<1x16xi32>,
    %swap3A_425 = vector.shape_cast %swap3A_424 : vector<1x16xi32> to vector<16xi32>
    %swap3A_426 = vector.shape_cast %add3A_420 : vector<16xi32> to vector<1x16xi32>
    tpu.vector_store %arg8[%swap3A_422, %swap3A_423], %swap3A_426 {strides = array<i32>} : memref<8x80xi32, #tpu.memory_space<vmem>>, vector<1x16xi32>,
    %add3A_427 = arith.constant 320 : i32
    %add3A_428 = arith.addi %multiple_of3A, %add3A_427 : i32
    %add3A_429 = arith.constant 16 : i32
    %add3A_430 = arith.addi %add3A_428, %add3A_429 : i32
    %iota3A_431 = tpu.iota {dimensions = array<i32: 0>} : vector<16xi32>
    %add3A_432 = vector.broadcast %add3A_430 : i32 to vector<16xi32>
    %add3A_433 = arith.addi %add3A_432, %iota3A_431 : vector<16xi32>
    %mul3A_434 = arith.constant 2 : i32
    %mul3A_435 = vector.broadcast %mul3A_434 : i32 to vector<16xi32>
    %mul3A_436 = arith.muli %mul3A_435, %add3A_433 : vector<16xi32>
    %add3A_437 = vector.broadcast %arg0 : i32 to vector<16xi32>
    %add3A_438 = arith.addi %mul3A_436, %add3A_437 : vector<16xi32>
    %swap3A_439 = arith.constant 4 : i32
    %swap3A_440 = arith.index_cast %swap3A_439 : i32 to index
    %swap3A_441 = arith.constant 16 : index
    %swap3A_442 = tpu.vector_load %arg8[%swap3A_440, %swap3A_441] {strides = array<i32>} : memref<8x80xi32, #tpu.memory_space<vmem>>, vector<1x16xi32>,
    %swap3A_443 = vector.shape_cast %swap3A_442 : vector<1x16xi32> to vector<16xi32>
    %swap3A_444 = vector.shape_cast %add3A_438 : vector<16xi32> to vector<1x16xi32>
    tpu.vector_store %arg8[%swap3A_440, %swap3A_441], %swap3A_444 {strides = array<i32>} : memref<8x80xi32, #tpu.memory_space<vmem>>, vector<1x16xi32>,
    %add3A_445 = arith.constant 320 : i32
    %add3A_446 = arith.addi %multiple_of3A, %add3A_445 : i32
    %add3A_447 = arith.constant 32 : i32
    %add3A_448 = arith.addi %add3A_446, %add3A_447 : i32
    %iota3A_449 = tpu.iota {dimensions = array<i32: 0>} : vector<16xi32>
    %add3A_450 = vector.broadcast %add3A_448 : i32 to vector<16xi32>
    %add3A_451 = arith.addi %add3A_450, %iota3A_449 : vector<16xi32>
    %mul3A_452 = arith.constant 2 : i32
    %mul3A_453 = vector.broadcast %mul3A_452 : i32 to vector<16xi32>
    %mul3A_454 = arith.muli %mul3A_453, %add3A_451 : vector<16xi32>
    %add3A_455 = vector.broadcast %arg0 : i32 to vector<16xi32>
    %add3A_456 = arith.addi %mul3A_454, %add3A_455 : vector<16xi32>
    %swap3A_457 = arith.constant 4 : i32
    %swap3A_458 = arith.index_cast %swap3A_457 : i32 to index
    %swap3A_459 = arith.constant 32 : index
    %swap3A_460 = tpu.vector_load %arg8[%swap3A_458, %swap3A_459] {strides = array<i32>} : memref<8x80xi32, #tpu.memory_space<vmem>>, vector<1x16xi32>,
    %swap3A_461 = vector.shape_cast %swap3A_460 : vector<1x16xi32> to vector<16xi32>
    %swap3A_462 = vector.shape_cast %add3A_456 : vector<16xi32> to vector<1x16xi32>
    tpu.vector_store %arg8[%swap3A_458, %swap3A_459], %swap3A_462 {strides = array<i32>} : memref<8x80xi32, #tpu.memory_space<vmem>>, vector<1x16xi32>,
    %add3A_463 = arith.constant 320 : i32
    %add3A_464 = arith.addi %multiple_of3A, %add3A_463 : i32
    %add3A_465 = arith.constant 48 : i32
    %add3A_466 = arith.addi %add3A_464, %add3A_465 : i32
    %iota3A_467 = tpu.iota {dimensions = array<i32: 0>} : vector<16xi32>
    %add3A_468 = vector.broadcast %add3A_466 : i32 to vector<16xi32>
    %add3A_469 = arith.addi %add3A_468, %iota3A_467 : vector<16xi32>
    %mul3A_470 = arith.constant 2 : i32
    %mul3A_471 = vector.broadcast %mul3A_470 : i32 to vector<16xi32>
    %mul3A_472 = arith.muli %mul3A_471, %add3A_469 : vector<16xi32>
    %add3A_473 = vector.broadcast %arg0 : i32 to vector<16xi32>
    %add3A_474 = arith.addi %mul3A_472, %add3A_473 : vector<16xi32>
    %swap3A_475 = arith.constant 4 : i32
    %swap3A_476 = arith.index_cast %swap3A_475 : i32 to index
    %swap3A_477 = arith.constant 48 : index
    %swap3A_478 = tpu.vector_load %arg8[%swap3A_476, %swap3A_477] {strides = array<i32>} : memref<8x80xi32, #tpu.memory_space<vmem>>, vector<1x16xi32>,
    %swap3A_479 = vector.shape_cast %swap3A_478 : vector<1x16xi32> to vector<16xi32>
    %swap3A_480 = vector.shape_cast %add3A_474 : vector<16xi32> to vector<1x16xi32>
    tpu.vector_store %arg8[%swap3A_476, %swap3A_477], %swap3A_480 {strides = array<i32>} : memref<8x80xi32, #tpu.memory_space<vmem>>, vector<1x16xi32>,
    %add3A_481 = arith.constant 320 : i32
    %add3A_482 = arith.addi %multiple_of3A, %add3A_481 : i32
    %add3A_483 = arith.constant 64 : i32
    %add3A_484 = arith.addi %add3A_482, %add3A_483 : i32
    %iota3A_485 = tpu.iota {dimensions = array<i32: 0>} : vector<16xi32>
    %add3A_486 = vector.broadcast %add3A_484 : i32 to vector<16xi32>
    %add3A_487 = arith.addi %add3A_486, %iota3A_485 : vector<16xi32>
    %mul3A_488 = arith.constant 2 : i32
    %mul3A_489 = vector.broadcast %mul3A_488 : i32 to vector<16xi32>
    %mul3A_490 = arith.muli %mul3A_489, %add3A_487 : vector<16xi32>
    %add3A_491 = vector.broadcast %arg0 : i32 to vector<16xi32>
    %add3A_492 = arith.addi %mul3A_490, %add3A_491 : vector<16xi32>
    %swap3A_493 = arith.constant 4 : i32
    %swap3A_494 = arith.index_cast %swap3A_493 : i32 to index
    %swap3A_495 = arith.constant 64 : index
    %swap3A_496 = tpu.vector_load %arg8[%swap3A_494, %swap3A_495] {strides = array<i32>} : memref<8x80xi32, #tpu.memory_space<vmem>>, vector<1x16xi32>,
    %swap3A_497 = vector.shape_cast %swap3A_496 : vector<1x16xi32> to vector<16xi32>
    %swap3A_498 = vector.shape_cast %add3A_492 : vector<16xi32> to vector<1x16xi32>
    tpu.vector_store %arg8[%swap3A_494, %swap3A_495], %swap3A_498 {strides = array<i32>} : memref<8x80xi32, #tpu.memory_space<vmem>>, vector<1x16xi32>,
    %dma_start3A_499 = arith.constant 4 : i32
    %dma_start3A_500 = arith.constant 0 : i32
    %dma_start3A_501 = arith.constant 0 : i32
    %dma_start3A_502 = tpu.memref_slice %arg13[%dma_start3A_500, %dma_start3A_501] : memref<80x64xf32, #tpu.memory_space<vmem>> -> memref<80x64xf32, #tpu.memory_space<vmem>>
    %dma_start3A_503 = arith.constant 0 : i32
    %dma_start3A_504 = tpu.memref_slice %arg8[%dma_start3A_499, %dma_start3A_503] : memref<8x80xi32, #tpu.memory_space<vmem>> -> memref<1x80xi32, #tpu.memory_space<vmem>>
    %dma_start3A_505 = tpu.memref_squeeze %dma_start3A_504 : memref<1x80xi32, #tpu.memory_space<vmem>> -> memref<80xi32, #tpu.memory_space<vmem>>
    %dma_start3A_506 = arith.constant 0 : i32
    %dma_start3A_507 = arith.constant 0 : i32
    %dma_start3A_508 = tpu.memref_slice %arg2[%dma_start3A_506, %dma_start3A_507] : memref<20000x64xf32, #tpu.memory_space<hbm>> -> memref<20000x64xf32, #tpu.memory_space<hbm>>
    tpu.enqueue_indirect_dma source(%dma_start3A_508 : memref<20000x64xf32, #tpu.memory_space<hbm>>) target(%dma_start3A_502 : memref<80x64xf32, #tpu.memory_space<vmem>>) offsets(%dma_start3A_505 : memref<80xi32, #tpu.memory_space<vmem>>) semaphore(%arg19 : memref<!tpu.dma_semaphore, #tpu.memory_space<semaphore_mem>>)
    %dma_wait3A = arith.constant 0 : i32
    %dma_wait3A_509 = arith.constant 0 : i32
    %dma_wait3A_510 = arith.constant 0 : i32
    %dma_wait3A_511 = tpu.memref_slice %arg9[%dma_wait3A_509, %dma_wait3A_510] : memref<80x64xf32, #tpu.memory_space<vmem>> -> memref<80x64xf32, #tpu.memory_space<vmem>>
    %dma_wait3A_512 = arith.constant 0 : i32
    %dma_wait3A_513 = tpu.memref_slice %arg8[%dma_wait3A, %dma_wait3A_512] : memref<8x80xi32, #tpu.memory_space<vmem>> -> memref<1x80xi32, #tpu.memory_space<vmem>>
    %dma_wait3A_514 = tpu.memref_squeeze %dma_wait3A_513 : memref<1x80xi32, #tpu.memory_space<vmem>> -> memref<80xi32, #tpu.memory_space<vmem>>
    %dma_wait3A_515 = arith.constant 0 : i32
    %dma_wait3A_516 = arith.constant 0 : i32
    %dma_wait3A_517 = tpu.memref_slice %arg2[%dma_wait3A_515, %dma_wait3A_516] : memref<20000x64xf32, #tpu.memory_space<hbm>> -> memref<20000x64xf32, #tpu.memory_space<hbm>>
    tpu.wait_indirect_dma semaphore(%arg15 : memref<!tpu.dma_semaphore, #tpu.memory_space<semaphore_mem>>) src(%dma_wait3A_517 : memref<20000x64xf32, #tpu.memory_space<hbm>>) dst(%dma_wait3A_511 : memref<80x64xf32, #tpu.memory_space<vmem>>)
    %add3A_518 = arith.constant 0 : i32
    %add3A_519 = arith.addi %multiple_of3A, %add3A_518 : i32
    "tpu.region"() ({
      %run_scoped3A = tpu.sem_alloc : memref<!tpu.dma_semaphore, #tpu.memory_space<semaphore_mem>>
      %dma_start3A_1351 = arith.constant 0 : i32
      %dma_start3A_1352 = arith.constant 0 : i32
      %dma_start3A_1353 = tpu.memref_slice %arg9[%dma_start3A_1351, %dma_start3A_1352] : memref<80x64xf32, #tpu.memory_space<vmem>> -> memref<80x64xf32, #tpu.memory_space<vmem>>
      %dma_start3A_1354 = arith.constant 0 : i32
      %dma_start3A_1355 = tpu.memref_slice %arg14[%add3A_519, %dma_start3A_1354] : memref<10000x64xf32, #tpu.memory_space<vmem_shared>> -> memref<80x64xf32, #tpu.memory_space<vmem_shared>>
      %dma_start3A_1356 = arith.constant 0 : i32
      %dma_start3A_1357 = tpu.memref_slice %arg14[%add3A_519, %dma_start3A_1356] : memref<10000x64xf32, #tpu.memory_space<vmem_shared>> -> memref<80x64xf32, #tpu.memory_space<vmem_shared>>
      %dma_start3A_1358 = arith.constant 0 : i32
      %dma_start3A_1359 = arith.constant 0 : i32
      %dma_start3A_1360 = tpu.memref_slice %arg9[%dma_start3A_1358, %dma_start3A_1359] : memref<80x64xf32, #tpu.memory_space<vmem>> -> memref<80x64xf32, #tpu.memory_space<vmem>>
      tpu.enqueue_dma source(%dma_start3A_1360 : memref<80x64xf32, #tpu.memory_space<vmem>>) target(%dma_start3A_1357 : memref<80x64xf32, #tpu.memory_space<vmem_shared>>) target_semaphore(%run_scoped3A : memref<!tpu.dma_semaphore, #tpu.memory_space<semaphore_mem>>)
      %dma_wait3A_1361 = arith.constant 0 : i32
      %dma_wait3A_1362 = arith.constant 0 : i32
      %dma_wait3A_1363 = tpu.memref_slice %arg9[%dma_wait3A_1361, %dma_wait3A_1362] : memref<80x64xf32, #tpu.memory_space<vmem>> -> memref<80x64xf32, #tpu.memory_space<vmem>>
      %dma_wait3A_1364 = arith.constant 0 : i32
      %dma_wait3A_1365 = tpu.memref_slice %arg14[%add3A_519, %dma_wait3A_1364] : memref<10000x64xf32, #tpu.memory_space<vmem_shared>> -> memref<80x64xf32, #tpu.memory_space<vmem_shared>>
      %dma_wait3A_1366 = arith.constant 0 : i32
      %dma_wait3A_1367 = tpu.memref_slice %arg14[%add3A_519, %dma_wait3A_1366] : memref<10000x64xf32, #tpu.memory_space<vmem_shared>> -> memref<80x64xf32, #tpu.memory_space<vmem_shared>>
      %dma_wait3A_1368 = arith.constant 0 : i32
      %dma_wait3A_1369 = arith.constant 0 : i32
      %dma_wait3A_1370 = tpu.memref_slice %arg9[%dma_wait3A_1368, %dma_wait3A_1369] : memref<80x64xf32, #tpu.memory_space<vmem>> -> memref<80x64xf32, #tpu.memory_space<vmem>>
      tpu.wait_dma2 semaphore(%run_scoped3A : memref<!tpu.dma_semaphore, #tpu.memory_space<semaphore_mem>>) src(%dma_wait3A_1370 : memref<80x64xf32, #tpu.memory_space<vmem>>) dst(%dma_wait3A_1367 : memref<80x64xf32, #tpu.memory_space<vmem_shared>>)
      tpu.yield
    }) : () -> ()
    %add3A_520 = arith.constant 400 : i32
    %add3A_521 = arith.addi %multiple_of3A, %add3A_520 : i32
    %add3A_522 = arith.constant 0 : i32
    %add3A_523 = arith.addi %add3A_521, %add3A_522 : i32
    %iota3A_524 = tpu.iota {dimensions = array<i32: 0>} : vector<16xi32>
    %add3A_525 = vector.broadcast %add3A_523 : i32 to vector<16xi32>
    %add3A_526 = arith.addi %add3A_525, %iota3A_524 : vector<16xi32>
    %mul3A_527 = arith.constant 2 : i32
    %mul3A_528 = vector.broadcast %mul3A_527 : i32 to vector<16xi32>
    %mul3A_529 = arith.muli %mul3A_528, %add3A_526 : vector<16xi32>
    %add3A_530 = vector.broadcast %arg0 : i32 to vector<16xi32>
    %add3A_531 = arith.addi %mul3A_529, %add3A_530 : vector<16xi32>
    %swap3A_532 = arith.constant 5 : i32
    %swap3A_533 = arith.index_cast %swap3A_532 : i32 to index
    %swap3A_534 = arith.constant 0 : index
    %swap3A_535 = tpu.vector_load %arg8[%swap3A_533, %swap3A_534] {strides = array<i32>} : memref<8x80xi32, #tpu.memory_space<vmem>>, vector<1x16xi32>,
    %swap3A_536 = vector.shape_cast %swap3A_535 : vector<1x16xi32> to vector<16xi32>
    %swap3A_537 = vector.shape_cast %add3A_531 : vector<16xi32> to vector<1x16xi32>
    tpu.vector_store %arg8[%swap3A_533, %swap3A_534], %swap3A_537 {strides = array<i32>} : memref<8x80xi32, #tpu.memory_space<vmem>>, vector<1x16xi32>,
    %add3A_538 = arith.constant 400 : i32
    %add3A_539 = arith.addi %multiple_of3A, %add3A_538 : i32
    %add3A_540 = arith.constant 16 : i32
    %add3A_541 = arith.addi %add3A_539, %add3A_540 : i32
    %iota3A_542 = tpu.iota {dimensions = array<i32: 0>} : vector<16xi32>
    %add3A_543 = vector.broadcast %add3A_541 : i32 to vector<16xi32>
    %add3A_544 = arith.addi %add3A_543, %iota3A_542 : vector<16xi32>
    %mul3A_545 = arith.constant 2 : i32
    %mul3A_546 = vector.broadcast %mul3A_545 : i32 to vector<16xi32>
    %mul3A_547 = arith.muli %mul3A_546, %add3A_544 : vector<16xi32>
    %add3A_548 = vector.broadcast %arg0 : i32 to vector<16xi32>
    %add3A_549 = arith.addi %mul3A_547, %add3A_548 : vector<16xi32>
    %swap3A_550 = arith.constant 5 : i32
    %swap3A_551 = arith.index_cast %swap3A_550 : i32 to index
    %swap3A_552 = arith.constant 16 : index
    %swap3A_553 = tpu.vector_load %arg8[%swap3A_551, %swap3A_552] {strides = array<i32>} : memref<8x80xi32, #tpu.memory_space<vmem>>, vector<1x16xi32>,
    %swap3A_554 = vector.shape_cast %swap3A_553 : vector<1x16xi32> to vector<16xi32>
    %swap3A_555 = vector.shape_cast %add3A_549 : vector<16xi32> to vector<1x16xi32>
    tpu.vector_store %arg8[%swap3A_551, %swap3A_552], %swap3A_555 {strides = array<i32>} : memref<8x80xi32, #tpu.memory_space<vmem>>, vector<1x16xi32>,
    %add3A_556 = arith.constant 400 : i32
    %add3A_557 = arith.addi %multiple_of3A, %add3A_556 : i32
    %add3A_558 = arith.constant 32 : i32
    %add3A_559 = arith.addi %add3A_557, %add3A_558 : i32
    %iota3A_560 = tpu.iota {dimensions = array<i32: 0>} : vector<16xi32>
    %add3A_561 = vector.broadcast %add3A_559 : i32 to vector<16xi32>
    %add3A_562 = arith.addi %add3A_561, %iota3A_560 : vector<16xi32>
    %mul3A_563 = arith.constant 2 : i32
    %mul3A_564 = vector.broadcast %mul3A_563 : i32 to vector<16xi32>
    %mul3A_565 = arith.muli %mul3A_564, %add3A_562 : vector<16xi32>
    %add3A_566 = vector.broadcast %arg0 : i32 to vector<16xi32>
    %add3A_567 = arith.addi %mul3A_565, %add3A_566 : vector<16xi32>
    %swap3A_568 = arith.constant 5 : i32
    %swap3A_569 = arith.index_cast %swap3A_568 : i32 to index
    %swap3A_570 = arith.constant 32 : index
    %swap3A_571 = tpu.vector_load %arg8[%swap3A_569, %swap3A_570] {strides = array<i32>} : memref<8x80xi32, #tpu.memory_space<vmem>>, vector<1x16xi32>,
    %swap3A_572 = vector.shape_cast %swap3A_571 : vector<1x16xi32> to vector<16xi32>
    %swap3A_573 = vector.shape_cast %add3A_567 : vector<16xi32> to vector<1x16xi32>
    tpu.vector_store %arg8[%swap3A_569, %swap3A_570], %swap3A_573 {strides = array<i32>} : memref<8x80xi32, #tpu.memory_space<vmem>>, vector<1x16xi32>,
    %add3A_574 = arith.constant 400 : i32
    %add3A_575 = arith.addi %multiple_of3A, %add3A_574 : i32
    %add3A_576 = arith.constant 48 : i32
    %add3A_577 = arith.addi %add3A_575, %add3A_576 : i32
    %iota3A_578 = tpu.iota {dimensions = array<i32: 0>} : vector<16xi32>
    %add3A_579 = vector.broadcast %add3A_577 : i32 to vector<16xi32>
    %add3A_580 = arith.addi %add3A_579, %iota3A_578 : vector<16xi32>
    %mul3A_581 = arith.constant 2 : i32
    %mul3A_582 = vector.broadcast %mul3A_581 : i32 to vector<16xi32>
    %mul3A_583 = arith.muli %mul3A_582, %add3A_580 : vector<16xi32>
    %add3A_584 = vector.broadcast %arg0 : i32 to vector<16xi32>
    %add3A_585 = arith.addi %mul3A_583, %add3A_584 : vector<16xi32>
    %swap3A_586 = arith.constant 5 : i32
    %swap3A_587 = arith.index_cast %swap3A_586 : i32 to index
    %swap3A_588 = arith.constant 48 : index
    %swap3A_589 = tpu.vector_load %arg8[%swap3A_587, %swap3A_588] {strides = array<i32>} : memref<8x80xi32, #tpu.memory_space<vmem>>, vector<1x16xi32>,
    %swap3A_590 = vector.shape_cast %swap3A_589 : vector<1x16xi32> to vector<16xi32>
    %swap3A_591 = vector.shape_cast %add3A_585 : vector<16xi32> to vector<1x16xi32>
    tpu.vector_store %arg8[%swap3A_587, %swap3A_588], %swap3A_591 {strides = array<i32>} : memref<8x80xi32, #tpu.memory_space<vmem>>, vector<1x16xi32>,
    %add3A_592 = arith.constant 400 : i32
    %add3A_593 = arith.addi %multiple_of3A, %add3A_592 : i32
    %add3A_594 = arith.constant 64 : i32
    %add3A_595 = arith.addi %add3A_593, %add3A_594 : i32
    %iota3A_596 = tpu.iota {dimensions = array<i32: 0>} : vector<16xi32>
    %add3A_597 = vector.broadcast %add3A_595 : i32 to vector<16xi32>
    %add3A_598 = arith.addi %add3A_597, %iota3A_596 : vector<16xi32>
    %mul3A_599 = arith.constant 2 : i32
    %mul3A_600 = vector.broadcast %mul3A_599 : i32 to vector<16xi32>
    %mul3A_601 = arith.muli %mul3A_600, %add3A_598 : vector<16xi32>
    %add3A_602 = vector.broadcast %arg0 : i32 to vector<16xi32>
    %add3A_603 = arith.addi %mul3A_601, %add3A_602 : vector<16xi32>
    %swap3A_604 = arith.constant 5 : i32
    %swap3A_605 = arith.index_cast %swap3A_604 : i32 to index
    %swap3A_606 = arith.constant 64 : index
    %swap3A_607 = tpu.vector_load %arg8[%swap3A_605, %swap3A_606] {strides = array<i32>} : memref<8x80xi32, #tpu.memory_space<vmem>>, vector<1x16xi32>,
    %swap3A_608 = vector.shape_cast %swap3A_607 : vector<1x16xi32> to vector<16xi32>
    %swap3A_609 = vector.shape_cast %add3A_603 : vector<16xi32> to vector<1x16xi32>
    tpu.vector_store %arg8[%swap3A_605, %swap3A_606], %swap3A_609 {strides = array<i32>} : memref<8x80xi32, #tpu.memory_space<vmem>>, vector<1x16xi32>,
    %dma_start3A_610 = arith.constant 5 : i32
    %dma_start3A_611 = arith.constant 0 : i32
    %dma_start3A_612 = arith.constant 0 : i32
    %dma_start3A_613 = tpu.memref_slice %arg9[%dma_start3A_611, %dma_start3A_612] : memref<80x64xf32, #tpu.memory_space<vmem>> -> memref<80x64xf32, #tpu.memory_space<vmem>>
    %dma_start3A_614 = arith.constant 0 : i32
    %dma_start3A_615 = tpu.memref_slice %arg8[%dma_start3A_610, %dma_start3A_614] : memref<8x80xi32, #tpu.memory_space<vmem>> -> memref<1x80xi32, #tpu.memory_space<vmem>>
    %dma_start3A_616 = tpu.memref_squeeze %dma_start3A_615 : memref<1x80xi32, #tpu.memory_space<vmem>> -> memref<80xi32, #tpu.memory_space<vmem>>
    %dma_start3A_617 = arith.constant 0 : i32
    %dma_start3A_618 = arith.constant 0 : i32
    %dma_start3A_619 = tpu.memref_slice %arg2[%dma_start3A_617, %dma_start3A_618] : memref<20000x64xf32, #tpu.memory_space<hbm>> -> memref<20000x64xf32, #tpu.memory_space<hbm>>
    tpu.enqueue_indirect_dma source(%dma_start3A_619 : memref<20000x64xf32, #tpu.memory_space<hbm>>) target(%dma_start3A_613 : memref<80x64xf32, #tpu.memory_space<vmem>>) offsets(%dma_start3A_616 : memref<80xi32, #tpu.memory_space<vmem>>) semaphore(%arg15 : memref<!tpu.dma_semaphore, #tpu.memory_space<semaphore_mem>>)
    %dma_wait3A_620 = arith.constant 1 : i32
    %dma_wait3A_621 = arith.constant 0 : i32
    %dma_wait3A_622 = arith.constant 0 : i32
    %dma_wait3A_623 = tpu.memref_slice %arg10[%dma_wait3A_621, %dma_wait3A_622] : memref<80x64xf32, #tpu.memory_space<vmem>> -> memref<80x64xf32, #tpu.memory_space<vmem>>
    %dma_wait3A_624 = arith.constant 0 : i32
    %dma_wait3A_625 = tpu.memref_slice %arg8[%dma_wait3A_620, %dma_wait3A_624] : memref<8x80xi32, #tpu.memory_space<vmem>> -> memref<1x80xi32, #tpu.memory_space<vmem>>
    %dma_wait3A_626 = tpu.memref_squeeze %dma_wait3A_625 : memref<1x80xi32, #tpu.memory_space<vmem>> -> memref<80xi32, #tpu.memory_space<vmem>>
    %dma_wait3A_627 = arith.constant 0 : i32
    %dma_wait3A_628 = arith.constant 0 : i32
    %dma_wait3A_629 = tpu.memref_slice %arg2[%dma_wait3A_627, %dma_wait3A_628] : memref<20000x64xf32, #tpu.memory_space<hbm>> -> memref<20000x64xf32, #tpu.memory_space<hbm>>
    tpu.wait_indirect_dma semaphore(%arg16 : memref<!tpu.dma_semaphore, #tpu.memory_space<semaphore_mem>>) src(%dma_wait3A_629 : memref<20000x64xf32, #tpu.memory_space<hbm>>) dst(%dma_wait3A_623 : memref<80x64xf32, #tpu.memory_space<vmem>>)
    %add3A_630 = arith.constant 80 : i32
    %add3A_631 = arith.addi %multiple_of3A, %add3A_630 : i32
    "tpu.region"() ({
      %run_scoped3A = tpu.sem_alloc : memref<!tpu.dma_semaphore, #tpu.memory_space<semaphore_mem>>
      %dma_start3A_1351 = arith.constant 0 : i32
      %dma_start3A_1352 = arith.constant 0 : i32
      %dma_start3A_1353 = tpu.memref_slice %arg10[%dma_start3A_1351, %dma_start3A_1352] : memref<80x64xf32, #tpu.memory_space<vmem>> -> memref<80x64xf32, #tpu.memory_space<vmem>>
      %dma_start3A_1354 = arith.constant 0 : i32
      %dma_start3A_1355 = tpu.memref_slice %arg14[%add3A_631, %dma_start3A_1354] : memref<10000x64xf32, #tpu.memory_space<vmem_shared>> -> memref<80x64xf32, #tpu.memory_space<vmem_shared>>
      %dma_start3A_1356 = arith.constant 0 : i32
      %dma_start3A_1357 = tpu.memref_slice %arg14[%add3A_631, %dma_start3A_1356] : memref<10000x64xf32, #tpu.memory_space<vmem_shared>> -> memref<80x64xf32, #tpu.memory_space<vmem_shared>>
      %dma_start3A_1358 = arith.constant 0 : i32
      %dma_start3A_1359 = arith.constant 0 : i32
      %dma_start3A_1360 = tpu.memref_slice %arg10[%dma_start3A_1358, %dma_start3A_1359] : memref<80x64xf32, #tpu.memory_space<vmem>> -> memref<80x64xf32, #tpu.memory_space<vmem>>
      tpu.enqueue_dma source(%dma_start3A_1360 : memref<80x64xf32, #tpu.memory_space<vmem>>) target(%dma_start3A_1357 : memref<80x64xf32, #tpu.memory_space<vmem_shared>>) target_semaphore(%run_scoped3A : memref<!tpu.dma_semaphore, #tpu.memory_space<semaphore_mem>>)
      %dma_wait3A_1361 = arith.constant 0 : i32
      %dma_wait3A_1362 = arith.constant 0 : i32
      %dma_wait3A_1363 = tpu.memref_slice %arg10[%dma_wait3A_1361, %dma_wait3A_1362] : memref<80x64xf32, #tpu.memory_space<vmem>> -> memref<80x64xf32, #tpu.memory_space<vmem>>
      %dma_wait3A_1364 = arith.constant 0 : i32
      %dma_wait3A_1365 = tpu.memref_slice %arg14[%add3A_631, %dma_wait3A_1364] : memref<10000x64xf32, #tpu.memory_space<vmem_shared>> -> memref<80x64xf32, #tpu.memory_space<vmem_shared>>
      %dma_wait3A_1366 = arith.constant 0 : i32
      %dma_wait3A_1367 = tpu.memref_slice %arg14[%add3A_631, %dma_wait3A_1366] : memref<10000x64xf32, #tpu.memory_space<vmem_shared>> -> memref<80x64xf32, #tpu.memory_space<vmem_shared>>
      %dma_wait3A_1368 = arith.constant 0 : i32
      %dma_wait3A_1369 = arith.constant 0 : i32
      %dma_wait3A_1370 = tpu.memref_slice %arg10[%dma_wait3A_1368, %dma_wait3A_1369] : memref<80x64xf32, #tpu.memory_space<vmem>> -> memref<80x64xf32, #tpu.memory_space<vmem>>
      tpu.wait_dma2 semaphore(%run_scoped3A : memref<!tpu.dma_semaphore, #tpu.memory_space<semaphore_mem>>) src(%dma_wait3A_1370 : memref<80x64xf32, #tpu.memory_space<vmem>>) dst(%dma_wait3A_1367 : memref<80x64xf32, #tpu.memory_space<vmem_shared>>)
      tpu.yield
    }) : () -> ()
    %add3A_632 = arith.constant 480 : i32
    %add3A_633 = arith.addi %multiple_of3A, %add3A_632 : i32
    %add3A_634 = arith.constant 0 : i32
    %add3A_635 = arith.addi %add3A_633, %add3A_634 : i32
    %iota3A_636 = tpu.iota {dimensions = array<i32: 0>} : vector<16xi32>
    %add3A_637 = vector.broadcast %add3A_635 : i32 to vector<16xi32>
    %add3A_638 = arith.addi %add3A_637, %iota3A_636 : vector<16xi32>
    %mul3A_639 = arith.constant 2 : i32
    %mul3A_640 = vector.broadcast %mul3A_639 : i32 to vector<16xi32>
    %mul3A_641 = arith.muli %mul3A_640, %add3A_638 : vector<16xi32>
    %add3A_642 = vector.broadcast %arg0 : i32 to vector<16xi32>
    %add3A_643 = arith.addi %mul3A_641, %add3A_642 : vector<16xi32>
    %swap3A_644 = arith.constant 6 : i32
    %swap3A_645 = arith.index_cast %swap3A_644 : i32 to index
    %swap3A_646 = arith.constant 0 : index
    %swap3A_647 = tpu.vector_load %arg8[%swap3A_645, %swap3A_646] {strides = array<i32>} : memref<8x80xi32, #tpu.memory_space<vmem>>, vector<1x16xi32>,
    %swap3A_648 = vector.shape_cast %swap3A_647 : vector<1x16xi32> to vector<16xi32>
    %swap3A_649 = vector.shape_cast %add3A_643 : vector<16xi32> to vector<1x16xi32>
    tpu.vector_store %arg8[%swap3A_645, %swap3A_646], %swap3A_649 {strides = array<i32>} : memref<8x80xi32, #tpu.memory_space<vmem>>, vector<1x16xi32>,
    %add3A_650 = arith.constant 480 : i32
    %add3A_651 = arith.addi %multiple_of3A, %add3A_650 : i32
    %add3A_652 = arith.constant 16 : i32
    %add3A_653 = arith.addi %add3A_651, %add3A_652 : i32
    %iota3A_654 = tpu.iota {dimensions = array<i32: 0>} : vector<16xi32>
    %add3A_655 = vector.broadcast %add3A_653 : i32 to vector<16xi32>
    %add3A_656 = arith.addi %add3A_655, %iota3A_654 : vector<16xi32>
    %mul3A_657 = arith.constant 2 : i32
    %mul3A_658 = vector.broadcast %mul3A_657 : i32 to vector<16xi32>
    %mul3A_659 = arith.muli %mul3A_658, %add3A_656 : vector<16xi32>
    %add3A_660 = vector.broadcast %arg0 : i32 to vector<16xi32>
    %add3A_661 = arith.addi %mul3A_659, %add3A_660 : vector<16xi32>
    %swap3A_662 = arith.constant 6 : i32
    %swap3A_663 = arith.index_cast %swap3A_662 : i32 to index
    %swap3A_664 = arith.constant 16 : index
    %swap3A_665 = tpu.vector_load %arg8[%swap3A_663, %swap3A_664] {strides = array<i32>} : memref<8x80xi32, #tpu.memory_space<vmem>>, vector<1x16xi32>,
    %swap3A_666 = vector.shape_cast %swap3A_665 : vector<1x16xi32> to vector<16xi32>
    %swap3A_667 = vector.shape_cast %add3A_661 : vector<16xi32> to vector<1x16xi32>
    tpu.vector_store %arg8[%swap3A_663, %swap3A_664], %swap3A_667 {strides = array<i32>} : memref<8x80xi32, #tpu.memory_space<vmem>>, vector<1x16xi32>,
    %add3A_668 = arith.constant 480 : i32
    %add3A_669 = arith.addi %multiple_of3A, %add3A_668 : i32
    %add3A_670 = arith.constant 32 : i32
    %add3A_671 = arith.addi %add3A_669, %add3A_670 : i32
    %iota3A_672 = tpu.iota {dimensions = array<i32: 0>} : vector<16xi32>
    %add3A_673 = vector.broadcast %add3A_671 : i32 to vector<16xi32>
    %add3A_674 = arith.addi %add3A_673, %iota3A_672 : vector<16xi32>
    %mul3A_675 = arith.constant 2 : i32
    %mul3A_676 = vector.broadcast %mul3A_675 : i32 to vector<16xi32>
    %mul3A_677 = arith.muli %mul3A_676, %add3A_674 : vector<16xi32>
    %add3A_678 = vector.broadcast %arg0 : i32 to vector<16xi32>
    %add3A_679 = arith.addi %mul3A_677, %add3A_678 : vector<16xi32>
    %swap3A_680 = arith.constant 6 : i32
    %swap3A_681 = arith.index_cast %swap3A_680 : i32 to index
    %swap3A_682 = arith.constant 32 : index
    %swap3A_683 = tpu.vector_load %arg8[%swap3A_681, %swap3A_682] {strides = array<i32>} : memref<8x80xi32, #tpu.memory_space<vmem>>, vector<1x16xi32>,
    %swap3A_684 = vector.shape_cast %swap3A_683 : vector<1x16xi32> to vector<16xi32>
    %swap3A_685 = vector.shape_cast %add3A_679 : vector<16xi32> to vector<1x16xi32>
    tpu.vector_store %arg8[%swap3A_681, %swap3A_682], %swap3A_685 {strides = array<i32>} : memref<8x80xi32, #tpu.memory_space<vmem>>, vector<1x16xi32>,
    %add3A_686 = arith.constant 480 : i32
    %add3A_687 = arith.addi %multiple_of3A, %add3A_686 : i32
    %add3A_688 = arith.constant 48 : i32
    %add3A_689 = arith.addi %add3A_687, %add3A_688 : i32
    %iota3A_690 = tpu.iota {dimensions = array<i32: 0>} : vector<16xi32>
    %add3A_691 = vector.broadcast %add3A_689 : i32 to vector<16xi32>
    %add3A_692 = arith.addi %add3A_691, %iota3A_690 : vector<16xi32>
    %mul3A_693 = arith.constant 2 : i32
    %mul3A_694 = vector.broadcast %mul3A_693 : i32 to vector<16xi32>
    %mul3A_695 = arith.muli %mul3A_694, %add3A_692 : vector<16xi32>
    %add3A_696 = vector.broadcast %arg0 : i32 to vector<16xi32>
    %add3A_697 = arith.addi %mul3A_695, %add3A_696 : vector<16xi32>
    %swap3A_698 = arith.constant 6 : i32
    %swap3A_699 = arith.index_cast %swap3A_698 : i32 to index
    %swap3A_700 = arith.constant 48 : index
    %swap3A_701 = tpu.vector_load %arg8[%swap3A_699, %swap3A_700] {strides = array<i32>} : memref<8x80xi32, #tpu.memory_space<vmem>>, vector<1x16xi32>,
    %swap3A_702 = vector.shape_cast %swap3A_701 : vector<1x16xi32> to vector<16xi32>
    %swap3A_703 = vector.shape_cast %add3A_697 : vector<16xi32> to vector<1x16xi32>
    tpu.vector_store %arg8[%swap3A_699, %swap3A_700], %swap3A_703 {strides = array<i32>} : memref<8x80xi32, #tpu.memory_space<vmem>>, vector<1x16xi32>,
    %add3A_704 = arith.constant 480 : i32
    %add3A_705 = arith.addi %multiple_of3A, %add3A_704 : i32
    %add3A_706 = arith.constant 64 : i32
    %add3A_707 = arith.addi %add3A_705, %add3A_706 : i32
    %iota3A_708 = tpu.iota {dimensions = array<i32: 0>} : vector<16xi32>
    %add3A_709 = vector.broadcast %add3A_707 : i32 to vector<16xi32>
    %add3A_710 = arith.addi %add3A_709, %iota3A_708 : vector<16xi32>
    %mul3A_711 = arith.constant 2 : i32
    %mul3A_712 = vector.broadcast %mul3A_711 : i32 to vector<16xi32>
    %mul3A_713 = arith.muli %mul3A_712, %add3A_710 : vector<16xi32>
    %add3A_714 = vector.broadcast %arg0 : i32 to vector<16xi32>
    %add3A_715 = arith.addi %mul3A_713, %add3A_714 : vector<16xi32>
    %swap3A_716 = arith.constant 6 : i32
    %swap3A_717 = arith.index_cast %swap3A_716 : i32 to index
    %swap3A_718 = arith.constant 64 : index
    %swap3A_719 = tpu.vector_load %arg8[%swap3A_717, %swap3A_718] {strides = array<i32>} : memref<8x80xi32, #tpu.memory_space<vmem>>, vector<1x16xi32>,
    %swap3A_720 = vector.shape_cast %swap3A_719 : vector<1x16xi32> to vector<16xi32>
    %swap3A_721 = vector.shape_cast %add3A_715 : vector<16xi32> to vector<1x16xi32>
    tpu.vector_store %arg8[%swap3A_717, %swap3A_718], %swap3A_721 {strides = array<i32>} : memref<8x80xi32, #tpu.memory_space<vmem>>, vector<1x16xi32>,
    %dma_start3A_722 = arith.constant 6 : i32
    %dma_start3A_723 = arith.constant 0 : i32
    %dma_start3A_724 = arith.constant 0 : i32
    %dma_start3A_725 = tpu.memref_slice %arg10[%dma_start3A_723, %dma_start3A_724] : memref<80x64xf32, #tpu.memory_space<vmem>> -> memref<80x64xf32, #tpu.memory_space<vmem>>
    %dma_start3A_726 = arith.constant 0 : i32
    %dma_start3A_727 = tpu.memref_slice %arg8[%dma_start3A_722, %dma_start3A_726] : memref<8x80xi32, #tpu.memory_space<vmem>> -> memref<1x80xi32, #tpu.memory_space<vmem>>
    %dma_start3A_728 = tpu.memref_squeeze %dma_start3A_727 : memref<1x80xi32, #tpu.memory_space<vmem>> -> memref<80xi32, #tpu.memory_space<vmem>>
    %dma_start3A_729 = arith.constant 0 : i32
    %dma_start3A_730 = arith.constant 0 : i32
    %dma_start3A_731 = tpu.memref_slice %arg2[%dma_start3A_729, %dma_start3A_730] : memref<20000x64xf32, #tpu.memory_space<hbm>> -> memref<20000x64xf32, #tpu.memory_space<hbm>>
    tpu.enqueue_indirect_dma source(%dma_start3A_731 : memref<20000x64xf32, #tpu.memory_space<hbm>>) target(%dma_start3A_725 : memref<80x64xf32, #tpu.memory_space<vmem>>) offsets(%dma_start3A_728 : memref<80xi32, #tpu.memory_space<vmem>>) semaphore(%arg16 : memref<!tpu.dma_semaphore, #tpu.memory_space<semaphore_mem>>)
    %dma_wait3A_732 = arith.constant 2 : i32
    %dma_wait3A_733 = arith.constant 0 : i32
    %dma_wait3A_734 = arith.constant 0 : i32
    %dma_wait3A_735 = tpu.memref_slice %arg11[%dma_wait3A_733, %dma_wait3A_734] : memref<80x64xf32, #tpu.memory_space<vmem>> -> memref<80x64xf32, #tpu.memory_space<vmem>>
    %dma_wait3A_736 = arith.constant 0 : i32
    %dma_wait3A_737 = tpu.memref_slice %arg8[%dma_wait3A_732, %dma_wait3A_736] : memref<8x80xi32, #tpu.memory_space<vmem>> -> memref<1x80xi32, #tpu.memory_space<vmem>>
    %dma_wait3A_738 = tpu.memref_squeeze %dma_wait3A_737 : memref<1x80xi32, #tpu.memory_space<vmem>> -> memref<80xi32, #tpu.memory_space<vmem>>
    %dma_wait3A_739 = arith.constant 0 : i32
    %dma_wait3A_740 = arith.constant 0 : i32
    %dma_wait3A_741 = tpu.memref_slice %arg2[%dma_wait3A_739, %dma_wait3A_740] : memref<20000x64xf32, #tpu.memory_space<hbm>> -> memref<20000x64xf32, #tpu.memory_space<hbm>>
    tpu.wait_indirect_dma semaphore(%arg17 : memref<!tpu.dma_semaphore, #tpu.memory_space<semaphore_mem>>) src(%dma_wait3A_741 : memref<20000x64xf32, #tpu.memory_space<hbm>>) dst(%dma_wait3A_735 : memref<80x64xf32, #tpu.memory_space<vmem>>)
    %add3A_742 = arith.constant 160 : i32
    %add3A_743 = arith.addi %multiple_of3A, %add3A_742 : i32
    "tpu.region"() ({
      %run_scoped3A = tpu.sem_alloc : memref<!tpu.dma_semaphore, #tpu.memory_space<semaphore_mem>>
      %dma_start3A_1351 = arith.constant 0 : i32
      %dma_start3A_1352 = arith.constant 0 : i32
      %dma_start3A_1353 = tpu.memref_slice %arg11[%dma_start3A_1351, %dma_start3A_1352] : memref<80x64xf32, #tpu.memory_space<vmem>> -> memref<80x64xf32, #tpu.memory_space<vmem>>
      %dma_start3A_1354 = arith.constant 0 : i32
      %dma_start3A_1355 = tpu.memref_slice %arg14[%add3A_743, %dma_start3A_1354] : memref<10000x64xf32, #tpu.memory_space<vmem_shared>> -> memref<80x64xf32, #tpu.memory_space<vmem_shared>>
      %dma_start3A_1356 = arith.constant 0 : i32
      %dma_start3A_1357 = tpu.memref_slice %arg14[%add3A_743, %dma_start3A_1356] : memref<10000x64xf32, #tpu.memory_space<vmem_shared>> -> memref<80x64xf32, #tpu.memory_space<vmem_shared>>
      %dma_start3A_1358 = arith.constant 0 : i32
      %dma_start3A_1359 = arith.constant 0 : i32
      %dma_start3A_1360 = tpu.memref_slice %arg11[%dma_start3A_1358, %dma_start3A_1359] : memref<80x64xf32, #tpu.memory_space<vmem>> -> memref<80x64xf32, #tpu.memory_space<vmem>>
      tpu.enqueue_dma source(%dma_start3A_1360 : memref<80x64xf32, #tpu.memory_space<vmem>>) target(%dma_start3A_1357 : memref<80x64xf32, #tpu.memory_space<vmem_shared>>) target_semaphore(%run_scoped3A : memref<!tpu.dma_semaphore, #tpu.memory_space<semaphore_mem>>)
      %dma_wait3A_1361 = arith.constant 0 : i32
      %dma_wait3A_1362 = arith.constant 0 : i32
      %dma_wait3A_1363 = tpu.memref_slice %arg11[%dma_wait3A_1361, %dma_wait3A_1362] : memref<80x64xf32, #tpu.memory_space<vmem>> -> memref<80x64xf32, #tpu.memory_space<vmem>>
      %dma_wait3A_1364 = arith.constant 0 : i32
      %dma_wait3A_1365 = tpu.memref_slice %arg14[%add3A_743, %dma_wait3A_1364] : memref<10000x64xf32, #tpu.memory_space<vmem_shared>> -> memref<80x64xf32, #tpu.memory_space<vmem_shared>>
      %dma_wait3A_1366 = arith.constant 0 : i32
      %dma_wait3A_1367 = tpu.memref_slice %arg14[%add3A_743, %dma_wait3A_1366] : memref<10000x64xf32, #tpu.memory_space<vmem_shared>> -> memref<80x64xf32, #tpu.memory_space<vmem_shared>>
      %dma_wait3A_1368 = arith.constant 0 : i32
      %dma_wait3A_1369 = arith.constant 0 : i32
      %dma_wait3A_1370 = tpu.memref_slice %arg11[%dma_wait3A_1368, %dma_wait3A_1369] : memref<80x64xf32, #tpu.memory_space<vmem>> -> memref<80x64xf32, #tpu.memory_space<vmem>>
      tpu.wait_dma2 semaphore(%run_scoped3A : memref<!tpu.dma_semaphore, #tpu.memory_space<semaphore_mem>>) src(%dma_wait3A_1370 : memref<80x64xf32, #tpu.memory_space<vmem>>) dst(%dma_wait3A_1367 : memref<80x64xf32, #tpu.memory_space<vmem_shared>>)
      tpu.yield
    }) : () -> ()
    %add3A_744 = arith.constant 560 : i32
    %add3A_745 = arith.addi %multiple_of3A, %add3A_744 : i32
    %add3A_746 = arith.constant 0 : i32
    %add3A_747 = arith.addi %add3A_745, %add3A_746 : i32
    %iota3A_748 = tpu.iota {dimensions = array<i32: 0>} : vector<16xi32>
    %add3A_749 = vector.broadcast %add3A_747 : i32 to vector<16xi32>
    %add3A_750 = arith.addi %add3A_749, %iota3A_748 : vector<16xi32>
    %mul3A_751 = arith.constant 2 : i32
    %mul3A_752 = vector.broadcast %mul3A_751 : i32 to vector<16xi32>
    %mul3A_753 = arith.muli %mul3A_752, %add3A_750 : vector<16xi32>
    %add3A_754 = vector.broadcast %arg0 : i32 to vector<16xi32>
    %add3A_755 = arith.addi %mul3A_753, %add3A_754 : vector<16xi32>
    %swap3A_756 = arith.constant 7 : i32
    %swap3A_757 = arith.index_cast %swap3A_756 : i32 to index
    %swap3A_758 = arith.constant 0 : index
    %swap3A_759 = tpu.vector_load %arg8[%swap3A_757, %swap3A_758] {strides = array<i32>} : memref<8x80xi32, #tpu.memory_space<vmem>>, vector<1x16xi32>,
    %swap3A_760 = vector.shape_cast %swap3A_759 : vector<1x16xi32> to vector<16xi32>
    %swap3A_761 = vector.shape_cast %add3A_755 : vector<16xi32> to vector<1x16xi32>
    tpu.vector_store %arg8[%swap3A_757, %swap3A_758], %swap3A_761 {strides = array<i32>} : memref<8x80xi32, #tpu.memory_space<vmem>>, vector<1x16xi32>,
    %add3A_762 = arith.constant 560 : i32
    %add3A_763 = arith.addi %multiple_of3A, %add3A_762 : i32
    %add3A_764 = arith.constant 16 : i32
    %add3A_765 = arith.addi %add3A_763, %add3A_764 : i32
    %iota3A_766 = tpu.iota {dimensions = array<i32: 0>} : vector<16xi32>
    %add3A_767 = vector.broadcast %add3A_765 : i32 to vector<16xi32>
    %add3A_768 = arith.addi %add3A_767, %iota3A_766 : vector<16xi32>
    %mul3A_769 = arith.constant 2 : i32
    %mul3A_770 = vector.broadcast %mul3A_769 : i32 to vector<16xi32>
    %mul3A_771 = arith.muli %mul3A_770, %add3A_768 : vector<16xi32>
    %add3A_772 = vector.broadcast %arg0 : i32 to vector<16xi32>
    %add3A_773 = arith.addi %mul3A_771, %add3A_772 : vector<16xi32>
    %swap3A_774 = arith.constant 7 : i32
    %swap3A_775 = arith.index_cast %swap3A_774 : i32 to index
    %swap3A_776 = arith.constant 16 : index
    %swap3A_777 = tpu.vector_load %arg8[%swap3A_775, %swap3A_776] {strides = array<i32>} : memref<8x80xi32, #tpu.memory_space<vmem>>, vector<1x16xi32>,
    %swap3A_778 = vector.shape_cast %swap3A_777 : vector<1x16xi32> to vector<16xi32>
    %swap3A_779 = vector.shape_cast %add3A_773 : vector<16xi32> to vector<1x16xi32>
    tpu.vector_store %arg8[%swap3A_775, %swap3A_776], %swap3A_779 {strides = array<i32>} : memref<8x80xi32, #tpu.memory_space<vmem>>, vector<1x16xi32>,
    %add3A_780 = arith.constant 560 : i32
    %add3A_781 = arith.addi %multiple_of3A, %add3A_780 : i32
    %add3A_782 = arith.constant 32 : i32
    %add3A_783 = arith.addi %add3A_781, %add3A_782 : i32
    %iota3A_784 = tpu.iota {dimensions = array<i32: 0>} : vector<16xi32>
    %add3A_785 = vector.broadcast %add3A_783 : i32 to vector<16xi32>
    %add3A_786 = arith.addi %add3A_785, %iota3A_784 : vector<16xi32>
    %mul3A_787 = arith.constant 2 : i32
    %mul3A_788 = vector.broadcast %mul3A_787 : i32 to vector<16xi32>
    %mul3A_789 = arith.muli %mul3A_788, %add3A_786 : vector<16xi32>
    %add3A_790 = vector.broadcast %arg0 : i32 to vector<16xi32>
    %add3A_791 = arith.addi %mul3A_789, %add3A_790 : vector<16xi32>
    %swap3A_792 = arith.constant 7 : i32
    %swap3A_793 = arith.index_cast %swap3A_792 : i32 to index
    %swap3A_794 = arith.constant 32 : index
    %swap3A_795 = tpu.vector_load %arg8[%swap3A_793, %swap3A_794] {strides = array<i32>} : memref<8x80xi32, #tpu.memory_space<vmem>>, vector<1x16xi32>,
    %swap3A_796 = vector.shape_cast %swap3A_795 : vector<1x16xi32> to vector<16xi32>
    %swap3A_797 = vector.shape_cast %add3A_791 : vector<16xi32> to vector<1x16xi32>
    tpu.vector_store %arg8[%swap3A_793, %swap3A_794], %swap3A_797 {strides = array<i32>} : memref<8x80xi32, #tpu.memory_space<vmem>>, vector<1x16xi32>,
    %add3A_798 = arith.constant 560 : i32
    %add3A_799 = arith.addi %multiple_of3A, %add3A_798 : i32
    %add3A_800 = arith.constant 48 : i32
    %add3A_801 = arith.addi %add3A_799, %add3A_800 : i32
    %iota3A_802 = tpu.iota {dimensions = array<i32: 0>} : vector<16xi32>
    %add3A_803 = vector.broadcast %add3A_801 : i32 to vector<16xi32>
    %add3A_804 = arith.addi %add3A_803, %iota3A_802 : vector<16xi32>
    %mul3A_805 = arith.constant 2 : i32
    %mul3A_806 = vector.broadcast %mul3A_805 : i32 to vector<16xi32>
    %mul3A_807 = arith.muli %mul3A_806, %add3A_804 : vector<16xi32>
    %add3A_808 = vector.broadcast %arg0 : i32 to vector<16xi32>
    %add3A_809 = arith.addi %mul3A_807, %add3A_808 : vector<16xi32>
    %swap3A_810 = arith.constant 7 : i32
    %swap3A_811 = arith.index_cast %swap3A_810 : i32 to index
    %swap3A_812 = arith.constant 48 : index
    %swap3A_813 = tpu.vector_load %arg8[%swap3A_811, %swap3A_812] {strides = array<i32>} : memref<8x80xi32, #tpu.memory_space<vmem>>, vector<1x16xi32>,
    %swap3A_814 = vector.shape_cast %swap3A_813 : vector<1x16xi32> to vector<16xi32>
    %swap3A_815 = vector.shape_cast %add3A_809 : vector<16xi32> to vector<1x16xi32>
    tpu.vector_store %arg8[%swap3A_811, %swap3A_812], %swap3A_815 {strides = array<i32>} : memref<8x80xi32, #tpu.memory_space<vmem>>, vector<1x16xi32>,
    %add3A_816 = arith.constant 560 : i32
    %add3A_817 = arith.addi %multiple_of3A, %add3A_816 : i32
    %add3A_818 = arith.constant 64 : i32
    %add3A_819 = arith.addi %add3A_817, %add3A_818 : i32
    %iota3A_820 = tpu.iota {dimensions = array<i32: 0>} : vector<16xi32>
    %add3A_821 = vector.broadcast %add3A_819 : i32 to vector<16xi32>
    %add3A_822 = arith.addi %add3A_821, %iota3A_820 : vector<16xi32>
    %mul3A_823 = arith.constant 2 : i32
    %mul3A_824 = vector.broadcast %mul3A_823 : i32 to vector<16xi32>
    %mul3A_825 = arith.muli %mul3A_824, %add3A_822 : vector<16xi32>
    %add3A_826 = vector.broadcast %arg0 : i32 to vector<16xi32>
    %add3A_827 = arith.addi %mul3A_825, %add3A_826 : vector<16xi32>
    %swap3A_828 = arith.constant 7 : i32
    %swap3A_829 = arith.index_cast %swap3A_828 : i32 to index
    %swap3A_830 = arith.constant 64 : index
    %swap3A_831 = tpu.vector_load %arg8[%swap3A_829, %swap3A_830] {strides = array<i32>} : memref<8x80xi32, #tpu.memory_space<vmem>>, vector<1x16xi32>,
    %swap3A_832 = vector.shape_cast %swap3A_831 : vector<1x16xi32> to vector<16xi32>
    %swap3A_833 = vector.shape_cast %add3A_827 : vector<16xi32> to vector<1x16xi32>
    tpu.vector_store %arg8[%swap3A_829, %swap3A_830], %swap3A_833 {strides = array<i32>} : memref<8x80xi32, #tpu.memory_space<vmem>>, vector<1x16xi32>,
    %dma_start3A_834 = arith.constant 7 : i32
    %dma_start3A_835 = arith.constant 0 : i32
    %dma_start3A_836 = arith.constant 0 : i32
    %dma_start3A_837 = tpu.memref_slice %arg11[%dma_start3A_835, %dma_start3A_836] : memref<80x64xf32, #tpu.memory_space<vmem>> -> memref<64x64xf32, #tpu.memory_space<vmem>>
    %dma_start3A_838 = arith.constant 0 : i32
    %dma_start3A_839 = tpu.memref_slice %arg8[%dma_start3A_834, %dma_start3A_838] : memref<8x80xi32, #tpu.memory_space<vmem>> -> memref<1x64xi32, #tpu.memory_space<vmem>>
    %dma_start3A_840 = tpu.memref_squeeze %dma_start3A_839 : memref<1x64xi32, #tpu.memory_space<vmem>> -> memref<64xi32, #tpu.memory_space<vmem>>
    %dma_start3A_841 = arith.constant 0 : i32
    %dma_start3A_842 = arith.constant 0 : i32
    %dma_start3A_843 = tpu.memref_slice %arg2[%dma_start3A_841, %dma_start3A_842] : memref<20000x64xf32, #tpu.memory_space<hbm>> -> memref<20000x64xf32, #tpu.memory_space<hbm>>
    tpu.enqueue_indirect_dma source(%dma_start3A_843 : memref<20000x64xf32, #tpu.memory_space<hbm>>) target(%dma_start3A_837 : memref<64x64xf32, #tpu.memory_space<vmem>>) offsets(%dma_start3A_840 : memref<64xi32, #tpu.memory_space<vmem>>) semaphore(%arg17 : memref<!tpu.dma_semaphore, #tpu.memory_space<semaphore_mem>>)
    %dma_wait3A_844 = arith.constant 3 : i32
    %dma_wait3A_845 = arith.constant 0 : i32
    %dma_wait3A_846 = arith.constant 0 : i32
    %dma_wait3A_847 = tpu.memref_slice %arg12[%dma_wait3A_845, %dma_wait3A_846] : memref<80x64xf32, #tpu.memory_space<vmem>> -> memref<80x64xf32, #tpu.memory_space<vmem>>
    %dma_wait3A_848 = arith.constant 0 : i32
    %dma_wait3A_849 = tpu.memref_slice %arg8[%dma_wait3A_844, %dma_wait3A_848] : memref<8x80xi32, #tpu.memory_space<vmem>> -> memref<1x80xi32, #tpu.memory_space<vmem>>
    %dma_wait3A_850 = tpu.memref_squeeze %dma_wait3A_849 : memref<1x80xi32, #tpu.memory_space<vmem>> -> memref<80xi32, #tpu.memory_space<vmem>>
    %dma_wait3A_851 = arith.constant 0 : i32
    %dma_wait3A_852 = arith.constant 0 : i32
    %dma_wait3A_853 = tpu.memref_slice %arg2[%dma_wait3A_851, %dma_wait3A_852] : memref<20000x64xf32, #tpu.memory_space<hbm>> -> memref<20000x64xf32, #tpu.memory_space<hbm>>
    tpu.wait_indirect_dma semaphore(%arg18 : memref<!tpu.dma_semaphore, #tpu.memory_space<semaphore_mem>>) src(%dma_wait3A_853 : memref<20000x64xf32, #tpu.memory_space<hbm>>) dst(%dma_wait3A_847 : memref<80x64xf32, #tpu.memory_space<vmem>>)
    %add3A_854 = arith.constant 240 : i32
    %add3A_855 = arith.addi %multiple_of3A, %add3A_854 : i32
    "tpu.region"() ({
      %run_scoped3A = tpu.sem_alloc : memref<!tpu.dma_semaphore, #tpu.memory_space<semaphore_mem>>
      %dma_start3A_1351 = arith.constant 0 : i32
      %dma_start3A_1352 = arith.constant 0 : i32
      %dma_start3A_1353 = tpu.memref_slice %arg12[%dma_start3A_1351, %dma_start3A_1352] : memref<80x64xf32, #tpu.memory_space<vmem>> -> memref<80x64xf32, #tpu.memory_space<vmem>>
      %dma_start3A_1354 = arith.constant 0 : i32
      %dma_start3A_1355 = tpu.memref_slice %arg14[%add3A_855, %dma_start3A_1354] : memref<10000x64xf32, #tpu.memory_space<vmem_shared>> -> memref<80x64xf32, #tpu.memory_space<vmem_shared>>
      %dma_start3A_1356 = arith.constant 0 : i32
      %dma_start3A_1357 = tpu.memref_slice %arg14[%add3A_855, %dma_start3A_1356] : memref<10000x64xf32, #tpu.memory_space<vmem_shared>> -> memref<80x64xf32, #tpu.memory_space<vmem_shared>>
      %dma_start3A_1358 = arith.constant 0 : i32
      %dma_start3A_1359 = arith.constant 0 : i32
      %dma_start3A_1360 = tpu.memref_slice %arg12[%dma_start3A_1358, %dma_start3A_1359] : memref<80x64xf32, #tpu.memory_space<vmem>> -> memref<80x64xf32, #tpu.memory_space<vmem>>
      tpu.enqueue_dma source(%dma_start3A_1360 : memref<80x64xf32, #tpu.memory_space<vmem>>) target(%dma_start3A_1357 : memref<80x64xf32, #tpu.memory_space<vmem_shared>>) target_semaphore(%run_scoped3A : memref<!tpu.dma_semaphore, #tpu.memory_space<semaphore_mem>>)
      %dma_wait3A_1361 = arith.constant 0 : i32
      %dma_wait3A_1362 = arith.constant 0 : i32
      %dma_wait3A_1363 = tpu.memref_slice %arg12[%dma_wait3A_1361, %dma_wait3A_1362] : memref<80x64xf32, #tpu.memory_space<vmem>> -> memref<80x64xf32, #tpu.memory_space<vmem>>
      %dma_wait3A_1364 = arith.constant 0 : i32
      %dma_wait3A_1365 = tpu.memref_slice %arg14[%add3A_855, %dma_wait3A_1364] : memref<10000x64xf32, #tpu.memory_space<vmem_shared>> -> memref<80x64xf32, #tpu.memory_space<vmem_shared>>
      %dma_wait3A_1366 = arith.constant 0 : i32
      %dma_wait3A_1367 = tpu.memref_slice %arg14[%add3A_855, %dma_wait3A_1366] : memref<10000x64xf32, #tpu.memory_space<vmem_shared>> -> memref<80x64xf32, #tpu.memory_space<vmem_shared>>
      %dma_wait3A_1368 = arith.constant 0 : i32
      %dma_wait3A_1369 = arith.constant 0 : i32
      %dma_wait3A_1370 = tpu.memref_slice %arg12[%dma_wait3A_1368, %dma_wait3A_1369] : memref<80x64xf32, #tpu.memory_space<vmem>> -> memref<80x64xf32, #tpu.memory_space<vmem>>
      tpu.wait_dma2 semaphore(%run_scoped3A : memref<!tpu.dma_semaphore, #tpu.memory_space<semaphore_mem>>) src(%dma_wait3A_1370 : memref<80x64xf32, #tpu.memory_space<vmem>>) dst(%dma_wait3A_1367 : memref<80x64xf32, #tpu.memory_space<vmem_shared>>)
      tpu.yield
    }) : () -> ()
    %dma_wait3A_856 = arith.constant 4 : i32
    %dma_wait3A_857 = arith.constant 0 : i32
    %dma_wait3A_858 = arith.constant 0 : i32
    %dma_wait3A_859 = tpu.memref_slice %arg13[%dma_wait3A_857, %dma_wait3A_858] : memref<80x64xf32, #tpu.memory_space<vmem>> -> memref<80x64xf32, #tpu.memory_space<vmem>>
    %dma_wait3A_860 = arith.constant 0 : i32
    %dma_wait3A_861 = tpu.memref_slice %arg8[%dma_wait3A_856, %dma_wait3A_860] : memref<8x80xi32, #tpu.memory_space<vmem>> -> memref<1x80xi32, #tpu.memory_space<vmem>>
    %dma_wait3A_862 = tpu.memref_squeeze %dma_wait3A_861 : memref<1x80xi32, #tpu.memory_space<vmem>> -> memref<80xi32, #tpu.memory_space<vmem>>
    %dma_wait3A_863 = arith.constant 0 : i32
    %dma_wait3A_864 = arith.constant 0 : i32
    %dma_wait3A_865 = tpu.memref_slice %arg2[%dma_wait3A_863, %dma_wait3A_864] : memref<20000x64xf32, #tpu.memory_space<hbm>> -> memref<20000x64xf32, #tpu.memory_space<hbm>>
    tpu.wait_indirect_dma semaphore(%arg19 : memref<!tpu.dma_semaphore, #tpu.memory_space<semaphore_mem>>) src(%dma_wait3A_865 : memref<20000x64xf32, #tpu.memory_space<hbm>>) dst(%dma_wait3A_859 : memref<80x64xf32, #tpu.memory_space<vmem>>)
    %add3A_866 = arith.constant 320 : i32
    %add3A_867 = arith.addi %multiple_of3A, %add3A_866 : i32
    "tpu.region"() ({
      %run_scoped3A = tpu.sem_alloc : memref<!tpu.dma_semaphore, #tpu.memory_space<semaphore_mem>>
      %dma_start3A_1351 = arith.constant 0 : i32
      %dma_start3A_1352 = arith.constant 0 : i32
      %dma_start3A_1353 = tpu.memref_slice %arg13[%dma_start3A_1351, %dma_start3A_1352] : memref<80x64xf32, #tpu.memory_space<vmem>> -> memref<80x64xf32, #tpu.memory_space<vmem>>
      %dma_start3A_1354 = arith.constant 0 : i32
      %dma_start3A_1355 = tpu.memref_slice %arg14[%add3A_867, %dma_start3A_1354] : memref<10000x64xf32, #tpu.memory_space<vmem_shared>> -> memref<80x64xf32, #tpu.memory_space<vmem_shared>>
      %dma_start3A_1356 = arith.constant 0 : i32
      %dma_start3A_1357 = tpu.memref_slice %arg14[%add3A_867, %dma_start3A_1356] : memref<10000x64xf32, #tpu.memory_space<vmem_shared>> -> memref<80x64xf32, #tpu.memory_space<vmem_shared>>
      %dma_start3A_1358 = arith.constant 0 : i32
      %dma_start3A_1359 = arith.constant 0 : i32
      %dma_start3A_1360 = tpu.memref_slice %arg13[%dma_start3A_1358, %dma_start3A_1359] : memref<80x64xf32, #tpu.memory_space<vmem>> -> memref<80x64xf32, #tpu.memory_space<vmem>>
      tpu.enqueue_dma source(%dma_start3A_1360 : memref<80x64xf32, #tpu.memory_space<vmem>>) target(%dma_start3A_1357 : memref<80x64xf32, #tpu.memory_space<vmem_shared>>) target_semaphore(%run_scoped3A : memref<!tpu.dma_semaphore, #tpu.memory_space<semaphore_mem>>)
      %dma_wait3A_1361 = arith.constant 0 : i32
      %dma_wait3A_1362 = arith.constant 0 : i32
      %dma_wait3A_1363 = tpu.memref_slice %arg13[%dma_wait3A_1361, %dma_wait3A_1362] : memref<80x64xf32, #tpu.memory_space<vmem>> -> memref<80x64xf32, #tpu.memory_space<vmem>>
      %dma_wait3A_1364 = arith.constant 0 : i32
      %dma_wait3A_1365 = tpu.memref_slice %arg14[%add3A_867, %dma_wait3A_1364] : memref<10000x64xf32, #tpu.memory_space<vmem_shared>> -> memref<80x64xf32, #tpu.memory_space<vmem_shared>>
      %dma_wait3A_1366 = arith.constant 0 : i32
      %dma_wait3A_1367 = tpu.memref_slice %arg14[%add3A_867, %dma_wait3A_1366] : memref<10000x64xf32, #tpu.memory_space<vmem_shared>> -> memref<80x64xf32, #tpu.memory_space<vmem_shared>>
      %dma_wait3A_1368 = arith.constant 0 : i32
      %dma_wait3A_1369 = arith.constant 0 : i32
      %dma_wait3A_1370 = tpu.memref_slice %arg13[%dma_wait3A_1368, %dma_wait3A_1369] : memref<80x64xf32, #tpu.memory_space<vmem>> -> memref<80x64xf32, #tpu.memory_space<vmem>>
      tpu.wait_dma2 semaphore(%run_scoped3A : memref<!tpu.dma_semaphore, #tpu.memory_space<semaphore_mem>>) src(%dma_wait3A_1370 : memref<80x64xf32, #tpu.memory_space<vmem>>) dst(%dma_wait3A_1367 : memref<80x64xf32, #tpu.memory_space<vmem_shared>>)
      tpu.yield
    }) : () -> ()
    %dma_wait3A_868 = arith.constant 5 : i32
    %dma_wait3A_869 = arith.constant 0 : i32
    %dma_wait3A_870 = arith.constant 0 : i32
    %dma_wait3A_871 = tpu.memref_slice %arg9[%dma_wait3A_869, %dma_wait3A_870] : memref<80x64xf32, #tpu.memory_space<vmem>> -> memref<80x64xf32, #tpu.memory_space<vmem>>
    %dma_wait3A_872 = arith.constant 0 : i32
    %dma_wait3A_873 = tpu.memref_slice %arg8[%dma_wait3A_868, %dma_wait3A_872] : memref<8x80xi32, #tpu.memory_space<vmem>> -> memref<1x80xi32, #tpu.memory_space<vmem>>
    %dma_wait3A_874 = tpu.memref_squeeze %dma_wait3A_873 : memref<1x80xi32, #tpu.memory_space<vmem>> -> memref<80xi32, #tpu.memory_space<vmem>>
    %dma_wait3A_875 = arith.constant 0 : i32
    %dma_wait3A_876 = arith.constant 0 : i32
    %dma_wait3A_877 = tpu.memref_slice %arg2[%dma_wait3A_875, %dma_wait3A_876] : memref<20000x64xf32, #tpu.memory_space<hbm>> -> memref<20000x64xf32, #tpu.memory_space<hbm>>
    tpu.wait_indirect_dma semaphore(%arg15 : memref<!tpu.dma_semaphore, #tpu.memory_space<semaphore_mem>>) src(%dma_wait3A_877 : memref<20000x64xf32, #tpu.memory_space<hbm>>) dst(%dma_wait3A_871 : memref<80x64xf32, #tpu.memory_space<vmem>>)
    %add3A_878 = arith.constant 400 : i32
    %add3A_879 = arith.addi %multiple_of3A, %add3A_878 : i32
    "tpu.region"() ({
      %run_scoped3A = tpu.sem_alloc : memref<!tpu.dma_semaphore, #tpu.memory_space<semaphore_mem>>
      %dma_start3A_1351 = arith.constant 0 : i32
      %dma_start3A_1352 = arith.constant 0 : i32
      %dma_start3A_1353 = tpu.memref_slice %arg9[%dma_start3A_1351, %dma_start3A_1352] : memref<80x64xf32, #tpu.memory_space<vmem>> -> memref<80x64xf32, #tpu.memory_space<vmem>>
      %dma_start3A_1354 = arith.constant 0 : i32
      %dma_start3A_1355 = tpu.memref_slice %arg14[%add3A_879, %dma_start3A_1354] : memref<10000x64xf32, #tpu.memory_space<vmem_shared>> -> memref<80x64xf32, #tpu.memory_space<vmem_shared>>
      %dma_start3A_1356 = arith.constant 0 : i32
      %dma_start3A_1357 = tpu.memref_slice %arg14[%add3A_879, %dma_start3A_1356] : memref<10000x64xf32, #tpu.memory_space<vmem_shared>> -> memref<80x64xf32, #tpu.memory_space<vmem_shared>>
      %dma_start3A_1358 = arith.constant 0 : i32
      %dma_start3A_1359 = arith.constant 0 : i32
      %dma_start3A_1360 = tpu.memref_slice %arg9[%dma_start3A_1358, %dma_start3A_1359] : memref<80x64xf32, #tpu.memory_space<vmem>> -> memref<80x64xf32, #tpu.memory_space<vmem>>
      tpu.enqueue_dma source(%dma_start3A_1360 : memref<80x64xf32, #tpu.memory_space<vmem>>) target(%dma_start3A_1357 : memref<80x64xf32, #tpu.memory_space<vmem_shared>>) target_semaphore(%run_scoped3A : memref<!tpu.dma_semaphore, #tpu.memory_space<semaphore_mem>>)
      %dma_wait3A_1361 = arith.constant 0 : i32
      %dma_wait3A_1362 = arith.constant 0 : i32
      %dma_wait3A_1363 = tpu.memref_slice %arg9[%dma_wait3A_1361, %dma_wait3A_1362] : memref<80x64xf32, #tpu.memory_space<vmem>> -> memref<80x64xf32, #tpu.memory_space<vmem>>
      %dma_wait3A_1364 = arith.constant 0 : i32
      %dma_wait3A_1365 = tpu.memref_slice %arg14[%add3A_879, %dma_wait3A_1364] : memref<10000x64xf32, #tpu.memory_space<vmem_shared>> -> memref<80x64xf32, #tpu.memory_space<vmem_shared>>
      %dma_wait3A_1366 = arith.constant 0 : i32
      %dma_wait3A_1367 = tpu.memref_slice %arg14[%add3A_879, %dma_wait3A_1366] : memref<10000x64xf32, #tpu.memory_space<vmem_shared>> -> memref<80x64xf32, #tpu.memory_space<vmem_shared>>
      %dma_wait3A_1368 = arith.constant 0 : i32
      %dma_wait3A_1369 = arith.constant 0 : i32
      %dma_wait3A_1370 = tpu.memref_slice %arg9[%dma_wait3A_1368, %dma_wait3A_1369] : memref<80x64xf32, #tpu.memory_space<vmem>> -> memref<80x64xf32, #tpu.memory_space<vmem>>
      tpu.wait_dma2 semaphore(%run_scoped3A : memref<!tpu.dma_semaphore, #tpu.memory_space<semaphore_mem>>) src(%dma_wait3A_1370 : memref<80x64xf32, #tpu.memory_space<vmem>>) dst(%dma_wait3A_1367 : memref<80x64xf32, #tpu.memory_space<vmem_shared>>)
      tpu.yield
    }) : () -> ()
    %dma_wait3A_880 = arith.constant 6 : i32
    %dma_wait3A_881 = arith.constant 0 : i32
    %dma_wait3A_882 = arith.constant 0 : i32
    %dma_wait3A_883 = tpu.memref_slice %arg10[%dma_wait3A_881, %dma_wait3A_882] : memref<80x64xf32, #tpu.memory_space<vmem>> -> memref<80x64xf32, #tpu.memory_space<vmem>>
    %dma_wait3A_884 = arith.constant 0 : i32
    %dma_wait3A_885 = tpu.memref_slice %arg8[%dma_wait3A_880, %dma_wait3A_884] : memref<8x80xi32, #tpu.memory_space<vmem>> -> memref<1x80xi32, #tpu.memory_space<vmem>>
    %dma_wait3A_886 = tpu.memref_squeeze %dma_wait3A_885 : memref<1x80xi32, #tpu.memory_space<vmem>> -> memref<80xi32, #tpu.memory_space<vmem>>
    %dma_wait3A_887 = arith.constant 0 : i32
    %dma_wait3A_888 = arith.constant 0 : i32
    %dma_wait3A_889 = tpu.memref_slice %arg2[%dma_wait3A_887, %dma_wait3A_888] : memref<20000x64xf32, #tpu.memory_space<hbm>> -> memref<20000x64xf32, #tpu.memory_space<hbm>>
    tpu.wait_indirect_dma semaphore(%arg16 : memref<!tpu.dma_semaphore, #tpu.memory_space<semaphore_mem>>) src(%dma_wait3A_889 : memref<20000x64xf32, #tpu.memory_space<hbm>>) dst(%dma_wait3A_883 : memref<80x64xf32, #tpu.memory_space<vmem>>)
    %add3A_890 = arith.constant 480 : i32
    %add3A_891 = arith.addi %multiple_of3A, %add3A_890 : i32
    "tpu.region"() ({
      %run_scoped3A = tpu.sem_alloc : memref<!tpu.dma_semaphore, #tpu.memory_space<semaphore_mem>>
      %dma_start3A_1351 = arith.constant 0 : i32
      %dma_start3A_1352 = arith.constant 0 : i32
      %dma_start3A_1353 = tpu.memref_slice %arg10[%dma_start3A_1351, %dma_start3A_1352] : memref<80x64xf32, #tpu.memory_space<vmem>> -> memref<80x64xf32, #tpu.memory_space<vmem>>
      %dma_start3A_1354 = arith.constant 0 : i32
      %dma_start3A_1355 = tpu.memref_slice %arg14[%add3A_891, %dma_start3A_1354] : memref<10000x64xf32, #tpu.memory_space<vmem_shared>> -> memref<80x64xf32, #tpu.memory_space<vmem_shared>>
      %dma_start3A_1356 = arith.constant 0 : i32
      %dma_start3A_1357 = tpu.memref_slice %arg14[%add3A_891, %dma_start3A_1356] : memref<10000x64xf32, #tpu.memory_space<vmem_shared>> -> memref<80x64xf32, #tpu.memory_space<vmem_shared>>
      %dma_start3A_1358 = arith.constant 0 : i32
      %dma_start3A_1359 = arith.constant 0 : i32
      %dma_start3A_1360 = tpu.memref_slice %arg10[%dma_start3A_1358, %dma_start3A_1359] : memref<80x64xf32, #tpu.memory_space<vmem>> -> memref<80x64xf32, #tpu.memory_space<vmem>>
      tpu.enqueue_dma source(%dma_start3A_1360 : memref<80x64xf32, #tpu.memory_space<vmem>>) target(%dma_start3A_1357 : memref<80x64xf32, #tpu.memory_space<vmem_shared>>) target_semaphore(%run_scoped3A : memref<!tpu.dma_semaphore, #tpu.memory_space<semaphore_mem>>)
      %dma_wait3A_1361 = arith.constant 0 : i32
      %dma_wait3A_1362 = arith.constant 0 : i32
      %dma_wait3A_1363 = tpu.memref_slice %arg10[%dma_wait3A_1361, %dma_wait3A_1362] : memref<80x64xf32, #tpu.memory_space<vmem>> -> memref<80x64xf32, #tpu.memory_space<vmem>>
      %dma_wait3A_1364 = arith.constant 0 : i32
      %dma_wait3A_1365 = tpu.memref_slice %arg14[%add3A_891, %dma_wait3A_1364] : memref<10000x64xf32, #tpu.memory_space<vmem_shared>> -> memref<80x64xf32, #tpu.memory_space<vmem_shared>>
      %dma_wait3A_1366 = arith.constant 0 : i32
      %dma_wait3A_1367 = tpu.memref_slice %arg14[%add3A_891, %dma_wait3A_1366] : memref<10000x64xf32, #tpu.memory_space<vmem_shared>> -> memref<80x64xf32, #tpu.memory_space<vmem_shared>>
      %dma_wait3A_1368 = arith.constant 0 : i32
      %dma_wait3A_1369 = arith.constant 0 : i32
      %dma_wait3A_1370 = tpu.memref_slice %arg10[%dma_wait3A_1368, %dma_wait3A_1369] : memref<80x64xf32, #tpu.memory_space<vmem>> -> memref<80x64xf32, #tpu.memory_space<vmem>>
      tpu.wait_dma2 semaphore(%run_scoped3A : memref<!tpu.dma_semaphore, #tpu.memory_space<semaphore_mem>>) src(%dma_wait3A_1370 : memref<80x64xf32, #tpu.memory_space<vmem>>) dst(%dma_wait3A_1367 : memref<80x64xf32, #tpu.memory_space<vmem_shared>>)
      tpu.yield
    }) : () -> ()
    %dma_wait3A_892 = arith.constant 7 : i32
    %dma_wait3A_893 = arith.constant 0 : i32
    %dma_wait3A_894 = arith.constant 0 : i32
    %dma_wait3A_895 = tpu.memref_slice %arg11[%dma_wait3A_893, %dma_wait3A_894] : memref<80x64xf32, #tpu.memory_space<vmem>> -> memref<64x64xf32, #tpu.memory_space<vmem>>
    %dma_wait3A_896 = arith.constant 0 : i32
    %dma_wait3A_897 = tpu.memref_slice %arg8[%dma_wait3A_892, %dma_wait3A_896] : memref<8x80xi32, #tpu.memory_space<vmem>> -> memref<1x64xi32, #tpu.memory_space<vmem>>
    %dma_wait3A_898 = tpu.memref_squeeze %dma_wait3A_897 : memref<1x64xi32, #tpu.memory_space<vmem>> -> memref<64xi32, #tpu.memory_space<vmem>>
    %dma_wait3A_899 = arith.constant 0 : i32
    %dma_wait3A_900 = arith.constant 0 : i32
    %dma_wait3A_901 = tpu.memref_slice %arg2[%dma_wait3A_899, %dma_wait3A_900] : memref<20000x64xf32, #tpu.memory_space<hbm>> -> memref<20000x64xf32, #tpu.memory_space<hbm>>
    tpu.wait_indirect_dma semaphore(%arg17 : memref<!tpu.dma_semaphore, #tpu.memory_space<semaphore_mem>>) src(%dma_wait3A_901 : memref<20000x64xf32, #tpu.memory_space<hbm>>) dst(%dma_wait3A_895 : memref<64x64xf32, #tpu.memory_space<vmem>>)
    %add3A_902 = arith.constant 560 : i32
    %add3A_903 = arith.addi %multiple_of3A, %add3A_902 : i32
    "tpu.region"() ({
      %run_scoped3A = tpu.sem_alloc : memref<!tpu.dma_semaphore, #tpu.memory_space<semaphore_mem>>
      %dma_start3A_1351 = arith.constant 0 : i32
      %dma_start3A_1352 = arith.constant 0 : i32
      %dma_start3A_1353 = tpu.memref_slice %arg11[%dma_start3A_1351, %dma_start3A_1352] : memref<80x64xf32, #tpu.memory_space<vmem>> -> memref<64x64xf32, #tpu.memory_space<vmem>>
      %dma_start3A_1354 = arith.constant 0 : i32
      %dma_start3A_1355 = tpu.memref_slice %arg14[%add3A_903, %dma_start3A_1354] : memref<10000x64xf32, #tpu.memory_space<vmem_shared>> -> memref<64x64xf32, #tpu.memory_space<vmem_shared>>
      %dma_start3A_1356 = arith.constant 0 : i32
      %dma_start3A_1357 = tpu.memref_slice %arg14[%add3A_903, %dma_start3A_1356] : memref<10000x64xf32, #tpu.memory_space<vmem_shared>> -> memref<64x64xf32, #tpu.memory_space<vmem_shared>>
      %dma_start3A_1358 = arith.constant 0 : i32
      %dma_start3A_1359 = arith.constant 0 : i32
      %dma_start3A_1360 = tpu.memref_slice %arg11[%dma_start3A_1358, %dma_start3A_1359] : memref<80x64xf32, #tpu.memory_space<vmem>> -> memref<64x64xf32, #tpu.memory_space<vmem>>
      tpu.enqueue_dma source(%dma_start3A_1360 : memref<64x64xf32, #tpu.memory_space<vmem>>) target(%dma_start3A_1357 : memref<64x64xf32, #tpu.memory_space<vmem_shared>>) target_semaphore(%run_scoped3A : memref<!tpu.dma_semaphore, #tpu.memory_space<semaphore_mem>>)
      %dma_wait3A_1361 = arith.constant 0 : i32
      %dma_wait3A_1362 = arith.constant 0 : i32
      %dma_wait3A_1363 = tpu.memref_slice %arg11[%dma_wait3A_1361, %dma_wait3A_1362] : memref<80x64xf32, #tpu.memory_space<vmem>> -> memref<64x64xf32, #tpu.memory_space<vmem>>
      %dma_wait3A_1364 = arith.constant 0 : i32
      %dma_wait3A_1365 = tpu.memref_slice %arg14[%add3A_903, %dma_wait3A_1364] : memref<10000x64xf32, #tpu.memory_space<vmem_shared>> -> memref<64x64xf32, #tpu.memory_space<vmem_shared>>
      %dma_wait3A_1366 = arith.constant 0 : i32
      %dma_wait3A_1367 = tpu.memref_slice %arg14[%add3A_903, %dma_wait3A_1366] : memref<10000x64xf32, #tpu.memory_space<vmem_shared>> -> memref<64x64xf32, #tpu.memory_space<vmem_shared>>
      %dma_wait3A_1368 = arith.constant 0 : i32
      %dma_wait3A_1369 = arith.constant 0 : i32
      %dma_wait3A_1370 = tpu.memref_slice %arg11[%dma_wait3A_1368, %dma_wait3A_1369] : memref<80x64xf32, #tpu.memory_space<vmem>> -> memref<64x64xf32, #tpu.memory_space<vmem>>
      tpu.wait_dma2 semaphore(%run_scoped3A : memref<!tpu.dma_semaphore, #tpu.memory_space<semaphore_mem>>) src(%dma_wait3A_1370 : memref<64x64xf32, #tpu.memory_space<vmem>>) dst(%dma_wait3A_1367 : memref<64x64xf32, #tpu.memory_space<vmem_shared>>)
      tpu.yield
    }) : () -> ()
    %eq3A = arith.constant 0 : i32
    %eq3A_904 = arith.cmpi eq, %arg1, %eq3A : i32
    %convert_element_type3A = arith.extui %eq3A_904 : i1 to i32
    %cond3A = arith.constant 0 : i32
    %cond3A_905 = arith.cmpi ne, %convert_element_type3A, %cond3A : i32
    scf.if %cond3A_905 {
      %iota3A_1351 = tpu.iota {dimensions = array<i32: 0>} : vector<16xi32>
      %add3A_1352 = arith.constant 9984 : i32
      %add3A_1353 = vector.broadcast %add3A_1352 : i32 to vector<16xi32>
      %add3A_1354 = arith.addi %add3A_1353, %iota3A_1351 : vector<16xi32>
      %mul3A_1355 = arith.constant 2 : i32
      %mul3A_1356 = vector.broadcast %mul3A_1355 : i32 to vector<16xi32>
      %mul3A_1357 = arith.muli %mul3A_1356, %add3A_1354 : vector<16xi32>
      %add3A_1358 = vector.broadcast %arg0 : i32 to vector<16xi32>
      %add3A_1359 = arith.addi %mul3A_1357, %add3A_1358 : vector<16xi32>
      %swap3A_1360 = arith.constant 0 : i32
      %swap3A_1361 = arith.index_cast %swap3A_1360 : i32 to index
      %swap3A_1362 = arith.constant 0 : index
      %swap3A_1363 = tpu.vector_load %arg8[%swap3A_1361, %swap3A_1362] {strides = array<i32>} : memref<8x80xi32, #tpu.memory_space<vmem>>, vector<1x16xi32>,
      %swap3A_1364 = vector.shape_cast %swap3A_1363 : vector<1x16xi32> to vector<16xi32>
      %swap3A_1365 = vector.shape_cast %add3A_1359 : vector<16xi32> to vector<1x16xi32>
      tpu.vector_store %arg8[%swap3A_1361, %swap3A_1362], %swap3A_1365 {strides = array<i32>} : memref<8x80xi32, #tpu.memory_space<vmem>>, vector<1x16xi32>,
      %iota3A_1366 = tpu.iota {dimensions = array<i32: 0>} : vector<16xi32>
      %add3A_1367 = arith.constant 10000 : i32
      %add3A_1368 = vector.broadcast %add3A_1367 : i32 to vector<16xi32>
      %add3A_1369 = arith.addi %add3A_1368, %iota3A_1366 : vector<16xi32>
      %mul3A_1370 = arith.constant 2 : i32
      %mul3A_1371 = vector.broadcast %mul3A_1370 : i32 to vector<16xi32>
      %mul3A_1372 = arith.muli %mul3A_1371, %add3A_1369 : vector<16xi32>
      %add3A_1373 = vector.broadcast %arg0 : i32 to vector<16xi32>
      %add3A_1374 = arith.addi %mul3A_1372, %add3A_1373 : vector<16xi32>
      %swap3A_1375 = arith.constant 0 : i32
      %swap3A_1376 = arith.index_cast %swap3A_1375 : i32 to index
      %swap3A_1377 = arith.constant 16 : index
      %swap3A_1378 = tpu.vector_load %arg8[%swap3A_1376, %swap3A_1377] {strides = array<i32>} : memref<8x80xi32, #tpu.memory_space<vmem>>, vector<1x16xi32>,
      %swap3A_1379 = vector.shape_cast %swap3A_1378 : vector<1x16xi32> to vector<16xi32>
      %swap3A_1380 = vector.shape_cast %add3A_1374 : vector<16xi32> to vector<1x16xi32>
      tpu.vector_store %arg8[%swap3A_1376, %swap3A_1377], %swap3A_1380 {strides = array<i32>} : memref<8x80xi32, #tpu.memory_space<vmem>>, vector<1x16xi32>,
      %iota3A_1381 = tpu.iota {dimensions = array<i32: 0>} : vector<16xi32>
      %add3A_1382 = arith.constant 10016 : i32
      %add3A_1383 = vector.broadcast %add3A_1382 : i32 to vector<16xi32>
      %add3A_1384 = arith.addi %add3A_1383, %iota3A_1381 : vector<16xi32>
      %mul3A_1385 = arith.constant 2 : i32
      %mul3A_1386 = vector.broadcast %mul3A_1385 : i32 to vector<16xi32>
      %mul3A_1387 = arith.muli %mul3A_1386, %add3A_1384 : vector<16xi32>
      %add3A_1388 = vector.broadcast %arg0 : i32 to vector<16xi32>
      %add3A_1389 = arith.addi %mul3A_1387, %add3A_1388 : vector<16xi32>
      %swap3A_1390 = arith.constant 0 : i32
      %swap3A_1391 = arith.index_cast %swap3A_1390 : i32 to index
      %swap3A_1392 = arith.constant 32 : index
      %swap3A_1393 = tpu.vector_load %arg8[%swap3A_1391, %swap3A_1392] {strides = array<i32>} : memref<8x80xi32, #tpu.memory_space<vmem>>, vector<1x16xi32>,
      %swap3A_1394 = vector.shape_cast %swap3A_1393 : vector<1x16xi32> to vector<16xi32>
      %swap3A_1395 = vector.shape_cast %add3A_1389 : vector<16xi32> to vector<1x16xi32>
      tpu.vector_store %arg8[%swap3A_1391, %swap3A_1392], %swap3A_1395 {strides = array<i32>} : memref<8x80xi32, #tpu.memory_space<vmem>>, vector<1x16xi32>,
      %iota3A_1396 = tpu.iota {dimensions = array<i32: 0>} : vector<16xi32>
      %add3A_1397 = arith.constant 10032 : i32
      %add3A_1398 = vector.broadcast %add3A_1397 : i32 to vector<16xi32>
      %add3A_1399 = arith.addi %add3A_1398, %iota3A_1396 : vector<16xi32>
      %mul3A_1400 = arith.constant 2 : i32
      %mul3A_1401 = vector.broadcast %mul3A_1400 : i32 to vector<16xi32>
      %mul3A_1402 = arith.muli %mul3A_1401, %add3A_1399 : vector<16xi32>
      %add3A_1403 = vector.broadcast %arg0 : i32 to vector<16xi32>
      %add3A_1404 = arith.addi %mul3A_1402, %add3A_1403 : vector<16xi32>
      %swap3A_1405 = arith.constant 0 : i32
      %swap3A_1406 = arith.index_cast %swap3A_1405 : i32 to index
      %swap3A_1407 = arith.constant 48 : index
      %swap3A_1408 = tpu.vector_load %arg8[%swap3A_1406, %swap3A_1407] {strides = array<i32>} : memref<8x80xi32, #tpu.memory_space<vmem>>, vector<1x16xi32>,
      %swap3A_1409 = vector.shape_cast %swap3A_1408 : vector<1x16xi32> to vector<16xi32>
      %swap3A_1410 = vector.shape_cast %add3A_1404 : vector<16xi32> to vector<1x16xi32>
      tpu.vector_store %arg8[%swap3A_1406, %swap3A_1407], %swap3A_1410 {strides = array<i32>} : memref<8x80xi32, #tpu.memory_space<vmem>>, vector<1x16xi32>,
      %iota3A_1411 = tpu.iota {dimensions = array<i32: 0>} : vector<16xi32>
      %add3A_1412 = arith.constant 10048 : i32
      %add3A_1413 = vector.broadcast %add3A_1412 : i32 to vector<16xi32>
      %add3A_1414 = arith.addi %add3A_1413, %iota3A_1411 : vector<16xi32>
      %mul3A_1415 = arith.constant 2 : i32
      %mul3A_1416 = vector.broadcast %mul3A_1415 : i32 to vector<16xi32>
      %mul3A_1417 = arith.muli %mul3A_1416, %add3A_1414 : vector<16xi32>
      %add3A_1418 = vector.broadcast %arg0 : i32 to vector<16xi32>
      %add3A_1419 = arith.addi %mul3A_1417, %add3A_1418 : vector<16xi32>
      %swap3A_1420 = arith.constant 0 : i32
      %swap3A_1421 = arith.index_cast %swap3A_1420 : i32 to index
      %swap3A_1422 = arith.constant 64 : index
      %swap3A_1423 = tpu.vector_load %arg8[%swap3A_1421, %swap3A_1422] {strides = array<i32>} : memref<8x80xi32, #tpu.memory_space<vmem>>, vector<1x16xi32>,
      %swap3A_1424 = vector.shape_cast %swap3A_1423 : vector<1x16xi32> to vector<16xi32>
      %swap3A_1425 = vector.shape_cast %add3A_1419 : vector<16xi32> to vector<1x16xi32>
      tpu.vector_store %arg8[%swap3A_1421, %swap3A_1422], %swap3A_1425 {strides = array<i32>} : memref<8x80xi32, #tpu.memory_space<vmem>>, vector<1x16xi32>,
      %dma_start3A_1426 = arith.constant 0 : i32
      %dma_start3A_1427 = arith.constant 0 : i32
      %dma_start3A_1428 = arith.constant 0 : i32
      %dma_start3A_1429 = tpu.memref_slice %arg9[%dma_start3A_1427, %dma_start3A_1428] : memref<80x64xf32, #tpu.memory_space<vmem>> -> memref<16x64xf32, #tpu.memory_space<vmem>>
      %dma_start3A_1430 = arith.constant 0 : i32
      %dma_start3A_1431 = tpu.memref_slice %arg8[%dma_start3A_1426, %dma_start3A_1430] : memref<8x80xi32, #tpu.memory_space<vmem>> -> memref<1x16xi32, #tpu.memory_space<vmem>>
      %dma_start3A_1432 = tpu.memref_squeeze %dma_start3A_1431 : memref<1x16xi32, #tpu.memory_space<vmem>> -> memref<16xi32, #tpu.memory_space<vmem>>
      %dma_start3A_1433 = arith.constant 0 : i32
      %dma_start3A_1434 = arith.constant 0 : i32
      %dma_start3A_1435 = tpu.memref_slice %arg2[%dma_start3A_1433, %dma_start3A_1434] : memref<20000x64xf32, #tpu.memory_space<hbm>> -> memref<20000x64xf32, #tpu.memory_space<hbm>>
      tpu.enqueue_indirect_dma source(%dma_start3A_1435 : memref<20000x64xf32, #tpu.memory_space<hbm>>) target(%dma_start3A_1429 : memref<16x64xf32, #tpu.memory_space<vmem>>) offsets(%dma_start3A_1432 : memref<16xi32, #tpu.memory_space<vmem>>) semaphore(%arg15 : memref<!tpu.dma_semaphore, #tpu.memory_space<semaphore_mem>>)
      %dma_wait3A_1436 = arith.constant 0 : i32
      %dma_wait3A_1437 = arith.constant 0 : i32
      %dma_wait3A_1438 = arith.constant 0 : i32
      %dma_wait3A_1439 = tpu.memref_slice %arg9[%dma_wait3A_1437, %dma_wait3A_1438] : memref<80x64xf32, #tpu.memory_space<vmem>> -> memref<16x64xf32, #tpu.memory_space<vmem>>
      %dma_wait3A_1440 = arith.constant 0 : i32
      %dma_wait3A_1441 = tpu.memref_slice %arg8[%dma_wait3A_1436, %dma_wait3A_1440] : memref<8x80xi32, #tpu.memory_space<vmem>> -> memref<1x16xi32, #tpu.memory_space<vmem>>
      %dma_wait3A_1442 = tpu.memref_squeeze %dma_wait3A_1441 : memref<1x16xi32, #tpu.memory_space<vmem>> -> memref<16xi32, #tpu.memory_space<vmem>>
      %dma_wait3A_1443 = arith.constant 0 : i32
      %dma_wait3A_1444 = arith.constant 0 : i32
      %dma_wait3A_1445 = tpu.memref_slice %arg2[%dma_wait3A_1443, %dma_wait3A_1444] : memref<20000x64xf32, #tpu.memory_space<hbm>> -> memref<20000x64xf32, #tpu.memory_space<hbm>>
      tpu.wait_indirect_dma semaphore(%arg15 : memref<!tpu.dma_semaphore, #tpu.memory_space<semaphore_mem>>) src(%dma_wait3A_1445 : memref<20000x64xf32, #tpu.memory_space<hbm>>) dst(%dma_wait3A_1439 : memref<16x64xf32, #tpu.memory_space<vmem>>)
      "tpu.region"() ({
        %run_scoped3A = tpu.sem_alloc : memref<!tpu.dma_semaphore, #tpu.memory_space<semaphore_mem>>
        %dma_start3A_1446 = arith.constant 0 : i32
        %dma_start3A_1447 = arith.constant 0 : i32
        %dma_start3A_1448 = tpu.memref_slice %arg9[%dma_start3A_1446, %dma_start3A_1447] : memref<80x64xf32, #tpu.memory_space<vmem>> -> memref<16x64xf32, #tpu.memory_space<vmem>>
        %dma_start3A_1449 = arith.constant 9984 : i32
        %dma_start3A_1450 = arith.constant 0 : i32
        %dma_start3A_1451 = tpu.memref_slice %arg14[%dma_start3A_1449, %dma_start3A_1450] : memref<10000x64xf32, #tpu.memory_space<vmem_shared>> -> memref<16x64xf32, #tpu.memory_space<vmem_shared>>
        %dma_start3A_1452 = arith.constant 9984 : i32
        %dma_start3A_1453 = arith.constant 0 : i32
        %dma_start3A_1454 = tpu.memref_slice %arg14[%dma_start3A_1452, %dma_start3A_1453] : memref<10000x64xf32, #tpu.memory_space<vmem_shared>> -> memref<16x64xf32, #tpu.memory_space<vmem_shared>>
        %dma_start3A_1455 = arith.constant 0 : i32
        %dma_start3A_1456 = arith.constant 0 : i32
        %dma_start3A_1457 = tpu.memref_slice %arg9[%dma_start3A_1455, %dma_start3A_1456] : memref<80x64xf32, #tpu.memory_space<vmem>> -> memref<16x64xf32, #tpu.memory_space<vmem>>
        tpu.enqueue_dma source(%dma_start3A_1457 : memref<16x64xf32, #tpu.memory_space<vmem>>) target(%dma_start3A_1454 : memref<16x64xf32, #tpu.memory_space<vmem_shared>>) target_semaphore(%run_scoped3A : memref<!tpu.dma_semaphore, #tpu.memory_space<semaphore_mem>>)
        %dma_wait3A_1458 = arith.constant 0 : i32
        %dma_wait3A_1459 = arith.constant 0 : i32
        %dma_wait3A_1460 = tpu.memref_slice %arg9[%dma_wait3A_1458, %dma_wait3A_1459] : memref<80x64xf32, #tpu.memory_space<vmem>> -> memref<16x64xf32, #tpu.memory_space<vmem>>
        %dma_wait3A_1461 = arith.constant 9984 : i32
        %dma_wait3A_1462 = arith.constant 0 : i32
        %dma_wait3A_1463 = tpu.memref_slice %arg14[%dma_wait3A_1461, %dma_wait3A_1462] : memref<10000x64xf32, #tpu.memory_space<vmem_shared>> -> memref<16x64xf32, #tpu.memory_space<vmem_shared>>
        %dma_wait3A_1464 = arith.constant 9984 : i32
        %dma_wait3A_1465 = arith.constant 0 : i32
        %dma_wait3A_1466 = tpu.memref_slice %arg14[%dma_wait3A_1464, %dma_wait3A_1465] : memref<10000x64xf32, #tpu.memory_space<vmem_shared>> -> memref<16x64xf32, #tpu.memory_space<vmem_shared>>
        %dma_wait3A_1467 = arith.constant 0 : i32
        %dma_wait3A_1468 = arith.constant 0 : i32
        %dma_wait3A_1469 = tpu.memref_slice %arg9[%dma_wait3A_1467, %dma_wait3A_1468] : memref<80x64xf32, #tpu.memory_space<vmem>> -> memref<16x64xf32, #tpu.memory_space<vmem>>
        tpu.wait_dma2 semaphore(%run_scoped3A : memref<!tpu.dma_semaphore, #tpu.memory_space<semaphore_mem>>) src(%dma_wait3A_1469 : memref<16x64xf32, #tpu.memory_space<vmem>>) dst(%dma_wait3A_1466 : memref<16x64xf32, #tpu.memory_space<vmem_shared>>)
        tpu.yield
      }) : () -> ()
    } else {
    }
    %barrier3A = arith.constant 0 : index
    tpu.barrier barrier_id(%barrier3A)
    %get3A = arith.constant 0 : i32
    %get3A_906 = arith.index_cast %get3A : i32 to index
    %get3A_907 = arith.constant 0 : index
    %get3A_908 = tpu.vector_load %arg6[%get3A_906, %get3A_907] {strides = array<i32>} : memref<250x80xi32, #tpu.memory_space<vmem>>, vector<1x16xi32>,
    %get3A_909 = vector.shape_cast %get3A_908 : vector<1x16xi32> to vector<16xi32>
    %mul3A_910 = arith.constant 2 : i32
    %mul3A_911 = vector.broadcast %mul3A_910 : i32 to vector<16xi32>
    %mul3A_912 = arith.muli %mul3A_911, %get3A_909 : vector<16xi32>
    %add3A_913 = vector.broadcast %arg0 : i32 to vector<16xi32>
    %add3A_914 = arith.addi %mul3A_912, %add3A_913 : vector<16xi32>
    %swap3A_915 = arith.constant 0 : i32
    %swap3A_916 = arith.index_cast %swap3A_915 : i32 to index
    %swap3A_917 = arith.constant 0 : index
    %swap3A_918 = tpu.vector_load %arg6[%swap3A_916, %swap3A_917] {strides = array<i32>} : memref<250x80xi32, #tpu.memory_space<vmem>>, vector<1x16xi32>,
    %swap3A_919 = vector.shape_cast %swap3A_918 : vector<1x16xi32> to vector<16xi32>
    %swap3A_920 = vector.shape_cast %add3A_914 : vector<16xi32> to vector<1x16xi32>
    tpu.vector_store %arg6[%swap3A_916, %swap3A_917], %swap3A_920 {strides = array<i32>} : memref<250x80xi32, #tpu.memory_space<vmem>>, vector<1x16xi32>,
    %get3A_921 = arith.constant 0 : i32
    %get3A_922 = arith.index_cast %get3A_921 : i32 to index
    %get3A_923 = arith.constant 16 : index
    %get3A_924 = tpu.vector_load %arg6[%get3A_922, %get3A_923] {strides = array<i32>} : memref<250x80xi32, #tpu.memory_space<vmem>>, vector<1x16xi32>,
    %get3A_925 = vector.shape_cast %get3A_924 : vector<1x16xi32> to vector<16xi32>
    %mul3A_926 = arith.constant 2 : i32
    %mul3A_927 = vector.broadcast %mul3A_926 : i32 to vector<16xi32>
    %mul3A_928 = arith.muli %mul3A_927, %get3A_925 : vector<16xi32>
    %add3A_929 = vector.broadcast %arg0 : i32 to vector<16xi32>
    %add3A_930 = arith.addi %mul3A_928, %add3A_929 : vector<16xi32>
    %swap3A_931 = arith.constant 0 : i32
    %swap3A_932 = arith.index_cast %swap3A_931 : i32 to index
    %swap3A_933 = arith.constant 16 : index
    %swap3A_934 = tpu.vector_load %arg6[%swap3A_932, %swap3A_933] {strides = array<i32>} : memref<250x80xi32, #tpu.memory_space<vmem>>, vector<1x16xi32>,
    %swap3A_935 = vector.shape_cast %swap3A_934 : vector<1x16xi32> to vector<16xi32>
    %swap3A_936 = vector.shape_cast %add3A_930 : vector<16xi32> to vector<1x16xi32>
    tpu.vector_store %arg6[%swap3A_932, %swap3A_933], %swap3A_936 {strides = array<i32>} : memref<250x80xi32, #tpu.memory_space<vmem>>, vector<1x16xi32>,
    %get3A_937 = arith.constant 0 : i32
    %get3A_938 = arith.index_cast %get3A_937 : i32 to index
    %get3A_939 = arith.constant 32 : index
    %get3A_940 = tpu.vector_load %arg6[%get3A_938, %get3A_939] {strides = array<i32>} : memref<250x80xi32, #tpu.memory_space<vmem>>, vector<1x16xi32>,
    %get3A_941 = vector.shape_cast %get3A_940 : vector<1x16xi32> to vector<16xi32>
    %mul3A_942 = arith.constant 2 : i32
    %mul3A_943 = vector.broadcast %mul3A_942 : i32 to vector<16xi32>
    %mul3A_944 = arith.muli %mul3A_943, %get3A_941 : vector<16xi32>
    %add3A_945 = vector.broadcast %arg0 : i32 to vector<16xi32>
    %add3A_946 = arith.addi %mul3A_944, %add3A_945 : vector<16xi32>
    %swap3A_947 = arith.constant 0 : i32
    %swap3A_948 = arith.index_cast %swap3A_947 : i32 to index
    %swap3A_949 = arith.constant 32 : index
    %swap3A_950 = tpu.vector_load %arg6[%swap3A_948, %swap3A_949] {strides = array<i32>} : memref<250x80xi32, #tpu.memory_space<vmem>>, vector<1x16xi32>,
    %swap3A_951 = vector.shape_cast %swap3A_950 : vector<1x16xi32> to vector<16xi32>
    %swap3A_952 = vector.shape_cast %add3A_946 : vector<16xi32> to vector<1x16xi32>
    tpu.vector_store %arg6[%swap3A_948, %swap3A_949], %swap3A_952 {strides = array<i32>} : memref<250x80xi32, #tpu.memory_space<vmem>>, vector<1x16xi32>,
    %get3A_953 = arith.constant 0 : i32
    %get3A_954 = arith.index_cast %get3A_953 : i32 to index
    %get3A_955 = arith.constant 48 : index
    %get3A_956 = tpu.vector_load %arg6[%get3A_954, %get3A_955] {strides = array<i32>} : memref<250x80xi32, #tpu.memory_space<vmem>>, vector<1x16xi32>,
    %get3A_957 = vector.shape_cast %get3A_956 : vector<1x16xi32> to vector<16xi32>
    %mul3A_958 = arith.constant 2 : i32
    %mul3A_959 = vector.broadcast %mul3A_958 : i32 to vector<16xi32>
    %mul3A_960 = arith.muli %mul3A_959, %get3A_957 : vector<16xi32>
    %add3A_961 = vector.broadcast %arg0 : i32 to vector<16xi32>
    %add3A_962 = arith.addi %mul3A_960, %add3A_961 : vector<16xi32>
    %swap3A_963 = arith.constant 0 : i32
    %swap3A_964 = arith.index_cast %swap3A_963 : i32 to index
    %swap3A_965 = arith.constant 48 : index
    %swap3A_966 = tpu.vector_load %arg6[%swap3A_964, %swap3A_965] {strides = array<i32>} : memref<250x80xi32, #tpu.memory_space<vmem>>, vector<1x16xi32>,
    %swap3A_967 = vector.shape_cast %swap3A_966 : vector<1x16xi32> to vector<16xi32>
    %swap3A_968 = vector.shape_cast %add3A_962 : vector<16xi32> to vector<1x16xi32>
    tpu.vector_store %arg6[%swap3A_964, %swap3A_965], %swap3A_968 {strides = array<i32>} : memref<250x80xi32, #tpu.memory_space<vmem>>, vector<1x16xi32>,
    %get3A_969 = arith.constant 0 : i32
    %get3A_970 = arith.index_cast %get3A_969 : i32 to index
    %get3A_971 = arith.constant 64 : index
    %get3A_972 = tpu.vector_load %arg6[%get3A_970, %get3A_971] {strides = array<i32>} : memref<250x80xi32, #tpu.memory_space<vmem>>, vector<1x16xi32>,
    %get3A_973 = vector.shape_cast %get3A_972 : vector<1x16xi32> to vector<16xi32>
    %mul3A_974 = arith.constant 2 : i32
    %mul3A_975 = vector.broadcast %mul3A_974 : i32 to vector<16xi32>
    %mul3A_976 = arith.muli %mul3A_975, %get3A_973 : vector<16xi32>
    %add3A_977 = vector.broadcast %arg0 : i32 to vector<16xi32>
    %add3A_978 = arith.addi %mul3A_976, %add3A_977 : vector<16xi32>
    %swap3A_979 = arith.constant 0 : i32
    %swap3A_980 = arith.index_cast %swap3A_979 : i32 to index
    %swap3A_981 = arith.constant 64 : index
    %swap3A_982 = tpu.vector_load %arg6[%swap3A_980, %swap3A_981] {strides = array<i32>} : memref<250x80xi32, #tpu.memory_space<vmem>>, vector<1x16xi32>,
    %swap3A_983 = vector.shape_cast %swap3A_982 : vector<1x16xi32> to vector<16xi32>
    %swap3A_984 = vector.shape_cast %add3A_978 : vector<16xi32> to vector<1x16xi32>
    tpu.vector_store %arg6[%swap3A_980, %swap3A_981], %swap3A_984 {strides = array<i32>} : memref<250x80xi32, #tpu.memory_space<vmem>>, vector<1x16xi32>,
    %dma_start3A_985 = arith.constant 0 : i32
    %dma_start3A_986 = arith.constant 0 : i32
    %dma_start3A_987 = tpu.memref_slice %arg6[%dma_start3A_985, %dma_start3A_986] : memref<250x80xi32, #tpu.memory_space<vmem>> -> memref<1x80xi32, #tpu.memory_space<vmem>>
    %dma_start3A_988 = tpu.memref_squeeze %dma_start3A_987 : memref<1x80xi32, #tpu.memory_space<vmem>> -> memref<80xi32, #tpu.memory_space<vmem>>
    %dma_start3A_989 = arith.constant 0 : i32
    %dma_start3A_990 = arith.constant 0 : i32
    %dma_start3A_991 = tpu.memref_slice %arg2[%dma_start3A_989, %dma_start3A_990] : memref<20000x64xf32, #tpu.memory_space<hbm>> -> memref<20000x64xf32, #tpu.memory_space<hbm>>
    tpu.enqueue_indirect_dma source(%dma_start3A_991 : memref<20000x64xf32, #tpu.memory_space<hbm>>) target(%arg9 : memref<80x64xf32, #tpu.memory_space<vmem>>) offsets(%dma_start3A_988 : memref<80xi32, #tpu.memory_space<vmem>>) semaphore(%arg15 : memref<!tpu.dma_semaphore, #tpu.memory_space<semaphore_mem>>)
    %get3A_992 = arith.constant 1 : i32
    %get3A_993 = arith.index_cast %get3A_992 : i32 to index
    %get3A_994 = arith.constant 0 : index
    %get3A_995 = tpu.vector_load %arg6[%get3A_993, %get3A_994] {strides = array<i32>} : memref<250x80xi32, #tpu.memory_space<vmem>>, vector<1x16xi32>,
    %get3A_996 = vector.shape_cast %get3A_995 : vector<1x16xi32> to vector<16xi32>
    %mul3A_997 = arith.constant 2 : i32
    %mul3A_998 = vector.broadcast %mul3A_997 : i32 to vector<16xi32>
    %mul3A_999 = arith.muli %mul3A_998, %get3A_996 : vector<16xi32>
    %add3A_1000 = vector.broadcast %arg0 : i32 to vector<16xi32>
    %add3A_1001 = arith.addi %mul3A_999, %add3A_1000 : vector<16xi32>
    %swap3A_1002 = arith.constant 1 : i32
    %swap3A_1003 = arith.index_cast %swap3A_1002 : i32 to index
    %swap3A_1004 = arith.constant 0 : index
    %swap3A_1005 = tpu.vector_load %arg6[%swap3A_1003, %swap3A_1004] {strides = array<i32>} : memref<250x80xi32, #tpu.memory_space<vmem>>, vector<1x16xi32>,
    %swap3A_1006 = vector.shape_cast %swap3A_1005 : vector<1x16xi32> to vector<16xi32>
    %swap3A_1007 = vector.shape_cast %add3A_1001 : vector<16xi32> to vector<1x16xi32>
    tpu.vector_store %arg6[%swap3A_1003, %swap3A_1004], %swap3A_1007 {strides = array<i32>} : memref<250x80xi32, #tpu.memory_space<vmem>>, vector<1x16xi32>,
    %get3A_1008 = arith.constant 1 : i32
    %get3A_1009 = arith.index_cast %get3A_1008 : i32 to index
    %get3A_1010 = arith.constant 16 : index
    %get3A_1011 = tpu.vector_load %arg6[%get3A_1009, %get3A_1010] {strides = array<i32>} : memref<250x80xi32, #tpu.memory_space<vmem>>, vector<1x16xi32>,
    %get3A_1012 = vector.shape_cast %get3A_1011 : vector<1x16xi32> to vector<16xi32>
    %mul3A_1013 = arith.constant 2 : i32
    %mul3A_1014 = vector.broadcast %mul3A_1013 : i32 to vector<16xi32>
    %mul3A_1015 = arith.muli %mul3A_1014, %get3A_1012 : vector<16xi32>
    %add3A_1016 = vector.broadcast %arg0 : i32 to vector<16xi32>
    %add3A_1017 = arith.addi %mul3A_1015, %add3A_1016 : vector<16xi32>
    %swap3A_1018 = arith.constant 1 : i32
    %swap3A_1019 = arith.index_cast %swap3A_1018 : i32 to index
    %swap3A_1020 = arith.constant 16 : index
    %swap3A_1021 = tpu.vector_load %arg6[%swap3A_1019, %swap3A_1020] {strides = array<i32>} : memref<250x80xi32, #tpu.memory_space<vmem>>, vector<1x16xi32>,
    %swap3A_1022 = vector.shape_cast %swap3A_1021 : vector<1x16xi32> to vector<16xi32>
    %swap3A_1023 = vector.shape_cast %add3A_1017 : vector<16xi32> to vector<1x16xi32>
    tpu.vector_store %arg6[%swap3A_1019, %swap3A_1020], %swap3A_1023 {strides = array<i32>} : memref<250x80xi32, #tpu.memory_space<vmem>>, vector<1x16xi32>,
    %get3A_1024 = arith.constant 1 : i32
    %get3A_1025 = arith.index_cast %get3A_1024 : i32 to index
    %get3A_1026 = arith.constant 32 : index
    %get3A_1027 = tpu.vector_load %arg6[%get3A_1025, %get3A_1026] {strides = array<i32>} : memref<250x80xi32, #tpu.memory_space<vmem>>, vector<1x16xi32>,
    %get3A_1028 = vector.shape_cast %get3A_1027 : vector<1x16xi32> to vector<16xi32>
    %mul3A_1029 = arith.constant 2 : i32
    %mul3A_1030 = vector.broadcast %mul3A_1029 : i32 to vector<16xi32>
    %mul3A_1031 = arith.muli %mul3A_1030, %get3A_1028 : vector<16xi32>
    %add3A_1032 = vector.broadcast %arg0 : i32 to vector<16xi32>
    %add3A_1033 = arith.addi %mul3A_1031, %add3A_1032 : vector<16xi32>
    %swap3A_1034 = arith.constant 1 : i32
    %swap3A_1035 = arith.index_cast %swap3A_1034 : i32 to index
    %swap3A_1036 = arith.constant 32 : index
    %swap3A_1037 = tpu.vector_load %arg6[%swap3A_1035, %swap3A_1036] {strides = array<i32>} : memref<250x80xi32, #tpu.memory_space<vmem>>, vector<1x16xi32>,
    %swap3A_1038 = vector.shape_cast %swap3A_1037 : vector<1x16xi32> to vector<16xi32>
    %swap3A_1039 = vector.shape_cast %add3A_1033 : vector<16xi32> to vector<1x16xi32>
    tpu.vector_store %arg6[%swap3A_1035, %swap3A_1036], %swap3A_1039 {strides = array<i32>} : memref<250x80xi32, #tpu.memory_space<vmem>>, vector<1x16xi32>,
    %get3A_1040 = arith.constant 1 : i32
    %get3A_1041 = arith.index_cast %get3A_1040 : i32 to index
    %get3A_1042 = arith.constant 48 : index
    %get3A_1043 = tpu.vector_load %arg6[%get3A_1041, %get3A_1042] {strides = array<i32>} : memref<250x80xi32, #tpu.memory_space<vmem>>, vector<1x16xi32>,
    %get3A_1044 = vector.shape_cast %get3A_1043 : vector<1x16xi32> to vector<16xi32>
    %mul3A_1045 = arith.constant 2 : i32
    %mul3A_1046 = vector.broadcast %mul3A_1045 : i32 to vector<16xi32>
    %mul3A_1047 = arith.muli %mul3A_1046, %get3A_1044 : vector<16xi32>
    %add3A_1048 = vector.broadcast %arg0 : i32 to vector<16xi32>
    %add3A_1049 = arith.addi %mul3A_1047, %add3A_1048 : vector<16xi32>
    %swap3A_1050 = arith.constant 1 : i32
    %swap3A_1051 = arith.index_cast %swap3A_1050 : i32 to index
    %swap3A_1052 = arith.constant 48 : index
    %swap3A_1053 = tpu.vector_load %arg6[%swap3A_1051, %swap3A_1052] {strides = array<i32>} : memref<250x80xi32, #tpu.memory_space<vmem>>, vector<1x16xi32>,
    %swap3A_1054 = vector.shape_cast %swap3A_1053 : vector<1x16xi32> to vector<16xi32>
    %swap3A_1055 = vector.shape_cast %add3A_1049 : vector<16xi32> to vector<1x16xi32>
    tpu.vector_store %arg6[%swap3A_1051, %swap3A_1052], %swap3A_1055 {strides = array<i32>} : memref<250x80xi32, #tpu.memory_space<vmem>>, vector<1x16xi32>,
    %get3A_1056 = arith.constant 1 : i32
    %get3A_1057 = arith.index_cast %get3A_1056 : i32 to index
    %get3A_1058 = arith.constant 64 : index
    %get3A_1059 = tpu.vector_load %arg6[%get3A_1057, %get3A_1058] {strides = array<i32>} : memref<250x80xi32, #tpu.memory_space<vmem>>, vector<1x16xi32>,
    %get3A_1060 = vector.shape_cast %get3A_1059 : vector<1x16xi32> to vector<16xi32>
    %mul3A_1061 = arith.constant 2 : i32
    %mul3A_1062 = vector.broadcast %mul3A_1061 : i32 to vector<16xi32>
    %mul3A_1063 = arith.muli %mul3A_1062, %get3A_1060 : vector<16xi32>
    %add3A_1064 = vector.broadcast %arg0 : i32 to vector<16xi32>
    %add3A_1065 = arith.addi %mul3A_1063, %add3A_1064 : vector<16xi32>
    %swap3A_1066 = arith.constant 1 : i32
    %swap3A_1067 = arith.index_cast %swap3A_1066 : i32 to index
    %swap3A_1068 = arith.constant 64 : index
    %swap3A_1069 = tpu.vector_load %arg6[%swap3A_1067, %swap3A_1068] {strides = array<i32>} : memref<250x80xi32, #tpu.memory_space<vmem>>, vector<1x16xi32>,
    %swap3A_1070 = vector.shape_cast %swap3A_1069 : vector<1x16xi32> to vector<16xi32>
    %swap3A_1071 = vector.shape_cast %add3A_1065 : vector<16xi32> to vector<1x16xi32>
    tpu.vector_store %arg6[%swap3A_1067, %swap3A_1068], %swap3A_1071 {strides = array<i32>} : memref<250x80xi32, #tpu.memory_space<vmem>>, vector<1x16xi32>,
    %dma_start3A_1072 = arith.constant 1 : i32
    %dma_start3A_1073 = arith.constant 0 : i32
    %dma_start3A_1074 = tpu.memref_slice %arg6[%dma_start3A_1072, %dma_start3A_1073] : memref<250x80xi32, #tpu.memory_space<vmem>> -> memref<1x80xi32, #tpu.memory_space<vmem>>
    %dma_start3A_1075 = tpu.memref_squeeze %dma_start3A_1074 : memref<1x80xi32, #tpu.memory_space<vmem>> -> memref<80xi32, #tpu.memory_space<vmem>>
    %dma_start3A_1076 = arith.constant 0 : i32
    %dma_start3A_1077 = arith.constant 0 : i32
    %dma_start3A_1078 = tpu.memref_slice %arg2[%dma_start3A_1076, %dma_start3A_1077] : memref<20000x64xf32, #tpu.memory_space<hbm>> -> memref<20000x64xf32, #tpu.memory_space<hbm>>
    tpu.enqueue_indirect_dma source(%dma_start3A_1078 : memref<20000x64xf32, #tpu.memory_space<hbm>>) target(%arg10 : memref<80x64xf32, #tpu.memory_space<vmem>>) offsets(%dma_start3A_1075 : memref<80xi32, #tpu.memory_space<vmem>>) semaphore(%arg16 : memref<!tpu.dma_semaphore, #tpu.memory_space<semaphore_mem>>)
    %get3A_1079 = arith.constant 2 : i32
    %get3A_1080 = arith.index_cast %get3A_1079 : i32 to index
    %get3A_1081 = arith.constant 0 : index
    %get3A_1082 = tpu.vector_load %arg6[%get3A_1080, %get3A_1081] {strides = array<i32>} : memref<250x80xi32, #tpu.memory_space<vmem>>, vector<1x16xi32>,
    %get3A_1083 = vector.shape_cast %get3A_1082 : vector<1x16xi32> to vector<16xi32>
    %mul3A_1084 = arith.constant 2 : i32
    %mul3A_1085 = vector.broadcast %mul3A_1084 : i32 to vector<16xi32>
    %mul3A_1086 = arith.muli %mul3A_1085, %get3A_1083 : vector<16xi32>
    %add3A_1087 = vector.broadcast %arg0 : i32 to vector<16xi32>
    %add3A_1088 = arith.addi %mul3A_1086, %add3A_1087 : vector<16xi32>
    %swap3A_1089 = arith.constant 2 : i32
    %swap3A_1090 = arith.index_cast %swap3A_1089 : i32 to index
    %swap3A_1091 = arith.constant 0 : index
    %swap3A_1092 = tpu.vector_load %arg6[%swap3A_1090, %swap3A_1091] {strides = array<i32>} : memref<250x80xi32, #tpu.memory_space<vmem>>, vector<1x16xi32>,
    %swap3A_1093 = vector.shape_cast %swap3A_1092 : vector<1x16xi32> to vector<16xi32>
    %swap3A_1094 = vector.shape_cast %add3A_1088 : vector<16xi32> to vector<1x16xi32>
    tpu.vector_store %arg6[%swap3A_1090, %swap3A_1091], %swap3A_1094 {strides = array<i32>} : memref<250x80xi32, #tpu.memory_space<vmem>>, vector<1x16xi32>,
    %get3A_1095 = arith.constant 2 : i32
    %get3A_1096 = arith.index_cast %get3A_1095 : i32 to index
    %get3A_1097 = arith.constant 16 : index
    %get3A_1098 = tpu.vector_load %arg6[%get3A_1096, %get3A_1097] {strides = array<i32>} : memref<250x80xi32, #tpu.memory_space<vmem>>, vector<1x16xi32>,
    %get3A_1099 = vector.shape_cast %get3A_1098 : vector<1x16xi32> to vector<16xi32>
    %mul3A_1100 = arith.constant 2 : i32
    %mul3A_1101 = vector.broadcast %mul3A_1100 : i32 to vector<16xi32>
    %mul3A_1102 = arith.muli %mul3A_1101, %get3A_1099 : vector<16xi32>
    %add3A_1103 = vector.broadcast %arg0 : i32 to vector<16xi32>
    %add3A_1104 = arith.addi %mul3A_1102, %add3A_1103 : vector<16xi32>
    %swap3A_1105 = arith.constant 2 : i32
    %swap3A_1106 = arith.index_cast %swap3A_1105 : i32 to index
    %swap3A_1107 = arith.constant 16 : index
    %swap3A_1108 = tpu.vector_load %arg6[%swap3A_1106, %swap3A_1107] {strides = array<i32>} : memref<250x80xi32, #tpu.memory_space<vmem>>, vector<1x16xi32>,
    %swap3A_1109 = vector.shape_cast %swap3A_1108 : vector<1x16xi32> to vector<16xi32>
    %swap3A_1110 = vector.shape_cast %add3A_1104 : vector<16xi32> to vector<1x16xi32>
    tpu.vector_store %arg6[%swap3A_1106, %swap3A_1107], %swap3A_1110 {strides = array<i32>} : memref<250x80xi32, #tpu.memory_space<vmem>>, vector<1x16xi32>,
    %get3A_1111 = arith.constant 2 : i32
    %get3A_1112 = arith.index_cast %get3A_1111 : i32 to index
    %get3A_1113 = arith.constant 32 : index
    %get3A_1114 = tpu.vector_load %arg6[%get3A_1112, %get3A_1113] {strides = array<i32>} : memref<250x80xi32, #tpu.memory_space<vmem>>, vector<1x16xi32>,
    %get3A_1115 = vector.shape_cast %get3A_1114 : vector<1x16xi32> to vector<16xi32>
    %mul3A_1116 = arith.constant 2 : i32
    %mul3A_1117 = vector.broadcast %mul3A_1116 : i32 to vector<16xi32>
    %mul3A_1118 = arith.muli %mul3A_1117, %get3A_1115 : vector<16xi32>
    %add3A_1119 = vector.broadcast %arg0 : i32 to vector<16xi32>
    %add3A_1120 = arith.addi %mul3A_1118, %add3A_1119 : vector<16xi32>
    %swap3A_1121 = arith.constant 2 : i32
    %swap3A_1122 = arith.index_cast %swap3A_1121 : i32 to index
    %swap3A_1123 = arith.constant 32 : index
    %swap3A_1124 = tpu.vector_load %arg6[%swap3A_1122, %swap3A_1123] {strides = array<i32>} : memref<250x80xi32, #tpu.memory_space<vmem>>, vector<1x16xi32>,
    %swap3A_1125 = vector.shape_cast %swap3A_1124 : vector<1x16xi32> to vector<16xi32>
    %swap3A_1126 = vector.shape_cast %add3A_1120 : vector<16xi32> to vector<1x16xi32>
    tpu.vector_store %arg6[%swap3A_1122, %swap3A_1123], %swap3A_1126 {strides = array<i32>} : memref<250x80xi32, #tpu.memory_space<vmem>>, vector<1x16xi32>,
    %get3A_1127 = arith.constant 2 : i32
    %get3A_1128 = arith.index_cast %get3A_1127 : i32 to index
    %get3A_1129 = arith.constant 48 : index
    %get3A_1130 = tpu.vector_load %arg6[%get3A_1128, %get3A_1129] {strides = array<i32>} : memref<250x80xi32, #tpu.memory_space<vmem>>, vector<1x16xi32>,
    %get3A_1131 = vector.shape_cast %get3A_1130 : vector<1x16xi32> to vector<16xi32>
    %mul3A_1132 = arith.constant 2 : i32
    %mul3A_1133 = vector.broadcast %mul3A_1132 : i32 to vector<16xi32>
    %mul3A_1134 = arith.muli %mul3A_1133, %get3A_1131 : vector<16xi32>
    %add3A_1135 = vector.broadcast %arg0 : i32 to vector<16xi32>
    %add3A_1136 = arith.addi %mul3A_1134, %add3A_1135 : vector<16xi32>
    %swap3A_1137 = arith.constant 2 : i32
    %swap3A_1138 = arith.index_cast %swap3A_1137 : i32 to index
    %swap3A_1139 = arith.constant 48 : index
    %swap3A_1140 = tpu.vector_load %arg6[%swap3A_1138, %swap3A_1139] {strides = array<i32>} : memref<250x80xi32, #tpu.memory_space<vmem>>, vector<1x16xi32>,
    %swap3A_1141 = vector.shape_cast %swap3A_1140 : vector<1x16xi32> to vector<16xi32>
    %swap3A_1142 = vector.shape_cast %add3A_1136 : vector<16xi32> to vector<1x16xi32>
    tpu.vector_store %arg6[%swap3A_1138, %swap3A_1139], %swap3A_1142 {strides = array<i32>} : memref<250x80xi32, #tpu.memory_space<vmem>>, vector<1x16xi32>,
    %get3A_1143 = arith.constant 2 : i32
    %get3A_1144 = arith.index_cast %get3A_1143 : i32 to index
    %get3A_1145 = arith.constant 64 : index
    %get3A_1146 = tpu.vector_load %arg6[%get3A_1144, %get3A_1145] {strides = array<i32>} : memref<250x80xi32, #tpu.memory_space<vmem>>, vector<1x16xi32>,
    %get3A_1147 = vector.shape_cast %get3A_1146 : vector<1x16xi32> to vector<16xi32>
    %mul3A_1148 = arith.constant 2 : i32
    %mul3A_1149 = vector.broadcast %mul3A_1148 : i32 to vector<16xi32>
    %mul3A_1150 = arith.muli %mul3A_1149, %get3A_1147 : vector<16xi32>
    %add3A_1151 = vector.broadcast %arg0 : i32 to vector<16xi32>
    %add3A_1152 = arith.addi %mul3A_1150, %add3A_1151 : vector<16xi32>
    %swap3A_1153 = arith.constant 2 : i32
    %swap3A_1154 = arith.index_cast %swap3A_1153 : i32 to index
    %swap3A_1155 = arith.constant 64 : index
    %swap3A_1156 = tpu.vector_load %arg6[%swap3A_1154, %swap3A_1155] {strides = array<i32>} : memref<250x80xi32, #tpu.memory_space<vmem>>, vector<1x16xi32>,
    %swap3A_1157 = vector.shape_cast %swap3A_1156 : vector<1x16xi32> to vector<16xi32>
    %swap3A_1158 = vector.shape_cast %add3A_1152 : vector<16xi32> to vector<1x16xi32>
    tpu.vector_store %arg6[%swap3A_1154, %swap3A_1155], %swap3A_1158 {strides = array<i32>} : memref<250x80xi32, #tpu.memory_space<vmem>>, vector<1x16xi32>,
    %dma_start3A_1159 = arith.constant 2 : i32
    %dma_start3A_1160 = arith.constant 0 : i32
    %dma_start3A_1161 = tpu.memref_slice %arg6[%dma_start3A_1159, %dma_start3A_1160] : memref<250x80xi32, #tpu.memory_space<vmem>> -> memref<1x80xi32, #tpu.memory_space<vmem>>
    %dma_start3A_1162 = tpu.memref_squeeze %dma_start3A_1161 : memref<1x80xi32, #tpu.memory_space<vmem>> -> memref<80xi32, #tpu.memory_space<vmem>>
    %dma_start3A_1163 = arith.constant 0 : i32
    %dma_start3A_1164 = arith.constant 0 : i32
    %dma_start3A_1165 = tpu.memref_slice %arg2[%dma_start3A_1163, %dma_start3A_1164] : memref<20000x64xf32, #tpu.memory_space<hbm>> -> memref<20000x64xf32, #tpu.memory_space<hbm>>
    tpu.enqueue_indirect_dma source(%dma_start3A_1165 : memref<20000x64xf32, #tpu.memory_space<hbm>>) target(%arg11 : memref<80x64xf32, #tpu.memory_space<vmem>>) offsets(%dma_start3A_1162 : memref<80xi32, #tpu.memory_space<vmem>>) semaphore(%arg17 : memref<!tpu.dma_semaphore, #tpu.memory_space<semaphore_mem>>)
    %get3A_1166 = arith.constant 3 : i32
    %get3A_1167 = arith.index_cast %get3A_1166 : i32 to index
    %get3A_1168 = arith.constant 0 : index
    %get3A_1169 = tpu.vector_load %arg6[%get3A_1167, %get3A_1168] {strides = array<i32>} : memref<250x80xi32, #tpu.memory_space<vmem>>, vector<1x16xi32>,
    %get3A_1170 = vector.shape_cast %get3A_1169 : vector<1x16xi32> to vector<16xi32>
    %mul3A_1171 = arith.constant 2 : i32
    %mul3A_1172 = vector.broadcast %mul3A_1171 : i32 to vector<16xi32>
    %mul3A_1173 = arith.muli %mul3A_1172, %get3A_1170 : vector<16xi32>
    %add3A_1174 = vector.broadcast %arg0 : i32 to vector<16xi32>
    %add3A_1175 = arith.addi %mul3A_1173, %add3A_1174 : vector<16xi32>
    %swap3A_1176 = arith.constant 3 : i32
    %swap3A_1177 = arith.index_cast %swap3A_1176 : i32 to index
    %swap3A_1178 = arith.constant 0 : index
    %swap3A_1179 = tpu.vector_load %arg6[%swap3A_1177, %swap3A_1178] {strides = array<i32>} : memref<250x80xi32, #tpu.memory_space<vmem>>, vector<1x16xi32>,
    %swap3A_1180 = vector.shape_cast %swap3A_1179 : vector<1x16xi32> to vector<16xi32>
    %swap3A_1181 = vector.shape_cast %add3A_1175 : vector<16xi32> to vector<1x16xi32>
    tpu.vector_store %arg6[%swap3A_1177, %swap3A_1178], %swap3A_1181 {strides = array<i32>} : memref<250x80xi32, #tpu.memory_space<vmem>>, vector<1x16xi32>,
    %get3A_1182 = arith.constant 3 : i32
    %get3A_1183 = arith.index_cast %get3A_1182 : i32 to index
    %get3A_1184 = arith.constant 16 : index
    %get3A_1185 = tpu.vector_load %arg6[%get3A_1183, %get3A_1184] {strides = array<i32>} : memref<250x80xi32, #tpu.memory_space<vmem>>, vector<1x16xi32>,
    %get3A_1186 = vector.shape_cast %get3A_1185 : vector<1x16xi32> to vector<16xi32>
    %mul3A_1187 = arith.constant 2 : i32
    %mul3A_1188 = vector.broadcast %mul3A_1187 : i32 to vector<16xi32>
    %mul3A_1189 = arith.muli %mul3A_1188, %get3A_1186 : vector<16xi32>
    %add3A_1190 = vector.broadcast %arg0 : i32 to vector<16xi32>
    %add3A_1191 = arith.addi %mul3A_1189, %add3A_1190 : vector<16xi32>
    %swap3A_1192 = arith.constant 3 : i32
    %swap3A_1193 = arith.index_cast %swap3A_1192 : i32 to index
    %swap3A_1194 = arith.constant 16 : index
    %swap3A_1195 = tpu.vector_load %arg6[%swap3A_1193, %swap3A_1194] {strides = array<i32>} : memref<250x80xi32, #tpu.memory_space<vmem>>, vector<1x16xi32>,
    %swap3A_1196 = vector.shape_cast %swap3A_1195 : vector<1x16xi32> to vector<16xi32>
    %swap3A_1197 = vector.shape_cast %add3A_1191 : vector<16xi32> to vector<1x16xi32>
    tpu.vector_store %arg6[%swap3A_1193, %swap3A_1194], %swap3A_1197 {strides = array<i32>} : memref<250x80xi32, #tpu.memory_space<vmem>>, vector<1x16xi32>,
    %get3A_1198 = arith.constant 3 : i32
    %get3A_1199 = arith.index_cast %get3A_1198 : i32 to index
    %get3A_1200 = arith.constant 32 : index
    %get3A_1201 = tpu.vector_load %arg6[%get3A_1199, %get3A_1200] {strides = array<i32>} : memref<250x80xi32, #tpu.memory_space<vmem>>, vector<1x16xi32>,
    %get3A_1202 = vector.shape_cast %get3A_1201 : vector<1x16xi32> to vector<16xi32>
    %mul3A_1203 = arith.constant 2 : i32
    %mul3A_1204 = vector.broadcast %mul3A_1203 : i32 to vector<16xi32>
    %mul3A_1205 = arith.muli %mul3A_1204, %get3A_1202 : vector<16xi32>
    %add3A_1206 = vector.broadcast %arg0 : i32 to vector<16xi32>
    %add3A_1207 = arith.addi %mul3A_1205, %add3A_1206 : vector<16xi32>
    %swap3A_1208 = arith.constant 3 : i32
    %swap3A_1209 = arith.index_cast %swap3A_1208 : i32 to index
    %swap3A_1210 = arith.constant 32 : index
    %swap3A_1211 = tpu.vector_load %arg6[%swap3A_1209, %swap3A_1210] {strides = array<i32>} : memref<250x80xi32, #tpu.memory_space<vmem>>, vector<1x16xi32>,
    %swap3A_1212 = vector.shape_cast %swap3A_1211 : vector<1x16xi32> to vector<16xi32>
    %swap3A_1213 = vector.shape_cast %add3A_1207 : vector<16xi32> to vector<1x16xi32>
    tpu.vector_store %arg6[%swap3A_1209, %swap3A_1210], %swap3A_1213 {strides = array<i32>} : memref<250x80xi32, #tpu.memory_space<vmem>>, vector<1x16xi32>,
    %get3A_1214 = arith.constant 3 : i32
    %get3A_1215 = arith.index_cast %get3A_1214 : i32 to index
    %get3A_1216 = arith.constant 48 : index
    %get3A_1217 = tpu.vector_load %arg6[%get3A_1215, %get3A_1216] {strides = array<i32>} : memref<250x80xi32, #tpu.memory_space<vmem>>, vector<1x16xi32>,
    %get3A_1218 = vector.shape_cast %get3A_1217 : vector<1x16xi32> to vector<16xi32>
    %mul3A_1219 = arith.constant 2 : i32
    %mul3A_1220 = vector.broadcast %mul3A_1219 : i32 to vector<16xi32>
    %mul3A_1221 = arith.muli %mul3A_1220, %get3A_1218 : vector<16xi32>
    %add3A_1222 = vector.broadcast %arg0 : i32 to vector<16xi32>
    %add3A_1223 = arith.addi %mul3A_1221, %add3A_1222 : vector<16xi32>
    %swap3A_1224 = arith.constant 3 : i32
    %swap3A_1225 = arith.index_cast %swap3A_1224 : i32 to index
    %swap3A_1226 = arith.constant 48 : index
    %swap3A_1227 = tpu.vector_load %arg6[%swap3A_1225, %swap3A_1226] {strides = array<i32>} : memref<250x80xi32, #tpu.memory_space<vmem>>, vector<1x16xi32>,
    %swap3A_1228 = vector.shape_cast %swap3A_1227 : vector<1x16xi32> to vector<16xi32>
    %swap3A_1229 = vector.shape_cast %add3A_1223 : vector<16xi32> to vector<1x16xi32>
    tpu.vector_store %arg6[%swap3A_1225, %swap3A_1226], %swap3A_1229 {strides = array<i32>} : memref<250x80xi32, #tpu.memory_space<vmem>>, vector<1x16xi32>,
    %get3A_1230 = arith.constant 3 : i32
    %get3A_1231 = arith.index_cast %get3A_1230 : i32 to index
    %get3A_1232 = arith.constant 64 : index
    %get3A_1233 = tpu.vector_load %arg6[%get3A_1231, %get3A_1232] {strides = array<i32>} : memref<250x80xi32, #tpu.memory_space<vmem>>, vector<1x16xi32>,
    %get3A_1234 = vector.shape_cast %get3A_1233 : vector<1x16xi32> to vector<16xi32>
    %mul3A_1235 = arith.constant 2 : i32
    %mul3A_1236 = vector.broadcast %mul3A_1235 : i32 to vector<16xi32>
    %mul3A_1237 = arith.muli %mul3A_1236, %get3A_1234 : vector<16xi32>
    %add3A_1238 = vector.broadcast %arg0 : i32 to vector<16xi32>
    %add3A_1239 = arith.addi %mul3A_1237, %add3A_1238 : vector<16xi32>
    %swap3A_1240 = arith.constant 3 : i32
    %swap3A_1241 = arith.index_cast %swap3A_1240 : i32 to index
    %swap3A_1242 = arith.constant 64 : index
    %swap3A_1243 = tpu.vector_load %arg6[%swap3A_1241, %swap3A_1242] {strides = array<i32>} : memref<250x80xi32, #tpu.memory_space<vmem>>, vector<1x16xi32>,
    %swap3A_1244 = vector.shape_cast %swap3A_1243 : vector<1x16xi32> to vector<16xi32>
    %swap3A_1245 = vector.shape_cast %add3A_1239 : vector<16xi32> to vector<1x16xi32>
    tpu.vector_store %arg6[%swap3A_1241, %swap3A_1242], %swap3A_1245 {strides = array<i32>} : memref<250x80xi32, #tpu.memory_space<vmem>>, vector<1x16xi32>,
    %dma_start3A_1246 = arith.constant 3 : i32
    %dma_start3A_1247 = arith.constant 0 : i32
    %dma_start3A_1248 = tpu.memref_slice %arg6[%dma_start3A_1246, %dma_start3A_1247] : memref<250x80xi32, #tpu.memory_space<vmem>> -> memref<1x80xi32, #tpu.memory_space<vmem>>
    %dma_start3A_1249 = tpu.memref_squeeze %dma_start3A_1248 : memref<1x80xi32, #tpu.memory_space<vmem>> -> memref<80xi32, #tpu.memory_space<vmem>>
    %dma_start3A_1250 = arith.constant 0 : i32
    %dma_start3A_1251 = arith.constant 0 : i32
    %dma_start3A_1252 = tpu.memref_slice %arg2[%dma_start3A_1250, %dma_start3A_1251] : memref<20000x64xf32, #tpu.memory_space<hbm>> -> memref<20000x64xf32, #tpu.memory_space<hbm>>
    tpu.enqueue_indirect_dma source(%dma_start3A_1252 : memref<20000x64xf32, #tpu.memory_space<hbm>>) target(%arg12 : memref<80x64xf32, #tpu.memory_space<vmem>>) offsets(%dma_start3A_1249 : memref<80xi32, #tpu.memory_space<vmem>>) semaphore(%arg18 : memref<!tpu.dma_semaphore, #tpu.memory_space<semaphore_mem>>)
    %get3A_1253 = arith.constant 4 : i32
    %get3A_1254 = arith.index_cast %get3A_1253 : i32 to index
    %get3A_1255 = arith.constant 0 : index
    %get3A_1256 = tpu.vector_load %arg6[%get3A_1254, %get3A_1255] {strides = array<i32>} : memref<250x80xi32, #tpu.memory_space<vmem>>, vector<1x16xi32>,
    %get3A_1257 = vector.shape_cast %get3A_1256 : vector<1x16xi32> to vector<16xi32>
    %mul3A_1258 = arith.constant 2 : i32
    %mul3A_1259 = vector.broadcast %mul3A_1258 : i32 to vector<16xi32>
    %mul3A_1260 = arith.muli %mul3A_1259, %get3A_1257 : vector<16xi32>
    %add3A_1261 = vector.broadcast %arg0 : i32 to vector<16xi32>
    %add3A_1262 = arith.addi %mul3A_1260, %add3A_1261 : vector<16xi32>
    %swap3A_1263 = arith.constant 4 : i32
    %swap3A_1264 = arith.index_cast %swap3A_1263 : i32 to index
    %swap3A_1265 = arith.constant 0 : index
    %swap3A_1266 = tpu.vector_load %arg6[%swap3A_1264, %swap3A_1265] {strides = array<i32>} : memref<250x80xi32, #tpu.memory_space<vmem>>, vector<1x16xi32>,
    %swap3A_1267 = vector.shape_cast %swap3A_1266 : vector<1x16xi32> to vector<16xi32>
    %swap3A_1268 = vector.shape_cast %add3A_1262 : vector<16xi32> to vector<1x16xi32>
    tpu.vector_store %arg6[%swap3A_1264, %swap3A_1265], %swap3A_1268 {strides = array<i32>} : memref<250x80xi32, #tpu.memory_space<vmem>>, vector<1x16xi32>,
    %get3A_1269 = arith.constant 4 : i32
    %get3A_1270 = arith.index_cast %get3A_1269 : i32 to index
    %get3A_1271 = arith.constant 16 : index
    %get3A_1272 = tpu.vector_load %arg6[%get3A_1270, %get3A_1271] {strides = array<i32>} : memref<250x80xi32, #tpu.memory_space<vmem>>, vector<1x16xi32>,
    %get3A_1273 = vector.shape_cast %get3A_1272 : vector<1x16xi32> to vector<16xi32>
    %mul3A_1274 = arith.constant 2 : i32
    %mul3A_1275 = vector.broadcast %mul3A_1274 : i32 to vector<16xi32>
    %mul3A_1276 = arith.muli %mul3A_1275, %get3A_1273 : vector<16xi32>
    %add3A_1277 = vector.broadcast %arg0 : i32 to vector<16xi32>
    %add3A_1278 = arith.addi %mul3A_1276, %add3A_1277 : vector<16xi32>
    %swap3A_1279 = arith.constant 4 : i32
    %swap3A_1280 = arith.index_cast %swap3A_1279 : i32 to index
    %swap3A_1281 = arith.constant 16 : index
    %swap3A_1282 = tpu.vector_load %arg6[%swap3A_1280, %swap3A_1281] {strides = array<i32>} : memref<250x80xi32, #tpu.memory_space<vmem>>, vector<1x16xi32>,
    %swap3A_1283 = vector.shape_cast %swap3A_1282 : vector<1x16xi32> to vector<16xi32>
    %swap3A_1284 = vector.shape_cast %add3A_1278 : vector<16xi32> to vector<1x16xi32>
    tpu.vector_store %arg6[%swap3A_1280, %swap3A_1281], %swap3A_1284 {strides = array<i32>} : memref<250x80xi32, #tpu.memory_space<vmem>>, vector<1x16xi32>,
    %get3A_1285 = arith.constant 4 : i32
    %get3A_1286 = arith.index_cast %get3A_1285 : i32 to index
    %get3A_1287 = arith.constant 32 : index
    %get3A_1288 = tpu.vector_load %arg6[%get3A_1286, %get3A_1287] {strides = array<i32>} : memref<250x80xi32, #tpu.memory_space<vmem>>, vector<1x16xi32>,
    %get3A_1289 = vector.shape_cast %get3A_1288 : vector<1x16xi32> to vector<16xi32>
    %mul3A_1290 = arith.constant 2 : i32
    %mul3A_1291 = vector.broadcast %mul3A_1290 : i32 to vector<16xi32>
    %mul3A_1292 = arith.muli %mul3A_1291, %get3A_1289 : vector<16xi32>
    %add3A_1293 = vector.broadcast %arg0 : i32 to vector<16xi32>
    %add3A_1294 = arith.addi %mul3A_1292, %add3A_1293 : vector<16xi32>
    %swap3A_1295 = arith.constant 4 : i32
    %swap3A_1296 = arith.index_cast %swap3A_1295 : i32 to index
    %swap3A_1297 = arith.constant 32 : index
    %swap3A_1298 = tpu.vector_load %arg6[%swap3A_1296, %swap3A_1297] {strides = array<i32>} : memref<250x80xi32, #tpu.memory_space<vmem>>, vector<1x16xi32>,
    %swap3A_1299 = vector.shape_cast %swap3A_1298 : vector<1x16xi32> to vector<16xi32>
    %swap3A_1300 = vector.shape_cast %add3A_1294 : vector<16xi32> to vector<1x16xi32>
    tpu.vector_store %arg6[%swap3A_1296, %swap3A_1297], %swap3A_1300 {strides = array<i32>} : memref<250x80xi32, #tpu.memory_space<vmem>>, vector<1x16xi32>,
    %get3A_1301 = arith.constant 4 : i32
    %get3A_1302 = arith.index_cast %get3A_1301 : i32 to index
    %get3A_1303 = arith.constant 48 : index
    %get3A_1304 = tpu.vector_load %arg6[%get3A_1302, %get3A_1303] {strides = array<i32>} : memref<250x80xi32, #tpu.memory_space<vmem>>, vector<1x16xi32>,
    %get3A_1305 = vector.shape_cast %get3A_1304 : vector<1x16xi32> to vector<16xi32>
    %mul3A_1306 = arith.constant 2 : i32
    %mul3A_1307 = vector.broadcast %mul3A_1306 : i32 to vector<16xi32>
    %mul3A_1308 = arith.muli %mul3A_1307, %get3A_1305 : vector<16xi32>
    %add3A_1309 = vector.broadcast %arg0 : i32 to vector<16xi32>
    %add3A_1310 = arith.addi %mul3A_1308, %add3A_1309 : vector<16xi32>
    %swap3A_1311 = arith.constant 4 : i32
    %swap3A_1312 = arith.index_cast %swap3A_1311 : i32 to index
    %swap3A_1313 = arith.constant 48 : index
    %swap3A_1314 = tpu.vector_load %arg6[%swap3A_1312, %swap3A_1313] {strides = array<i32>} : memref<250x80xi32, #tpu.memory_space<vmem>>, vector<1x16xi32>,
    %swap3A_1315 = vector.shape_cast %swap3A_1314 : vector<1x16xi32> to vector<16xi32>
    %swap3A_1316 = vector.shape_cast %add3A_1310 : vector<16xi32> to vector<1x16xi32>
    tpu.vector_store %arg6[%swap3A_1312, %swap3A_1313], %swap3A_1316 {strides = array<i32>} : memref<250x80xi32, #tpu.memory_space<vmem>>, vector<1x16xi32>,
    %get3A_1317 = arith.constant 4 : i32
    %get3A_1318 = arith.index_cast %get3A_1317 : i32 to index
    %get3A_1319 = arith.constant 64 : index
    %get3A_1320 = tpu.vector_load %arg6[%get3A_1318, %get3A_1319] {strides = array<i32>} : memref<250x80xi32, #tpu.memory_space<vmem>>, vector<1x16xi32>,
    %get3A_1321 = vector.shape_cast %get3A_1320 : vector<1x16xi32> to vector<16xi32>
    %mul3A_1322 = arith.constant 2 : i32
    %mul3A_1323 = vector.broadcast %mul3A_1322 : i32 to vector<16xi32>
    %mul3A_1324 = arith.muli %mul3A_1323, %get3A_1321 : vector<16xi32>
    %add3A_1325 = vector.broadcast %arg0 : i32 to vector<16xi32>
    %add3A_1326 = arith.addi %mul3A_1324, %add3A_1325 : vector<16xi32>
    %swap3A_1327 = arith.constant 4 : i32
    %swap3A_1328 = arith.index_cast %swap3A_1327 : i32 to index
    %swap3A_1329 = arith.constant 64 : index
    %swap3A_1330 = tpu.vector_load %arg6[%swap3A_1328, %swap3A_1329] {strides = array<i32>} : memref<250x80xi32, #tpu.memory_space<vmem>>, vector<1x16xi32>,
    %swap3A_1331 = vector.shape_cast %swap3A_1330 : vector<1x16xi32> to vector<16xi32>
    %swap3A_1332 = vector.shape_cast %add3A_1326 : vector<16xi32> to vector<1x16xi32>
    tpu.vector_store %arg6[%swap3A_1328, %swap3A_1329], %swap3A_1332 {strides = array<i32>} : memref<250x80xi32, #tpu.memory_space<vmem>>, vector<1x16xi32>,
    %dma_start3A_1333 = arith.constant 4 : i32
    %dma_start3A_1334 = arith.constant 0 : i32
    %dma_start3A_1335 = tpu.memref_slice %arg6[%dma_start3A_1333, %dma_start3A_1334] : memref<250x80xi32, #tpu.memory_space<vmem>> -> memref<1x80xi32, #tpu.memory_space<vmem>>
    %dma_start3A_1336 = tpu.memref_squeeze %dma_start3A_1335 : memref<1x80xi32, #tpu.memory_space<vmem>> -> memref<80xi32, #tpu.memory_space<vmem>>
    %dma_start3A_1337 = arith.constant 0 : i32
    %dma_start3A_1338 = arith.constant 0 : i32
    %dma_start3A_1339 = tpu.memref_slice %arg2[%dma_start3A_1337, %dma_start3A_1338] : memref<20000x64xf32, #tpu.memory_space<hbm>> -> memref<20000x64xf32, #tpu.memory_space<hbm>>
    tpu.enqueue_indirect_dma source(%dma_start3A_1339 : memref<20000x64xf32, #tpu.memory_space<hbm>>) target(%arg13 : memref<80x64xf32, #tpu.memory_space<vmem>>) offsets(%dma_start3A_1336 : memref<80xi32, #tpu.memory_space<vmem>>) semaphore(%arg19 : memref<!tpu.dma_semaphore, #tpu.memory_space<semaphore_mem>>)
    %scan3A = arith.constant 0 : i32
    %scan3A_1340 = arith.constant 0 : i32
    %scan3A_1341 = arith.constant 50 : i32
    %scan3A_1342 = arith.addi %scan3A_1340, %scan3A_1341 : i32
    %scan3A_1343 = arith.constant 1 : i32
    scf.for %scan3A_1351 = %scan3A_1340 to %scan3A_1342 step %scan3A_1343  : i32 {
      %mul3A_1352 = arith.constant 5 : i32
      %mul3A_1353 = arith.muli %mul3A_1352, %scan3A_1351 : i32
      %add3A_1354 = arith.constant 0 : i32
      %add3A_1355 = arith.addi %mul3A_1353, %add3A_1354 : i32
      %dma_wait3A_1356 = arith.constant 0 : i32
      %dma_wait3A_1357 = tpu.memref_slice %arg6[%add3A_1355, %dma_wait3A_1356] : memref<250x80xi32, #tpu.memory_space<vmem>> -> memref<1x80xi32, #tpu.memory_space<vmem>>
      %dma_wait3A_1358 = tpu.memref_squeeze %dma_wait3A_1357 : memref<1x80xi32, #tpu.memory_space<vmem>> -> memref<80xi32, #tpu.memory_space<vmem>>
      %dma_wait3A_1359 = arith.constant 0 : i32
      %dma_wait3A_1360 = arith.constant 0 : i32
      %dma_wait3A_1361 = tpu.memref_slice %arg2[%dma_wait3A_1359, %dma_wait3A_1360] : memref<20000x64xf32, #tpu.memory_space<hbm>> -> memref<20000x64xf32, #tpu.memory_space<hbm>>
      tpu.wait_indirect_dma semaphore(%arg15 : memref<!tpu.dma_semaphore, #tpu.memory_space<semaphore_mem>>) src(%dma_wait3A_1361 : memref<20000x64xf32, #tpu.memory_space<hbm>>) dst(%arg9 : memref<80x64xf32, #tpu.memory_space<vmem>>)
      %add3A_1362 = arith.constant 0 : i32
      %add3A_1363 = arith.addi %mul3A_1353, %add3A_1362 : i32
      %dma_start3A_1364 = arith.constant 0 : i32
      %dma_start3A_1365 = tpu.memref_slice %arg7[%add3A_1363, %dma_start3A_1364] : memref<250x80xi32, #tpu.memory_space<vmem>> -> memref<1x80xi32, #tpu.memory_space<vmem>>
      %dma_start3A_1366 = tpu.memref_squeeze %dma_start3A_1365 : memref<1x80xi32, #tpu.memory_space<vmem>> -> memref<80xi32, #tpu.memory_space<vmem>>
      %dma_start3A_1367 = arith.constant 0 : i32
      %dma_start3A_1368 = arith.constant 0 : i32
      %dma_start3A_1369 = tpu.memref_slice %arg14[%dma_start3A_1367, %dma_start3A_1368] : memref<10000x64xf32, #tpu.memory_space<vmem_shared>> -> memref<10000x64xf32, #tpu.memory_space<vmem_shared>>
      tpu.enqueue_indirect_dma source(%arg9 : memref<80x64xf32, #tpu.memory_space<vmem>>) target(%dma_start3A_1369 : memref<10000x64xf32, #tpu.memory_space<vmem_shared>>) offsets(%dma_start3A_1366 : memref<80xi32, #tpu.memory_space<vmem>>) semaphore(%arg20 : memref<!tpu.dma_semaphore, #tpu.memory_space<semaphore_mem>>) {add = true}
      %add3A_1370 = arith.constant 1 : i32
      %add3A_1371 = arith.addi %mul3A_1353, %add3A_1370 : i32
      %dma_wait3A_1372 = arith.constant 0 : i32
      %dma_wait3A_1373 = tpu.memref_slice %arg6[%add3A_1371, %dma_wait3A_1372] : memref<250x80xi32, #tpu.memory_space<vmem>> -> memref<1x80xi32, #tpu.memory_space<vmem>>
      %dma_wait3A_1374 = tpu.memref_squeeze %dma_wait3A_1373 : memref<1x80xi32, #tpu.memory_space<vmem>> -> memref<80xi32, #tpu.memory_space<vmem>>
      %dma_wait3A_1375 = arith.constant 0 : i32
      %dma_wait3A_1376 = arith.constant 0 : i32
      %dma_wait3A_1377 = tpu.memref_slice %arg2[%dma_wait3A_1375, %dma_wait3A_1376] : memref<20000x64xf32, #tpu.memory_space<hbm>> -> memref<20000x64xf32, #tpu.memory_space<hbm>>
      tpu.wait_indirect_dma semaphore(%arg16 : memref<!tpu.dma_semaphore, #tpu.memory_space<semaphore_mem>>) src(%dma_wait3A_1377 : memref<20000x64xf32, #tpu.memory_space<hbm>>) dst(%arg10 : memref<80x64xf32, #tpu.memory_space<vmem>>)
      %add3A_1378 = arith.constant 1 : i32
      %add3A_1379 = arith.addi %mul3A_1353, %add3A_1378 : i32
      %dma_start3A_1380 = arith.constant 0 : i32
      %dma_start3A_1381 = tpu.memref_slice %arg7[%add3A_1379, %dma_start3A_1380] : memref<250x80xi32, #tpu.memory_space<vmem>> -> memref<1x80xi32, #tpu.memory_space<vmem>>
      %dma_start3A_1382 = tpu.memref_squeeze %dma_start3A_1381 : memref<1x80xi32, #tpu.memory_space<vmem>> -> memref<80xi32, #tpu.memory_space<vmem>>
      %dma_start3A_1383 = arith.constant 0 : i32
      %dma_start3A_1384 = arith.constant 0 : i32
      %dma_start3A_1385 = tpu.memref_slice %arg14[%dma_start3A_1383, %dma_start3A_1384] : memref<10000x64xf32, #tpu.memory_space<vmem_shared>> -> memref<10000x64xf32, #tpu.memory_space<vmem_shared>>
      tpu.enqueue_indirect_dma source(%arg10 : memref<80x64xf32, #tpu.memory_space<vmem>>) target(%dma_start3A_1385 : memref<10000x64xf32, #tpu.memory_space<vmem_shared>>) offsets(%dma_start3A_1382 : memref<80xi32, #tpu.memory_space<vmem>>) semaphore(%arg21 : memref<!tpu.dma_semaphore, #tpu.memory_space<semaphore_mem>>) {add = true}
      %add3A_1386 = arith.constant 2 : i32
      %add3A_1387 = arith.addi %mul3A_1353, %add3A_1386 : i32
      %dma_wait3A_1388 = arith.constant 0 : i32
      %dma_wait3A_1389 = tpu.memref_slice %arg6[%add3A_1387, %dma_wait3A_1388] : memref<250x80xi32, #tpu.memory_space<vmem>> -> memref<1x80xi32, #tpu.memory_space<vmem>>
      %dma_wait3A_1390 = tpu.memref_squeeze %dma_wait3A_1389 : memref<1x80xi32, #tpu.memory_space<vmem>> -> memref<80xi32, #tpu.memory_space<vmem>>
      %dma_wait3A_1391 = arith.constant 0 : i32
      %dma_wait3A_1392 = arith.constant 0 : i32
      %dma_wait3A_1393 = tpu.memref_slice %arg2[%dma_wait3A_1391, %dma_wait3A_1392] : memref<20000x64xf32, #tpu.memory_space<hbm>> -> memref<20000x64xf32, #tpu.memory_space<hbm>>
      tpu.wait_indirect_dma semaphore(%arg17 : memref<!tpu.dma_semaphore, #tpu.memory_space<semaphore_mem>>) src(%dma_wait3A_1393 : memref<20000x64xf32, #tpu.memory_space<hbm>>) dst(%arg11 : memref<80x64xf32, #tpu.memory_space<vmem>>)
      %add3A_1394 = arith.constant 2 : i32
      %add3A_1395 = arith.addi %mul3A_1353, %add3A_1394 : i32
      %dma_start3A_1396 = arith.constant 0 : i32
      %dma_start3A_1397 = tpu.memref_slice %arg7[%add3A_1395, %dma_start3A_1396] : memref<250x80xi32, #tpu.memory_space<vmem>> -> memref<1x80xi32, #tpu.memory_space<vmem>>
      %dma_start3A_1398 = tpu.memref_squeeze %dma_start3A_1397 : memref<1x80xi32, #tpu.memory_space<vmem>> -> memref<80xi32, #tpu.memory_space<vmem>>
      %dma_start3A_1399 = arith.constant 0 : i32
      %dma_start3A_1400 = arith.constant 0 : i32
      %dma_start3A_1401 = tpu.memref_slice %arg14[%dma_start3A_1399, %dma_start3A_1400] : memref<10000x64xf32, #tpu.memory_space<vmem_shared>> -> memref<10000x64xf32, #tpu.memory_space<vmem_shared>>
      tpu.enqueue_indirect_dma source(%arg11 : memref<80x64xf32, #tpu.memory_space<vmem>>) target(%dma_start3A_1401 : memref<10000x64xf32, #tpu.memory_space<vmem_shared>>) offsets(%dma_start3A_1398 : memref<80xi32, #tpu.memory_space<vmem>>) semaphore(%arg22 : memref<!tpu.dma_semaphore, #tpu.memory_space<semaphore_mem>>) {add = true}
      %add3A_1402 = arith.constant 3 : i32
      %add3A_1403 = arith.addi %mul3A_1353, %add3A_1402 : i32
      %dma_wait3A_1404 = arith.constant 0 : i32
      %dma_wait3A_1405 = tpu.memref_slice %arg6[%add3A_1403, %dma_wait3A_1404] : memref<250x80xi32, #tpu.memory_space<vmem>> -> memref<1x80xi32, #tpu.memory_space<vmem>>
      %dma_wait3A_1406 = tpu.memref_squeeze %dma_wait3A_1405 : memref<1x80xi32, #tpu.memory_space<vmem>> -> memref<80xi32, #tpu.memory_space<vmem>>
      %dma_wait3A_1407 = arith.constant 0 : i32
      %dma_wait3A_1408 = arith.constant 0 : i32
      %dma_wait3A_1409 = tpu.memref_slice %arg2[%dma_wait3A_1407, %dma_wait3A_1408] : memref<20000x64xf32, #tpu.memory_space<hbm>> -> memref<20000x64xf32, #tpu.memory_space<hbm>>
      tpu.wait_indirect_dma semaphore(%arg18 : memref<!tpu.dma_semaphore, #tpu.memory_space<semaphore_mem>>) src(%dma_wait3A_1409 : memref<20000x64xf32, #tpu.memory_space<hbm>>) dst(%arg12 : memref<80x64xf32, #tpu.memory_space<vmem>>)
      %add3A_1410 = arith.constant 3 : i32
      %add3A_1411 = arith.addi %mul3A_1353, %add3A_1410 : i32
      %dma_start3A_1412 = arith.constant 0 : i32
      %dma_start3A_1413 = tpu.memref_slice %arg7[%add3A_1411, %dma_start3A_1412] : memref<250x80xi32, #tpu.memory_space<vmem>> -> memref<1x80xi32, #tpu.memory_space<vmem>>
      %dma_start3A_1414 = tpu.memref_squeeze %dma_start3A_1413 : memref<1x80xi32, #tpu.memory_space<vmem>> -> memref<80xi32, #tpu.memory_space<vmem>>
      %dma_start3A_1415 = arith.constant 0 : i32
      %dma_start3A_1416 = arith.constant 0 : i32
      %dma_start3A_1417 = tpu.memref_slice %arg14[%dma_start3A_1415, %dma_start3A_1416] : memref<10000x64xf32, #tpu.memory_space<vmem_shared>> -> memref<10000x64xf32, #tpu.memory_space<vmem_shared>>
      tpu.enqueue_indirect_dma source(%arg12 : memref<80x64xf32, #tpu.memory_space<vmem>>) target(%dma_start3A_1417 : memref<10000x64xf32, #tpu.memory_space<vmem_shared>>) offsets(%dma_start3A_1414 : memref<80xi32, #tpu.memory_space<vmem>>) semaphore(%arg23 : memref<!tpu.dma_semaphore, #tpu.memory_space<semaphore_mem>>) {add = true}
      %add3A_1418 = arith.constant 4 : i32
      %add3A_1419 = arith.addi %mul3A_1353, %add3A_1418 : i32
      %dma_wait3A_1420 = arith.constant 0 : i32
      %dma_wait3A_1421 = tpu.memref_slice %arg6[%add3A_1419, %dma_wait3A_1420] : memref<250x80xi32, #tpu.memory_space<vmem>> -> memref<1x80xi32, #tpu.memory_space<vmem>>
      %dma_wait3A_1422 = tpu.memref_squeeze %dma_wait3A_1421 : memref<1x80xi32, #tpu.memory_space<vmem>> -> memref<80xi32, #tpu.memory_space<vmem>>
      %dma_wait3A_1423 = arith.constant 0 : i32
      %dma_wait3A_1424 = arith.constant 0 : i32
      %dma_wait3A_1425 = tpu.memref_slice %arg2[%dma_wait3A_1423, %dma_wait3A_1424] : memref<20000x64xf32, #tpu.memory_space<hbm>> -> memref<20000x64xf32, #tpu.memory_space<hbm>>
      tpu.wait_indirect_dma semaphore(%arg19 : memref<!tpu.dma_semaphore, #tpu.memory_space<semaphore_mem>>) src(%dma_wait3A_1425 : memref<20000x64xf32, #tpu.memory_space<hbm>>) dst(%arg13 : memref<80x64xf32, #tpu.memory_space<vmem>>)
      %add3A_1426 = arith.constant 4 : i32
      %add3A_1427 = arith.addi %mul3A_1353, %add3A_1426 : i32
      %dma_start3A_1428 = arith.constant 0 : i32
      %dma_start3A_1429 = tpu.memref_slice %arg7[%add3A_1427, %dma_start3A_1428] : memref<250x80xi32, #tpu.memory_space<vmem>> -> memref<1x80xi32, #tpu.memory_space<vmem>>
      %dma_start3A_1430 = tpu.memref_squeeze %dma_start3A_1429 : memref<1x80xi32, #tpu.memory_space<vmem>> -> memref<80xi32, #tpu.memory_space<vmem>>
      %dma_start3A_1431 = arith.constant 0 : i32
      %dma_start3A_1432 = arith.constant 0 : i32
      %dma_start3A_1433 = tpu.memref_slice %arg14[%dma_start3A_1431, %dma_start3A_1432] : memref<10000x64xf32, #tpu.memory_space<vmem_shared>> -> memref<10000x64xf32, #tpu.memory_space<vmem_shared>>
      tpu.enqueue_indirect_dma source(%arg13 : memref<80x64xf32, #tpu.memory_space<vmem>>) target(%dma_start3A_1433 : memref<10000x64xf32, #tpu.memory_space<vmem_shared>>) offsets(%dma_start3A_1430 : memref<80xi32, #tpu.memory_space<vmem>>) semaphore(%arg24 : memref<!tpu.dma_semaphore, #tpu.memory_space<semaphore_mem>>) {add = true}
      %add3A_1434 = arith.constant 0 : i32
      %add3A_1435 = arith.addi %mul3A_1353, %add3A_1434 : i32
      %dma_wait3A_1436 = arith.constant 0 : i32
      %dma_wait3A_1437 = tpu.memref_slice %arg7[%add3A_1435, %dma_wait3A_1436] : memref<250x80xi32, #tpu.memory_space<vmem>> -> memref<1x80xi32, #tpu.memory_space<vmem>>
      %dma_wait3A_1438 = tpu.memref_squeeze %dma_wait3A_1437 : memref<1x80xi32, #tpu.memory_space<vmem>> -> memref<80xi32, #tpu.memory_space<vmem>>
      %dma_wait3A_1439 = arith.constant 0 : i32
      %dma_wait3A_1440 = arith.constant 0 : i32
      %dma_wait3A_1441 = tpu.memref_slice %arg14[%dma_wait3A_1439, %dma_wait3A_1440] : memref<10000x64xf32, #tpu.memory_space<vmem_shared>> -> memref<10000x64xf32, #tpu.memory_space<vmem_shared>>
      tpu.wait_indirect_dma semaphore(%arg20 : memref<!tpu.dma_semaphore, #tpu.memory_space<semaphore_mem>>) src(%arg9 : memref<80x64xf32, #tpu.memory_space<vmem>>) dst(%dma_wait3A_1441 : memref<10000x64xf32, #tpu.memory_space<vmem_shared>>)
      %add3A_1442 = arith.constant 0 : i32
      %add3A_1443 = arith.addi %mul3A_1353, %add3A_1442 : i32
      %add3A_1444 = arith.constant 5 : i32
      %add3A_1445 = arith.addi %add3A_1443, %add3A_1444 : i32
      %lt3A = arith.constant 250 : i32
      %lt3A_1446 = arith.cmpi slt, %add3A_1445, %lt3A : i32
      %convert_element_type3A_1447 = arith.extui %lt3A_1446 : i1 to i32
      %cond3A_1448 = arith.constant 0 : i32
      %cond3A_1449 = arith.cmpi ne, %convert_element_type3A_1447, %cond3A_1448 : i32
      scf.if %cond3A_1449 {
        %add3A_1518 = arith.constant 0 : i32
        %add3A_1519 = arith.addi %mul3A_1353, %add3A_1518 : i32
        %add3A_1520 = arith.constant 5 : i32
        %add3A_1521 = arith.addi %add3A_1519, %add3A_1520 : i32
        %get3A_1522 = arith.index_cast %add3A_1521 : i32 to index
        %get3A_1523 = arith.constant 0 : index
        %get3A_1524 = tpu.vector_load %arg6[%get3A_1522, %get3A_1523] {strides = array<i32>} : memref<250x80xi32, #tpu.memory_space<vmem>>, vector<1x16xi32>,
        %get3A_1525 = vector.shape_cast %get3A_1524 : vector<1x16xi32> to vector<16xi32>
        %mul3A_1526 = arith.constant 2 : i32
        %mul3A_1527 = vector.broadcast %mul3A_1526 : i32 to vector<16xi32>
        %mul3A_1528 = arith.muli %mul3A_1527, %get3A_1525 : vector<16xi32>
        %add3A_1529 = vector.broadcast %arg0 : i32 to vector<16xi32>
        %add3A_1530 = arith.addi %mul3A_1528, %add3A_1529 : vector<16xi32>
        %swap3A_1531 = arith.index_cast %add3A_1521 : i32 to index
        %swap3A_1532 = arith.constant 0 : index
        %swap3A_1533 = tpu.vector_load %arg6[%swap3A_1531, %swap3A_1532] {strides = array<i32>} : memref<250x80xi32, #tpu.memory_space<vmem>>, vector<1x16xi32>,
        %swap3A_1534 = vector.shape_cast %swap3A_1533 : vector<1x16xi32> to vector<16xi32>
        %swap3A_1535 = vector.shape_cast %add3A_1530 : vector<16xi32> to vector<1x16xi32>
        tpu.vector_store %arg6[%swap3A_1531, %swap3A_1532], %swap3A_1535 {strides = array<i32>} : memref<250x80xi32, #tpu.memory_space<vmem>>, vector<1x16xi32>,
        %get3A_1536 = arith.index_cast %add3A_1521 : i32 to index
        %get3A_1537 = arith.constant 16 : index
        %get3A_1538 = tpu.vector_load %arg6[%get3A_1536, %get3A_1537] {strides = array<i32>} : memref<250x80xi32, #tpu.memory_space<vmem>>, vector<1x16xi32>,
        %get3A_1539 = vector.shape_cast %get3A_1538 : vector<1x16xi32> to vector<16xi32>
        %mul3A_1540 = arith.constant 2 : i32
        %mul3A_1541 = vector.broadcast %mul3A_1540 : i32 to vector<16xi32>
        %mul3A_1542 = arith.muli %mul3A_1541, %get3A_1539 : vector<16xi32>
        %add3A_1543 = vector.broadcast %arg0 : i32 to vector<16xi32>
        %add3A_1544 = arith.addi %mul3A_1542, %add3A_1543 : vector<16xi32>
        %swap3A_1545 = arith.index_cast %add3A_1521 : i32 to index
        %swap3A_1546 = arith.constant 16 : index
        %swap3A_1547 = tpu.vector_load %arg6[%swap3A_1545, %swap3A_1546] {strides = array<i32>} : memref<250x80xi32, #tpu.memory_space<vmem>>, vector<1x16xi32>,
        %swap3A_1548 = vector.shape_cast %swap3A_1547 : vector<1x16xi32> to vector<16xi32>
        %swap3A_1549 = vector.shape_cast %add3A_1544 : vector<16xi32> to vector<1x16xi32>
        tpu.vector_store %arg6[%swap3A_1545, %swap3A_1546], %swap3A_1549 {strides = array<i32>} : memref<250x80xi32, #tpu.memory_space<vmem>>, vector<1x16xi32>,
        %get3A_1550 = arith.index_cast %add3A_1521 : i32 to index
        %get3A_1551 = arith.constant 32 : index
        %get3A_1552 = tpu.vector_load %arg6[%get3A_1550, %get3A_1551] {strides = array<i32>} : memref<250x80xi32, #tpu.memory_space<vmem>>, vector<1x16xi32>,
        %get3A_1553 = vector.shape_cast %get3A_1552 : vector<1x16xi32> to vector<16xi32>
        %mul3A_1554 = arith.constant 2 : i32
        %mul3A_1555 = vector.broadcast %mul3A_1554 : i32 to vector<16xi32>
        %mul3A_1556 = arith.muli %mul3A_1555, %get3A_1553 : vector<16xi32>
        %add3A_1557 = vector.broadcast %arg0 : i32 to vector<16xi32>
        %add3A_1558 = arith.addi %mul3A_1556, %add3A_1557 : vector<16xi32>
        %swap3A_1559 = arith.index_cast %add3A_1521 : i32 to index
        %swap3A_1560 = arith.constant 32 : index
        %swap3A_1561 = tpu.vector_load %arg6[%swap3A_1559, %swap3A_1560] {strides = array<i32>} : memref<250x80xi32, #tpu.memory_space<vmem>>, vector<1x16xi32>,
        %swap3A_1562 = vector.shape_cast %swap3A_1561 : vector<1x16xi32> to vector<16xi32>
        %swap3A_1563 = vector.shape_cast %add3A_1558 : vector<16xi32> to vector<1x16xi32>
        tpu.vector_store %arg6[%swap3A_1559, %swap3A_1560], %swap3A_1563 {strides = array<i32>} : memref<250x80xi32, #tpu.memory_space<vmem>>, vector<1x16xi32>,
        %get3A_1564 = arith.index_cast %add3A_1521 : i32 to index
        %get3A_1565 = arith.constant 48 : index
        %get3A_1566 = tpu.vector_load %arg6[%get3A_1564, %get3A_1565] {strides = array<i32>} : memref<250x80xi32, #tpu.memory_space<vmem>>, vector<1x16xi32>,
        %get3A_1567 = vector.shape_cast %get3A_1566 : vector<1x16xi32> to vector<16xi32>
        %mul3A_1568 = arith.constant 2 : i32
        %mul3A_1569 = vector.broadcast %mul3A_1568 : i32 to vector<16xi32>
        %mul3A_1570 = arith.muli %mul3A_1569, %get3A_1567 : vector<16xi32>
        %add3A_1571 = vector.broadcast %arg0 : i32 to vector<16xi32>
        %add3A_1572 = arith.addi %mul3A_1570, %add3A_1571 : vector<16xi32>
        %swap3A_1573 = arith.index_cast %add3A_1521 : i32 to index
        %swap3A_1574 = arith.constant 48 : index
        %swap3A_1575 = tpu.vector_load %arg6[%swap3A_1573, %swap3A_1574] {strides = array<i32>} : memref<250x80xi32, #tpu.memory_space<vmem>>, vector<1x16xi32>,
        %swap3A_1576 = vector.shape_cast %swap3A_1575 : vector<1x16xi32> to vector<16xi32>
        %swap3A_1577 = vector.shape_cast %add3A_1572 : vector<16xi32> to vector<1x16xi32>
        tpu.vector_store %arg6[%swap3A_1573, %swap3A_1574], %swap3A_1577 {strides = array<i32>} : memref<250x80xi32, #tpu.memory_space<vmem>>, vector<1x16xi32>,
        %get3A_1578 = arith.index_cast %add3A_1521 : i32 to index
        %get3A_1579 = arith.constant 64 : index
        %get3A_1580 = tpu.vector_load %arg6[%get3A_1578, %get3A_1579] {strides = array<i32>} : memref<250x80xi32, #tpu.memory_space<vmem>>, vector<1x16xi32>,
        %get3A_1581 = vector.shape_cast %get3A_1580 : vector<1x16xi32> to vector<16xi32>
        %mul3A_1582 = arith.constant 2 : i32
        %mul3A_1583 = vector.broadcast %mul3A_1582 : i32 to vector<16xi32>
        %mul3A_1584 = arith.muli %mul3A_1583, %get3A_1581 : vector<16xi32>
        %add3A_1585 = vector.broadcast %arg0 : i32 to vector<16xi32>
        %add3A_1586 = arith.addi %mul3A_1584, %add3A_1585 : vector<16xi32>
        %swap3A_1587 = arith.index_cast %add3A_1521 : i32 to index
        %swap3A_1588 = arith.constant 64 : index
        %swap3A_1589 = tpu.vector_load %arg6[%swap3A_1587, %swap3A_1588] {strides = array<i32>} : memref<250x80xi32, #tpu.memory_space<vmem>>, vector<1x16xi32>,
        %swap3A_1590 = vector.shape_cast %swap3A_1589 : vector<1x16xi32> to vector<16xi32>
        %swap3A_1591 = vector.shape_cast %add3A_1586 : vector<16xi32> to vector<1x16xi32>
        tpu.vector_store %arg6[%swap3A_1587, %swap3A_1588], %swap3A_1591 {strides = array<i32>} : memref<250x80xi32, #tpu.memory_space<vmem>>, vector<1x16xi32>,
        %add3A_1592 = arith.constant 0 : i32
        %add3A_1593 = arith.addi %mul3A_1353, %add3A_1592 : i32
        %add3A_1594 = arith.constant 5 : i32
        %add3A_1595 = arith.addi %add3A_1593, %add3A_1594 : i32
        %dma_start3A_1596 = arith.constant 0 : i32
        %dma_start3A_1597 = tpu.memref_slice %arg6[%add3A_1595, %dma_start3A_1596] : memref<250x80xi32, #tpu.memory_space<vmem>> -> memref<1x80xi32, #tpu.memory_space<vmem>>
        %dma_start3A_1598 = tpu.memref_squeeze %dma_start3A_1597 : memref<1x80xi32, #tpu.memory_space<vmem>> -> memref<80xi32, #tpu.memory_space<vmem>>
        %dma_start3A_1599 = arith.constant 0 : i32
        %dma_start3A_1600 = arith.constant 0 : i32
        %dma_start3A_1601 = tpu.memref_slice %arg2[%dma_start3A_1599, %dma_start3A_1600] : memref<20000x64xf32, #tpu.memory_space<hbm>> -> memref<20000x64xf32, #tpu.memory_space<hbm>>
        tpu.enqueue_indirect_dma source(%dma_start3A_1601 : memref<20000x64xf32, #tpu.memory_space<hbm>>) target(%arg9 : memref<80x64xf32, #tpu.memory_space<vmem>>) offsets(%dma_start3A_1598 : memref<80xi32, #tpu.memory_space<vmem>>) semaphore(%arg15 : memref<!tpu.dma_semaphore, #tpu.memory_space<semaphore_mem>>)
      } else {
      }
      %add3A_1450 = arith.constant 1 : i32
      %add3A_1451 = arith.addi %mul3A_1353, %add3A_1450 : i32
      %dma_wait3A_1452 = arith.constant 0 : i32
      %dma_wait3A_1453 = tpu.memref_slice %arg7[%add3A_1451, %dma_wait3A_1452] : memref<250x80xi32, #tpu.memory_space<vmem>> -> memref<1x80xi32, #tpu.memory_space<vmem>>
      %dma_wait3A_1454 = tpu.memref_squeeze %dma_wait3A_1453 : memref<1x80xi32, #tpu.memory_space<vmem>> -> memref<80xi32, #tpu.memory_space<vmem>>
      %dma_wait3A_1455 = arith.constant 0 : i32
      %dma_wait3A_1456 = arith.constant 0 : i32
      %dma_wait3A_1457 = tpu.memref_slice %arg14[%dma_wait3A_1455, %dma_wait3A_1456] : memref<10000x64xf32, #tpu.memory_space<vmem_shared>> -> memref<10000x64xf32, #tpu.memory_space<vmem_shared>>
      tpu.wait_indirect_dma semaphore(%arg21 : memref<!tpu.dma_semaphore, #tpu.memory_space<semaphore_mem>>) src(%arg10 : memref<80x64xf32, #tpu.memory_space<vmem>>) dst(%dma_wait3A_1457 : memref<10000x64xf32, #tpu.memory_space<vmem_shared>>)
      %add3A_1458 = arith.constant 1 : i32
      %add3A_1459 = arith.addi %mul3A_1353, %add3A_1458 : i32
      %add3A_1460 = arith.constant 5 : i32
      %add3A_1461 = arith.addi %add3A_1459, %add3A_1460 : i32
      %lt3A_1462 = arith.constant 250 : i32
      %lt3A_1463 = arith.cmpi slt, %add3A_1461, %lt3A_1462 : i32
      %convert_element_type3A_1464 = arith.extui %lt3A_1463 : i1 to i32
      %cond3A_1465 = arith.constant 0 : i32
      %cond3A_1466 = arith.cmpi ne, %convert_element_type3A_1464, %cond3A_1465 : i32
      scf.if %cond3A_1466 {
        %add3A_1518 = arith.constant 1 : i32
        %add3A_1519 = arith.addi %mul3A_1353, %add3A_1518 : i32
        %add3A_1520 = arith.constant 5 : i32
        %add3A_1521 = arith.addi %add3A_1519, %add3A_1520 : i32
        %get3A_1522 = arith.index_cast %add3A_1521 : i32 to index
        %get3A_1523 = arith.constant 0 : index
        %get3A_1524 = tpu.vector_load %arg6[%get3A_1522, %get3A_1523] {strides = array<i32>} : memref<250x80xi32, #tpu.memory_space<vmem>>, vector<1x16xi32>,
        %get3A_1525 = vector.shape_cast %get3A_1524 : vector<1x16xi32> to vector<16xi32>
        %mul3A_1526 = arith.constant 2 : i32
        %mul3A_1527 = vector.broadcast %mul3A_1526 : i32 to vector<16xi32>
        %mul3A_1528 = arith.muli %mul3A_1527, %get3A_1525 : vector<16xi32>
        %add3A_1529 = vector.broadcast %arg0 : i32 to vector<16xi32>
        %add3A_1530 = arith.addi %mul3A_1528, %add3A_1529 : vector<16xi32>
        %swap3A_1531 = arith.index_cast %add3A_1521 : i32 to index
        %swap3A_1532 = arith.constant 0 : index
        %swap3A_1533 = tpu.vector_load %arg6[%swap3A_1531, %swap3A_1532] {strides = array<i32>} : memref<250x80xi32, #tpu.memory_space<vmem>>, vector<1x16xi32>,
        %swap3A_1534 = vector.shape_cast %swap3A_1533 : vector<1x16xi32> to vector<16xi32>
        %swap3A_1535 = vector.shape_cast %add3A_1530 : vector<16xi32> to vector<1x16xi32>
        tpu.vector_store %arg6[%swap3A_1531, %swap3A_1532], %swap3A_1535 {strides = array<i32>} : memref<250x80xi32, #tpu.memory_space<vmem>>, vector<1x16xi32>,
        %get3A_1536 = arith.index_cast %add3A_1521 : i32 to index
        %get3A_1537 = arith.constant 16 : index
        %get3A_1538 = tpu.vector_load %arg6[%get3A_1536, %get3A_1537] {strides = array<i32>} : memref<250x80xi32, #tpu.memory_space<vmem>>, vector<1x16xi32>,
        %get3A_1539 = vector.shape_cast %get3A_1538 : vector<1x16xi32> to vector<16xi32>
        %mul3A_1540 = arith.constant 2 : i32
        %mul3A_1541 = vector.broadcast %mul3A_1540 : i32 to vector<16xi32>
        %mul3A_1542 = arith.muli %mul3A_1541, %get3A_1539 : vector<16xi32>
        %add3A_1543 = vector.broadcast %arg0 : i32 to vector<16xi32>
        %add3A_1544 = arith.addi %mul3A_1542, %add3A_1543 : vector<16xi32>
        %swap3A_1545 = arith.index_cast %add3A_1521 : i32 to index
        %swap3A_1546 = arith.constant 16 : index
        %swap3A_1547 = tpu.vector_load %arg6[%swap3A_1545, %swap3A_1546] {strides = array<i32>} : memref<250x80xi32, #tpu.memory_space<vmem>>, vector<1x16xi32>,
        %swap3A_1548 = vector.shape_cast %swap3A_1547 : vector<1x16xi32> to vector<16xi32>
        %swap3A_1549 = vector.shape_cast %add3A_1544 : vector<16xi32> to vector<1x16xi32>
        tpu.vector_store %arg6[%swap3A_1545, %swap3A_1546], %swap3A_1549 {strides = array<i32>} : memref<250x80xi32, #tpu.memory_space<vmem>>, vector<1x16xi32>,
        %get3A_1550 = arith.index_cast %add3A_1521 : i32 to index
        %get3A_1551 = arith.constant 32 : index
        %get3A_1552 = tpu.vector_load %arg6[%get3A_1550, %get3A_1551] {strides = array<i32>} : memref<250x80xi32, #tpu.memory_space<vmem>>, vector<1x16xi32>,
        %get3A_1553 = vector.shape_cast %get3A_1552 : vector<1x16xi32> to vector<16xi32>
        %mul3A_1554 = arith.constant 2 : i32
        %mul3A_1555 = vector.broadcast %mul3A_1554 : i32 to vector<16xi32>
        %mul3A_1556 = arith.muli %mul3A_1555, %get3A_1553 : vector<16xi32>
        %add3A_1557 = vector.broadcast %arg0 : i32 to vector<16xi32>
        %add3A_1558 = arith.addi %mul3A_1556, %add3A_1557 : vector<16xi32>
        %swap3A_1559 = arith.index_cast %add3A_1521 : i32 to index
        %swap3A_1560 = arith.constant 32 : index
        %swap3A_1561 = tpu.vector_load %arg6[%swap3A_1559, %swap3A_1560] {strides = array<i32>} : memref<250x80xi32, #tpu.memory_space<vmem>>, vector<1x16xi32>,
        %swap3A_1562 = vector.shape_cast %swap3A_1561 : vector<1x16xi32> to vector<16xi32>
        %swap3A_1563 = vector.shape_cast %add3A_1558 : vector<16xi32> to vector<1x16xi32>
        tpu.vector_store %arg6[%swap3A_1559, %swap3A_1560], %swap3A_1563 {strides = array<i32>} : memref<250x80xi32, #tpu.memory_space<vmem>>, vector<1x16xi32>,
        %get3A_1564 = arith.index_cast %add3A_1521 : i32 to index
        %get3A_1565 = arith.constant 48 : index
        %get3A_1566 = tpu.vector_load %arg6[%get3A_1564, %get3A_1565] {strides = array<i32>} : memref<250x80xi32, #tpu.memory_space<vmem>>, vector<1x16xi32>,
        %get3A_1567 = vector.shape_cast %get3A_1566 : vector<1x16xi32> to vector<16xi32>
        %mul3A_1568 = arith.constant 2 : i32
        %mul3A_1569 = vector.broadcast %mul3A_1568 : i32 to vector<16xi32>
        %mul3A_1570 = arith.muli %mul3A_1569, %get3A_1567 : vector<16xi32>
        %add3A_1571 = vector.broadcast %arg0 : i32 to vector<16xi32>
        %add3A_1572 = arith.addi %mul3A_1570, %add3A_1571 : vector<16xi32>
        %swap3A_1573 = arith.index_cast %add3A_1521 : i32 to index
        %swap3A_1574 = arith.constant 48 : index
        %swap3A_1575 = tpu.vector_load %arg6[%swap3A_1573, %swap3A_1574] {strides = array<i32>} : memref<250x80xi32, #tpu.memory_space<vmem>>, vector<1x16xi32>,
        %swap3A_1576 = vector.shape_cast %swap3A_1575 : vector<1x16xi32> to vector<16xi32>
        %swap3A_1577 = vector.shape_cast %add3A_1572 : vector<16xi32> to vector<1x16xi32>
        tpu.vector_store %arg6[%swap3A_1573, %swap3A_1574], %swap3A_1577 {strides = array<i32>} : memref<250x80xi32, #tpu.memory_space<vmem>>, vector<1x16xi32>,
        %get3A_1578 = arith.index_cast %add3A_1521 : i32 to index
        %get3A_1579 = arith.constant 64 : index
        %get3A_1580 = tpu.vector_load %arg6[%get3A_1578, %get3A_1579] {strides = array<i32>} : memref<250x80xi32, #tpu.memory_space<vmem>>, vector<1x16xi32>,
        %get3A_1581 = vector.shape_cast %get3A_1580 : vector<1x16xi32> to vector<16xi32>
        %mul3A_1582 = arith.constant 2 : i32
        %mul3A_1583 = vector.broadcast %mul3A_1582 : i32 to vector<16xi32>
        %mul3A_1584 = arith.muli %mul3A_1583, %get3A_1581 : vector<16xi32>
        %add3A_1585 = vector.broadcast %arg0 : i32 to vector<16xi32>
        %add3A_1586 = arith.addi %mul3A_1584, %add3A_1585 : vector<16xi32>
        %swap3A_1587 = arith.index_cast %add3A_1521 : i32 to index
        %swap3A_1588 = arith.constant 64 : index
        %swap3A_1589 = tpu.vector_load %arg6[%swap3A_1587, %swap3A_1588] {strides = array<i32>} : memref<250x80xi32, #tpu.memory_space<vmem>>, vector<1x16xi32>,
        %swap3A_1590 = vector.shape_cast %swap3A_1589 : vector<1x16xi32> to vector<16xi32>
        %swap3A_1591 = vector.shape_cast %add3A_1586 : vector<16xi32> to vector<1x16xi32>
        tpu.vector_store %arg6[%swap3A_1587, %swap3A_1588], %swap3A_1591 {strides = array<i32>} : memref<250x80xi32, #tpu.memory_space<vmem>>, vector<1x16xi32>,
        %add3A_1592 = arith.constant 1 : i32
        %add3A_1593 = arith.addi %mul3A_1353, %add3A_1592 : i32
        %add3A_1594 = arith.constant 5 : i32
        %add3A_1595 = arith.addi %add3A_1593, %add3A_1594 : i32
        %dma_start3A_1596 = arith.constant 0 : i32
        %dma_start3A_1597 = tpu.memref_slice %arg6[%add3A_1595, %dma_start3A_1596] : memref<250x80xi32, #tpu.memory_space<vmem>> -> memref<1x80xi32, #tpu.memory_space<vmem>>
        %dma_start3A_1598 = tpu.memref_squeeze %dma_start3A_1597 : memref<1x80xi32, #tpu.memory_space<vmem>> -> memref<80xi32, #tpu.memory_space<vmem>>
        %dma_start3A_1599 = arith.constant 0 : i32
        %dma_start3A_1600 = arith.constant 0 : i32
        %dma_start3A_1601 = tpu.memref_slice %arg2[%dma_start3A_1599, %dma_start3A_1600] : memref<20000x64xf32, #tpu.memory_space<hbm>> -> memref<20000x64xf32, #tpu.memory_space<hbm>>
        tpu.enqueue_indirect_dma source(%dma_start3A_1601 : memref<20000x64xf32, #tpu.memory_space<hbm>>) target(%arg10 : memref<80x64xf32, #tpu.memory_space<vmem>>) offsets(%dma_start3A_1598 : memref<80xi32, #tpu.memory_space<vmem>>) semaphore(%arg16 : memref<!tpu.dma_semaphore, #tpu.memory_space<semaphore_mem>>)
      } else {
      }
      %add3A_1467 = arith.constant 2 : i32
      %add3A_1468 = arith.addi %mul3A_1353, %add3A_1467 : i32
      %dma_wait3A_1469 = arith.constant 0 : i32
      %dma_wait3A_1470 = tpu.memref_slice %arg7[%add3A_1468, %dma_wait3A_1469] : memref<250x80xi32, #tpu.memory_space<vmem>> -> memref<1x80xi32, #tpu.memory_space<vmem>>
      %dma_wait3A_1471 = tpu.memref_squeeze %dma_wait3A_1470 : memref<1x80xi32, #tpu.memory_space<vmem>> -> memref<80xi32, #tpu.memory_space<vmem>>
      %dma_wait3A_1472 = arith.constant 0 : i32
      %dma_wait3A_1473 = arith.constant 0 : i32
      %dma_wait3A_1474 = tpu.memref_slice %arg14[%dma_wait3A_1472, %dma_wait3A_1473] : memref<10000x64xf32, #tpu.memory_space<vmem_shared>> -> memref<10000x64xf32, #tpu.memory_space<vmem_shared>>
      tpu.wait_indirect_dma semaphore(%arg22 : memref<!tpu.dma_semaphore, #tpu.memory_space<semaphore_mem>>) src(%arg11 : memref<80x64xf32, #tpu.memory_space<vmem>>) dst(%dma_wait3A_1474 : memref<10000x64xf32, #tpu.memory_space<vmem_shared>>)
      %add3A_1475 = arith.constant 2 : i32
      %add3A_1476 = arith.addi %mul3A_1353, %add3A_1475 : i32
      %add3A_1477 = arith.constant 5 : i32
      %add3A_1478 = arith.addi %add3A_1476, %add3A_1477 : i32
      %lt3A_1479 = arith.constant 250 : i32
      %lt3A_1480 = arith.cmpi slt, %add3A_1478, %lt3A_1479 : i32
      %convert_element_type3A_1481 = arith.extui %lt3A_1480 : i1 to i32
      %cond3A_1482 = arith.constant 0 : i32
      %cond3A_1483 = arith.cmpi ne, %convert_element_type3A_1481, %cond3A_1482 : i32
      scf.if %cond3A_1483 {
        %add3A_1518 = arith.constant 2 : i32
        %add3A_1519 = arith.addi %mul3A_1353, %add3A_1518 : i32
        %add3A_1520 = arith.constant 5 : i32
        %add3A_1521 = arith.addi %add3A_1519, %add3A_1520 : i32
        %get3A_1522 = arith.index_cast %add3A_1521 : i32 to index
        %get3A_1523 = arith.constant 0 : index
        %get3A_1524 = tpu.vector_load %arg6[%get3A_1522, %get3A_1523] {strides = array<i32>} : memref<250x80xi32, #tpu.memory_space<vmem>>, vector<1x16xi32>,
        %get3A_1525 = vector.shape_cast %get3A_1524 : vector<1x16xi32> to vector<16xi32>
        %mul3A_1526 = arith.constant 2 : i32
        %mul3A_1527 = vector.broadcast %mul3A_1526 : i32 to vector<16xi32>
        %mul3A_1528 = arith.muli %mul3A_1527, %get3A_1525 : vector<16xi32>
        %add3A_1529 = vector.broadcast %arg0 : i32 to vector<16xi32>
        %add3A_1530 = arith.addi %mul3A_1528, %add3A_1529 : vector<16xi32>
        %swap3A_1531 = arith.index_cast %add3A_1521 : i32 to index
        %swap3A_1532 = arith.constant 0 : index
        %swap3A_1533 = tpu.vector_load %arg6[%swap3A_1531, %swap3A_1532] {strides = array<i32>} : memref<250x80xi32, #tpu.memory_space<vmem>>, vector<1x16xi32>,
        %swap3A_1534 = vector.shape_cast %swap3A_1533 : vector<1x16xi32> to vector<16xi32>
        %swap3A_1535 = vector.shape_cast %add3A_1530 : vector<16xi32> to vector<1x16xi32>
        tpu.vector_store %arg6[%swap3A_1531, %swap3A_1532], %swap3A_1535 {strides = array<i32>} : memref<250x80xi32, #tpu.memory_space<vmem>>, vector<1x16xi32>,
        %get3A_1536 = arith.index_cast %add3A_1521 : i32 to index
        %get3A_1537 = arith.constant 16 : index
        %get3A_1538 = tpu.vector_load %arg6[%get3A_1536, %get3A_1537] {strides = array<i32>} : memref<250x80xi32, #tpu.memory_space<vmem>>, vector<1x16xi32>,
        %get3A_1539 = vector.shape_cast %get3A_1538 : vector<1x16xi32> to vector<16xi32>
        %mul3A_1540 = arith.constant 2 : i32
        %mul3A_1541 = vector.broadcast %mul3A_1540 : i32 to vector<16xi32>
        %mul3A_1542 = arith.muli %mul3A_1541, %get3A_1539 : vector<16xi32>
        %add3A_1543 = vector.broadcast %arg0 : i32 to vector<16xi32>
        %add3A_1544 = arith.addi %mul3A_1542, %add3A_1543 : vector<16xi32>
        %swap3A_1545 = arith.index_cast %add3A_1521 : i32 to index
        %swap3A_1546 = arith.constant 16 : index
        %swap3A_1547 = tpu.vector_load %arg6[%swap3A_1545, %swap3A_1546] {strides = array<i32>} : memref<250x80xi32, #tpu.memory_space<vmem>>, vector<1x16xi32>,
        %swap3A_1548 = vector.shape_cast %swap3A_1547 : vector<1x16xi32> to vector<16xi32>
        %swap3A_1549 = vector.shape_cast %add3A_1544 : vector<16xi32> to vector<1x16xi32>
        tpu.vector_store %arg6[%swap3A_1545, %swap3A_1546], %swap3A_1549 {strides = array<i32>} : memref<250x80xi32, #tpu.memory_space<vmem>>, vector<1x16xi32>,
        %get3A_1550 = arith.index_cast %add3A_1521 : i32 to index
        %get3A_1551 = arith.constant 32 : index
        %get3A_1552 = tpu.vector_load %arg6[%get3A_1550, %get3A_1551] {strides = array<i32>} : memref<250x80xi32, #tpu.memory_space<vmem>>, vector<1x16xi32>,
        %get3A_1553 = vector.shape_cast %get3A_1552 : vector<1x16xi32> to vector<16xi32>
        %mul3A_1554 = arith.constant 2 : i32
        %mul3A_1555 = vector.broadcast %mul3A_1554 : i32 to vector<16xi32>
        %mul3A_1556 = arith.muli %mul3A_1555, %get3A_1553 : vector<16xi32>
        %add3A_1557 = vector.broadcast %arg0 : i32 to vector<16xi32>
        %add3A_1558 = arith.addi %mul3A_1556, %add3A_1557 : vector<16xi32>
        %swap3A_1559 = arith.index_cast %add3A_1521 : i32 to index
        %swap3A_1560 = arith.constant 32 : index
        %swap3A_1561 = tpu.vector_load %arg6[%swap3A_1559, %swap3A_1560] {strides = array<i32>} : memref<250x80xi32, #tpu.memory_space<vmem>>, vector<1x16xi32>,
        %swap3A_1562 = vector.shape_cast %swap3A_1561 : vector<1x16xi32> to vector<16xi32>
        %swap3A_1563 = vector.shape_cast %add3A_1558 : vector<16xi32> to vector<1x16xi32>
        tpu.vector_store %arg6[%swap3A_1559, %swap3A_1560], %swap3A_1563 {strides = array<i32>} : memref<250x80xi32, #tpu.memory_space<vmem>>, vector<1x16xi32>,
        %get3A_1564 = arith.index_cast %add3A_1521 : i32 to index
        %get3A_1565 = arith.constant 48 : index
        %get3A_1566 = tpu.vector_load %arg6[%get3A_1564, %get3A_1565] {strides = array<i32>} : memref<250x80xi32, #tpu.memory_space<vmem>>, vector<1x16xi32>,
        %get3A_1567 = vector.shape_cast %get3A_1566 : vector<1x16xi32> to vector<16xi32>
        %mul3A_1568 = arith.constant 2 : i32
        %mul3A_1569 = vector.broadcast %mul3A_1568 : i32 to vector<16xi32>
        %mul3A_1570 = arith.muli %mul3A_1569, %get3A_1567 : vector<16xi32>
        %add3A_1571 = vector.broadcast %arg0 : i32 to vector<16xi32>
        %add3A_1572 = arith.addi %mul3A_1570, %add3A_1571 : vector<16xi32>
        %swap3A_1573 = arith.index_cast %add3A_1521 : i32 to index
        %swap3A_1574 = arith.constant 48 : index
        %swap3A_1575 = tpu.vector_load %arg6[%swap3A_1573, %swap3A_1574] {strides = array<i32>} : memref<250x80xi32, #tpu.memory_space<vmem>>, vector<1x16xi32>,
        %swap3A_1576 = vector.shape_cast %swap3A_1575 : vector<1x16xi32> to vector<16xi32>
        %swap3A_1577 = vector.shape_cast %add3A_1572 : vector<16xi32> to vector<1x16xi32>
        tpu.vector_store %arg6[%swap3A_1573, %swap3A_1574], %swap3A_1577 {strides = array<i32>} : memref<250x80xi32, #tpu.memory_space<vmem>>, vector<1x16xi32>,
        %get3A_1578 = arith.index_cast %add3A_1521 : i32 to index
        %get3A_1579 = arith.constant 64 : index
        %get3A_1580 = tpu.vector_load %arg6[%get3A_1578, %get3A_1579] {strides = array<i32>} : memref<250x80xi32, #tpu.memory_space<vmem>>, vector<1x16xi32>,
        %get3A_1581 = vector.shape_cast %get3A_1580 : vector<1x16xi32> to vector<16xi32>
        %mul3A_1582 = arith.constant 2 : i32
        %mul3A_1583 = vector.broadcast %mul3A_1582 : i32 to vector<16xi32>
        %mul3A_1584 = arith.muli %mul3A_1583, %get3A_1581 : vector<16xi32>
        %add3A_1585 = vector.broadcast %arg0 : i32 to vector<16xi32>
        %add3A_1586 = arith.addi %mul3A_1584, %add3A_1585 : vector<16xi32>
        %swap3A_1587 = arith.index_cast %add3A_1521 : i32 to index
        %swap3A_1588 = arith.constant 64 : index
        %swap3A_1589 = tpu.vector_load %arg6[%swap3A_1587, %swap3A_1588] {strides = array<i32>} : memref<250x80xi32, #tpu.memory_space<vmem>>, vector<1x16xi32>,
        %swap3A_1590 = vector.shape_cast %swap3A_1589 : vector<1x16xi32> to vector<16xi32>
        %swap3A_1591 = vector.shape_cast %add3A_1586 : vector<16xi32> to vector<1x16xi32>
        tpu.vector_store %arg6[%swap3A_1587, %swap3A_1588], %swap3A_1591 {strides = array<i32>} : memref<250x80xi32, #tpu.memory_space<vmem>>, vector<1x16xi32>,
        %add3A_1592 = arith.constant 2 : i32
        %add3A_1593 = arith.addi %mul3A_1353, %add3A_1592 : i32
        %add3A_1594 = arith.constant 5 : i32
        %add3A_1595 = arith.addi %add3A_1593, %add3A_1594 : i32
        %dma_start3A_1596 = arith.constant 0 : i32
        %dma_start3A_1597 = tpu.memref_slice %arg6[%add3A_1595, %dma_start3A_1596] : memref<250x80xi32, #tpu.memory_space<vmem>> -> memref<1x80xi32, #tpu.memory_space<vmem>>
        %dma_start3A_1598 = tpu.memref_squeeze %dma_start3A_1597 : memref<1x80xi32, #tpu.memory_space<vmem>> -> memref<80xi32, #tpu.memory_space<vmem>>
        %dma_start3A_1599 = arith.constant 0 : i32
        %dma_start3A_1600 = arith.constant 0 : i32
        %dma_start3A_1601 = tpu.memref_slice %arg2[%dma_start3A_1599, %dma_start3A_1600] : memref<20000x64xf32, #tpu.memory_space<hbm>> -> memref<20000x64xf32, #tpu.memory_space<hbm>>
        tpu.enqueue_indirect_dma source(%dma_start3A_1601 : memref<20000x64xf32, #tpu.memory_space<hbm>>) target(%arg11 : memref<80x64xf32, #tpu.memory_space<vmem>>) offsets(%dma_start3A_1598 : memref<80xi32, #tpu.memory_space<vmem>>) semaphore(%arg17 : memref<!tpu.dma_semaphore, #tpu.memory_space<semaphore_mem>>)
      } else {
      }
      %add3A_1484 = arith.constant 3 : i32
      %add3A_1485 = arith.addi %mul3A_1353, %add3A_1484 : i32
      %dma_wait3A_1486 = arith.constant 0 : i32
      %dma_wait3A_1487 = tpu.memref_slice %arg7[%add3A_1485, %dma_wait3A_1486] : memref<250x80xi32, #tpu.memory_space<vmem>> -> memref<1x80xi32, #tpu.memory_space<vmem>>
      %dma_wait3A_1488 = tpu.memref_squeeze %dma_wait3A_1487 : memref<1x80xi32, #tpu.memory_space<vmem>> -> memref<80xi32, #tpu.memory_space<vmem>>
      %dma_wait3A_1489 = arith.constant 0 : i32
      %dma_wait3A_1490 = arith.constant 0 : i32
      %dma_wait3A_1491 = tpu.memref_slice %arg14[%dma_wait3A_1489, %dma_wait3A_1490] : memref<10000x64xf32, #tpu.memory_space<vmem_shared>> -> memref<10000x64xf32, #tpu.memory_space<vmem_shared>>
      tpu.wait_indirect_dma semaphore(%arg23 : memref<!tpu.dma_semaphore, #tpu.memory_space<semaphore_mem>>) src(%arg12 : memref<80x64xf32, #tpu.memory_space<vmem>>) dst(%dma_wait3A_1491 : memref<10000x64xf32, #tpu.memory_space<vmem_shared>>)
      %add3A_1492 = arith.constant 3 : i32
      %add3A_1493 = arith.addi %mul3A_1353, %add3A_1492 : i32
      %add3A_1494 = arith.constant 5 : i32
      %add3A_1495 = arith.addi %add3A_1493, %add3A_1494 : i32
      %lt3A_1496 = arith.constant 250 : i32
      %lt3A_1497 = arith.cmpi slt, %add3A_1495, %lt3A_1496 : i32
      %convert_element_type3A_1498 = arith.extui %lt3A_1497 : i1 to i32
      %cond3A_1499 = arith.constant 0 : i32
      %cond3A_1500 = arith.cmpi ne, %convert_element_type3A_1498, %cond3A_1499 : i32
      scf.if %cond3A_1500 {
        %add3A_1518 = arith.constant 3 : i32
        %add3A_1519 = arith.addi %mul3A_1353, %add3A_1518 : i32
        %add3A_1520 = arith.constant 5 : i32
        %add3A_1521 = arith.addi %add3A_1519, %add3A_1520 : i32
        %get3A_1522 = arith.index_cast %add3A_1521 : i32 to index
        %get3A_1523 = arith.constant 0 : index
        %get3A_1524 = tpu.vector_load %arg6[%get3A_1522, %get3A_1523] {strides = array<i32>} : memref<250x80xi32, #tpu.memory_space<vmem>>, vector<1x16xi32>,
        %get3A_1525 = vector.shape_cast %get3A_1524 : vector<1x16xi32> to vector<16xi32>
        %mul3A_1526 = arith.constant 2 : i32
        %mul3A_1527 = vector.broadcast %mul3A_1526 : i32 to vector<16xi32>
        %mul3A_1528 = arith.muli %mul3A_1527, %get3A_1525 : vector<16xi32>
        %add3A_1529 = vector.broadcast %arg0 : i32 to vector<16xi32>
        %add3A_1530 = arith.addi %mul3A_1528, %add3A_1529 : vector<16xi32>
        %swap3A_1531 = arith.index_cast %add3A_1521 : i32 to index
        %swap3A_1532 = arith.constant 0 : index
        %swap3A_1533 = tpu.vector_load %arg6[%swap3A_1531, %swap3A_1532] {strides = array<i32>} : memref<250x80xi32, #tpu.memory_space<vmem>>, vector<1x16xi32>,
        %swap3A_1534 = vector.shape_cast %swap3A_1533 : vector<1x16xi32> to vector<16xi32>
        %swap3A_1535 = vector.shape_cast %add3A_1530 : vector<16xi32> to vector<1x16xi32>
        tpu.vector_store %arg6[%swap3A_1531, %swap3A_1532], %swap3A_1535 {strides = array<i32>} : memref<250x80xi32, #tpu.memory_space<vmem>>, vector<1x16xi32>,
        %get3A_1536 = arith.index_cast %add3A_1521 : i32 to index
        %get3A_1537 = arith.constant 16 : index
        %get3A_1538 = tpu.vector_load %arg6[%get3A_1536, %get3A_1537] {strides = array<i32>} : memref<250x80xi32, #tpu.memory_space<vmem>>, vector<1x16xi32>,
        %get3A_1539 = vector.shape_cast %get3A_1538 : vector<1x16xi32> to vector<16xi32>
        %mul3A_1540 = arith.constant 2 : i32
        %mul3A_1541 = vector.broadcast %mul3A_1540 : i32 to vector<16xi32>
        %mul3A_1542 = arith.muli %mul3A_1541, %get3A_1539 : vector<16xi32>
        %add3A_1543 = vector.broadcast %arg0 : i32 to vector<16xi32>
        %add3A_1544 = arith.addi %mul3A_1542, %add3A_1543 : vector<16xi32>
        %swap3A_1545 = arith.index_cast %add3A_1521 : i32 to index
        %swap3A_1546 = arith.constant 16 : index
        %swap3A_1547 = tpu.vector_load %arg6[%swap3A_1545, %swap3A_1546] {strides = array<i32>} : memref<250x80xi32, #tpu.memory_space<vmem>>, vector<1x16xi32>,
        %swap3A_1548 = vector.shape_cast %swap3A_1547 : vector<1x16xi32> to vector<16xi32>
        %swap3A_1549 = vector.shape_cast %add3A_1544 : vector<16xi32> to vector<1x16xi32>
        tpu.vector_store %arg6[%swap3A_1545, %swap3A_1546], %swap3A_1549 {strides = array<i32>} : memref<250x80xi32, #tpu.memory_space<vmem>>, vector<1x16xi32>,
        %get3A_1550 = arith.index_cast %add3A_1521 : i32 to index
        %get3A_1551 = arith.constant 32 : index
        %get3A_1552 = tpu.vector_load %arg6[%get3A_1550, %get3A_1551] {strides = array<i32>} : memref<250x80xi32, #tpu.memory_space<vmem>>, vector<1x16xi32>,
        %get3A_1553 = vector.shape_cast %get3A_1552 : vector<1x16xi32> to vector<16xi32>
        %mul3A_1554 = arith.constant 2 : i32
        %mul3A_1555 = vector.broadcast %mul3A_1554 : i32 to vector<16xi32>
        %mul3A_1556 = arith.muli %mul3A_1555, %get3A_1553 : vector<16xi32>
        %add3A_1557 = vector.broadcast %arg0 : i32 to vector<16xi32>
        %add3A_1558 = arith.addi %mul3A_1556, %add3A_1557 : vector<16xi32>
        %swap3A_1559 = arith.index_cast %add3A_1521 : i32 to index
        %swap3A_1560 = arith.constant 32 : index
        %swap3A_1561 = tpu.vector_load %arg6[%swap3A_1559, %swap3A_1560] {strides = array<i32>} : memref<250x80xi32, #tpu.memory_space<vmem>>, vector<1x16xi32>,
        %swap3A_1562 = vector.shape_cast %swap3A_1561 : vector<1x16xi32> to vector<16xi32>
        %swap3A_1563 = vector.shape_cast %add3A_1558 : vector<16xi32> to vector<1x16xi32>
        tpu.vector_store %arg6[%swap3A_1559, %swap3A_1560], %swap3A_1563 {strides = array<i32>} : memref<250x80xi32, #tpu.memory_space<vmem>>, vector<1x16xi32>,
        %get3A_1564 = arith.index_cast %add3A_1521 : i32 to index
        %get3A_1565 = arith.constant 48 : index
        %get3A_1566 = tpu.vector_load %arg6[%get3A_1564, %get3A_1565] {strides = array<i32>} : memref<250x80xi32, #tpu.memory_space<vmem>>, vector<1x16xi32>,
        %get3A_1567 = vector.shape_cast %get3A_1566 : vector<1x16xi32> to vector<16xi32>
        %mul3A_1568 = arith.constant 2 : i32
        %mul3A_1569 = vector.broadcast %mul3A_1568 : i32 to vector<16xi32>
        %mul3A_1570 = arith.muli %mul3A_1569, %get3A_1567 : vector<16xi32>
        %add3A_1571 = vector.broadcast %arg0 : i32 to vector<16xi32>
        %add3A_1572 = arith.addi %mul3A_1570, %add3A_1571 : vector<16xi32>
        %swap3A_1573 = arith.index_cast %add3A_1521 : i32 to index
        %swap3A_1574 = arith.constant 48 : index
        %swap3A_1575 = tpu.vector_load %arg6[%swap3A_1573, %swap3A_1574] {strides = array<i32>} : memref<250x80xi32, #tpu.memory_space<vmem>>, vector<1x16xi32>,
        %swap3A_1576 = vector.shape_cast %swap3A_1575 : vector<1x16xi32> to vector<16xi32>
        %swap3A_1577 = vector.shape_cast %add3A_1572 : vector<16xi32> to vector<1x16xi32>
        tpu.vector_store %arg6[%swap3A_1573, %swap3A_1574], %swap3A_1577 {strides = array<i32>} : memref<250x80xi32, #tpu.memory_space<vmem>>, vector<1x16xi32>,
        %get3A_1578 = arith.index_cast %add3A_1521 : i32 to index
        %get3A_1579 = arith.constant 64 : index
        %get3A_1580 = tpu.vector_load %arg6[%get3A_1578, %get3A_1579] {strides = array<i32>} : memref<250x80xi32, #tpu.memory_space<vmem>>, vector<1x16xi32>,
        %get3A_1581 = vector.shape_cast %get3A_1580 : vector<1x16xi32> to vector<16xi32>
        %mul3A_1582 = arith.constant 2 : i32
        %mul3A_1583 = vector.broadcast %mul3A_1582 : i32 to vector<16xi32>
        %mul3A_1584 = arith.muli %mul3A_1583, %get3A_1581 : vector<16xi32>
        %add3A_1585 = vector.broadcast %arg0 : i32 to vector<16xi32>
        %add3A_1586 = arith.addi %mul3A_1584, %add3A_1585 : vector<16xi32>
        %swap3A_1587 = arith.index_cast %add3A_1521 : i32 to index
        %swap3A_1588 = arith.constant 64 : index
        %swap3A_1589 = tpu.vector_load %arg6[%swap3A_1587, %swap3A_1588] {strides = array<i32>} : memref<250x80xi32, #tpu.memory_space<vmem>>, vector<1x16xi32>,
        %swap3A_1590 = vector.shape_cast %swap3A_1589 : vector<1x16xi32> to vector<16xi32>
        %swap3A_1591 = vector.shape_cast %add3A_1586 : vector<16xi32> to vector<1x16xi32>
        tpu.vector_store %arg6[%swap3A_1587, %swap3A_1588], %swap3A_1591 {strides = array<i32>} : memref<250x80xi32, #tpu.memory_space<vmem>>, vector<1x16xi32>,
        %add3A_1592 = arith.constant 3 : i32
        %add3A_1593 = arith.addi %mul3A_1353, %add3A_1592 : i32
        %add3A_1594 = arith.constant 5 : i32
        %add3A_1595 = arith.addi %add3A_1593, %add3A_1594 : i32
        %dma_start3A_1596 = arith.constant 0 : i32
        %dma_start3A_1597 = tpu.memref_slice %arg6[%add3A_1595, %dma_start3A_1596] : memref<250x80xi32, #tpu.memory_space<vmem>> -> memref<1x80xi32, #tpu.memory_space<vmem>>
        %dma_start3A_1598 = tpu.memref_squeeze %dma_start3A_1597 : memref<1x80xi32, #tpu.memory_space<vmem>> -> memref<80xi32, #tpu.memory_space<vmem>>
        %dma_start3A_1599 = arith.constant 0 : i32
        %dma_start3A_1600 = arith.constant 0 : i32
        %dma_start3A_1601 = tpu.memref_slice %arg2[%dma_start3A_1599, %dma_start3A_1600] : memref<20000x64xf32, #tpu.memory_space<hbm>> -> memref<20000x64xf32, #tpu.memory_space<hbm>>
        tpu.enqueue_indirect_dma source(%dma_start3A_1601 : memref<20000x64xf32, #tpu.memory_space<hbm>>) target(%arg12 : memref<80x64xf32, #tpu.memory_space<vmem>>) offsets(%dma_start3A_1598 : memref<80xi32, #tpu.memory_space<vmem>>) semaphore(%arg18 : memref<!tpu.dma_semaphore, #tpu.memory_space<semaphore_mem>>)
      } else {
      }
      %add3A_1501 = arith.constant 4 : i32
      %add3A_1502 = arith.addi %mul3A_1353, %add3A_1501 : i32
      %dma_wait3A_1503 = arith.constant 0 : i32
      %dma_wait3A_1504 = tpu.memref_slice %arg7[%add3A_1502, %dma_wait3A_1503] : memref<250x80xi32, #tpu.memory_space<vmem>> -> memref<1x80xi32, #tpu.memory_space<vmem>>
      %dma_wait3A_1505 = tpu.memref_squeeze %dma_wait3A_1504 : memref<1x80xi32, #tpu.memory_space<vmem>> -> memref<80xi32, #tpu.memory_space<vmem>>
      %dma_wait3A_1506 = arith.constant 0 : i32
      %dma_wait3A_1507 = arith.constant 0 : i32
      %dma_wait3A_1508 = tpu.memref_slice %arg14[%dma_wait3A_1506, %dma_wait3A_1507] : memref<10000x64xf32, #tpu.memory_space<vmem_shared>> -> memref<10000x64xf32, #tpu.memory_space<vmem_shared>>
      tpu.wait_indirect_dma semaphore(%arg24 : memref<!tpu.dma_semaphore, #tpu.memory_space<semaphore_mem>>) src(%arg13 : memref<80x64xf32, #tpu.memory_space<vmem>>) dst(%dma_wait3A_1508 : memref<10000x64xf32, #tpu.memory_space<vmem_shared>>)
      %add3A_1509 = arith.constant 4 : i32
      %add3A_1510 = arith.addi %mul3A_1353, %add3A_1509 : i32
      %add3A_1511 = arith.constant 5 : i32
      %add3A_1512 = arith.addi %add3A_1510, %add3A_1511 : i32
      %lt3A_1513 = arith.constant 250 : i32
      %lt3A_1514 = arith.cmpi slt, %add3A_1512, %lt3A_1513 : i32
      %convert_element_type3A_1515 = arith.extui %lt3A_1514 : i1 to i32
      %cond3A_1516 = arith.constant 0 : i32
      %cond3A_1517 = arith.cmpi ne, %convert_element_type3A_1515, %cond3A_1516 : i32
      scf.if %cond3A_1517 {
        %add3A_1518 = arith.constant 4 : i32
        %add3A_1519 = arith.addi %mul3A_1353, %add3A_1518 : i32
        %add3A_1520 = arith.constant 5 : i32
        %add3A_1521 = arith.addi %add3A_1519, %add3A_1520 : i32
        %get3A_1522 = arith.index_cast %add3A_1521 : i32 to index
        %get3A_1523 = arith.constant 0 : index
        %get3A_1524 = tpu.vector_load %arg6[%get3A_1522, %get3A_1523] {strides = array<i32>} : memref<250x80xi32, #tpu.memory_space<vmem>>, vector<1x16xi32>,
        %get3A_1525 = vector.shape_cast %get3A_1524 : vector<1x16xi32> to vector<16xi32>
        %mul3A_1526 = arith.constant 2 : i32
        %mul3A_1527 = vector.broadcast %mul3A_1526 : i32 to vector<16xi32>
        %mul3A_1528 = arith.muli %mul3A_1527, %get3A_1525 : vector<16xi32>
        %add3A_1529 = vector.broadcast %arg0 : i32 to vector<16xi32>
        %add3A_1530 = arith.addi %mul3A_1528, %add3A_1529 : vector<16xi32>
        %swap3A_1531 = arith.index_cast %add3A_1521 : i32 to index
        %swap3A_1532 = arith.constant 0 : index
        %swap3A_1533 = tpu.vector_load %arg6[%swap3A_1531, %swap3A_1532] {strides = array<i32>} : memref<250x80xi32, #tpu.memory_space<vmem>>, vector<1x16xi32>,
        %swap3A_1534 = vector.shape_cast %swap3A_1533 : vector<1x16xi32> to vector<16xi32>
        %swap3A_1535 = vector.shape_cast %add3A_1530 : vector<16xi32> to vector<1x16xi32>
        tpu.vector_store %arg6[%swap3A_1531, %swap3A_1532], %swap3A_1535 {strides = array<i32>} : memref<250x80xi32, #tpu.memory_space<vmem>>, vector<1x16xi32>,
        %get3A_1536 = arith.index_cast %add3A_1521 : i32 to index
        %get3A_1537 = arith.constant 16 : index
        %get3A_1538 = tpu.vector_load %arg6[%get3A_1536, %get3A_1537] {strides = array<i32>} : memref<250x80xi32, #tpu.memory_space<vmem>>, vector<1x16xi32>,
        %get3A_1539 = vector.shape_cast %get3A_1538 : vector<1x16xi32> to vector<16xi32>
        %mul3A_1540 = arith.constant 2 : i32
        %mul3A_1541 = vector.broadcast %mul3A_1540 : i32 to vector<16xi32>
        %mul3A_1542 = arith.muli %mul3A_1541, %get3A_1539 : vector<16xi32>
        %add3A_1543 = vector.broadcast %arg0 : i32 to vector<16xi32>
        %add3A_1544 = arith.addi %mul3A_1542, %add3A_1543 : vector<16xi32>
        %swap3A_1545 = arith.index_cast %add3A_1521 : i32 to index
        %swap3A_1546 = arith.constant 16 : index
        %swap3A_1547 = tpu.vector_load %arg6[%swap3A_1545, %swap3A_1546] {strides = array<i32>} : memref<250x80xi32, #tpu.memory_space<vmem>>, vector<1x16xi32>,
        %swap3A_1548 = vector.shape_cast %swap3A_1547 : vector<1x16xi32> to vector<16xi32>
        %swap3A_1549 = vector.shape_cast %add3A_1544 : vector<16xi32> to vector<1x16xi32>
        tpu.vector_store %arg6[%swap3A_1545, %swap3A_1546], %swap3A_1549 {strides = array<i32>} : memref<250x80xi32, #tpu.memory_space<vmem>>, vector<1x16xi32>,
        %get3A_1550 = arith.index_cast %add3A_1521 : i32 to index
        %get3A_1551 = arith.constant 32 : index
        %get3A_1552 = tpu.vector_load %arg6[%get3A_1550, %get3A_1551] {strides = array<i32>} : memref<250x80xi32, #tpu.memory_space<vmem>>, vector<1x16xi32>,
        %get3A_1553 = vector.shape_cast %get3A_1552 : vector<1x16xi32> to vector<16xi32>
        %mul3A_1554 = arith.constant 2 : i32
        %mul3A_1555 = vector.broadcast %mul3A_1554 : i32 to vector<16xi32>
        %mul3A_1556 = arith.muli %mul3A_1555, %get3A_1553 : vector<16xi32>
        %add3A_1557 = vector.broadcast %arg0 : i32 to vector<16xi32>
        %add3A_1558 = arith.addi %mul3A_1556, %add3A_1557 : vector<16xi32>
        %swap3A_1559 = arith.index_cast %add3A_1521 : i32 to index
        %swap3A_1560 = arith.constant 32 : index
        %swap3A_1561 = tpu.vector_load %arg6[%swap3A_1559, %swap3A_1560] {strides = array<i32>} : memref<250x80xi32, #tpu.memory_space<vmem>>, vector<1x16xi32>,
        %swap3A_1562 = vector.shape_cast %swap3A_1561 : vector<1x16xi32> to vector<16xi32>
        %swap3A_1563 = vector.shape_cast %add3A_1558 : vector<16xi32> to vector<1x16xi32>
        tpu.vector_store %arg6[%swap3A_1559, %swap3A_1560], %swap3A_1563 {strides = array<i32>} : memref<250x80xi32, #tpu.memory_space<vmem>>, vector<1x16xi32>,
        %get3A_1564 = arith.index_cast %add3A_1521 : i32 to index
        %get3A_1565 = arith.constant 48 : index
        %get3A_1566 = tpu.vector_load %arg6[%get3A_1564, %get3A_1565] {strides = array<i32>} : memref<250x80xi32, #tpu.memory_space<vmem>>, vector<1x16xi32>,
        %get3A_1567 = vector.shape_cast %get3A_1566 : vector<1x16xi32> to vector<16xi32>
        %mul3A_1568 = arith.constant 2 : i32
        %mul3A_1569 = vector.broadcast %mul3A_1568 : i32 to vector<16xi32>
        %mul3A_1570 = arith.muli %mul3A_1569, %get3A_1567 : vector<16xi32>
        %add3A_1571 = vector.broadcast %arg0 : i32 to vector<16xi32>
        %add3A_1572 = arith.addi %mul3A_1570, %add3A_1571 : vector<16xi32>
        %swap3A_1573 = arith.index_cast %add3A_1521 : i32 to index
        %swap3A_1574 = arith.constant 48 : index
        %swap3A_1575 = tpu.vector_load %arg6[%swap3A_1573, %swap3A_1574] {strides = array<i32>} : memref<250x80xi32, #tpu.memory_space<vmem>>, vector<1x16xi32>,
        %swap3A_1576 = vector.shape_cast %swap3A_1575 : vector<1x16xi32> to vector<16xi32>
        %swap3A_1577 = vector.shape_cast %add3A_1572 : vector<16xi32> to vector<1x16xi32>
        tpu.vector_store %arg6[%swap3A_1573, %swap3A_1574], %swap3A_1577 {strides = array<i32>} : memref<250x80xi32, #tpu.memory_space<vmem>>, vector<1x16xi32>,
        %get3A_1578 = arith.index_cast %add3A_1521 : i32 to index
        %get3A_1579 = arith.constant 64 : index
        %get3A_1580 = tpu.vector_load %arg6[%get3A_1578, %get3A_1579] {strides = array<i32>} : memref<250x80xi32, #tpu.memory_space<vmem>>, vector<1x16xi32>,
        %get3A_1581 = vector.shape_cast %get3A_1580 : vector<1x16xi32> to vector<16xi32>
        %mul3A_1582 = arith.constant 2 : i32
        %mul3A_1583 = vector.broadcast %mul3A_1582 : i32 to vector<16xi32>
        %mul3A_1584 = arith.muli %mul3A_1583, %get3A_1581 : vector<16xi32>
        %add3A_1585 = vector.broadcast %arg0 : i32 to vector<16xi32>
        %add3A_1586 = arith.addi %mul3A_1584, %add3A_1585 : vector<16xi32>
        %swap3A_1587 = arith.index_cast %add3A_1521 : i32 to index
        %swap3A_1588 = arith.constant 64 : index
        %swap3A_1589 = tpu.vector_load %arg6[%swap3A_1587, %swap3A_1588] {strides = array<i32>} : memref<250x80xi32, #tpu.memory_space<vmem>>, vector<1x16xi32>,
        %swap3A_1590 = vector.shape_cast %swap3A_1589 : vector<1x16xi32> to vector<16xi32>
        %swap3A_1591 = vector.shape_cast %add3A_1586 : vector<16xi32> to vector<1x16xi32>
        tpu.vector_store %arg6[%swap3A_1587, %swap3A_1588], %swap3A_1591 {strides = array<i32>} : memref<250x80xi32, #tpu.memory_space<vmem>>, vector<1x16xi32>,
        %add3A_1592 = arith.constant 4 : i32
        %add3A_1593 = arith.addi %mul3A_1353, %add3A_1592 : i32
        %add3A_1594 = arith.constant 5 : i32
        %add3A_1595 = arith.addi %add3A_1593, %add3A_1594 : i32
        %dma_start3A_1596 = arith.constant 0 : i32
        %dma_start3A_1597 = tpu.memref_slice %arg6[%add3A_1595, %dma_start3A_1596] : memref<250x80xi32, #tpu.memory_space<vmem>> -> memref<1x80xi32, #tpu.memory_space<vmem>>
        %dma_start3A_1598 = tpu.memref_squeeze %dma_start3A_1597 : memref<1x80xi32, #tpu.memory_space<vmem>> -> memref<80xi32, #tpu.memory_space<vmem>>
        %dma_start3A_1599 = arith.constant 0 : i32
        %dma_start3A_1600 = arith.constant 0 : i32
        %dma_start3A_1601 = tpu.memref_slice %arg2[%dma_start3A_1599, %dma_start3A_1600] : memref<20000x64xf32, #tpu.memory_space<hbm>> -> memref<20000x64xf32, #tpu.memory_space<hbm>>
        tpu.enqueue_indirect_dma source(%dma_start3A_1601 : memref<20000x64xf32, #tpu.memory_space<hbm>>) target(%arg13 : memref<80x64xf32, #tpu.memory_space<vmem>>) offsets(%dma_start3A_1598 : memref<80xi32, #tpu.memory_space<vmem>>) semaphore(%arg19 : memref<!tpu.dma_semaphore, #tpu.memory_space<semaphore_mem>>)
      } else {
      }
    }
    %scan3A_1344 = arith.constant 50 : i32
    %barrier3A_1345 = arith.constant 0 : index
    tpu.barrier barrier_id(%barrier3A_1345)
    "tpu.region"() ({
      %run_scoped3A = tpu.sem_alloc : memref<!tpu.dma_semaphore, #tpu.memory_space<semaphore_mem>>
      %dma_start3A_1351 = arith.constant 0 : i32
      %dma_start3A_1352 = tpu.memref_slice %arg5[%arg0, %multiple_of3A, %dma_start3A_1351] : memref<2x10000x64xf32, #tpu.memory_space<hbm>> -> memref<1x624x64xf32, #tpu.memory_space<hbm>>
      %dma_start3A_1353 = tpu.memref_squeeze %dma_start3A_1352 : memref<1x624x64xf32, #tpu.memory_space<hbm>> -> memref<624x64xf32, #tpu.memory_space<hbm>>
      %dma_start3A_1354 = arith.constant 0 : i32
      %dma_start3A_1355 = tpu.memref_slice %arg14[%multiple_of3A, %dma_start3A_1354] : memref<10000x64xf32, #tpu.memory_space<vmem_shared>> -> memref<624x64xf32, #tpu.memory_space<vmem_shared>>
      tpu.enqueue_dma source(%dma_start3A_1355 : memref<624x64xf32, #tpu.memory_space<vmem_shared>>) target(%dma_start3A_1353 : memref<624x64xf32, #tpu.memory_space<hbm>>) target_semaphore(%run_scoped3A : memref<!tpu.dma_semaphore, #tpu.memory_space<semaphore_mem>>)
      %dma_wait3A_1356 = arith.constant 0 : i32
      %dma_wait3A_1357 = tpu.memref_slice %arg5[%arg0, %multiple_of3A, %dma_wait3A_1356] : memref<2x10000x64xf32, #tpu.memory_space<hbm>> -> memref<1x624x64xf32, #tpu.memory_space<hbm>>
      %dma_wait3A_1358 = tpu.memref_squeeze %dma_wait3A_1357 : memref<1x624x64xf32, #tpu.memory_space<hbm>> -> memref<624x64xf32, #tpu.memory_space<hbm>>
      %dma_wait3A_1359 = arith.constant 0 : i32
      %dma_wait3A_1360 = tpu.memref_slice %arg14[%multiple_of3A, %dma_wait3A_1359] : memref<10000x64xf32, #tpu.memory_space<vmem_shared>> -> memref<624x64xf32, #tpu.memory_space<vmem_shared>>
      tpu.wait_dma2 semaphore(%run_scoped3A : memref<!tpu.dma_semaphore, #tpu.memory_space<semaphore_mem>>) src(%dma_wait3A_1360 : memref<624x64xf32, #tpu.memory_space<vmem_shared>>) dst(%dma_wait3A_1358 : memref<624x64xf32, #tpu.memory_space<hbm>>)
      tpu.yield
    }) : () -> ()
    %eq3A_1346 = arith.constant 0 : i32
    %eq3A_1347 = arith.cmpi eq, %arg1, %eq3A_1346 : i32
    %convert_element_type3A_1348 = arith.extui %eq3A_1347 : i1 to i32
    %cond3A_1349 = arith.constant 0 : i32
    %cond3A_1350 = arith.cmpi ne, %convert_element_type3A_1348, %cond3A_1349 : i32
    scf.if %cond3A_1350 {
      "tpu.region"() ({
        %run_scoped3A = tpu.sem_alloc : memref<!tpu.dma_semaphore, #tpu.memory_space<semaphore_mem>>
        %dma_start3A_1351 = arith.constant 9984 : i32
        %dma_start3A_1352 = arith.constant 0 : i32
        %dma_start3A_1353 = tpu.memref_slice %arg5[%arg0, %dma_start3A_1351, %dma_start3A_1352] : memref<2x10000x64xf32, #tpu.memory_space<hbm>> -> memref<1x16x64xf32, #tpu.memory_space<hbm>>
        %dma_start3A_1354 = tpu.memref_squeeze %dma_start3A_1353 : memref<1x16x64xf32, #tpu.memory_space<hbm>> -> memref<16x64xf32, #tpu.memory_space<hbm>>
        %dma_start3A_1355 = arith.constant 9984 : i32
        %dma_start3A_1356 = arith.constant 0 : i32
        %dma_start3A_1357 = tpu.memref_slice %arg14[%dma_start3A_1355, %dma_start3A_1356] : memref<10000x64xf32, #tpu.memory_space<vmem_shared>> -> memref<16x64xf32, #tpu.memory_space<vmem_shared>>
        tpu.enqueue_dma source(%dma_start3A_1357 : memref<16x64xf32, #tpu.memory_space<vmem_shared>>) target(%dma_start3A_1354 : memref<16x64xf32, #tpu.memory_space<hbm>>) target_semaphore(%run_scoped3A : memref<!tpu.dma_semaphore, #tpu.memory_space<semaphore_mem>>)
        %dma_wait3A_1358 = arith.constant 9984 : i32
        %dma_wait3A_1359 = arith.constant 0 : i32
        %dma_wait3A_1360 = tpu.memref_slice %arg5[%arg0, %dma_wait3A_1358, %dma_wait3A_1359] : memref<2x10000x64xf32, #tpu.memory_space<hbm>> -> memref<1x16x64xf32, #tpu.memory_space<hbm>>
        %dma_wait3A_1361 = tpu.memref_squeeze %dma_wait3A_1360 : memref<1x16x64xf32, #tpu.memory_space<hbm>> -> memref<16x64xf32, #tpu.memory_space<hbm>>
        %dma_wait3A_1362 = arith.constant 9984 : i32
        %dma_wait3A_1363 = arith.constant 0 : i32
        %dma_wait3A_1364 = tpu.memref_slice %arg14[%dma_wait3A_1362, %dma_wait3A_1363] : memref<10000x64xf32, #tpu.memory_space<vmem_shared>> -> memref<16x64xf32, #tpu.memory_space<vmem_shared>>
        tpu.wait_dma2 semaphore(%run_scoped3A : memref<!tpu.dma_semaphore, #tpu.memory_space<semaphore_mem>>) src(%dma_wait3A_1364 : memref<16x64xf32, #tpu.memory_space<vmem_shared>>) dst(%dma_wait3A_1361 : memref<16x64xf32, #tpu.memory_space<hbm>>)
        tpu.yield
      }) : () -> ()
    } else {
    }
    return
  }
}

#map = affine_map<(d0, d1) -> (0, 0)>
#map1 = affine_map<(d0, d1) -> (0, 0, 0)>
module attributes {stable_mosaic.version = 14 : i64} {
  func.func @agg(%arg0: i32, %arg1: i32, %arg2: memref<10000x64xf32, #tpu.memory_space<hbm>>, %arg3: memref<32x125x80xi32, #tpu.memory_space<hbm>>, %arg4: memref<32x125x80xi32, #tpu.memory_space<hbm>>, %arg5: memref<2x10000x64xf32, #tpu.memory_space<hbm>>, %arg6: memref<125x80xi32, #tpu.memory_space<vmem>>, %arg7: memref<125x80xi32, #tpu.memory_space<vmem>>, %arg8: memref<8x80xi32, #tpu.memory_space<vmem>>, %arg9: memref<80x64xf32, #tpu.memory_space<vmem>>, %arg10: memref<80x64xf32, #tpu.memory_space<vmem>>, %arg11: memref<80x64xf32, #tpu.memory_space<vmem>>, %arg12: memref<80x64xf32, #tpu.memory_space<vmem>>, %arg13: memref<80x64xf32, #tpu.memory_space<vmem>>, %arg14: memref<10000x64xf32, #tpu.memory_space<vmem_shared>>, %arg15: memref<!tpu.dma_semaphore, #tpu.memory_space<semaphore_mem>>, %arg16: memref<!tpu.dma_semaphore, #tpu.memory_space<semaphore_mem>>, %arg17: memref<!tpu.dma_semaphore, #tpu.memory_space<semaphore_mem>>, %arg18: memref<!tpu.dma_semaphore, #tpu.memory_space<semaphore_mem>>, %arg19: memref<!tpu.dma_semaphore, #tpu.memory_space<semaphore_mem>>, %arg20: memref<!tpu.dma_semaphore, #tpu.memory_space<semaphore_mem>>, %arg21: memref<!tpu.dma_semaphore, #tpu.memory_space<semaphore_mem>>, %arg22: memref<!tpu.dma_semaphore, #tpu.memory_space<semaphore_mem>>, %arg23: memref<!tpu.dma_semaphore, #tpu.memory_space<semaphore_mem>>, %arg24: memref<!tpu.dma_semaphore, #tpu.memory_space<semaphore_mem>>) attributes {dimension_semantics = [#tpu.dimension_semantics<core_parallel>, #tpu.dimension_semantics<subcore_parallel>], iteration_bounds = array<i64: 2, 16>, scalar_prefetch = 0 : i64, scratch_operands = 19 : i64, tpu.core_type = #tpu.core_type<sc_vector_subcore>, window_params = [{transform_indices = #map}, {transform_indices = #map1}, {transform_indices = #map1}, {transform_indices = #map1}]} {
    %mul3A = arith.constant 624 : i32
    %mul3A_0 = arith.muli %arg1, %mul3A : i32
    %multiple_of3A = tpu.assume_multiple %mul3A_0, 8 : i32
    %mul3A_1 = arith.constant 16 : i32
    %mul3A_2 = arith.muli %arg0, %mul3A_1 : i32
    %add3A = arith.addi %mul3A_2, %arg1 : i32
    "tpu.region"() ({
      %run_scoped3A = tpu.sem_alloc : memref<!tpu.dma_semaphore, #tpu.memory_space<semaphore_mem>>
      %dma_start3A_50 = arith.constant 0 : i32
      %dma_start3A_51 = arith.constant 0 : i32
      %dma_start3A_52 = tpu.memref_slice %arg3[%add3A, %dma_start3A_50, %dma_start3A_51] : memref<32x125x80xi32, #tpu.memory_space<hbm>> -> memref<1x125x80xi32, #tpu.memory_space<hbm>>
      %dma_start3A_53 = tpu.memref_squeeze %dma_start3A_52 : memref<1x125x80xi32, #tpu.memory_space<hbm>> -> memref<125x80xi32, #tpu.memory_space<hbm>>
      %dma_start3A_54 = arith.constant 0 : i32
      %dma_start3A_55 = arith.constant 0 : i32
      %dma_start3A_56 = tpu.memref_slice %arg3[%add3A, %dma_start3A_54, %dma_start3A_55] : memref<32x125x80xi32, #tpu.memory_space<hbm>> -> memref<1x125x80xi32, #tpu.memory_space<hbm>>
      %dma_start3A_57 = tpu.memref_squeeze %dma_start3A_56 : memref<1x125x80xi32, #tpu.memory_space<hbm>> -> memref<125x80xi32, #tpu.memory_space<hbm>>
      tpu.enqueue_dma source(%dma_start3A_57 : memref<125x80xi32, #tpu.memory_space<hbm>>) target(%arg6 : memref<125x80xi32, #tpu.memory_space<vmem>>) target_semaphore(%run_scoped3A : memref<!tpu.dma_semaphore, #tpu.memory_space<semaphore_mem>>)
      %dma_wait3A = arith.constant 0 : i32
      %dma_wait3A_58 = arith.constant 0 : i32
      %dma_wait3A_59 = tpu.memref_slice %arg3[%add3A, %dma_wait3A, %dma_wait3A_58] : memref<32x125x80xi32, #tpu.memory_space<hbm>> -> memref<1x125x80xi32, #tpu.memory_space<hbm>>
      %dma_wait3A_60 = tpu.memref_squeeze %dma_wait3A_59 : memref<1x125x80xi32, #tpu.memory_space<hbm>> -> memref<125x80xi32, #tpu.memory_space<hbm>>
      %dma_wait3A_61 = arith.constant 0 : i32
      %dma_wait3A_62 = arith.constant 0 : i32
      %dma_wait3A_63 = tpu.memref_slice %arg3[%add3A, %dma_wait3A_61, %dma_wait3A_62] : memref<32x125x80xi32, #tpu.memory_space<hbm>> -> memref<1x125x80xi32, #tpu.memory_space<hbm>>
      %dma_wait3A_64 = tpu.memref_squeeze %dma_wait3A_63 : memref<1x125x80xi32, #tpu.memory_space<hbm>> -> memref<125x80xi32, #tpu.memory_space<hbm>>
      tpu.wait_dma2 semaphore(%run_scoped3A : memref<!tpu.dma_semaphore, #tpu.memory_space<semaphore_mem>>) src(%dma_wait3A_64 : memref<125x80xi32, #tpu.memory_space<hbm>>) dst(%arg6 : memref<125x80xi32, #tpu.memory_space<vmem>>)
      tpu.yield
    }) : () -> ()
    "tpu.region"() ({
      %run_scoped3A = tpu.sem_alloc : memref<!tpu.dma_semaphore, #tpu.memory_space<semaphore_mem>>
      %dma_start3A_50 = arith.constant 0 : i32
      %dma_start3A_51 = arith.constant 0 : i32
      %dma_start3A_52 = tpu.memref_slice %arg4[%add3A, %dma_start3A_50, %dma_start3A_51] : memref<32x125x80xi32, #tpu.memory_space<hbm>> -> memref<1x125x80xi32, #tpu.memory_space<hbm>>
      %dma_start3A_53 = tpu.memref_squeeze %dma_start3A_52 : memref<1x125x80xi32, #tpu.memory_space<hbm>> -> memref<125x80xi32, #tpu.memory_space<hbm>>
      %dma_start3A_54 = arith.constant 0 : i32
      %dma_start3A_55 = arith.constant 0 : i32
      %dma_start3A_56 = tpu.memref_slice %arg4[%add3A, %dma_start3A_54, %dma_start3A_55] : memref<32x125x80xi32, #tpu.memory_space<hbm>> -> memref<1x125x80xi32, #tpu.memory_space<hbm>>
      %dma_start3A_57 = tpu.memref_squeeze %dma_start3A_56 : memref<1x125x80xi32, #tpu.memory_space<hbm>> -> memref<125x80xi32, #tpu.memory_space<hbm>>
      tpu.enqueue_dma source(%dma_start3A_57 : memref<125x80xi32, #tpu.memory_space<hbm>>) target(%arg7 : memref<125x80xi32, #tpu.memory_space<vmem>>) target_semaphore(%run_scoped3A : memref<!tpu.dma_semaphore, #tpu.memory_space<semaphore_mem>>)
      %dma_wait3A = arith.constant 0 : i32
      %dma_wait3A_58 = arith.constant 0 : i32
      %dma_wait3A_59 = tpu.memref_slice %arg4[%add3A, %dma_wait3A, %dma_wait3A_58] : memref<32x125x80xi32, #tpu.memory_space<hbm>> -> memref<1x125x80xi32, #tpu.memory_space<hbm>>
      %dma_wait3A_60 = tpu.memref_squeeze %dma_wait3A_59 : memref<1x125x80xi32, #tpu.memory_space<hbm>> -> memref<125x80xi32, #tpu.memory_space<hbm>>
      %dma_wait3A_61 = arith.constant 0 : i32
      %dma_wait3A_62 = arith.constant 0 : i32
      %dma_wait3A_63 = tpu.memref_slice %arg4[%add3A, %dma_wait3A_61, %dma_wait3A_62] : memref<32x125x80xi32, #tpu.memory_space<hbm>> -> memref<1x125x80xi32, #tpu.memory_space<hbm>>
      %dma_wait3A_64 = tpu.memref_squeeze %dma_wait3A_63 : memref<1x125x80xi32, #tpu.memory_space<hbm>> -> memref<125x80xi32, #tpu.memory_space<hbm>>
      tpu.wait_dma2 semaphore(%run_scoped3A : memref<!tpu.dma_semaphore, #tpu.memory_space<semaphore_mem>>) src(%dma_wait3A_64 : memref<125x80xi32, #tpu.memory_space<hbm>>) dst(%arg7 : memref<125x80xi32, #tpu.memory_space<vmem>>)
      tpu.yield
    }) : () -> ()
    "tpu.region"() ({
      %run_scoped3A = tpu.sem_alloc : memref<!tpu.dma_semaphore, #tpu.memory_space<semaphore_mem>>
      %dma_start3A_50 = arith.constant 0 : i32
      %dma_start3A_51 = tpu.memref_slice %arg14[%multiple_of3A, %dma_start3A_50] : memref<10000x64xf32, #tpu.memory_space<vmem_shared>> -> memref<624x64xf32, #tpu.memory_space<vmem_shared>>
      %dma_start3A_52 = arith.constant 0 : i32
      %dma_start3A_53 = tpu.memref_slice %arg2[%multiple_of3A, %dma_start3A_52] : memref<10000x64xf32, #tpu.memory_space<hbm>> -> memref<624x64xf32, #tpu.memory_space<hbm>>
      tpu.enqueue_dma source(%dma_start3A_53 : memref<624x64xf32, #tpu.memory_space<hbm>>) target(%dma_start3A_51 : memref<624x64xf32, #tpu.memory_space<vmem_shared>>) target_semaphore(%run_scoped3A : memref<!tpu.dma_semaphore, #tpu.memory_space<semaphore_mem>>)
      %dma_wait3A = arith.constant 0 : i32
      %dma_wait3A_54 = tpu.memref_slice %arg14[%multiple_of3A, %dma_wait3A] : memref<10000x64xf32, #tpu.memory_space<vmem_shared>> -> memref<624x64xf32, #tpu.memory_space<vmem_shared>>
      %dma_wait3A_55 = arith.constant 0 : i32
      %dma_wait3A_56 = tpu.memref_slice %arg2[%multiple_of3A, %dma_wait3A_55] : memref<10000x64xf32, #tpu.memory_space<hbm>> -> memref<624x64xf32, #tpu.memory_space<hbm>>
      tpu.wait_dma2 semaphore(%run_scoped3A : memref<!tpu.dma_semaphore, #tpu.memory_space<semaphore_mem>>) src(%dma_wait3A_56 : memref<624x64xf32, #tpu.memory_space<hbm>>) dst(%dma_wait3A_54 : memref<624x64xf32, #tpu.memory_space<vmem_shared>>)
      tpu.yield
    }) : () -> ()
    %eq3A = arith.constant 0 : i32
    %eq3A_3 = arith.cmpi eq, %arg1, %eq3A : i32
    %convert_element_type3A = arith.extui %eq3A_3 : i1 to i32
    %cond3A = arith.constant 0 : i32
    %cond3A_4 = arith.cmpi ne, %convert_element_type3A, %cond3A : i32
    scf.if %cond3A_4 {
      "tpu.region"() ({
        %run_scoped3A = tpu.sem_alloc : memref<!tpu.dma_semaphore, #tpu.memory_space<semaphore_mem>>
        %dma_start3A_50 = arith.constant 9984 : i32
        %dma_start3A_51 = arith.constant 0 : i32
        %dma_start3A_52 = tpu.memref_slice %arg14[%dma_start3A_50, %dma_start3A_51] : memref<10000x64xf32, #tpu.memory_space<vmem_shared>> -> memref<16x64xf32, #tpu.memory_space<vmem_shared>>
        %dma_start3A_53 = arith.constant 9984 : i32
        %dma_start3A_54 = arith.constant 0 : i32
        %dma_start3A_55 = tpu.memref_slice %arg2[%dma_start3A_53, %dma_start3A_54] : memref<10000x64xf32, #tpu.memory_space<hbm>> -> memref<16x64xf32, #tpu.memory_space<hbm>>
        tpu.enqueue_dma source(%dma_start3A_55 : memref<16x64xf32, #tpu.memory_space<hbm>>) target(%dma_start3A_52 : memref<16x64xf32, #tpu.memory_space<vmem_shared>>) target_semaphore(%run_scoped3A : memref<!tpu.dma_semaphore, #tpu.memory_space<semaphore_mem>>)
        %dma_wait3A = arith.constant 9984 : i32
        %dma_wait3A_56 = arith.constant 0 : i32
        %dma_wait3A_57 = tpu.memref_slice %arg14[%dma_wait3A, %dma_wait3A_56] : memref<10000x64xf32, #tpu.memory_space<vmem_shared>> -> memref<16x64xf32, #tpu.memory_space<vmem_shared>>
        %dma_wait3A_58 = arith.constant 9984 : i32
        %dma_wait3A_59 = arith.constant 0 : i32
        %dma_wait3A_60 = tpu.memref_slice %arg2[%dma_wait3A_58, %dma_wait3A_59] : memref<10000x64xf32, #tpu.memory_space<hbm>> -> memref<16x64xf32, #tpu.memory_space<hbm>>
        tpu.wait_dma2 semaphore(%run_scoped3A : memref<!tpu.dma_semaphore, #tpu.memory_space<semaphore_mem>>) src(%dma_wait3A_60 : memref<16x64xf32, #tpu.memory_space<hbm>>) dst(%dma_wait3A_57 : memref<16x64xf32, #tpu.memory_space<vmem_shared>>)
        tpu.yield
      }) : () -> ()
    } else {
    }
    %barrier3A = arith.constant 0 : index
    tpu.barrier barrier_id(%barrier3A)
    %dma_start3A = arith.constant 0 : i32
    %dma_start3A_5 = arith.constant 0 : i32
    %dma_start3A_6 = tpu.memref_slice %arg6[%dma_start3A, %dma_start3A_5] : memref<125x80xi32, #tpu.memory_space<vmem>> -> memref<1x80xi32, #tpu.memory_space<vmem>>
    %dma_start3A_7 = tpu.memref_squeeze %dma_start3A_6 : memref<1x80xi32, #tpu.memory_space<vmem>> -> memref<80xi32, #tpu.memory_space<vmem>>
    %dma_start3A_8 = arith.constant 0 : i32
    %dma_start3A_9 = arith.constant 0 : i32
    %dma_start3A_10 = tpu.memref_slice %arg2[%dma_start3A_8, %dma_start3A_9] : memref<10000x64xf32, #tpu.memory_space<hbm>> -> memref<10000x64xf32, #tpu.memory_space<hbm>>
    tpu.enqueue_indirect_dma source(%dma_start3A_10 : memref<10000x64xf32, #tpu.memory_space<hbm>>) target(%arg9 : memref<80x64xf32, #tpu.memory_space<vmem>>) offsets(%dma_start3A_7 : memref<80xi32, #tpu.memory_space<vmem>>) semaphore(%arg15 : memref<!tpu.dma_semaphore, #tpu.memory_space<semaphore_mem>>)
    %dma_start3A_11 = arith.constant 1 : i32
    %dma_start3A_12 = arith.constant 0 : i32
    %dma_start3A_13 = tpu.memref_slice %arg6[%dma_start3A_11, %dma_start3A_12] : memref<125x80xi32, #tpu.memory_space<vmem>> -> memref<1x80xi32, #tpu.memory_space<vmem>>
    %dma_start3A_14 = tpu.memref_squeeze %dma_start3A_13 : memref<1x80xi32, #tpu.memory_space<vmem>> -> memref<80xi32, #tpu.memory_space<vmem>>
    %dma_start3A_15 = arith.constant 0 : i32
    %dma_start3A_16 = arith.constant 0 : i32
    %dma_start3A_17 = tpu.memref_slice %arg2[%dma_start3A_15, %dma_start3A_16] : memref<10000x64xf32, #tpu.memory_space<hbm>> -> memref<10000x64xf32, #tpu.memory_space<hbm>>
    tpu.enqueue_indirect_dma source(%dma_start3A_17 : memref<10000x64xf32, #tpu.memory_space<hbm>>) target(%arg10 : memref<80x64xf32, #tpu.memory_space<vmem>>) offsets(%dma_start3A_14 : memref<80xi32, #tpu.memory_space<vmem>>) semaphore(%arg16 : memref<!tpu.dma_semaphore, #tpu.memory_space<semaphore_mem>>)
    %dma_start3A_18 = arith.constant 2 : i32
    %dma_start3A_19 = arith.constant 0 : i32
    %dma_start3A_20 = tpu.memref_slice %arg6[%dma_start3A_18, %dma_start3A_19] : memref<125x80xi32, #tpu.memory_space<vmem>> -> memref<1x80xi32, #tpu.memory_space<vmem>>
    %dma_start3A_21 = tpu.memref_squeeze %dma_start3A_20 : memref<1x80xi32, #tpu.memory_space<vmem>> -> memref<80xi32, #tpu.memory_space<vmem>>
    %dma_start3A_22 = arith.constant 0 : i32
    %dma_start3A_23 = arith.constant 0 : i32
    %dma_start3A_24 = tpu.memref_slice %arg2[%dma_start3A_22, %dma_start3A_23] : memref<10000x64xf32, #tpu.memory_space<hbm>> -> memref<10000x64xf32, #tpu.memory_space<hbm>>
    tpu.enqueue_indirect_dma source(%dma_start3A_24 : memref<10000x64xf32, #tpu.memory_space<hbm>>) target(%arg11 : memref<80x64xf32, #tpu.memory_space<vmem>>) offsets(%dma_start3A_21 : memref<80xi32, #tpu.memory_space<vmem>>) semaphore(%arg17 : memref<!tpu.dma_semaphore, #tpu.memory_space<semaphore_mem>>)
    %dma_start3A_25 = arith.constant 3 : i32
    %dma_start3A_26 = arith.constant 0 : i32
    %dma_start3A_27 = tpu.memref_slice %arg6[%dma_start3A_25, %dma_start3A_26] : memref<125x80xi32, #tpu.memory_space<vmem>> -> memref<1x80xi32, #tpu.memory_space<vmem>>
    %dma_start3A_28 = tpu.memref_squeeze %dma_start3A_27 : memref<1x80xi32, #tpu.memory_space<vmem>> -> memref<80xi32, #tpu.memory_space<vmem>>
    %dma_start3A_29 = arith.constant 0 : i32
    %dma_start3A_30 = arith.constant 0 : i32
    %dma_start3A_31 = tpu.memref_slice %arg2[%dma_start3A_29, %dma_start3A_30] : memref<10000x64xf32, #tpu.memory_space<hbm>> -> memref<10000x64xf32, #tpu.memory_space<hbm>>
    tpu.enqueue_indirect_dma source(%dma_start3A_31 : memref<10000x64xf32, #tpu.memory_space<hbm>>) target(%arg12 : memref<80x64xf32, #tpu.memory_space<vmem>>) offsets(%dma_start3A_28 : memref<80xi32, #tpu.memory_space<vmem>>) semaphore(%arg18 : memref<!tpu.dma_semaphore, #tpu.memory_space<semaphore_mem>>)
    %dma_start3A_32 = arith.constant 4 : i32
    %dma_start3A_33 = arith.constant 0 : i32
    %dma_start3A_34 = tpu.memref_slice %arg6[%dma_start3A_32, %dma_start3A_33] : memref<125x80xi32, #tpu.memory_space<vmem>> -> memref<1x80xi32, #tpu.memory_space<vmem>>
    %dma_start3A_35 = tpu.memref_squeeze %dma_start3A_34 : memref<1x80xi32, #tpu.memory_space<vmem>> -> memref<80xi32, #tpu.memory_space<vmem>>
    %dma_start3A_36 = arith.constant 0 : i32
    %dma_start3A_37 = arith.constant 0 : i32
    %dma_start3A_38 = tpu.memref_slice %arg2[%dma_start3A_36, %dma_start3A_37] : memref<10000x64xf32, #tpu.memory_space<hbm>> -> memref<10000x64xf32, #tpu.memory_space<hbm>>
    tpu.enqueue_indirect_dma source(%dma_start3A_38 : memref<10000x64xf32, #tpu.memory_space<hbm>>) target(%arg13 : memref<80x64xf32, #tpu.memory_space<vmem>>) offsets(%dma_start3A_35 : memref<80xi32, #tpu.memory_space<vmem>>) semaphore(%arg19 : memref<!tpu.dma_semaphore, #tpu.memory_space<semaphore_mem>>)
    %scan3A = arith.constant 0 : i32
    %scan3A_39 = arith.constant 0 : i32
    %scan3A_40 = arith.constant 25 : i32
    %scan3A_41 = arith.addi %scan3A_39, %scan3A_40 : i32
    %scan3A_42 = arith.constant 1 : i32
    scf.for %scan3A_50 = %scan3A_39 to %scan3A_41 step %scan3A_42  : i32 {
      %mul3A_51 = arith.constant 5 : i32
      %mul3A_52 = arith.muli %mul3A_51, %scan3A_50 : i32
      %add3A_53 = arith.constant 0 : i32
      %add3A_54 = arith.addi %mul3A_52, %add3A_53 : i32
      %dma_wait3A = arith.constant 0 : i32
      %dma_wait3A_55 = tpu.memref_slice %arg6[%add3A_54, %dma_wait3A] : memref<125x80xi32, #tpu.memory_space<vmem>> -> memref<1x80xi32, #tpu.memory_space<vmem>>
      %dma_wait3A_56 = tpu.memref_squeeze %dma_wait3A_55 : memref<1x80xi32, #tpu.memory_space<vmem>> -> memref<80xi32, #tpu.memory_space<vmem>>
      %dma_wait3A_57 = arith.constant 0 : i32
      %dma_wait3A_58 = arith.constant 0 : i32
      %dma_wait3A_59 = tpu.memref_slice %arg2[%dma_wait3A_57, %dma_wait3A_58] : memref<10000x64xf32, #tpu.memory_space<hbm>> -> memref<10000x64xf32, #tpu.memory_space<hbm>>
      tpu.wait_indirect_dma semaphore(%arg15 : memref<!tpu.dma_semaphore, #tpu.memory_space<semaphore_mem>>) src(%dma_wait3A_59 : memref<10000x64xf32, #tpu.memory_space<hbm>>) dst(%arg9 : memref<80x64xf32, #tpu.memory_space<vmem>>)
      %add3A_60 = arith.constant 0 : i32
      %add3A_61 = arith.addi %mul3A_52, %add3A_60 : i32
      %dma_start3A_62 = arith.constant 0 : i32
      %dma_start3A_63 = tpu.memref_slice %arg7[%add3A_61, %dma_start3A_62] : memref<125x80xi32, #tpu.memory_space<vmem>> -> memref<1x80xi32, #tpu.memory_space<vmem>>
      %dma_start3A_64 = tpu.memref_squeeze %dma_start3A_63 : memref<1x80xi32, #tpu.memory_space<vmem>> -> memref<80xi32, #tpu.memory_space<vmem>>
      %dma_start3A_65 = arith.constant 0 : i32
      %dma_start3A_66 = arith.constant 0 : i32
      %dma_start3A_67 = tpu.memref_slice %arg14[%dma_start3A_65, %dma_start3A_66] : memref<10000x64xf32, #tpu.memory_space<vmem_shared>> -> memref<10000x64xf32, #tpu.memory_space<vmem_shared>>
      tpu.enqueue_indirect_dma source(%arg9 : memref<80x64xf32, #tpu.memory_space<vmem>>) target(%dma_start3A_67 : memref<10000x64xf32, #tpu.memory_space<vmem_shared>>) offsets(%dma_start3A_64 : memref<80xi32, #tpu.memory_space<vmem>>) semaphore(%arg20 : memref<!tpu.dma_semaphore, #tpu.memory_space<semaphore_mem>>) {add = true}
      %add3A_68 = arith.constant 1 : i32
      %add3A_69 = arith.addi %mul3A_52, %add3A_68 : i32
      %dma_wait3A_70 = arith.constant 0 : i32
      %dma_wait3A_71 = tpu.memref_slice %arg6[%add3A_69, %dma_wait3A_70] : memref<125x80xi32, #tpu.memory_space<vmem>> -> memref<1x80xi32, #tpu.memory_space<vmem>>
      %dma_wait3A_72 = tpu.memref_squeeze %dma_wait3A_71 : memref<1x80xi32, #tpu.memory_space<vmem>> -> memref<80xi32, #tpu.memory_space<vmem>>
      %dma_wait3A_73 = arith.constant 0 : i32
      %dma_wait3A_74 = arith.constant 0 : i32
      %dma_wait3A_75 = tpu.memref_slice %arg2[%dma_wait3A_73, %dma_wait3A_74] : memref<10000x64xf32, #tpu.memory_space<hbm>> -> memref<10000x64xf32, #tpu.memory_space<hbm>>
      tpu.wait_indirect_dma semaphore(%arg16 : memref<!tpu.dma_semaphore, #tpu.memory_space<semaphore_mem>>) src(%dma_wait3A_75 : memref<10000x64xf32, #tpu.memory_space<hbm>>) dst(%arg10 : memref<80x64xf32, #tpu.memory_space<vmem>>)
      %add3A_76 = arith.constant 1 : i32
      %add3A_77 = arith.addi %mul3A_52, %add3A_76 : i32
      %dma_start3A_78 = arith.constant 0 : i32
      %dma_start3A_79 = tpu.memref_slice %arg7[%add3A_77, %dma_start3A_78] : memref<125x80xi32, #tpu.memory_space<vmem>> -> memref<1x80xi32, #tpu.memory_space<vmem>>
      %dma_start3A_80 = tpu.memref_squeeze %dma_start3A_79 : memref<1x80xi32, #tpu.memory_space<vmem>> -> memref<80xi32, #tpu.memory_space<vmem>>
      %dma_start3A_81 = arith.constant 0 : i32
      %dma_start3A_82 = arith.constant 0 : i32
      %dma_start3A_83 = tpu.memref_slice %arg14[%dma_start3A_81, %dma_start3A_82] : memref<10000x64xf32, #tpu.memory_space<vmem_shared>> -> memref<10000x64xf32, #tpu.memory_space<vmem_shared>>
      tpu.enqueue_indirect_dma source(%arg10 : memref<80x64xf32, #tpu.memory_space<vmem>>) target(%dma_start3A_83 : memref<10000x64xf32, #tpu.memory_space<vmem_shared>>) offsets(%dma_start3A_80 : memref<80xi32, #tpu.memory_space<vmem>>) semaphore(%arg21 : memref<!tpu.dma_semaphore, #tpu.memory_space<semaphore_mem>>) {add = true}
      %add3A_84 = arith.constant 2 : i32
      %add3A_85 = arith.addi %mul3A_52, %add3A_84 : i32
      %dma_wait3A_86 = arith.constant 0 : i32
      %dma_wait3A_87 = tpu.memref_slice %arg6[%add3A_85, %dma_wait3A_86] : memref<125x80xi32, #tpu.memory_space<vmem>> -> memref<1x80xi32, #tpu.memory_space<vmem>>
      %dma_wait3A_88 = tpu.memref_squeeze %dma_wait3A_87 : memref<1x80xi32, #tpu.memory_space<vmem>> -> memref<80xi32, #tpu.memory_space<vmem>>
      %dma_wait3A_89 = arith.constant 0 : i32
      %dma_wait3A_90 = arith.constant 0 : i32
      %dma_wait3A_91 = tpu.memref_slice %arg2[%dma_wait3A_89, %dma_wait3A_90] : memref<10000x64xf32, #tpu.memory_space<hbm>> -> memref<10000x64xf32, #tpu.memory_space<hbm>>
      tpu.wait_indirect_dma semaphore(%arg17 : memref<!tpu.dma_semaphore, #tpu.memory_space<semaphore_mem>>) src(%dma_wait3A_91 : memref<10000x64xf32, #tpu.memory_space<hbm>>) dst(%arg11 : memref<80x64xf32, #tpu.memory_space<vmem>>)
      %add3A_92 = arith.constant 2 : i32
      %add3A_93 = arith.addi %mul3A_52, %add3A_92 : i32
      %dma_start3A_94 = arith.constant 0 : i32
      %dma_start3A_95 = tpu.memref_slice %arg7[%add3A_93, %dma_start3A_94] : memref<125x80xi32, #tpu.memory_space<vmem>> -> memref<1x80xi32, #tpu.memory_space<vmem>>
      %dma_start3A_96 = tpu.memref_squeeze %dma_start3A_95 : memref<1x80xi32, #tpu.memory_space<vmem>> -> memref<80xi32, #tpu.memory_space<vmem>>
      %dma_start3A_97 = arith.constant 0 : i32
      %dma_start3A_98 = arith.constant 0 : i32
      %dma_start3A_99 = tpu.memref_slice %arg14[%dma_start3A_97, %dma_start3A_98] : memref<10000x64xf32, #tpu.memory_space<vmem_shared>> -> memref<10000x64xf32, #tpu.memory_space<vmem_shared>>
      tpu.enqueue_indirect_dma source(%arg11 : memref<80x64xf32, #tpu.memory_space<vmem>>) target(%dma_start3A_99 : memref<10000x64xf32, #tpu.memory_space<vmem_shared>>) offsets(%dma_start3A_96 : memref<80xi32, #tpu.memory_space<vmem>>) semaphore(%arg22 : memref<!tpu.dma_semaphore, #tpu.memory_space<semaphore_mem>>) {add = true}
      %add3A_100 = arith.constant 3 : i32
      %add3A_101 = arith.addi %mul3A_52, %add3A_100 : i32
      %dma_wait3A_102 = arith.constant 0 : i32
      %dma_wait3A_103 = tpu.memref_slice %arg6[%add3A_101, %dma_wait3A_102] : memref<125x80xi32, #tpu.memory_space<vmem>> -> memref<1x80xi32, #tpu.memory_space<vmem>>
      %dma_wait3A_104 = tpu.memref_squeeze %dma_wait3A_103 : memref<1x80xi32, #tpu.memory_space<vmem>> -> memref<80xi32, #tpu.memory_space<vmem>>
      %dma_wait3A_105 = arith.constant 0 : i32
      %dma_wait3A_106 = arith.constant 0 : i32
      %dma_wait3A_107 = tpu.memref_slice %arg2[%dma_wait3A_105, %dma_wait3A_106] : memref<10000x64xf32, #tpu.memory_space<hbm>> -> memref<10000x64xf32, #tpu.memory_space<hbm>>
      tpu.wait_indirect_dma semaphore(%arg18 : memref<!tpu.dma_semaphore, #tpu.memory_space<semaphore_mem>>) src(%dma_wait3A_107 : memref<10000x64xf32, #tpu.memory_space<hbm>>) dst(%arg12 : memref<80x64xf32, #tpu.memory_space<vmem>>)
      %add3A_108 = arith.constant 3 : i32
      %add3A_109 = arith.addi %mul3A_52, %add3A_108 : i32
      %dma_start3A_110 = arith.constant 0 : i32
      %dma_start3A_111 = tpu.memref_slice %arg7[%add3A_109, %dma_start3A_110] : memref<125x80xi32, #tpu.memory_space<vmem>> -> memref<1x80xi32, #tpu.memory_space<vmem>>
      %dma_start3A_112 = tpu.memref_squeeze %dma_start3A_111 : memref<1x80xi32, #tpu.memory_space<vmem>> -> memref<80xi32, #tpu.memory_space<vmem>>
      %dma_start3A_113 = arith.constant 0 : i32
      %dma_start3A_114 = arith.constant 0 : i32
      %dma_start3A_115 = tpu.memref_slice %arg14[%dma_start3A_113, %dma_start3A_114] : memref<10000x64xf32, #tpu.memory_space<vmem_shared>> -> memref<10000x64xf32, #tpu.memory_space<vmem_shared>>
      tpu.enqueue_indirect_dma source(%arg12 : memref<80x64xf32, #tpu.memory_space<vmem>>) target(%dma_start3A_115 : memref<10000x64xf32, #tpu.memory_space<vmem_shared>>) offsets(%dma_start3A_112 : memref<80xi32, #tpu.memory_space<vmem>>) semaphore(%arg23 : memref<!tpu.dma_semaphore, #tpu.memory_space<semaphore_mem>>) {add = true}
      %add3A_116 = arith.constant 4 : i32
      %add3A_117 = arith.addi %mul3A_52, %add3A_116 : i32
      %dma_wait3A_118 = arith.constant 0 : i32
      %dma_wait3A_119 = tpu.memref_slice %arg6[%add3A_117, %dma_wait3A_118] : memref<125x80xi32, #tpu.memory_space<vmem>> -> memref<1x80xi32, #tpu.memory_space<vmem>>
      %dma_wait3A_120 = tpu.memref_squeeze %dma_wait3A_119 : memref<1x80xi32, #tpu.memory_space<vmem>> -> memref<80xi32, #tpu.memory_space<vmem>>
      %dma_wait3A_121 = arith.constant 0 : i32
      %dma_wait3A_122 = arith.constant 0 : i32
      %dma_wait3A_123 = tpu.memref_slice %arg2[%dma_wait3A_121, %dma_wait3A_122] : memref<10000x64xf32, #tpu.memory_space<hbm>> -> memref<10000x64xf32, #tpu.memory_space<hbm>>
      tpu.wait_indirect_dma semaphore(%arg19 : memref<!tpu.dma_semaphore, #tpu.memory_space<semaphore_mem>>) src(%dma_wait3A_123 : memref<10000x64xf32, #tpu.memory_space<hbm>>) dst(%arg13 : memref<80x64xf32, #tpu.memory_space<vmem>>)
      %add3A_124 = arith.constant 4 : i32
      %add3A_125 = arith.addi %mul3A_52, %add3A_124 : i32
      %dma_start3A_126 = arith.constant 0 : i32
      %dma_start3A_127 = tpu.memref_slice %arg7[%add3A_125, %dma_start3A_126] : memref<125x80xi32, #tpu.memory_space<vmem>> -> memref<1x80xi32, #tpu.memory_space<vmem>>
      %dma_start3A_128 = tpu.memref_squeeze %dma_start3A_127 : memref<1x80xi32, #tpu.memory_space<vmem>> -> memref<80xi32, #tpu.memory_space<vmem>>
      %dma_start3A_129 = arith.constant 0 : i32
      %dma_start3A_130 = arith.constant 0 : i32
      %dma_start3A_131 = tpu.memref_slice %arg14[%dma_start3A_129, %dma_start3A_130] : memref<10000x64xf32, #tpu.memory_space<vmem_shared>> -> memref<10000x64xf32, #tpu.memory_space<vmem_shared>>
      tpu.enqueue_indirect_dma source(%arg13 : memref<80x64xf32, #tpu.memory_space<vmem>>) target(%dma_start3A_131 : memref<10000x64xf32, #tpu.memory_space<vmem_shared>>) offsets(%dma_start3A_128 : memref<80xi32, #tpu.memory_space<vmem>>) semaphore(%arg24 : memref<!tpu.dma_semaphore, #tpu.memory_space<semaphore_mem>>) {add = true}
      %add3A_132 = arith.constant 0 : i32
      %add3A_133 = arith.addi %mul3A_52, %add3A_132 : i32
      %dma_wait3A_134 = arith.constant 0 : i32
      %dma_wait3A_135 = tpu.memref_slice %arg7[%add3A_133, %dma_wait3A_134] : memref<125x80xi32, #tpu.memory_space<vmem>> -> memref<1x80xi32, #tpu.memory_space<vmem>>
      %dma_wait3A_136 = tpu.memref_squeeze %dma_wait3A_135 : memref<1x80xi32, #tpu.memory_space<vmem>> -> memref<80xi32, #tpu.memory_space<vmem>>
      %dma_wait3A_137 = arith.constant 0 : i32
      %dma_wait3A_138 = arith.constant 0 : i32
      %dma_wait3A_139 = tpu.memref_slice %arg14[%dma_wait3A_137, %dma_wait3A_138] : memref<10000x64xf32, #tpu.memory_space<vmem_shared>> -> memref<10000x64xf32, #tpu.memory_space<vmem_shared>>
      tpu.wait_indirect_dma semaphore(%arg20 : memref<!tpu.dma_semaphore, #tpu.memory_space<semaphore_mem>>) src(%arg9 : memref<80x64xf32, #tpu.memory_space<vmem>>) dst(%dma_wait3A_139 : memref<10000x64xf32, #tpu.memory_space<vmem_shared>>)
      %add3A_140 = arith.constant 0 : i32
      %add3A_141 = arith.addi %mul3A_52, %add3A_140 : i32
      %add3A_142 = arith.constant 5 : i32
      %add3A_143 = arith.addi %add3A_141, %add3A_142 : i32
      %lt3A = arith.constant 125 : i32
      %lt3A_144 = arith.cmpi slt, %add3A_143, %lt3A : i32
      %convert_element_type3A_145 = arith.extui %lt3A_144 : i1 to i32
      %cond3A_146 = arith.constant 0 : i32
      %cond3A_147 = arith.cmpi ne, %convert_element_type3A_145, %cond3A_146 : i32
      scf.if %cond3A_147 {
        %add3A_216 = arith.constant 0 : i32
        %add3A_217 = arith.addi %mul3A_52, %add3A_216 : i32
        %add3A_218 = arith.constant 5 : i32
        %add3A_219 = arith.addi %add3A_217, %add3A_218 : i32
        %dma_start3A_220 = arith.constant 0 : i32
        %dma_start3A_221 = tpu.memref_slice %arg6[%add3A_219, %dma_start3A_220] : memref<125x80xi32, #tpu.memory_space<vmem>> -> memref<1x80xi32, #tpu.memory_space<vmem>>
        %dma_start3A_222 = tpu.memref_squeeze %dma_start3A_221 : memref<1x80xi32, #tpu.memory_space<vmem>> -> memref<80xi32, #tpu.memory_space<vmem>>
        %dma_start3A_223 = arith.constant 0 : i32
        %dma_start3A_224 = arith.constant 0 : i32
        %dma_start3A_225 = tpu.memref_slice %arg2[%dma_start3A_223, %dma_start3A_224] : memref<10000x64xf32, #tpu.memory_space<hbm>> -> memref<10000x64xf32, #tpu.memory_space<hbm>>
        tpu.enqueue_indirect_dma source(%dma_start3A_225 : memref<10000x64xf32, #tpu.memory_space<hbm>>) target(%arg9 : memref<80x64xf32, #tpu.memory_space<vmem>>) offsets(%dma_start3A_222 : memref<80xi32, #tpu.memory_space<vmem>>) semaphore(%arg15 : memref<!tpu.dma_semaphore, #tpu.memory_space<semaphore_mem>>)
      } else {
      }
      %add3A_148 = arith.constant 1 : i32
      %add3A_149 = arith.addi %mul3A_52, %add3A_148 : i32
      %dma_wait3A_150 = arith.constant 0 : i32
      %dma_wait3A_151 = tpu.memref_slice %arg7[%add3A_149, %dma_wait3A_150] : memref<125x80xi32, #tpu.memory_space<vmem>> -> memref<1x80xi32, #tpu.memory_space<vmem>>
      %dma_wait3A_152 = tpu.memref_squeeze %dma_wait3A_151 : memref<1x80xi32, #tpu.memory_space<vmem>> -> memref<80xi32, #tpu.memory_space<vmem>>
      %dma_wait3A_153 = arith.constant 0 : i32
      %dma_wait3A_154 = arith.constant 0 : i32
      %dma_wait3A_155 = tpu.memref_slice %arg14[%dma_wait3A_153, %dma_wait3A_154] : memref<10000x64xf32, #tpu.memory_space<vmem_shared>> -> memref<10000x64xf32, #tpu.memory_space<vmem_shared>>
      tpu.wait_indirect_dma semaphore(%arg21 : memref<!tpu.dma_semaphore, #tpu.memory_space<semaphore_mem>>) src(%arg10 : memref<80x64xf32, #tpu.memory_space<vmem>>) dst(%dma_wait3A_155 : memref<10000x64xf32, #tpu.memory_space<vmem_shared>>)
      %add3A_156 = arith.constant 1 : i32
      %add3A_157 = arith.addi %mul3A_52, %add3A_156 : i32
      %add3A_158 = arith.constant 5 : i32
      %add3A_159 = arith.addi %add3A_157, %add3A_158 : i32
      %lt3A_160 = arith.constant 125 : i32
      %lt3A_161 = arith.cmpi slt, %add3A_159, %lt3A_160 : i32
      %convert_element_type3A_162 = arith.extui %lt3A_161 : i1 to i32
      %cond3A_163 = arith.constant 0 : i32
      %cond3A_164 = arith.cmpi ne, %convert_element_type3A_162, %cond3A_163 : i32
      scf.if %cond3A_164 {
        %add3A_216 = arith.constant 1 : i32
        %add3A_217 = arith.addi %mul3A_52, %add3A_216 : i32
        %add3A_218 = arith.constant 5 : i32
        %add3A_219 = arith.addi %add3A_217, %add3A_218 : i32
        %dma_start3A_220 = arith.constant 0 : i32
        %dma_start3A_221 = tpu.memref_slice %arg6[%add3A_219, %dma_start3A_220] : memref<125x80xi32, #tpu.memory_space<vmem>> -> memref<1x80xi32, #tpu.memory_space<vmem>>
        %dma_start3A_222 = tpu.memref_squeeze %dma_start3A_221 : memref<1x80xi32, #tpu.memory_space<vmem>> -> memref<80xi32, #tpu.memory_space<vmem>>
        %dma_start3A_223 = arith.constant 0 : i32
        %dma_start3A_224 = arith.constant 0 : i32
        %dma_start3A_225 = tpu.memref_slice %arg2[%dma_start3A_223, %dma_start3A_224] : memref<10000x64xf32, #tpu.memory_space<hbm>> -> memref<10000x64xf32, #tpu.memory_space<hbm>>
        tpu.enqueue_indirect_dma source(%dma_start3A_225 : memref<10000x64xf32, #tpu.memory_space<hbm>>) target(%arg10 : memref<80x64xf32, #tpu.memory_space<vmem>>) offsets(%dma_start3A_222 : memref<80xi32, #tpu.memory_space<vmem>>) semaphore(%arg16 : memref<!tpu.dma_semaphore, #tpu.memory_space<semaphore_mem>>)
      } else {
      }
      %add3A_165 = arith.constant 2 : i32
      %add3A_166 = arith.addi %mul3A_52, %add3A_165 : i32
      %dma_wait3A_167 = arith.constant 0 : i32
      %dma_wait3A_168 = tpu.memref_slice %arg7[%add3A_166, %dma_wait3A_167] : memref<125x80xi32, #tpu.memory_space<vmem>> -> memref<1x80xi32, #tpu.memory_space<vmem>>
      %dma_wait3A_169 = tpu.memref_squeeze %dma_wait3A_168 : memref<1x80xi32, #tpu.memory_space<vmem>> -> memref<80xi32, #tpu.memory_space<vmem>>
      %dma_wait3A_170 = arith.constant 0 : i32
      %dma_wait3A_171 = arith.constant 0 : i32
      %dma_wait3A_172 = tpu.memref_slice %arg14[%dma_wait3A_170, %dma_wait3A_171] : memref<10000x64xf32, #tpu.memory_space<vmem_shared>> -> memref<10000x64xf32, #tpu.memory_space<vmem_shared>>
      tpu.wait_indirect_dma semaphore(%arg22 : memref<!tpu.dma_semaphore, #tpu.memory_space<semaphore_mem>>) src(%arg11 : memref<80x64xf32, #tpu.memory_space<vmem>>) dst(%dma_wait3A_172 : memref<10000x64xf32, #tpu.memory_space<vmem_shared>>)
      %add3A_173 = arith.constant 2 : i32
      %add3A_174 = arith.addi %mul3A_52, %add3A_173 : i32
      %add3A_175 = arith.constant 5 : i32
      %add3A_176 = arith.addi %add3A_174, %add3A_175 : i32
      %lt3A_177 = arith.constant 125 : i32
      %lt3A_178 = arith.cmpi slt, %add3A_176, %lt3A_177 : i32
      %convert_element_type3A_179 = arith.extui %lt3A_178 : i1 to i32
      %cond3A_180 = arith.constant 0 : i32
      %cond3A_181 = arith.cmpi ne, %convert_element_type3A_179, %cond3A_180 : i32
      scf.if %cond3A_181 {
        %add3A_216 = arith.constant 2 : i32
        %add3A_217 = arith.addi %mul3A_52, %add3A_216 : i32
        %add3A_218 = arith.constant 5 : i32
        %add3A_219 = arith.addi %add3A_217, %add3A_218 : i32
        %dma_start3A_220 = arith.constant 0 : i32
        %dma_start3A_221 = tpu.memref_slice %arg6[%add3A_219, %dma_start3A_220] : memref<125x80xi32, #tpu.memory_space<vmem>> -> memref<1x80xi32, #tpu.memory_space<vmem>>
        %dma_start3A_222 = tpu.memref_squeeze %dma_start3A_221 : memref<1x80xi32, #tpu.memory_space<vmem>> -> memref<80xi32, #tpu.memory_space<vmem>>
        %dma_start3A_223 = arith.constant 0 : i32
        %dma_start3A_224 = arith.constant 0 : i32
        %dma_start3A_225 = tpu.memref_slice %arg2[%dma_start3A_223, %dma_start3A_224] : memref<10000x64xf32, #tpu.memory_space<hbm>> -> memref<10000x64xf32, #tpu.memory_space<hbm>>
        tpu.enqueue_indirect_dma source(%dma_start3A_225 : memref<10000x64xf32, #tpu.memory_space<hbm>>) target(%arg11 : memref<80x64xf32, #tpu.memory_space<vmem>>) offsets(%dma_start3A_222 : memref<80xi32, #tpu.memory_space<vmem>>) semaphore(%arg17 : memref<!tpu.dma_semaphore, #tpu.memory_space<semaphore_mem>>)
      } else {
      }
      %add3A_182 = arith.constant 3 : i32
      %add3A_183 = arith.addi %mul3A_52, %add3A_182 : i32
      %dma_wait3A_184 = arith.constant 0 : i32
      %dma_wait3A_185 = tpu.memref_slice %arg7[%add3A_183, %dma_wait3A_184] : memref<125x80xi32, #tpu.memory_space<vmem>> -> memref<1x80xi32, #tpu.memory_space<vmem>>
      %dma_wait3A_186 = tpu.memref_squeeze %dma_wait3A_185 : memref<1x80xi32, #tpu.memory_space<vmem>> -> memref<80xi32, #tpu.memory_space<vmem>>
      %dma_wait3A_187 = arith.constant 0 : i32
      %dma_wait3A_188 = arith.constant 0 : i32
      %dma_wait3A_189 = tpu.memref_slice %arg14[%dma_wait3A_187, %dma_wait3A_188] : memref<10000x64xf32, #tpu.memory_space<vmem_shared>> -> memref<10000x64xf32, #tpu.memory_space<vmem_shared>>
      tpu.wait_indirect_dma semaphore(%arg23 : memref<!tpu.dma_semaphore, #tpu.memory_space<semaphore_mem>>) src(%arg12 : memref<80x64xf32, #tpu.memory_space<vmem>>) dst(%dma_wait3A_189 : memref<10000x64xf32, #tpu.memory_space<vmem_shared>>)
      %add3A_190 = arith.constant 3 : i32
      %add3A_191 = arith.addi %mul3A_52, %add3A_190 : i32
      %add3A_192 = arith.constant 5 : i32
      %add3A_193 = arith.addi %add3A_191, %add3A_192 : i32
      %lt3A_194 = arith.constant 125 : i32
      %lt3A_195 = arith.cmpi slt, %add3A_193, %lt3A_194 : i32
      %convert_element_type3A_196 = arith.extui %lt3A_195 : i1 to i32
      %cond3A_197 = arith.constant 0 : i32
      %cond3A_198 = arith.cmpi ne, %convert_element_type3A_196, %cond3A_197 : i32
      scf.if %cond3A_198 {
        %add3A_216 = arith.constant 3 : i32
        %add3A_217 = arith.addi %mul3A_52, %add3A_216 : i32
        %add3A_218 = arith.constant 5 : i32
        %add3A_219 = arith.addi %add3A_217, %add3A_218 : i32
        %dma_start3A_220 = arith.constant 0 : i32
        %dma_start3A_221 = tpu.memref_slice %arg6[%add3A_219, %dma_start3A_220] : memref<125x80xi32, #tpu.memory_space<vmem>> -> memref<1x80xi32, #tpu.memory_space<vmem>>
        %dma_start3A_222 = tpu.memref_squeeze %dma_start3A_221 : memref<1x80xi32, #tpu.memory_space<vmem>> -> memref<80xi32, #tpu.memory_space<vmem>>
        %dma_start3A_223 = arith.constant 0 : i32
        %dma_start3A_224 = arith.constant 0 : i32
        %dma_start3A_225 = tpu.memref_slice %arg2[%dma_start3A_223, %dma_start3A_224] : memref<10000x64xf32, #tpu.memory_space<hbm>> -> memref<10000x64xf32, #tpu.memory_space<hbm>>
        tpu.enqueue_indirect_dma source(%dma_start3A_225 : memref<10000x64xf32, #tpu.memory_space<hbm>>) target(%arg12 : memref<80x64xf32, #tpu.memory_space<vmem>>) offsets(%dma_start3A_222 : memref<80xi32, #tpu.memory_space<vmem>>) semaphore(%arg18 : memref<!tpu.dma_semaphore, #tpu.memory_space<semaphore_mem>>)
      } else {
      }
      %add3A_199 = arith.constant 4 : i32
      %add3A_200 = arith.addi %mul3A_52, %add3A_199 : i32
      %dma_wait3A_201 = arith.constant 0 : i32
      %dma_wait3A_202 = tpu.memref_slice %arg7[%add3A_200, %dma_wait3A_201] : memref<125x80xi32, #tpu.memory_space<vmem>> -> memref<1x80xi32, #tpu.memory_space<vmem>>
      %dma_wait3A_203 = tpu.memref_squeeze %dma_wait3A_202 : memref<1x80xi32, #tpu.memory_space<vmem>> -> memref<80xi32, #tpu.memory_space<vmem>>
      %dma_wait3A_204 = arith.constant 0 : i32
      %dma_wait3A_205 = arith.constant 0 : i32
      %dma_wait3A_206 = tpu.memref_slice %arg14[%dma_wait3A_204, %dma_wait3A_205] : memref<10000x64xf32, #tpu.memory_space<vmem_shared>> -> memref<10000x64xf32, #tpu.memory_space<vmem_shared>>
      tpu.wait_indirect_dma semaphore(%arg24 : memref<!tpu.dma_semaphore, #tpu.memory_space<semaphore_mem>>) src(%arg13 : memref<80x64xf32, #tpu.memory_space<vmem>>) dst(%dma_wait3A_206 : memref<10000x64xf32, #tpu.memory_space<vmem_shared>>)
      %add3A_207 = arith.constant 4 : i32
      %add3A_208 = arith.addi %mul3A_52, %add3A_207 : i32
      %add3A_209 = arith.constant 5 : i32
      %add3A_210 = arith.addi %add3A_208, %add3A_209 : i32
      %lt3A_211 = arith.constant 125 : i32
      %lt3A_212 = arith.cmpi slt, %add3A_210, %lt3A_211 : i32
      %convert_element_type3A_213 = arith.extui %lt3A_212 : i1 to i32
      %cond3A_214 = arith.constant 0 : i32
      %cond3A_215 = arith.cmpi ne, %convert_element_type3A_213, %cond3A_214 : i32
      scf.if %cond3A_215 {
        %add3A_216 = arith.constant 4 : i32
        %add3A_217 = arith.addi %mul3A_52, %add3A_216 : i32
        %add3A_218 = arith.constant 5 : i32
        %add3A_219 = arith.addi %add3A_217, %add3A_218 : i32
        %dma_start3A_220 = arith.constant 0 : i32
        %dma_start3A_221 = tpu.memref_slice %arg6[%add3A_219, %dma_start3A_220] : memref<125x80xi32, #tpu.memory_space<vmem>> -> memref<1x80xi32, #tpu.memory_space<vmem>>
        %dma_start3A_222 = tpu.memref_squeeze %dma_start3A_221 : memref<1x80xi32, #tpu.memory_space<vmem>> -> memref<80xi32, #tpu.memory_space<vmem>>
        %dma_start3A_223 = arith.constant 0 : i32
        %dma_start3A_224 = arith.constant 0 : i32
        %dma_start3A_225 = tpu.memref_slice %arg2[%dma_start3A_223, %dma_start3A_224] : memref<10000x64xf32, #tpu.memory_space<hbm>> -> memref<10000x64xf32, #tpu.memory_space<hbm>>
        tpu.enqueue_indirect_dma source(%dma_start3A_225 : memref<10000x64xf32, #tpu.memory_space<hbm>>) target(%arg13 : memref<80x64xf32, #tpu.memory_space<vmem>>) offsets(%dma_start3A_222 : memref<80xi32, #tpu.memory_space<vmem>>) semaphore(%arg19 : memref<!tpu.dma_semaphore, #tpu.memory_space<semaphore_mem>>)
      } else {
      }
    }
    %scan3A_43 = arith.constant 25 : i32
    %barrier3A_44 = arith.constant 0 : index
    tpu.barrier barrier_id(%barrier3A_44)
    "tpu.region"() ({
      %run_scoped3A = tpu.sem_alloc : memref<!tpu.dma_semaphore, #tpu.memory_space<semaphore_mem>>
      %dma_start3A_50 = arith.constant 0 : i32
      %dma_start3A_51 = tpu.memref_slice %arg5[%arg0, %multiple_of3A, %dma_start3A_50] : memref<2x10000x64xf32, #tpu.memory_space<hbm>> -> memref<1x624x64xf32, #tpu.memory_space<hbm>>
      %dma_start3A_52 = tpu.memref_squeeze %dma_start3A_51 : memref<1x624x64xf32, #tpu.memory_space<hbm>> -> memref<624x64xf32, #tpu.memory_space<hbm>>
      %dma_start3A_53 = arith.constant 0 : i32
      %dma_start3A_54 = tpu.memref_slice %arg14[%multiple_of3A, %dma_start3A_53] : memref<10000x64xf32, #tpu.memory_space<vmem_shared>> -> memref<624x64xf32, #tpu.memory_space<vmem_shared>>
      tpu.enqueue_dma source(%dma_start3A_54 : memref<624x64xf32, #tpu.memory_space<vmem_shared>>) target(%dma_start3A_52 : memref<624x64xf32, #tpu.memory_space<hbm>>) target_semaphore(%run_scoped3A : memref<!tpu.dma_semaphore, #tpu.memory_space<semaphore_mem>>)
      %dma_wait3A = arith.constant 0 : i32
      %dma_wait3A_55 = tpu.memref_slice %arg5[%arg0, %multiple_of3A, %dma_wait3A] : memref<2x10000x64xf32, #tpu.memory_space<hbm>> -> memref<1x624x64xf32, #tpu.memory_space<hbm>>
      %dma_wait3A_56 = tpu.memref_squeeze %dma_wait3A_55 : memref<1x624x64xf32, #tpu.memory_space<hbm>> -> memref<624x64xf32, #tpu.memory_space<hbm>>
      %dma_wait3A_57 = arith.constant 0 : i32
      %dma_wait3A_58 = tpu.memref_slice %arg14[%multiple_of3A, %dma_wait3A_57] : memref<10000x64xf32, #tpu.memory_space<vmem_shared>> -> memref<624x64xf32, #tpu.memory_space<vmem_shared>>
      tpu.wait_dma2 semaphore(%run_scoped3A : memref<!tpu.dma_semaphore, #tpu.memory_space<semaphore_mem>>) src(%dma_wait3A_58 : memref<624x64xf32, #tpu.memory_space<vmem_shared>>) dst(%dma_wait3A_56 : memref<624x64xf32, #tpu.memory_space<hbm>>)
      tpu.yield
    }) : () -> ()
    %eq3A_45 = arith.constant 0 : i32
    %eq3A_46 = arith.cmpi eq, %arg1, %eq3A_45 : i32
    %convert_element_type3A_47 = arith.extui %eq3A_46 : i1 to i32
    %cond3A_48 = arith.constant 0 : i32
    %cond3A_49 = arith.cmpi ne, %convert_element_type3A_47, %cond3A_48 : i32
    scf.if %cond3A_49 {
      "tpu.region"() ({
        %run_scoped3A = tpu.sem_alloc : memref<!tpu.dma_semaphore, #tpu.memory_space<semaphore_mem>>
        %dma_start3A_50 = arith.constant 9984 : i32
        %dma_start3A_51 = arith.constant 0 : i32
        %dma_start3A_52 = tpu.memref_slice %arg5[%arg0, %dma_start3A_50, %dma_start3A_51] : memref<2x10000x64xf32, #tpu.memory_space<hbm>> -> memref<1x16x64xf32, #tpu.memory_space<hbm>>
        %dma_start3A_53 = tpu.memref_squeeze %dma_start3A_52 : memref<1x16x64xf32, #tpu.memory_space<hbm>> -> memref<16x64xf32, #tpu.memory_space<hbm>>
        %dma_start3A_54 = arith.constant 9984 : i32
        %dma_start3A_55 = arith.constant 0 : i32
        %dma_start3A_56 = tpu.memref_slice %arg14[%dma_start3A_54, %dma_start3A_55] : memref<10000x64xf32, #tpu.memory_space<vmem_shared>> -> memref<16x64xf32, #tpu.memory_space<vmem_shared>>
        tpu.enqueue_dma source(%dma_start3A_56 : memref<16x64xf32, #tpu.memory_space<vmem_shared>>) target(%dma_start3A_53 : memref<16x64xf32, #tpu.memory_space<hbm>>) target_semaphore(%run_scoped3A : memref<!tpu.dma_semaphore, #tpu.memory_space<semaphore_mem>>)
        %dma_wait3A = arith.constant 9984 : i32
        %dma_wait3A_57 = arith.constant 0 : i32
        %dma_wait3A_58 = tpu.memref_slice %arg5[%arg0, %dma_wait3A, %dma_wait3A_57] : memref<2x10000x64xf32, #tpu.memory_space<hbm>> -> memref<1x16x64xf32, #tpu.memory_space<hbm>>
        %dma_wait3A_59 = tpu.memref_squeeze %dma_wait3A_58 : memref<1x16x64xf32, #tpu.memory_space<hbm>> -> memref<16x64xf32, #tpu.memory_space<hbm>>
        %dma_wait3A_60 = arith.constant 9984 : i32
        %dma_wait3A_61 = arith.constant 0 : i32
        %dma_wait3A_62 = tpu.memref_slice %arg14[%dma_wait3A_60, %dma_wait3A_61] : memref<10000x64xf32, #tpu.memory_space<vmem_shared>> -> memref<16x64xf32, #tpu.memory_space<vmem_shared>>
        tpu.wait_dma2 semaphore(%run_scoped3A : memref<!tpu.dma_semaphore, #tpu.memory_space<semaphore_mem>>) src(%dma_wait3A_62 : memref<16x64xf32, #tpu.memory_space<vmem_shared>>) dst(%dma_wait3A_59 : memref<16x64xf32, #tpu.memory_space<hbm>>)
        tpu.yield
      }) : () -> ()
    } else {
    }
    return
  }
}

module attributes {stable_mosaic.version = 14 : i64} {
  func.func @_mlp2_body(%arg0: memref<5000x128xf32, #tpu.memory_space<vmem>>, %arg1: memref<2x5000x128xf32, #tpu.memory_space<vmem>>, %arg2: memref<64x64xf32, #tpu.memory_space<vmem>>, %arg3: memref<64xf32, #tpu.memory_space<vmem>>, %arg4: memref<64xf32, #tpu.memory_space<vmem>>, %arg5: memref<64xf32, #tpu.memory_space<vmem>>, %arg6: memref<64x32xf32, #tpu.memory_space<vmem>>, %arg7: memref<32xf32, #tpu.memory_space<vmem>>, %arg8: memref<32x64xf32, #tpu.memory_space<vmem>>, %arg9: memref<64xf32, #tpu.memory_space<vmem>>, %arg10: memref<5000x64xf32, #tpu.memory_space<vmem>>, %arg11: memref<5000x128xf32, #tpu.memory_space<vmem>>) attributes {dimension_semantics = [], scalar_prefetch = 0 : i64, scratch_operands = 0 : i64, tpu.core_type = #tpu.core_type<tc>} {
    %get3A = arith.constant 0 : index
    %get3A_0 = arith.constant 0 : index
    %get3A_1 = arith.constant 0 : index
    %get3A_2 = vector.load %arg1[%get3A, %get3A_0, %get3A_1] : memref<2x5000x128xf32, #tpu.memory_space<vmem>>, vector<1x5000x128xf32>
    %get3A_3 = vector.shape_cast %get3A_2 : vector<1x5000x128xf32> to vector<5000x128xf32>
    %get3A_4 = arith.constant 1 : index
    %get3A_5 = arith.constant 0 : index
    %get3A_6 = arith.constant 0 : index
    %get3A_7 = vector.load %arg1[%get3A_4, %get3A_5, %get3A_6] : memref<2x5000x128xf32, #tpu.memory_space<vmem>>, vector<1x5000x128xf32>
    %get3A_8 = vector.shape_cast %get3A_7 : vector<1x5000x128xf32> to vector<5000x128xf32>
    %add3A = arith.addf %get3A_3, %get3A_8 : vector<5000x128xf32>
    %get3A_9 = arith.constant 0 : index
    %get3A_10 = arith.constant 0 : index
    %get3A_11 = vector.load %arg0[%get3A_9, %get3A_10] : memref<5000x128xf32, #tpu.memory_space<vmem>>, vector<5000x128xf32>
    %sub3A = arith.subf %add3A, %get3A_11 : vector<5000x128xf32>
    %get3A_12 = arith.constant 0 : index
    %get3A_13 = arith.constant 0 : index
    %get3A_14 = vector.load %arg2[%get3A_12, %get3A_13] : memref<64x64xf32, #tpu.memory_space<vmem>>, vector<64x64xf32>
    %get3A_15 = arith.constant 0 : index
    %get3A_16 = vector.load %arg3[%get3A_15] : memref<64xf32, #tpu.memory_space<vmem>>, vector<64xf32>
    %slice3A = vector.extract_strided_slice %sub3A {offsets = [0, 0], sizes = [5000, 64], strides = [1, 1]} : vector<5000x128xf32> to vector<5000x64xf32>
    %dot_general3A = arith.constant dense<0.000000e+00> : vector<5000x64xf32>
    %dot_general3A_17 = tpu.matmul %slice3A, %get3A_14, %dot_general3A {dimension_numbers = #tpu.dot_dimension_numbers<[1], [0], [0], [1], [0, 0, 1, 1], [], []>, transpose_lhs_hint = false} : vector<5000x64xf32>, vector<64x64xf32>, vector<5000x64xf32> -> vector<5000x64xf32>
    %broadcast_in_dim3A = vector.shape_cast %get3A_16 : vector<64xf32> to vector<1x64xf32>
    %add3A_18 = vector.broadcast %broadcast_in_dim3A : vector<1x64xf32> to vector<5000x64xf32>
    %add3A_19 = arith.addf %dot_general3A_17, %add3A_18 : vector<5000x64xf32>
    %slice3A_20 = vector.extract_strided_slice %sub3A {offsets = [0, 64], sizes = [5000, 64], strides = [1, 1]} : vector<5000x128xf32> to vector<5000x64xf32>
    %dot_general3A_21 = arith.constant dense<0.000000e+00> : vector<5000x64xf32>
    %dot_general3A_22 = tpu.matmul %slice3A_20, %get3A_14, %dot_general3A_21 {dimension_numbers = #tpu.dot_dimension_numbers<[1], [0], [0], [1], [0, 0, 1, 1], [], []>, transpose_lhs_hint = false} : vector<5000x64xf32>, vector<64x64xf32>, vector<5000x64xf32> -> vector<5000x64xf32>
    %broadcast_in_dim3A_23 = vector.shape_cast %get3A_16 : vector<64xf32> to vector<1x64xf32>
    %add3A_24 = vector.broadcast %broadcast_in_dim3A_23 : vector<1x64xf32> to vector<5000x64xf32>
    %add3A_25 = arith.addf %dot_general3A_22, %add3A_24 : vector<5000x64xf32>
    %get3A_26 = arith.constant 0 : index
    %get3A_27 = vector.load %arg4[%get3A_26] : memref<64xf32, #tpu.memory_space<vmem>>, vector<64xf32>
    %get3A_28 = arith.constant 0 : index
    %get3A_29 = vector.load %arg5[%get3A_28] : memref<64xf32, #tpu.memory_space<vmem>>, vector<64xf32>
    %reduce_sum3A = arith.constant dense<0.000000e+00> : vector<64xf32>
    %reduce_sum3A_30 = vector.multi_reduction <add>, %add3A_19, %reduce_sum3A [0] : vector<5000x64xf32> to vector<64xf32>
    %div3A = arith.constant 5.000000e+03 : f32
    %div3A_31 = vector.broadcast %div3A : f32 to vector<64xf32>
    %div3A_32 = arith.divf %reduce_sum3A_30, %div3A_31 : vector<64xf32>
    %reduce_sum3A_33 = arith.constant dense<0.000000e+00> : vector<64xf32>
    %reduce_sum3A_34 = vector.multi_reduction <add>, %add3A_25, %reduce_sum3A_33 [0] : vector<5000x64xf32> to vector<64xf32>
    %div3A_35 = arith.constant 5.000000e+03 : f32
    %div3A_36 = vector.broadcast %div3A_35 : f32 to vector<64xf32>
    %div3A_37 = arith.divf %reduce_sum3A_34, %div3A_36 : vector<64xf32>
    %add3A_38 = arith.addf %div3A_32, %div3A_37 : vector<64xf32>
    %mul3A = arith.constant 5.000000e-01 : f32
    %mul3A_39 = vector.broadcast %mul3A : f32 to vector<64xf32>
    %mul3A_40 = arith.mulf %mul3A_39, %add3A_38 : vector<64xf32>
    %mul3A_41 = arith.mulf %add3A_19, %add3A_19 : vector<5000x64xf32>
    %reduce_sum3A_42 = arith.constant dense<0.000000e+00> : vector<64xf32>
    %reduce_sum3A_43 = vector.multi_reduction <add>, %mul3A_41, %reduce_sum3A_42 [0] : vector<5000x64xf32> to vector<64xf32>
    %div3A_44 = arith.constant 5.000000e+03 : f32
    %div3A_45 = vector.broadcast %div3A_44 : f32 to vector<64xf32>
    %div3A_46 = arith.divf %reduce_sum3A_43, %div3A_45 : vector<64xf32>
    %mul3A_47 = arith.mulf %add3A_25, %add3A_25 : vector<5000x64xf32>
    %reduce_sum3A_48 = arith.constant dense<0.000000e+00> : vector<64xf32>
    %reduce_sum3A_49 = vector.multi_reduction <add>, %mul3A_47, %reduce_sum3A_48 [0] : vector<5000x64xf32> to vector<64xf32>
    %div3A_50 = arith.constant 5.000000e+03 : f32
    %div3A_51 = vector.broadcast %div3A_50 : f32 to vector<64xf32>
    %div3A_52 = arith.divf %reduce_sum3A_49, %div3A_51 : vector<64xf32>
    %add3A_53 = arith.addf %div3A_46, %div3A_52 : vector<64xf32>
    %mul3A_54 = arith.constant 5.000000e-01 : f32
    %mul3A_55 = vector.broadcast %mul3A_54 : f32 to vector<64xf32>
    %mul3A_56 = arith.mulf %mul3A_55, %add3A_53 : vector<64xf32>
    %mul3A_57 = arith.mulf %mul3A_40, %mul3A_40 : vector<64xf32>
    %sub3A_58 = arith.subf %mul3A_56, %mul3A_57 : vector<64xf32>
    %add3A_59 = arith.constant 9.99999974E-6 : f32
    %add3A_60 = vector.broadcast %add3A_59 : f32 to vector<64xf32>
    %add3A_61 = arith.addf %sub3A_58, %add3A_60 : vector<64xf32>
    %rsqrt3A = math.rsqrt %add3A_61 : vector<64xf32>
    %mul3A_62 = arith.mulf %get3A_27, %rsqrt3A : vector<64xf32>
    %mul3A_63 = arith.mulf %mul3A_40, %mul3A_62 : vector<64xf32>
    %sub3A_64 = arith.subf %get3A_29, %mul3A_63 : vector<64xf32>
    %broadcast_in_dim3A_65 = vector.shape_cast %mul3A_62 : vector<64xf32> to vector<1x64xf32>
    %mul3A_66 = vector.broadcast %broadcast_in_dim3A_65 : vector<1x64xf32> to vector<5000x64xf32>
    %mul3A_67 = arith.mulf %add3A_19, %mul3A_66 : vector<5000x64xf32>
    %broadcast_in_dim3A_68 = vector.shape_cast %sub3A_64 : vector<64xf32> to vector<1x64xf32>
    %add3A_69 = vector.broadcast %broadcast_in_dim3A_68 : vector<1x64xf32> to vector<5000x64xf32>
    %add3A_70 = arith.addf %mul3A_67, %add3A_69 : vector<5000x64xf32>
    %max3A = arith.constant 0.000000e+00 : f32
    %max3A_71 = vector.broadcast %max3A : f32 to vector<5000x64xf32>
    %max3A_72 = arith.maximumf %add3A_70, %max3A_71 : vector<5000x64xf32>
    %broadcast_in_dim3A_73 = vector.shape_cast %mul3A_62 : vector<64xf32> to vector<1x64xf32>
    %mul3A_74 = vector.broadcast %broadcast_in_dim3A_73 : vector<1x64xf32> to vector<5000x64xf32>
    %mul3A_75 = arith.mulf %add3A_25, %mul3A_74 : vector<5000x64xf32>
    %broadcast_in_dim3A_76 = vector.shape_cast %sub3A_64 : vector<64xf32> to vector<1x64xf32>
    %add3A_77 = vector.broadcast %broadcast_in_dim3A_76 : vector<1x64xf32> to vector<5000x64xf32>
    %add3A_78 = arith.addf %mul3A_75, %add3A_77 : vector<5000x64xf32>
    %max3A_79 = arith.constant 0.000000e+00 : f32
    %max3A_80 = vector.broadcast %max3A_79 : f32 to vector<5000x64xf32>
    %max3A_81 = arith.maximumf %add3A_78, %max3A_80 : vector<5000x64xf32>
    %get3A_82 = arith.constant 0 : index
    %get3A_83 = arith.constant 0 : index
    %get3A_84 = vector.load %arg6[%get3A_82, %get3A_83] : memref<64x32xf32, #tpu.memory_space<vmem>>, vector<64x32xf32>
    %get3A_85 = arith.constant 0 : index
    %get3A_86 = vector.load %arg7[%get3A_85] : memref<32xf32, #tpu.memory_space<vmem>>, vector<32xf32>
    %dot_general3A_87 = arith.constant dense<0.000000e+00> : vector<5000x32xf32>
    %dot_general3A_88 = tpu.matmul %max3A_72, %get3A_84, %dot_general3A_87 {dimension_numbers = #tpu.dot_dimension_numbers<[1], [0], [0], [1], [0, 0, 1, 1], [], []>, transpose_lhs_hint = false} : vector<5000x64xf32>, vector<64x32xf32>, vector<5000x32xf32> -> vector<5000x32xf32>
    %broadcast_in_dim3A_89 = vector.shape_cast %get3A_86 : vector<32xf32> to vector<1x32xf32>
    %add3A_90 = vector.broadcast %broadcast_in_dim3A_89 : vector<1x32xf32> to vector<5000x32xf32>
    %add3A_91 = arith.addf %dot_general3A_88, %add3A_90 : vector<5000x32xf32>
    %max3A_92 = arith.constant 0.000000e+00 : f32
    %max3A_93 = vector.broadcast %max3A_92 : f32 to vector<5000x32xf32>
    %max3A_94 = arith.maximumf %add3A_91, %max3A_93 : vector<5000x32xf32>
    %dot_general3A_95 = arith.constant dense<0.000000e+00> : vector<5000x32xf32>
    %dot_general3A_96 = tpu.matmul %max3A_81, %get3A_84, %dot_general3A_95 {dimension_numbers = #tpu.dot_dimension_numbers<[1], [0], [0], [1], [0, 0, 1, 1], [], []>, transpose_lhs_hint = false} : vector<5000x64xf32>, vector<64x32xf32>, vector<5000x32xf32> -> vector<5000x32xf32>
    %broadcast_in_dim3A_97 = vector.shape_cast %get3A_86 : vector<32xf32> to vector<1x32xf32>
    %add3A_98 = vector.broadcast %broadcast_in_dim3A_97 : vector<1x32xf32> to vector<5000x32xf32>
    %add3A_99 = arith.addf %dot_general3A_96, %add3A_98 : vector<5000x32xf32>
    %max3A_100 = arith.constant 0.000000e+00 : f32
    %max3A_101 = vector.broadcast %max3A_100 : f32 to vector<5000x32xf32>
    %max3A_102 = arith.maximumf %add3A_99, %max3A_101 : vector<5000x32xf32>
    %swap3A = arith.constant 0 : index
    %swap3A_103 = arith.constant 0 : index
    %swap3A_104 = vector.load %arg10[%swap3A, %swap3A_103] : memref<5000x64xf32, #tpu.memory_space<vmem>>, vector<5000x32xf32>
    tpu.vector_store %arg10[%swap3A, %swap3A_103], %max3A_94 {strides = array<i32>} : memref<5000x64xf32, #tpu.memory_space<vmem>>, vector<5000x32xf32>,
    %swap3A_105 = arith.constant 0 : index
    %swap3A_106 = arith.constant 32 : index
    %swap3A_107 = vector.load %arg10[%swap3A_105, %swap3A_106] : memref<5000x64xf32, #tpu.memory_space<vmem>>, vector<5000x32xf32>
    tpu.vector_store %arg10[%swap3A_105, %swap3A_106], %max3A_102 {strides = array<i32>} : memref<5000x64xf32, #tpu.memory_space<vmem>>, vector<5000x32xf32>,
    %get3A_108 = arith.constant 0 : index
    %get3A_109 = arith.constant 0 : index
    %get3A_110 = vector.load %arg8[%get3A_108, %get3A_109] : memref<32x64xf32, #tpu.memory_space<vmem>>, vector<32x64xf32>
    %get3A_111 = arith.constant 0 : index
    %get3A_112 = vector.load %arg9[%get3A_111] : memref<64xf32, #tpu.memory_space<vmem>>, vector<64xf32>
    %dot_general3A_113 = arith.constant dense<0.000000e+00> : vector<5000x64xf32>
    %dot_general3A_114 = tpu.matmul %max3A_94, %get3A_110, %dot_general3A_113 {dimension_numbers = #tpu.dot_dimension_numbers<[1], [0], [0], [1], [0, 0, 1, 1], [], []>, transpose_lhs_hint = false} : vector<5000x32xf32>, vector<32x64xf32>, vector<5000x64xf32> -> vector<5000x64xf32>
    %broadcast_in_dim3A_115 = vector.shape_cast %get3A_112 : vector<64xf32> to vector<1x64xf32>
    %add3A_116 = vector.broadcast %broadcast_in_dim3A_115 : vector<1x64xf32> to vector<5000x64xf32>
    %add3A_117 = arith.addf %dot_general3A_114, %add3A_116 : vector<5000x64xf32>
    %swap3A_118 = arith.constant 0 : index
    %swap3A_119 = arith.constant 0 : index
    %swap3A_120 = vector.load %arg11[%swap3A_118, %swap3A_119] : memref<5000x128xf32, #tpu.memory_space<vmem>>, vector<5000x64xf32>
    tpu.vector_store %arg11[%swap3A_118, %swap3A_119], %add3A_117 {strides = array<i32>} : memref<5000x128xf32, #tpu.memory_space<vmem>>, vector<5000x64xf32>,
    %dot_general3A_121 = arith.constant dense<0.000000e+00> : vector<5000x64xf32>
    %dot_general3A_122 = tpu.matmul %max3A_102, %get3A_110, %dot_general3A_121 {dimension_numbers = #tpu.dot_dimension_numbers<[1], [0], [0], [1], [0, 0, 1, 1], [], []>, transpose_lhs_hint = false} : vector<5000x32xf32>, vector<32x64xf32>, vector<5000x64xf32> -> vector<5000x64xf32>
    %broadcast_in_dim3A_123 = vector.shape_cast %get3A_112 : vector<64xf32> to vector<1x64xf32>
    %add3A_124 = vector.broadcast %broadcast_in_dim3A_123 : vector<1x64xf32> to vector<5000x64xf32>
    %add3A_125 = arith.addf %dot_general3A_122, %add3A_124 : vector<5000x64xf32>
    %swap3A_126 = arith.constant 0 : index
    %swap3A_127 = arith.constant 64 : index
    %swap3A_128 = vector.load %arg11[%swap3A_126, %swap3A_127] : memref<5000x128xf32, #tpu.memory_space<vmem>>, vector<5000x64xf32>
    tpu.vector_store %arg11[%swap3A_126, %swap3A_127], %add3A_125 {strides = array<i32>} : memref<5000x128xf32, #tpu.memory_space<vmem>>, vector<5000x64xf32>,
    return
  }
}

module attributes {stable_mosaic.version = 14 : i64} {
  func.func @_mlp1_body(%arg0: memref<2x5000x128xf32, #tpu.memory_space<vmem>>, %arg1: memref<128x128xf32, #tpu.memory_space<vmem>>, %arg2: memref<128xf32, #tpu.memory_space<vmem>>, %arg3: memref<128xf32, #tpu.memory_space<vmem>>, %arg4: memref<128xf32, #tpu.memory_space<vmem>>, %arg5: memref<128x64xf32, #tpu.memory_space<vmem>>, %arg6: memref<64xf32, #tpu.memory_space<vmem>>, %arg7: memref<5000x128xf32, #tpu.memory_space<vmem>>) attributes {dimension_semantics = [], scalar_prefetch = 0 : i64, scratch_operands = 0 : i64, tpu.core_type = #tpu.core_type<tc>} {
    %get3A = arith.constant 0 : index
    %get3A_0 = arith.constant 0 : index
    %get3A_1 = arith.constant 0 : index
    %get3A_2 = vector.load %arg0[%get3A, %get3A_0, %get3A_1] : memref<2x5000x128xf32, #tpu.memory_space<vmem>>, vector<1x5000x128xf32>
    %get3A_3 = vector.shape_cast %get3A_2 : vector<1x5000x128xf32> to vector<5000x128xf32>
    %get3A_4 = arith.constant 1 : index
    %get3A_5 = arith.constant 0 : index
    %get3A_6 = arith.constant 0 : index
    %get3A_7 = vector.load %arg0[%get3A_4, %get3A_5, %get3A_6] : memref<2x5000x128xf32, #tpu.memory_space<vmem>>, vector<1x5000x128xf32>
    %get3A_8 = vector.shape_cast %get3A_7 : vector<1x5000x128xf32> to vector<5000x128xf32>
    %get3A_9 = arith.constant 0 : index
    %get3A_10 = arith.constant 0 : index
    %get3A_11 = vector.load %arg1[%get3A_9, %get3A_10] : memref<128x128xf32, #tpu.memory_space<vmem>>, vector<64x128xf32>
    %get3A_12 = arith.constant 64 : index
    %get3A_13 = arith.constant 0 : index
    %get3A_14 = vector.load %arg1[%get3A_12, %get3A_13] : memref<128x128xf32, #tpu.memory_space<vmem>>, vector<64x128xf32>
    %get3A_15 = arith.constant 0 : index
    %get3A_16 = vector.load %arg2[%get3A_15] : memref<128xf32, #tpu.memory_space<vmem>>, vector<128xf32>
    %slice3A = vector.extract_strided_slice %get3A_3 {offsets = [0, 0], sizes = [5000, 64], strides = [1, 1]} : vector<5000x128xf32> to vector<5000x64xf32>
    %dot_general3A = arith.constant dense<0.000000e+00> : vector<5000x128xf32>
    %dot_general3A_17 = tpu.matmul %slice3A, %get3A_11, %dot_general3A {dimension_numbers = #tpu.dot_dimension_numbers<[1], [0], [0], [1], [0, 0, 1, 1], [], []>, transpose_lhs_hint = false} : vector<5000x64xf32>, vector<64x128xf32>, vector<5000x128xf32> -> vector<5000x128xf32>
    %slice3A_18 = vector.extract_strided_slice %get3A_8 {offsets = [0, 0], sizes = [5000, 64], strides = [1, 1]} : vector<5000x128xf32> to vector<5000x64xf32>
    %dot_general3A_19 = arith.constant dense<0.000000e+00> : vector<5000x128xf32>
    %dot_general3A_20 = tpu.matmul %slice3A_18, %get3A_14, %dot_general3A_19 {dimension_numbers = #tpu.dot_dimension_numbers<[1], [0], [0], [1], [0, 0, 1, 1], [], []>, transpose_lhs_hint = false} : vector<5000x64xf32>, vector<64x128xf32>, vector<5000x128xf32> -> vector<5000x128xf32>
    %add3A = arith.addf %dot_general3A_17, %dot_general3A_20 : vector<5000x128xf32>
    %broadcast_in_dim3A = vector.shape_cast %get3A_16 : vector<128xf32> to vector<1x128xf32>
    %add3A_21 = vector.broadcast %broadcast_in_dim3A : vector<1x128xf32> to vector<5000x128xf32>
    %add3A_22 = arith.addf %add3A, %add3A_21 : vector<5000x128xf32>
    %slice3A_23 = vector.extract_strided_slice %get3A_3 {offsets = [0, 64], sizes = [5000, 64], strides = [1, 1]} : vector<5000x128xf32> to vector<5000x64xf32>
    %dot_general3A_24 = arith.constant dense<0.000000e+00> : vector<5000x128xf32>
    %dot_general3A_25 = tpu.matmul %slice3A_23, %get3A_11, %dot_general3A_24 {dimension_numbers = #tpu.dot_dimension_numbers<[1], [0], [0], [1], [0, 0, 1, 1], [], []>, transpose_lhs_hint = false} : vector<5000x64xf32>, vector<64x128xf32>, vector<5000x128xf32> -> vector<5000x128xf32>
    %slice3A_26 = vector.extract_strided_slice %get3A_8 {offsets = [0, 64], sizes = [5000, 64], strides = [1, 1]} : vector<5000x128xf32> to vector<5000x64xf32>
    %dot_general3A_27 = arith.constant dense<0.000000e+00> : vector<5000x128xf32>
    %dot_general3A_28 = tpu.matmul %slice3A_26, %get3A_14, %dot_general3A_27 {dimension_numbers = #tpu.dot_dimension_numbers<[1], [0], [0], [1], [0, 0, 1, 1], [], []>, transpose_lhs_hint = false} : vector<5000x64xf32>, vector<64x128xf32>, vector<5000x128xf32> -> vector<5000x128xf32>
    %add3A_29 = arith.addf %dot_general3A_25, %dot_general3A_28 : vector<5000x128xf32>
    %broadcast_in_dim3A_30 = vector.shape_cast %get3A_16 : vector<128xf32> to vector<1x128xf32>
    %add3A_31 = vector.broadcast %broadcast_in_dim3A_30 : vector<1x128xf32> to vector<5000x128xf32>
    %add3A_32 = arith.addf %add3A_29, %add3A_31 : vector<5000x128xf32>
    %get3A_33 = arith.constant 0 : index
    %get3A_34 = vector.load %arg3[%get3A_33] : memref<128xf32, #tpu.memory_space<vmem>>, vector<128xf32>
    %get3A_35 = arith.constant 0 : index
    %get3A_36 = vector.load %arg4[%get3A_35] : memref<128xf32, #tpu.memory_space<vmem>>, vector<128xf32>
    %reduce_sum3A = arith.constant dense<0.000000e+00> : vector<128xf32>
    %reduce_sum3A_37 = vector.multi_reduction <add>, %add3A_22, %reduce_sum3A [0] : vector<5000x128xf32> to vector<128xf32>
    %div3A = arith.constant 5.000000e+03 : f32
    %div3A_38 = vector.broadcast %div3A : f32 to vector<128xf32>
    %div3A_39 = arith.divf %reduce_sum3A_37, %div3A_38 : vector<128xf32>
    %reduce_sum3A_40 = arith.constant dense<0.000000e+00> : vector<128xf32>
    %reduce_sum3A_41 = vector.multi_reduction <add>, %add3A_32, %reduce_sum3A_40 [0] : vector<5000x128xf32> to vector<128xf32>
    %div3A_42 = arith.constant 5.000000e+03 : f32
    %div3A_43 = vector.broadcast %div3A_42 : f32 to vector<128xf32>
    %div3A_44 = arith.divf %reduce_sum3A_41, %div3A_43 : vector<128xf32>
    %add3A_45 = arith.addf %div3A_39, %div3A_44 : vector<128xf32>
    %mul3A = arith.constant 5.000000e-01 : f32
    %mul3A_46 = vector.broadcast %mul3A : f32 to vector<128xf32>
    %mul3A_47 = arith.mulf %mul3A_46, %add3A_45 : vector<128xf32>
    %mul3A_48 = arith.mulf %add3A_22, %add3A_22 : vector<5000x128xf32>
    %reduce_sum3A_49 = arith.constant dense<0.000000e+00> : vector<128xf32>
    %reduce_sum3A_50 = vector.multi_reduction <add>, %mul3A_48, %reduce_sum3A_49 [0] : vector<5000x128xf32> to vector<128xf32>
    %div3A_51 = arith.constant 5.000000e+03 : f32
    %div3A_52 = vector.broadcast %div3A_51 : f32 to vector<128xf32>
    %div3A_53 = arith.divf %reduce_sum3A_50, %div3A_52 : vector<128xf32>
    %mul3A_54 = arith.mulf %add3A_32, %add3A_32 : vector<5000x128xf32>
    %reduce_sum3A_55 = arith.constant dense<0.000000e+00> : vector<128xf32>
    %reduce_sum3A_56 = vector.multi_reduction <add>, %mul3A_54, %reduce_sum3A_55 [0] : vector<5000x128xf32> to vector<128xf32>
    %div3A_57 = arith.constant 5.000000e+03 : f32
    %div3A_58 = vector.broadcast %div3A_57 : f32 to vector<128xf32>
    %div3A_59 = arith.divf %reduce_sum3A_56, %div3A_58 : vector<128xf32>
    %add3A_60 = arith.addf %div3A_53, %div3A_59 : vector<128xf32>
    %mul3A_61 = arith.constant 5.000000e-01 : f32
    %mul3A_62 = vector.broadcast %mul3A_61 : f32 to vector<128xf32>
    %mul3A_63 = arith.mulf %mul3A_62, %add3A_60 : vector<128xf32>
    %mul3A_64 = arith.mulf %mul3A_47, %mul3A_47 : vector<128xf32>
    %sub3A = arith.subf %mul3A_63, %mul3A_64 : vector<128xf32>
    %add3A_65 = arith.constant 9.99999974E-6 : f32
    %add3A_66 = vector.broadcast %add3A_65 : f32 to vector<128xf32>
    %add3A_67 = arith.addf %sub3A, %add3A_66 : vector<128xf32>
    %rsqrt3A = math.rsqrt %add3A_67 : vector<128xf32>
    %mul3A_68 = arith.mulf %get3A_34, %rsqrt3A : vector<128xf32>
    %mul3A_69 = arith.mulf %mul3A_47, %mul3A_68 : vector<128xf32>
    %sub3A_70 = arith.subf %get3A_36, %mul3A_69 : vector<128xf32>
    %broadcast_in_dim3A_71 = vector.shape_cast %mul3A_68 : vector<128xf32> to vector<1x128xf32>
    %mul3A_72 = vector.broadcast %broadcast_in_dim3A_71 : vector<1x128xf32> to vector<5000x128xf32>
    %mul3A_73 = arith.mulf %add3A_22, %mul3A_72 : vector<5000x128xf32>
    %broadcast_in_dim3A_74 = vector.shape_cast %sub3A_70 : vector<128xf32> to vector<1x128xf32>
    %add3A_75 = vector.broadcast %broadcast_in_dim3A_74 : vector<1x128xf32> to vector<5000x128xf32>
    %add3A_76 = arith.addf %mul3A_73, %add3A_75 : vector<5000x128xf32>
    %max3A = arith.constant 0.000000e+00 : f32
    %max3A_77 = vector.broadcast %max3A : f32 to vector<5000x128xf32>
    %max3A_78 = arith.maximumf %add3A_76, %max3A_77 : vector<5000x128xf32>
    %broadcast_in_dim3A_79 = vector.shape_cast %mul3A_68 : vector<128xf32> to vector<1x128xf32>
    %mul3A_80 = vector.broadcast %broadcast_in_dim3A_79 : vector<1x128xf32> to vector<5000x128xf32>
    %mul3A_81 = arith.mulf %add3A_32, %mul3A_80 : vector<5000x128xf32>
    %broadcast_in_dim3A_82 = vector.shape_cast %sub3A_70 : vector<128xf32> to vector<1x128xf32>
    %add3A_83 = vector.broadcast %broadcast_in_dim3A_82 : vector<1x128xf32> to vector<5000x128xf32>
    %add3A_84 = arith.addf %mul3A_81, %add3A_83 : vector<5000x128xf32>
    %max3A_85 = arith.constant 0.000000e+00 : f32
    %max3A_86 = vector.broadcast %max3A_85 : f32 to vector<5000x128xf32>
    %max3A_87 = arith.maximumf %add3A_84, %max3A_86 : vector<5000x128xf32>
    %get3A_88 = arith.constant 0 : index
    %get3A_89 = arith.constant 0 : index
    %get3A_90 = vector.load %arg5[%get3A_88, %get3A_89] : memref<128x64xf32, #tpu.memory_space<vmem>>, vector<128x64xf32>
    %get3A_91 = arith.constant 0 : index
    %get3A_92 = vector.load %arg6[%get3A_91] : memref<64xf32, #tpu.memory_space<vmem>>, vector<64xf32>
    %dot_general3A_93 = arith.constant dense<0.000000e+00> : vector<5000x64xf32>
    %dot_general3A_94 = tpu.matmul %max3A_78, %get3A_90, %dot_general3A_93 {dimension_numbers = #tpu.dot_dimension_numbers<[1], [0], [0], [1], [0, 0, 1, 1], [], []>, transpose_lhs_hint = false} : vector<5000x128xf32>, vector<128x64xf32>, vector<5000x64xf32> -> vector<5000x64xf32>
    %broadcast_in_dim3A_95 = vector.shape_cast %get3A_92 : vector<64xf32> to vector<1x64xf32>
    %add3A_96 = vector.broadcast %broadcast_in_dim3A_95 : vector<1x64xf32> to vector<5000x64xf32>
    %add3A_97 = arith.addf %dot_general3A_94, %add3A_96 : vector<5000x64xf32>
    %max3A_98 = arith.constant 0.000000e+00 : f32
    %max3A_99 = vector.broadcast %max3A_98 : f32 to vector<5000x64xf32>
    %max3A_100 = arith.maximumf %add3A_97, %max3A_99 : vector<5000x64xf32>
    %swap3A = arith.constant 0 : index
    %swap3A_101 = arith.constant 0 : index
    %swap3A_102 = vector.load %arg7[%swap3A, %swap3A_101] : memref<5000x128xf32, #tpu.memory_space<vmem>>, vector<5000x64xf32>
    tpu.vector_store %arg7[%swap3A, %swap3A_101], %max3A_100 {strides = array<i32>} : memref<5000x128xf32, #tpu.memory_space<vmem>>, vector<5000x64xf32>,
    %dot_general3A_103 = arith.constant dense<0.000000e+00> : vector<5000x64xf32>
    %dot_general3A_104 = tpu.matmul %max3A_87, %get3A_90, %dot_general3A_103 {dimension_numbers = #tpu.dot_dimension_numbers<[1], [0], [0], [1], [0, 0, 1, 1], [], []>, transpose_lhs_hint = false} : vector<5000x128xf32>, vector<128x64xf32>, vector<5000x64xf32> -> vector<5000x64xf32>
    %broadcast_in_dim3A_105 = vector.shape_cast %get3A_92 : vector<64xf32> to vector<1x64xf32>
    %add3A_106 = vector.broadcast %broadcast_in_dim3A_105 : vector<1x64xf32> to vector<5000x64xf32>
    %add3A_107 = arith.addf %dot_general3A_104, %add3A_106 : vector<5000x64xf32>
    %max3A_108 = arith.constant 0.000000e+00 : f32
    %max3A_109 = vector.broadcast %max3A_108 : f32 to vector<5000x64xf32>
    %max3A_110 = arith.maximumf %add3A_107, %max3A_109 : vector<5000x64xf32>
    %swap3A_111 = arith.constant 0 : index
    %swap3A_112 = arith.constant 64 : index
    %swap3A_113 = vector.load %arg7[%swap3A_111, %swap3A_112] : memref<5000x128xf32, #tpu.memory_space<vmem>>, vector<5000x64xf32>
    tpu.vector_store %arg7[%swap3A_111, %swap3A_112], %max3A_110 {strides = array<i32>} : memref<5000x128xf32, #tpu.memory_space<vmem>>, vector<5000x64xf32>,
    return
  }
}

</mosaic_0001>

<sc_bundles>
// kernel: kernel.6.cloned.1.call-start
scs
__scs_entry_jumppad:
0x0: {  	(pc) =	sbr.rel $0x88, $3  }
0x1: {  	(tag) =	ssettag $0x0;
	lr =	simm.s32 $0x1  }
0x2: {  	[smem:$0x3F91] =	sst lr;
	_ =	strace $0xD0000000  }
0x3: {  	_ = 	snop  }
0x4: {  	_ = 	snop  }
0x5: {  	_ = 	snop  }
0x6: {  	_ = 	snop  }
0x7: {  	_ = 	snop  }
__scs_overlays_trampoline_lowered:
0x8: {  	[smem:$0x3FA0] =	sst s0  }
0x9: {  	[smem:$0x3FA1] =	sst s1  }
0xa: {  	[smem:$0x3FA2] =	sst s2  }
0xb: {  	[smem:$0x3FA3] =	sst s3  }
0xc: {  	[smem:$0x3FA4] =	sst s4  }
0xd: {  	[smem:$0x3FA5] =	sst s5  }
0xe: {  	[smem:$0x3FA6] =	sst s6  }
0xf: {  	[smem:$0x3FA7] =	sst s7  }
0x10: {  	[smem:$0x3FA8] =	sst s8  }
0x11: {  	[smem:$0x3FA9] =	sst s9;
	s0 =	simm.s32 @!p0 $0x0  }
0x12: {  	s1 =	sld [smem:$0x3F8F];
	s0 =	simm.s32 @p0 $0x1  }
0x13: {  	[smem:$0x3FAA] =	sst s0;
	s0 =	simm.s32 @!p1 $0x0  }
0x14: {  	s2 =	sld [smem:$0x3F8E];
	s0 =	simm.s32 @p1 $0x1  }
0x15: {  	[smem:$0x3FAB] =	sst s0;
	s0 =	simm.s32 @!p2 $0x0  }
0x16: {  	s3 =	sld [smem:$0x3FDB];
	s0 =	simm.s32 @p2 $0x1  }
0x17: {  	s4 =	simm.s32 $0x1BF5;
	[smem:$0x3FAD] =	sst s0  }
0x18: {  	s0 =	sld [smem:$0x3F90];
	_ =	swait.ge [sflag:s4], $0x0  }
0x19: {  	s7 =	sld [smem:$0x3F91]  }
0x1a: {  	s8 =	sadd.s32 $0xFFFFE003, lr  }
0x1b: {  	s9 =	sadd.s32 $0xFFFFFEF7, lr;
	s5 =	simm.s32 $0xFFFFFFFF;
	p2 =	slt.u32 s8, $0xFFFFF086  }
0x1c: {  	p1 =	slt.u32 s9, $0xF7A;
	s5 =	simm.s32 @!p2 $0x0  }
0x1d: {  	s5 =	simm.s32 @p1 $0x1;
	p0 =	seq.s32 s7, s2  }
0x1e: {  	s7 =	smul.u32 @!p0 $0xF7A, s2;
	p2 =	seq.s32 @!p0 s5, $0x0  }
0x1f: {  	s9 =	smul.u32 $0xF7A, s1;
	s8 =	simm.s32 @!p0 $0x1BF5;
	p2 =	por !p2, p0  }
0x20: {  	[sflag:s8] =	ssyncset.s32 @!p0 $0xFFFFF086;
	s6 =	sadd.s32 @!p0 s3, s7;
	s7 =	simm.s32 @!p0 $0x108  }
0x21: {  	s3 =	sadd.s32 s3, s9;
	s6 =	sadd.s32 @!p0 $0x88, s6;
	s7 =	simm.s32 @p2 $0x1082  }
0x22: {  	[simem:s7], [sflag:s8] =	dma.local @!p0 [hbm:s6], $0xF7A  }
0x23: {  	s9 =	sor.u32 $0xD0000000, s2;
	s6 =	simm.s32 $0x108;
	_ =	swait.ge @!p0 [sflag:s8], $0x0  }
0x24: {  	s3 =	sadd.s32 $0x88, s3;
	s6 =	simm.s32 @!p1 $0x1082;
	[sflag:s4] =	ssyncset.s32 $0xFFFFF086  }
0x25: {  	[simem:s6], [sflag:s4] =	dma.local [hbm:s3], $0xF7A  }
0x26: {  	[smem:$0x3F91] =	sst s1;
	(tag) =	ssettag s2;
	_ =	strace s9  }
0x27: {  	s1 =	sld [smem:$0x3FA1]  }
0x28: {  	s2 =	sld [smem:$0x3FA2]  }
0x29: {  	s4 =	sld [smem:$0x3FA4]  }
0x2a: {  	p0 =	seq.s32 s5, $0x0;
	s5 =	sld [smem:$0x3FA5]  }
0x2b: {  	s6 =	sld [smem:$0x3FA6]  }
0x2c: {  	s7 =	sld [smem:$0x3FA7]  }
0x2d: {  	s3 =	simm.s32 $0x108;
	s8 =	sld [smem:$0x3FA8]  }
0x2e: {  	s3 =	simm.s32 @!p0 $0x1082;
	s9 =	sld [smem:$0x3FA9]  }
0x2f: {  	lr =	sadd.s32 s0, s3;
	s0 =	sld [smem:$0x3FA0]  }
0x30: {  	s3 =	sld [smem:$0x3FA3]  }
0x31: {  	[smem:$0x3FAC] =	sst s10  }
0x32: {  	s10 =	sld [smem:$0x3FAA];
	_ =	sdelay $0x3  }
0x33: {  	p0 =	seq.s32 s10, $0x1;
	s10 =	sld [smem:$0x3FAC];
	_ =	sdelay $0x3  }
0x34: {  	[smem:$0x3FAC] =	sst s10  }
0x35: {  	s10 =	sld [smem:$0x3FAB];
	_ =	sdelay $0x3  }
0x36: {  	p1 =	seq.s32 s10, $0x1;
	s10 =	sld [smem:$0x3FAC];
	_ =	sdelay $0x3  }
0x37: {  	[smem:$0x3FAC] =	sst s10  }
0x38: {  	s10 =	sld [smem:$0x3FAD]  }
0x39: {  	_ = 	snop;
	(pc) =	sbr.ind lr, $3  }
0x3a: {  	_ = 	snop  }
0x3b: {  	_ = 	snop  }
0x3c: {  	p2 =	seq.s32 s10, $0x1;
	s10 =	sld [smem:$0x3FAC]  }
0x3d: {  	_ =	shalt  }
0x3e: {  	_ =	shalt  }
0x3f: {  	_ =	shalt  }
0x40: {  	_ =	shalt  }
0x41: {  	_ =	shalt  }
0x42: {  	_ =	shalt  }
0x43: {  	_ =	shalt  }
0x44: {  	_ =	shalt  }
0x45: {  	_ =	shalt  }
0x46: {  	_ =	shalt  }
0x47: {  	_ =	shalt  }
0x48: {  	_ =	shalt  }
0x49: {  	_ =	shalt  }
0x4a: {  	_ =	shalt  }
0x4b: {  	_ =	shalt  }
0x4c: {  	_ =	shalt  }
0x4d: {  	_ =	shalt  }
0x4e: {  	_ =	shalt  }
0x4f: {  	_ =	shalt  }
0x50: {  	_ =	shalt  }
0x51: {  	_ =	shalt  }
0x52: {  	_ =	shalt  }
0x53: {  	_ =	shalt  }
0x54: {  	_ =	shalt  }
0x55: {  	_ =	shalt  }
0x56: {  	_ =	shalt  }
0x57: {  	_ =	shalt  }
0x58: {  	_ =	shalt  }
0x59: {  	_ =	shalt  }
0x5a: {  	_ =	shalt  }
0x5b: {  	_ =	shalt  }
0x5c: {  	_ =	shalt  }
0x5d: {  	_ =	shalt  }
0x5e: {  	_ =	shalt  }
0x5f: {  	_ =	shalt  }
0x60: {  	_ =	shalt  }
0x61: {  	_ =	shalt  }
0x62: {  	_ =	shalt  }
0x63: {  	_ =	shalt  }
0x64: {  	_ =	shalt  }
0x65: {  	_ =	shalt  }
0x66: {  	_ =	shalt  }
0x67: {  	_ =	shalt  }
0x68: {  	_ =	shalt  }
0x69: {  	_ =	shalt  }
0x6a: {  	_ =	shalt  }
0x6b: {  	_ =	shalt  }
0x6c: {  	_ =	shalt  }
0x6d: {  	_ =	shalt  }
0x6e: {  	_ =	shalt  }
0x6f: {  	_ =	shalt  }
0x70: {  	_ =	shalt  }
0x71: {  	_ =	shalt  }
0x72: {  	_ =	shalt  }
0x73: {  	_ =	shalt  }
0x74: {  	_ =	shalt  }
0x75: {  	_ =	shalt  }
0x76: {  	_ =	shalt  }
0x77: {  	_ =	shalt  }
0x78: {  	_ =	shalt  }
0x79: {  	_ =	shalt  }
0x7a: {  	_ =	shalt  }
0x7b: {  	_ =	shalt  }
0x7c: {  	_ =	shalt  }
0x7d: {  	_ =	shalt  }
0x7e: {  	_ =	shalt  }
0x7f: {  	_ =	shalt  }
0x80: {  	_ =	shalt  }
0x81: {  	_ =	shalt  }
0x82: {  	_ =	shalt  }
0x83: {  	_ =	shalt  }
0x84: {  	_ =	shalt  }
0x85: {  	_ =	shalt  }
0x86: {  	_ =	shalt  }
0x87: {  	_ =	shalt  }
.Lfunc_end0:
.L_simem_size_0:
called_computation_lowered:
.L_overlay_start_0:
0x88: {  	s2 =	sld [smem:$0x3FD9]  }
0x89: {  	s3 =	sld [smem:$0x3FFE];
	_ =	sdelay $0x1  }
0x8a: {  	s1 =	srdreg.scid  }
0x8b: {  	s0 =	sand.u32 $0x1, s1  }
0x8c: {  	s14 =	sshll.u32 s0, $0xA;
	s2 =	sadd.s32 s3, s2  }
0x8d: {  	s2 =	sadd.s32 s2, s14  }
0x8e: {  	[smem:$0x3FB8] =	sst s2  }
0x8f: {  	_ = 	snop  }
0x90: {  	s2 =	sld [smem:$0x3FD0];
	_ =	sdelay $0x2  }
0x91: {  	s4 =	simm.s32 $0xA;
	s5 =	simm.s32 $0x10;
	s15 =	sld [smem:$0x3FC9]  }
0x92: {  	[smem:s5], [sflag:s4] =	dma.local [hbm:s2], $0x1  }
0x93: {  	_ =	swait.eq [sflag:s4], $0x1  }
0x94: {  	[sflag:s4] =	ssyncset.done $0x0  }
0x95: {  	[sflag:s4] =	ssyncadd.s32 $0xFFFFFFFF  }
0x96: {  	s16 =	sld [smem:$0x10];
	(tm) =	ssettm $0x1  }
0x97: {  	s17 =	sld [smem:$0x3FFB];
	_ =	sdelay $0x3  }
0x98: {  	_ =	strace s17  }
0x99: {  	s4 =	sld [smem:$0x3FFC];
	_ =	sdelay $0x3  }
0x9a: {  	_ =	strace s4  }
0x9b: {  	s4 =	sld [smem:$0x3FFD];
	_ =	sdelay $0x3  }
0x9c: {  	_ =	strace s4  }
0x9d: {  	_ =	strace $0x8FFFFFFF  }
0x9e: {  	s18 =	sld [smem:$0x3FDB];
	_ =	sdelay $0x1  }
0x9f: {  	s19 =	simm.s32 $_scs_section_size  }
0xa0: {  	s6 =	simm.s32 $_size__tile_overlayer_lowered;
	s7 =	simm.s32 $_tile_overlayer_lowered  }
0xa1: {  	s22 =	simm.s32 $0x1BFF;
	s21 =	sshll.u32 s7, $0x1;
	s4 =	sadd.s32 s19, s18  }
0xa2: {  	s8 =	simm.s32 $0x0;
	s20 =	sshll.u32 s6, $0x1;
	s6 =	sadd.s32 s21, s4  }
0xa3: {  	[timem:s8], [sflag:s22] =	dma.local [hbm:s6], s20  }
0xa4: {  	_ =	swait.ge [sflag:s22], s20  }
0xa5: {  	s5 =	ssub.s32 $0x0, s20;
	[sflag:s22] =	ssyncset.done $0x0  }
0xa6: {  	[sflag:s22] =	ssyncadd.s32 s5;
	_ =	sdelay $0x1  }
0xa7: {  	s23 =	simm.s32 $0x1B8B  }
0xa8: {  	_ =	swait.ge [sflag:s23], $0x1  }
0xa9: {  	[sflag:s23] =	ssyncset.done $0x0  }
0xaa: {  	s25 =	simm.s32 $0x1B8E;
	s24 =	sld [smem:$0x3FFE];
	[sflag:s23] =	ssyncadd.s32 $0xFFFFFFFF  }
0xab: {  	s26 =	simm.s32 $execute0_lowered;
	[smem:$0x3FD2] =	sst s25  }
0xac: {  	s6 =	sshll.u32 s26, $0x1;
	_ =	strace $0x80000046;
	[dreg:$0x1] =	wrdreg $0xFFFFFFFF  }
0xad: {  	s28 =	simm.s32 $_size_execute0_lowered;
	s4 =	sadd.s32 s4, s6;
	[dreg:$0x0] =	wrdreg $0x0  }
0xae: {  	s6 =	sshll.u32 s28, $0x1;
	[dreg:$0x2] =	wrdreg s4  }
0xaf: {  	[dreg:$0x3] =	wrdreg s6  }
0xb0: {  	[dreg:$0x4] =	wrdreg $0xC0  }
0xb1: {  	_ =	task [dreg:s8], $0x5FFFF  }
0xb2: {  	[dreg:$0x1] =	wrdreg $0xFFFFFFFF  }
0xb3: {  	[dreg:$0x0] =	wrdreg $0x60  }
0xb4: {  	[dreg:$0x2] =	wrdreg s15  }
0xb5: {  	[dreg:$0x3] =	wrdreg s24  }
0xb6: {  	[dreg:$0x4] =	wrdreg s16  }
0xb7: {  	[dreg:$0x5] =	wrdreg $0x102C00  }
0xb8: {  	[dreg:$0x6] =	wrdreg $0x9  }
0xb9: {  	_ =	task.clear_ibuf [dreg:s8], $0x7FFFF;
	_ =	strace $0x90000046  }
0xba: {  	s29 =	simm.s32 $0x9;
	_ =	strace $0x80000048  }
0xbb: {  	_ =	swait.ge [sflag:s29], $0x1  }
0xbc: {  	[sflag:s29] =	ssyncadd.s32 $0xFFFFFFFF  }
0xbd: {  	_ =	strace $0x90000048  }
0xbe: {  	_ =	sfence  }
0xbf: {  	s30 =	sld [smem:$0x0];
	_ =	sdelay $0x2  }
0xc0: {  	s31 =	sshll.u32 s1, $0xD;
	s1 =	sshrl.u32 s1, $0x2  }
0xc1: {  	s3 =	sand.u32 $0x4000, s31;
	s1 =	sadd.s32 s1, s30  }
0xc2: {  	s0 =	sor.u32 s3, s0;
	s1 =	sshll.u32 s1, $0x11  }
0xc3: {  	s0 =	sor.u32 s1, s0  }
0xc4: {  	s0 =	sadd.s32 $0x8F2B, s0  }
0xc5: {  	[sflag:s0] =	ssyncadd.remote.s32 $0x1  }
0xc6: {  	_ =	sfence.sel $0xFFFF  }
0xc7: {  	[dreg:$0x0] =	wrdreg $0xFFFFFFFF;
	(pc) =	sbr.abs _section_cstart, $3  }
0xc8: {  	[dreg:$0x1] =	wrdreg $0xFFFFFFFF  }
0xc9: {  	_ =	task.clear_ibuf [dreg:s8], $0x2FFFF;
	_ =	strace $0x9FFFFFFF  }
0xca: {  	(tm) =	ssettm $0x7FFFFFFF  }
0xcb: {  	_ =	shalt  }
tec
execute0_lowered:
.L_overlay_start_1:
0x0: {  	(tag) =	ssettag $0x1  }
0x1: {  	s23 =	stileid.u32;
	v0 =	vlaneseq.u32  }
0x2: {  	s0 =	smul.u32 $0x270, s23;
	v43 =	vmul.u32 $0x2, v0;
	_ =	sdelay $0x1  }
0x3: {  	v1 =	vmov s0;
	v41 =	vor.u32 $0x4E00, v43;
	v42 =	vor.u32 $0x4E20, v43  }
0x4: {  	s1 =	srdreg.scid;
	s4 =	sadd.s32 $0x10, s0;
	s2 =	sadd.s32 $0x20, s0;
	v44 =	vor.u32 $0x4E40, v43;
	v45 =	vor.u32 $0x4E60, v43;
	v46 =	vor.u32 $0x4E80, v43  }
0x5: {  	s5 =	sadd.s32 $0x30, s0;
	s6 =	sadd.s32 $0x40, s0;
	s7 =	sadd.s32 $0x60, s0;
	v0 =	vshll.u32 v1, $0x1;
	v2 =	vmov s4;
	v3 =	vmov s2  }
0x6: {  	s9 =	sadd.s32 $0x70, s0;
	s3 =	sadd.s32 $0x80, s0;
	s10 =	sadd.s32 $0x90, s0;
	v4 =	vmov s5;
	v5 =	vmov s6;
	v7 =	vmov s7  }
0x7: {  	s11 =	sadd.s32 $0xB0, s0;
	s12 =	sadd.s32 $0xC0, s0;
	s13 =	sadd.s32 $0xD0, s0;
	v8 =	vmov s9;
	v9 =	vmov s3;
	v10 =	vmov s10  }
0x8: {  	s14 =	sadd.s32 $0xE0, s0;
	s15 =	sadd.s32 $0x100, s0;
	s16 =	sadd.s32 $0x120, s0;
	v12 =	vmov s11;
	v13 =	vmov s12;
	v14 =	vmov s13  }
0x9: {  	s17 =	sadd.s32 $0x150, s0;
	s19 =	sadd.s32 $0x180, s0;
	s22 =	sadd.s32 $0x1A0, s0;
	v15 =	vmov s14;
	v17 =	vmov s15;
	v19 =	vmov s16  }
0xa: {  	s24 =	sadd.s32 $0x1B0, s0;
	s25 =	sadd.s32 $0x1C0, s0;
	s26 =	sadd.s32 $0x1D0, s0;
	v22 =	vmov s17;
	v25 =	vmov s19;
	v27 =	vmov s22  }
0xb: {  	s8 =	sand.u32 $0x1, s1;
	v28 =	vmov s24;
	v29 =	vmov s25;
	v30 =	vmov s26  }
0xc: {  	v41 =	vor.u32 s8, v41;
	v42 =	vor.u32 s8, v42;
	v1 =	vor.u32 v43, v0  }
0xd: {  	s2 =	sadd.s32 $0x50, s0;
	v0 =	vmov s8;
	v2 =	vshll.u32 v2, $0x1;
	v3 =	vshll.u32 v3, $0x1  }
0xe: {  	v4 =	vshll.u32 v4, $0x1;
	v6 =	vmov s2;
	v5 =	vshll.u32 v5, $0x1  }
0xf: {  	s5 =	sadd.s32 $0xA0, s0;
	v7 =	vshll.u32 v7, $0x1;
	v8 =	vshll.u32 v8, $0x1;
	v9 =	vshll.u32 v9, $0x1  }
0x10: {  	v10 =	vshll.u32 v10, $0x1;
	v11 =	vmov s5;
	v12 =	vshll.u32 v12, $0x1  }
0x11: {  	s6 =	sadd.s32 $0xF0, s0;
	s4 =	sadd.s32 $0x110, s0;
	v13 =	vshll.u32 v13, $0x1;
	v14 =	vshll.u32 v14, $0x1;
	v15 =	vshll.u32 v15, $0x1  }
0x12: {  	s10 =	sadd.s32 $0x130, s0;
	s11 =	sadd.s32 $0x140, s0;
	v16 =	vmov s6;
	v18 =	vmov s4;
	v17 =	vshll.u32 v17, $0x1  }
0x13: {  	s14 =	sadd.s32 $0x160, s0;
	s15 =	sadd.s32 $0x170, s0;
	v19 =	vshll.u32 v19, $0x1;
	v20 =	vmov s10;
	v21 =	vmov s11  }
0x14: {  	v22 =	vshll.u32 v22, $0x1;
	v23 =	vmov s14;
	v24 =	vmov s15  }
0x15: {  	s19 =	sadd.s32 $0x200, s0;
	v25 =	vshll.u32 v25, $0x1;
	v27 =	vshll.u32 v27, $0x1;
	v28 =	vshll.u32 v28, $0x1  }
0x16: {  	s24 =	sadd.s32 $0x230, s0;
	s22 =	sadd.s32 $0x260, s0;
	v29 =	vshll.u32 v29, $0x1;
	v33 =	vmov s19;
	v30 =	vshll.u32 v30, $0x1  }
0x17: {  	v36 =	vmov s24;
	v39 =	vmov s22;
	v1 =	vor.u32 s8, v1  }
0x18: {  	v2 =	vor.u32 v43, v2;
	v3 =	vor.u32 v43, v3;
	v4 =	vor.u32 v43, v4  }
0x19: {  	v6 =	vshll.u32 v6, $0x1;
	v5 =	vor.u32 v43, v5;
	v7 =	vor.u32 v43, v7  }
0x1a: {  	v8 =	vor.u32 v43, v8;
	v9 =	vor.u32 v43, v9;
	v10 =	vor.u32 v43, v10  }
0x1b: {  	v11 =	vshll.u32 v11, $0x1;
	v12 =	vor.u32 v43, v12;
	v13 =	vor.u32 v43, v13  }
0x1c: {  	v14 =	vor.u32 v43, v14;
	v15 =	vor.u32 v43, v15;
	v16 =	vshll.u32 v16, $0x1  }
0x1d: {  	v18 =	vshll.u32 v18, $0x1;
	v17 =	vor.u32 v43, v17;
	v19 =	vor.u32 v43, v19  }
0x1e: {  	s18 =	ssub.s32 $0x2, s8;
	v20 =	vshll.u32 v20, $0x1;
	v21 =	vshll.u32 v21, $0x1;
	v22 =	vor.u32 v43, v22  }
0x1f: {  	s16 =	sshrl.u32 s18, $0x1;
	s14 =	sadd.s32 $0x190, s0;
	v23 =	vshll.u32 v23, $0x1;
	v24 =	vshll.u32 v24, $0x1;
	v25 =	vor.u32 v43, v25  }
0x20: {  	s10 =	ssub.s32 s18, s16;
	s18 =	sadd.s32 $0x210, s0;
	v26 =	vmov s14;
	v27 =	vor.u32 v43, v27;
	v28 =	vor.u32 v43, v28  }
0x21: {  	v29 =	vor.u32 v43, v29;
	v34 =	vmov s18;
	v30 =	vor.u32 v43, v30  }
0x22: {  	v33 =	vshll.u32 v33, $0x1;
	v36 =	vshll.u32 v36, $0x1;
	v39 =	vshll.u32 v39, $0x1  }
0x23: {  	s28 =	simm.s32 $0x9EC0;
	s1 =	rddreg [dreg:$0x0];
	v2 =	vor.u32 s8, v2;
	v3 =	vor.u32 s8, v3;
	v4 =	vor.u32 s8, v4  }
0x24: {  	s30 =	simm.s32 $0xB2C0;
	s31 =	simm.s32 $0x2;
	s7 =	rddreg [dreg:$0x1];
	v6 =	vor.u32 v43, v6;
	v5 =	vor.u32 s8, v5;
	v7 =	vor.u32 s8, v7  }
0x25: {  	s29 =	simm.s32 $0x4;
	s9 =	rddreg [dreg:$0x2];
	s13 =	smul.u32 $0x4E20, s23;
	v8 =	vor.u32 s8, v8;
	v9 =	vor.u32 s8, v9;
	v10 =	vor.u32 s8, v10  }
0x26: {  	p0 =	sne.s32 s23, $0x0;
	s3 =	rddreg [dreg:$0x3];
	s17 =	smul.u32 $0x9C4, s23;
	v11 =	vor.u32 v43, v11;
	v12 =	vor.u32 s8, v12;
	v13 =	vor.u32 s8, v13  }
0x27: {  	s4 =	simm.s32 $0x0;
	s12 =	sadd.s32 $0x2600, s7;
	s7 =	sadd.s32 $0xC400, s7;
	v14 =	vor.u32 s8, v14;
	v15 =	vor.u32 s8, v15;
	v16 =	vor.u32 v43, v16  }
0x28: {  	s2 =	sshll.u32 s2, $0x6;
	s5 =	sshll.u32 s5, $0x6;
	s6 =	sshll.u32 s6, $0x6;
	v18 =	vor.u32 v43, v18;
	v17 =	vor.u32 s8, v17;
	v19 =	vor.u32 s8, v19  }
0x29: {  	s25 =	sshll.u32 s11, $0x6;
	s19 =	sshll.u32 s24, $0x6;
	s22 =	simm.s32 $0xDAC0;
	v20 =	vor.u32 v43, v20;
	v21 =	vor.u32 v43, v21;
	v22 =	vor.u32 s8, v22  }
0x2a: {  	s20 =	sadd.s32 s12, s17;
	s21 =	sadd.s32 s9, s17;
	s17 =	sadd.s32 $0x1F0, s0;
	v23 =	vor.u32 v43, v23;
	v24 =	vor.u32 v43, v24;
	v25 =	vor.u32 s8, v25  }
0x2b: {  	s11 =	simm.s32 $0x0;
	[smem:$0x7FF] =	sst s4;
	s13 =	sshrl.u32 s13, $0x3;
	v26 =	vshll.u32 v26, $0x1;
	v27 =	vor.u32 s8, v27;
	v32 =	vmov s17  }
0x2c: {  	s2 =	sadd.s32 s2, s3;
	s5 =	sadd.s32 s5, s3;
	s6 =	sadd.s32 s6, s3;
	v28 =	vor.u32 s8, v28;
	v29 =	vor.u32 s8, v29;
	v30 =	vor.u32 s8, v30  }
0x2d: {  	s26 =	sshll.u32 s14, $0x6;
	_ =	strace $0x80000047;
	[dreg:$0x5] =	wrdreg s20;
	v33 =	vor.u32 v43, v33;
	v34 =	vshll.u32 v34, $0x1;
	v36 =	vor.u32 v43, v36  }
0x2e: {  	s14 =	smul.u32 $0x9C400, s8;
	s16 =	sadd.s32 s19, s3;
	[dreg:$0x7] =	wrdreg s21;
	v39 =	vor.u32 v43, v39;
	v6 =	vor.u32 s8, v6;
	v11 =	vor.u32 s8, v11  }
0x2f: {  	s13 =	sadd.s32 $0x4E2, s13;
	[dreg:$0x9] =	wrdreg s2;
	s2 =	sadd.s32 $0x1E0, s0;
	v16 =	vor.u32 s8, v16;
	v18 =	vor.u32 s8, v18;
	v20 =	vor.u32 s8, v20  }
0x30: {  	s20 =	sadd.s32 $0x220, s0;
	[dreg:$0xa] =	wrdreg s5;
	s21 =	sadd.s32 $0x250, s0;
	v21 =	vor.u32 s8, v21;
	v23 =	vor.u32 s8, v23;
	v24 =	vor.u32 s8, v24  }
0x31: {  	[dreg:$0xb] =	wrdreg s6;
	s6 =	sadd.s32 s25, s3;
	s18 =	sadd.s32 s26, s3;
	v26 =	vor.u32 v43, v26;
	v31 =	vmov s2;
	v35 =	vmov s20  }
0x32: {  	s5 =	simm.s32 $0x6;
	s12 =	sadd.s32 s12, s13;
	s9 =	sadd.s32 s9, s13;
	v32 =	vshll.u32 v32, $0x1;
	v33 =	vor.u32 s8, v33;
	v34 =	vor.u32 v43, v34  }
0x33: {  	s13 =	sadd.s32 $0x240, s0;
	s0 =	sadd.s32 $0x270, s0;
	[dreg:$0xc] =	wrdreg s6;
	v38 =	vmov s21;
	v36 =	vor.u32 s8, v36;
	v39 =	vor.u32 s8, v39  }
0x34: {  	[dreg:$0xd] =	wrdreg s18;
	s2 =	sshll.u32 s2, $0x6;
	s25 =	sshrl.u32 s14, $0x3;
	v26 =	vor.u32 s8, v26;
	v31 =	vshll.u32 v31, $0x1;
	v32 =	vor.u32 v43, v32  }
0x35: {  	s18 =	sadd.s32 $0x9C000, s3;
	s21 =	simm.s32 $0xB;
	[dreg:$0x6] =	wrdreg s12;
	v37 =	vmov s13;
	v35 =	vshll.u32 v35, $0x1;
	v40 =	vmov s0  }
0x36: {  	s6 =	simm.s32 $0x7;
	s12 =	smul.u32 $0x9C00, s23;
	[dreg:$0x8] =	wrdreg s9;
	v34 =	vor.u32 s8, v34;
	v38 =	vshll.u32 v38, $0x1;
	v31 =	vor.u32 v43, v31  }
0x37: {  	s15 =	sadd.s32 s2, s3;
	s26 =	sadd.s32 s7, s25;
	s25 =	simm.s32 $0x50;
	v32 =	vor.u32 s8, v32;
	v35 =	vor.u32 v43, v35;
	v37 =	vshll.u32 v37, $0x1  }
.Ltmp0:
0x38: {  	s2 =	simm.s32 $0xC6C0;
	s23 =	simm.s32 $0x3;
	v38 =	vor.u32 v43, v38;
	v40 =	vshll.u32 v40, $0x1;
	v31 =	vor.u32 s8, v31;
	(pc) =	sbr.rel .LBB2_1-.Ltmp0, $4  }
0x39: {  	s0 =	simm.s32 $0x5;
	s19 =	sadd.s32 $0x13800, s26;
	s20 =	sadd.s32 s12, s14;
	v35 =	vor.u32 s8, v35;
	v37 =	vor.u32 v43, v37;
	v38 =	vor.u32 s8, v38  }
0x3a: {  	s26 =	simm.s32 $0x1;
	s9 =	sadd.s32 s12, s3;
	v40 =	vor.u32 v43, v40;
	v43 =	vor.u32 s8, v44;
	v44 =	vor.u32 s8, v45;
	s24 =	sshrl.u32 s20, $0x3  }
0x3b: {  	v45 =	vor.u32 s8, v46;
	s20 =	smax.u32 s10, $0x1;
	v37 =	vor.u32 s8, v37;
	v40 =	vor.u32 s8, v40;
	s8 =	simm.s32 $0x9;
	s10 =	simm.s32 $0xA  }
0x3c: {  	s17 =	sadd.s32 s7, s24;
	s24 =	simm.s32 $0xEEC0;
	s7 =	simm.s32 $0x8  }
.LBB2_4:
0x3d: {  	_ =	swait.ge [sflag:s6], $0x1400  }
0x3e: {  	[sflag:s6] =	ssyncset.done $0x0  }
0x3f: {  	[sflag:s6] =	ssyncadd.s32 $0xFFFFEC00  }
0x40: {  	_ =	swait.ge [sflag:s7], $0x1400  }
0x41: {  	[sflag:s7] =	ssyncset.done $0x0  }
0x42: {  	[sflag:s7] =	ssyncadd.s32 $0xFFFFEC00  }
0x43: {  	_ =	swait.ge [sflag:s8], $0x1400  }
0x44: {  	[sflag:s8] =	ssyncset.done $0x0  }
0x45: {  	[sflag:s8] =	ssyncadd.s32 $0xFFFFEC00  }
0x46: {  	_ =	swait.ge [sflag:s10], $0x1400  }
0x47: {  	s12 =	stileid.u32;
	[sflag:s10] =	ssyncset.done $0x0  }
0x48: {  	s12 =	sshll.u32 s12, $0x6;
	[sflag:s10] =	ssyncadd.s32 $0xFFFFEC00  }
0x49: {  	s13 =	sshrl.u32 s9, $0x3;
	s12 =	sor.u32 $0x1C0B, s12;
	[bflag:$0x0] =	sbarrier.arrive $0xFFFF  }
0x4a: {  	[hbm:s17], [sflag:s12] =	dma.local [spmem:s13], $0x1380  }
0x4b: {  	_ =	swait.ge [sflag:s21], $0x1380  }
0x4c: {  	s11 =	sadd.s32 $0x1, s11;
	[sflag:s21] =	ssyncset.done $0x0  }
0x4d: {  	p1 =	sne.s32 s11, s20;
	s13 =	sshrl.u32 @!p0 s18, $0x3;
	[sflag:s21] =	ssyncadd.s32 $0xFFFFEC80  }
0x4e: {  	[hbm:s19], [sflag:s12] =	dma.local @!p0 [spmem:s13], $0x80  }
.Ltmp1:
0x4f: {  	_ = 	snop;
	(pc) =	sbr.rel @!p1 .LBB2_5-.Ltmp1, $4  }
0x50: {  	s12 =	simm.s32 @!p0 $0xB  }
0x51: {  	_ =	swait.ge @!p0 [sflag:s12], $0x80  }
0x52: {  	[sflag:s12] =	ssyncset.done @!p0 $0x0  }
0x53: {  	[sflag:s12] =	ssyncadd.s32 @!p0 $0xFFFFFF80  }
.LBB2_1:
0x54: {  	s12 =	rddreg [dreg:$0x5]  }
0x55: {  	[tilespmem:s4], [sflag:$0xB] =	stream.linear.gather [hbm4b:s12+s4], $0x2710, $0x38;
	[tilespmem:$0x19F00] =	vst v63  }
0x56: {  	_ =	swait.ge [sflag:s21], $0x2710  }
0x57: {  	[sflag:s21] =	ssyncset.done $0x0  }
0x58: {  	s13 =	simm.s32 $0x2710;
	s14 =	rddreg [dreg:$0x6];
	[sflag:s21] =	ssyncadd.s32 $0xFFFFD8F0  }
0x59: {  	[tilespmem:s13], [sflag:$0xB] =	stream.linear.gather [hbm4b:s14+s4], $0x2710, $0x38;
	[tilespmem:$0x19F00] =	vst v63  }
0x5a: {  	_ =	swait.ge [sflag:s21], $0x2710  }
0x5b: {  	[sflag:s21] =	ssyncset.done $0x0  }
0x5c: {  	s14 =	simm.s32 $0x4E20;
	s13 =	rddreg [dreg:$0x7];
	[sflag:s21] =	ssyncadd.s32 $0xFFFFD8F0  }
0x5d: {  	[tilespmem:s14], [sflag:$0xB] =	stream.linear.gather [hbm4b:s13+s4], $0x2710, $0x38;
	[tilespmem:$0x19F00] =	vst v63  }
0x5e: {  	_ =	swait.ge [sflag:s21], $0x2710  }
0x5f: {  	[sflag:s21] =	ssyncset.done $0x0  }
0x60: {  	s14 =	simm.s32 $0x7530;
	s13 =	rddreg [dreg:$0x8];
	[sflag:s21] =	ssyncadd.s32 $0xFFFFD8F0  }
0x61: {  	[tilespmem:s14], [sflag:$0xB] =	stream.linear.gather [hbm4b:s13+s4], $0x2710, $0x38;
	[tilespmem:$0x19F00] =	vst v63  }
0x62: {  	_ =	swait.ge [sflag:s21], $0x2710  }
0x63: {  	[sflag:s21] =	ssyncset.done $0x0  }
0x64: {  	[sflag:s21] =	ssyncadd.s32 $0xFFFFD8F0  }
0x65: {  	[tilespmem:$0x9C40] =	vst v1  }
0x66: {  	[tilespmem:$0x9C50] =	vst v2  }
0x67: {  	[tilespmem:$0x9C60] =	vst v3  }
0x68: {  	[tilespmem:$0x9C70] =	vst v4  }
0x69: {  	s14 =	simm.s32 $0x9C40;
	[tilespmem:$0x9C80] =	vst v5  }
0x6a: {  	[tilespmem:s28], [sflag:$0x1] =	stream.indirect.gather [hbm4b:s1+s25], $0x40, s14, s25, $0xb8;
	[tilespmem:$0x19F00] =	vst v63  }
0x6b: {  	[tilespmem:$0x9C90] =	vst v6  }
0x6c: {  	[tilespmem:$0x9CA0] =	vst v7  }
0x6d: {  	[tilespmem:$0x9CB0] =	vst v8  }
0x6e: {  	[tilespmem:$0x9CC0] =	vst v9  }
0x6f: {  	s13 =	simm.s32 $0x9C90;
	[tilespmem:$0x9CD0] =	vst v10  }
0x70: {  	[tilespmem:s30], [sflag:$0x2] =	stream.indirect.gather [hbm4b:s1+s25], $0x40, s13, s25, $0xb8;
	[tilespmem:$0x19F00] =	vst v63  }
0x71: {  	[tilespmem:$0x9CE0] =	vst v11  }
0x72: {  	[tilespmem:$0x9CF0] =	vst v12  }
0x73: {  	[tilespmem:$0x9D00] =	vst v13  }
0x74: {  	[tilespmem:$0x9D10] =	vst v14  }
0x75: {  	s14 =	simm.s32 $0x9CE0;
	[tilespmem:$0x9D20] =	vst v15  }
0x76: {  	[tilespmem:s2], [sflag:$0x3] =	stream.indirect.gather [hbm4b:s1+s25], $0x40, s14, s25, $0xb8;
	[tilespmem:$0x19F00] =	vst v63  }
0x77: {  	[tilespmem:$0x9D30] =	vst v16  }
0x78: {  	[tilespmem:$0x9D40] =	vst v17  }
0x79: {  	[tilespmem:$0x9D50] =	vst v18  }
0x7a: {  	[tilespmem:$0x9D60] =	vst v19  }
0x7b: {  	s13 =	simm.s32 $0x9D30;
	[tilespmem:$0x9D70] =	vst v20  }
0x7c: {  	[tilespmem:s22], [sflag:$0x4] =	stream.indirect.gather [hbm4b:s1+s25], $0x40, s13, s25, $0xb8;
	[tilespmem:$0x19F00] =	vst v63  }
0x7d: {  	[tilespmem:$0x9D80] =	vst v21  }
0x7e: {  	[tilespmem:$0x9D90] =	vst v22  }
0x7f: {  	[tilespmem:$0x9DA0] =	vst v23  }
0x80: {  	[tilespmem:$0x9DB0] =	vst v24  }
0x81: {  	s14 =	simm.s32 $0x9D80;
	[tilespmem:$0x9DC0] =	vst v25  }
0x82: {  	[tilespmem:s24], [sflag:$0x5] =	stream.indirect.gather [hbm4b:s1+s25], $0x40, s14, s25, $0xb8;
	[tilespmem:$0x19F00] =	vst v63  }
0x83: {  	_ =	swait.ge [sflag:s26], $0x1400  }
0x84: {  	[sflag:s26] =	ssyncset.done $0x0  }
0x85: {  	[sflag:s26] =	ssyncadd.s32 $0xFFFFEC00  }
0x86: {  	[spmem:s9] =	stream.linear.scatter [tilespmem:s28], [sflag:$0xB], $0x1400, $0x38;
	[tilespmem:$0x19F00] =	vst v63  }
0x87: {  	_ =	swait.ge [sflag:s21], $0x1400  }
0x88: {  	[sflag:s21] =	ssyncset.done $0x0  }
0x89: {  	[sflag:s21] =	ssyncadd.s32 $0xFFFFEC00  }
0x8a: {  	[tilespmem:$0x9DD0] =	vst v26  }
0x8b: {  	[tilespmem:$0x9DE0] =	vst v27  }
0x8c: {  	[tilespmem:$0x9DF0] =	vst v28  }
0x8d: {  	[tilespmem:$0x9E00] =	vst v29  }
0x8e: {  	s13 =	simm.s32 $0x9DD0;
	[tilespmem:$0x9E10] =	vst v30  }
0x8f: {  	[tilespmem:s28], [sflag:$0x1] =	stream.indirect.gather [hbm4b:s1+s25], $0x40, s13, s25, $0xb8;
	[tilespmem:$0x19F00] =	vst v63  }
0x90: {  	_ =	swait.ge [sflag:s31], $0x1400  }
0x91: {  	[sflag:s31] =	ssyncset.done $0x0  }
0x92: {  	s14 =	rddreg [dreg:$0x9];
	[sflag:s31] =	ssyncadd.s32 $0xFFFFEC00  }
0x93: {  	[spmem:s14] =	stream.linear.scatter [tilespmem:s30], [sflag:$0xB], $0x1400, $0x38;
	[tilespmem:$0x19F00] =	vst v63  }
0x94: {  	_ =	swait.ge [sflag:s21], $0x1400  }
0x95: {  	[sflag:s21] =	ssyncset.done $0x0  }
0x96: {  	[sflag:s21] =	ssyncadd.s32 $0xFFFFEC00  }
0x97: {  	[tilespmem:$0x9E20] =	vst v31  }
0x98: {  	[tilespmem:$0x9E30] =	vst v32  }
0x99: {  	[tilespmem:$0x9E40] =	vst v33  }
0x9a: {  	[tilespmem:$0x9E50] =	vst v34  }
0x9b: {  	s13 =	simm.s32 $0x9E20;
	[tilespmem:$0x9E60] =	vst v35  }
0x9c: {  	[tilespmem:s30], [sflag:$0x2] =	stream.indirect.gather [hbm4b:s1+s25], $0x40, s13, s25, $0xb8;
	[tilespmem:$0x19F00] =	vst v63  }
0x9d: {  	_ =	swait.ge [sflag:s23], $0x1400  }
0x9e: {  	[sflag:s23] =	ssyncset.done $0x0  }
0x9f: {  	s14 =	rddreg [dreg:$0xa];
	[sflag:s23] =	ssyncadd.s32 $0xFFFFEC00  }
0xa0: {  	[spmem:s14] =	stream.linear.scatter [tilespmem:s2], [sflag:$0xB], $0x1400, $0x38;
	[tilespmem:$0x19F00] =	vst v63  }
0xa1: {  	_ =	swait.ge [sflag:s21], $0x1400  }
0xa2: {  	[sflag:s21] =	ssyncset.done $0x0  }
0xa3: {  	[sflag:s21] =	ssyncadd.s32 $0xFFFFEC00  }
0xa4: {  	[tilespmem:$0x9E70] =	vst v36  }
0xa5: {  	[tilespmem:$0x9E80] =	vst v37  }
0xa6: {  	[tilespmem:$0x9E90] =	vst v38  }
0xa7: {  	[tilespmem:$0x9EA0] =	vst v39  }
0xa8: {  	s13 =	simm.s32 $0x40;
	s14 =	simm.s32 $0x9E70;
	[tilespmem:$0x9EB0] =	vst v40  }
0xa9: {  	[tilespmem:s2], [sflag:$0x3] =	stream.indirect.gather [hbm4b:s1+s13], $0x40, s14, s13, $0xb8;
	[tilespmem:$0x19F00] =	vst v63  }
0xaa: {  	_ =	swait.ge [sflag:s29], $0x1400  }
0xab: {  	[sflag:s29] =	ssyncset.done $0x0  }
0xac: {  	s13 =	rddreg [dreg:$0xb];
	[sflag:s29] =	ssyncadd.s32 $0xFFFFEC00  }
0xad: {  	[spmem:s13] =	stream.linear.scatter [tilespmem:s22], [sflag:$0xB], $0x1400, $0x38;
	[tilespmem:$0x19F00] =	vst v63  }
0xae: {  	_ =	swait.ge [sflag:s21], $0x1400  }
0xaf: {  	[sflag:s21] =	ssyncset.done $0x0  }
0xb0: {  	[sflag:s21] =	ssyncadd.s32 $0xFFFFEC00  }
0xb1: {  	_ =	swait.ge [sflag:s0], $0x1400  }
0xb2: {  	[sflag:s0] =	ssyncset.done $0x0  }
0xb3: {  	s14 =	rddreg [dreg:$0xc];
	[sflag:s0] =	ssyncadd.s32 $0xFFFFEC00  }
0xb4: {  	[spmem:s14] =	stream.linear.scatter [tilespmem:s24], [sflag:$0xB], $0x1400, $0x38;
	[tilespmem:$0x19F00] =	vst v63  }
0xb5: {  	_ =	swait.ge [sflag:s21], $0x1400  }
0xb6: {  	[sflag:s21] =	ssyncset.done $0x0  }
0xb7: {  	[sflag:s21] =	ssyncadd.s32 $0xFFFFEC00  }
0xb8: {  	_ =	swait.ge [sflag:s26], $0x1400  }
0xb9: {  	[sflag:s26] =	ssyncset.done $0x0  }
0xba: {  	s13 =	rddreg [dreg:$0xd];
	[sflag:s26] =	ssyncadd.s32 $0xFFFFEC00  }
0xbb: {  	[spmem:s13] =	stream.linear.scatter [tilespmem:s28], [sflag:$0xB], $0x1400, $0x38;
	[tilespmem:$0x19F00] =	vst v63  }
0xbc: {  	_ =	swait.ge [sflag:s21], $0x1400  }
0xbd: {  	[sflag:s21] =	ssyncset.done $0x0  }
0xbe: {  	[sflag:s21] =	ssyncadd.s32 $0xFFFFEC00  }
0xbf: {  	_ =	swait.ge [sflag:s31], $0x1400  }
0xc0: {  	[sflag:s31] =	ssyncset.done $0x0  }
0xc1: {  	[sflag:s31] =	ssyncadd.s32 $0xFFFFEC00  }
0xc2: {  	[spmem:s15] =	stream.linear.scatter [tilespmem:s30], [sflag:$0xB], $0x1400, $0x38;
	[tilespmem:$0x19F00] =	vst v63  }
0xc3: {  	_ =	swait.ge [sflag:s21], $0x1400  }
0xc4: {  	[sflag:s21] =	ssyncset.done $0x0  }
0xc5: {  	[sflag:s21] =	ssyncadd.s32 $0xFFFFEC00  }
0xc6: {  	_ =	swait.ge [sflag:s23], $0x1000  }
0xc7: {  	[sflag:s23] =	ssyncset.done $0x0  }
0xc8: {  	[sflag:s23] =	ssyncadd.s32 $0xFFFFF000  }
0xc9: {  	[spmem:s16] =	stream.linear.scatter [tilespmem:s2], [sflag:$0xB], $0x1000, $0x38;
	[tilespmem:$0x19F00] =	vst v63  }
0xca: {  	_ =	swait.ge [sflag:s21], $0x1000  }
0xcb: {  	[sflag:s21] =	ssyncset.done $0x0  }
0xcc: {  	[sflag:s21] =	ssyncadd.s32 $0xFFFFF000  }
0xcd: {  	[tilespmem:$0x9C40] =	vst @!p0 v41  }
0xce: {  	[tilespmem:$0x9C50] =	vst @!p0 v42  }
0xcf: {  	[tilespmem:$0x9C60] =	vst @!p0 v43  }
0xd0: {  	[tilespmem:$0x9C70] =	vst @!p0 v44  }
0xd1: {  	s12 =	simm.s32 @!p0 $0x10;
	s14 =	simm.s32 @!p0 $0x9EC0;
	s13 =	simm.s32 @!p0 $0x9C40;
	[tilespmem:$0x9C80] =	vst @!p0 v45  }
0xd2: {  	[tilespmem:s14], [sflag:$0x1] =	stream.indirect.gather @!p0 [hbm4b:s1+s12], $0x40, s13, s12, $0xb8;
	[tilespmem:$0x19F00] =	vst v63  }
0xd3: {  	s12 =	simm.s32 @!p0 $0x1  }
0xd4: {  	_ =	swait.ge @!p0 [sflag:s12], $0x400  }
0xd5: {  	[sflag:s12] =	ssyncset.done @!p0 $0x0  }
0xd6: {  	[sflag:s12] =	ssyncadd.s32 @!p0 $0xFFFFFC00;
	s12 =	simm.s32 @!p0 $0xB  }
0xd7: {  	[spmem:s18] =	stream.linear.scatter @!p0 [tilespmem:s14], [sflag:$0xB], $0x400, $0x38;
	[tilespmem:$0x19F00] =	vst v63  }
0xd8: {  	_ =	swait.ge @!p0 [sflag:s12], $0x400  }
0xd9: {  	[sflag:s12] =	ssyncset.done @!p0 $0x0  }
0xda: {  	[sflag:s12] =	ssyncadd.s32 @!p0 $0xFFFFFC00  }
0xdb: {  	[bflag:$0x0] =	sbarrier.arrive $0xFFFF  }
0xdc: {  	v46 =	vld [tilespmem:$0x0]  }
0xdd: {  	v47 =	vld [tilespmem:$0x10]  }
0xde: {  	v48 =	vld [tilespmem:$0x20]  }
0xdf: {  	v49 =	vld [tilespmem:$0x30]  }
0xe0: {  	v50 =	vld [tilespmem:$0x40]  }
0xe1: {  	v46 =	vshll.u32 v46, $0x1  }
0xe2: {  	v47 =	vshll.u32 v47, $0x1;
	v46 =	vor.u32 v0, v46  }
0xe3: {  	v53 =	vshll.u32 v48, $0x1;
	v52 =	vor.u32 v0, v47;
	[tilespmem:$0x0] =	vst v46  }
0xe4: {  	v55 =	vshll.u32 v49, $0x1;
	v54 =	vor.u32 v0, v53;
	[tilespmem:$0x10] =	vst v52  }
0xe5: {  	v57 =	vshll.u32 v50, $0x1;
	v56 =	vor.u32 v0, v55;
	[tilespmem:$0x20] =	vst v54  }
0xe6: {  	v58 =	vor.u32 v0, v57;
	[tilespmem:$0x30] =	vst v56  }
0xe7: {  	[tilespmem:$0x40] =	vst v58  }
0xe8: {  	[tilespmem:s28], [sflag:$0x1] =	stream.indirect.gather [hbm4b:s1+s25], $0x40, s4, s25, $0xb8;
	[tilespmem:$0x19F00] =	vst v63  }
0xe9: {  	v59 =	vld [tilespmem:$0x50]  }
0xea: {  	v60 =	vld [tilespmem:$0x60]  }
0xeb: {  	v61 =	vld [tilespmem:$0x70]  }
0xec: {  	v62 =	vld [tilespmem:$0x80]  }
0xed: {  	v63 =	vld [tilespmem:$0x90]  }
0xee: {  	v46 =	vshll.u32 v59, $0x1  }
0xef: {  	v47 =	vshll.u32 v60, $0x1;
	v46 =	vor.u32 v0, v46  }
0xf0: {  	v52 =	vshll.u32 v61, $0x1;
	v51 =	vor.u32 v0, v47;
	[tilespmem:$0x50] =	vst v46  }
0xf1: {  	v54 =	vshll.u32 v62, $0x1;
	v53 =	vor.u32 v0, v52;
	[tilespmem:$0x60] =	vst v51  }
0xf2: {  	v56 =	vshll.u32 v63, $0x1;
	v55 =	vor.u32 v0, v54;
	[tilespmem:$0x70] =	vst v53  }
0xf3: {  	v57 =	vor.u32 v0, v56;
	[tilespmem:$0x80] =	vst v55  }
0xf4: {  	[tilespmem:$0x90] =	vst v57  }
0xf5: {  	[tilespmem:s30], [sflag:$0x2] =	stream.indirect.gather [hbm4b:s1+s25], $0x40, s25, s25, $0xb8;
	[tilespmem:$0x19F00] =	vst v63  }
0xf6: {  	v58 =	vld [tilespmem:$0xA0]  }
0xf7: {  	v59 =	vld [tilespmem:$0xB0]  }
0xf8: {  	v60 =	vld [tilespmem:$0xC0]  }
0xf9: {  	v61 =	vld [tilespmem:$0xD0]  }
0xfa: {  	v62 =	vld [tilespmem:$0xE0]  }
0xfb: {  	v46 =	vshll.u32 v58, $0x1  }
0xfc: {  	v47 =	vshll.u32 v59, $0x1;
	v46 =	vor.u32 v0, v46  }
0xfd: {  	v48 =	vshll.u32 v60, $0x1;
	v63 =	vor.u32 v0, v47;
	[tilespmem:$0xA0] =	vst v46  }
0xfe: {  	v52 =	vshll.u32 v61, $0x1;
	v51 =	vor.u32 v0, v48;
	[tilespmem:$0xB0] =	vst v63  }
0xff: {  	v54 =	vshll.u32 v62, $0x1;
	v53 =	vor.u32 v0, v52;
	[tilespmem:$0xC0] =	vst v51  }
0x100: {  	v55 =	vor.u32 v0, v54;
	[tilespmem:$0xD0] =	vst v53  }
0x101: {  	s14 =	simm.s32 $0xA0;
	[tilespmem:$0xE0] =	vst v55  }
0x102: {  	[tilespmem:s2], [sflag:$0x3] =	stream.indirect.gather [hbm4b:s1+s25], $0x40, s14, s25, $0xb8;
	[tilespmem:$0x19F00] =	vst v63  }
0x103: {  	v56 =	vld [tilespmem:$0xF0]  }
0x104: {  	v57 =	vld [tilespmem:$0x100]  }
0x105: {  	v58 =	vld [tilespmem:$0x110]  }
0x106: {  	v59 =	vld [tilespmem:$0x120]  }
0x107: {  	v60 =	vld [tilespmem:$0x130]  }
0x108: {  	v46 =	vshll.u32 v56, $0x1  }
0x109: {  	v47 =	vshll.u32 v57, $0x1;
	v46 =	vor.u32 v0, v46  }
0x10a: {  	v62 =	vshll.u32 v58, $0x1;
	v61 =	vor.u32 v0, v47;
	[tilespmem:$0xF0] =	vst v46  }
0x10b: {  	v48 =	vshll.u32 v59, $0x1;
	v63 =	vor.u32 v0, v62;
	[tilespmem:$0x100] =	vst v61  }
0x10c: {  	v50 =	vshll.u32 v60, $0x1;
	v49 =	vor.u32 v0, v48;
	[tilespmem:$0x110] =	vst v63  }
0x10d: {  	v51 =	vor.u32 v0, v50;
	[tilespmem:$0x120] =	vst v49  }
0x10e: {  	s13 =	simm.s32 $0xF0;
	[tilespmem:$0x130] =	vst v51  }
0x10f: {  	[tilespmem:s22], [sflag:$0x4] =	stream.indirect.gather [hbm4b:s1+s25], $0x40, s13, s25, $0xb8;
	[tilespmem:$0x19F00] =	vst v63  }
0x110: {  	v52 =	vld [tilespmem:$0x140]  }
0x111: {  	v53 =	vld [tilespmem:$0x150]  }
0x112: {  	v54 =	vld [tilespmem:$0x160]  }
0x113: {  	v55 =	vld [tilespmem:$0x170]  }
0x114: {  	v56 =	vld [tilespmem:$0x180]  }
0x115: {  	v46 =	vshll.u32 v52, $0x1  }
0x116: {  	v47 =	vshll.u32 v53, $0x1;
	v46 =	vor.u32 v0, v46  }
0x117: {  	v58 =	vshll.u32 v54, $0x1;
	v57 =	vor.u32 v0, v47;
	[tilespmem:$0x140] =	vst v46  }
0x118: {  	v60 =	vshll.u32 v55, $0x1;
	v59 =	vor.u32 v0, v58;
	[tilespmem:$0x150] =	vst v57  }
0x119: {  	v62 =	vshll.u32 v56, $0x1;
	v61 =	vor.u32 v0, v60;
	[tilespmem:$0x160] =	vst v59  }
0x11a: {  	v63 =	vor.u32 v0, v62;
	[tilespmem:$0x170] =	vst v61  }
0x11b: {  	s12 =	simm.s32 $0x0;
	s14 =	simm.s32 $0x140;
	[tilespmem:$0x180] =	vst v63  }
0x11c: {  	[tilespmem:s24], [sflag:$0x5] =	stream.indirect.gather [hbm4b:s1+s25], $0x40, s14, s25, $0xb8;
	[tilespmem:$0x19F00] =	vst v63  }
.LBB2_2:
0x11d: {  	_ =	swait.ge [sflag:s26], $0x1400  }
0x11e: {  	s13 =	sshra.s32 s12, $0x2;
	[sflag:s26] =	ssyncset.done $0x0  }
0x11f: {  	s14 =	sadd.s32 $0x4E20, s13;
	[sflag:s26] =	ssyncadd.s32 $0xFFFFEC00  }
0x120: {  	[spmem:s3] =	stream.indirect.scatter.add.f32 [tilespmem:s28], [sflag:$0x6], $0x40, s14, s25, $0xb8;
	[tilespmem:$0x19F00] =	vst v63  }
0x121: {  	_ =	swait.ge [sflag:s31], $0x1400  }
0x122: {  	[sflag:s31] =	ssyncset.done $0x0  }
0x123: {  	s14 =	sadd.s32 $0x4E70, s13;
	[sflag:s31] =	ssyncadd.s32 $0xFFFFEC00  }
0x124: {  	[spmem:s3] =	stream.indirect.scatter.add.f32 [tilespmem:s30], [sflag:$0x7], $0x40, s14, s25, $0xb8;
	[tilespmem:$0x19F00] =	vst v63  }
0x125: {  	_ =	swait.ge [sflag:s23], $0x1400  }
0x126: {  	[sflag:s23] =	ssyncset.done $0x0  }
0x127: {  	s14 =	sadd.s32 $0x4EC0, s13;
	[sflag:s23] =	ssyncadd.s32 $0xFFFFEC00  }
0x128: {  	[spmem:s3] =	stream.indirect.scatter.add.f32 [tilespmem:s2], [sflag:$0x8], $0x40, s14, s25, $0xb8;
	[tilespmem:$0x19F00] =	vst v63  }
0x129: {  	_ =	swait.ge [sflag:s29], $0x1400  }
0x12a: {  	[sflag:s29] =	ssyncset.done $0x0  }
0x12b: {  	s14 =	sadd.s32 $0x4F10, s13;
	[sflag:s29] =	ssyncadd.s32 $0xFFFFEC00  }
0x12c: {  	[spmem:s3] =	stream.indirect.scatter.add.f32 [tilespmem:s22], [sflag:$0x9], $0x40, s14, s25, $0xb8;
	[tilespmem:$0x19F00] =	vst v63  }
0x12d: {  	_ =	swait.ge [sflag:s0], $0x1400  }
0x12e: {  	p1 =	seq.s32 s12, $0x13240;
	[sflag:s0] =	ssyncset.done $0x0  }
.Ltmp2:
0x12f: {  	s14 =	sadd.s32 $0x4F60, s13;
	[sflag:s0] =	ssyncadd.s32 $0xFFFFEC00;
	(pc) =	sbr.rel @p1 .LBB2_4-.Ltmp2, $4  }
0x130: {  	[spmem:s3] =	stream.indirect.scatter.add.f32 [tilespmem:s24], [sflag:$0xA], $0x40, s14, s25, $0xb8;
	[tilespmem:$0x19F00] =	vst v63  }
0x131: {  	_ =	swait.ge [sflag:s5], $0x1400  }
0x132: {  	[sflag:s5] =	ssyncset.done $0x0  }
0x133: {  	[sflag:s5] =	ssyncadd.s32 $0xFFFFEC00  }
0x134: {  	v46 =	vld [tilespmem:s13+$0x190]  }
0x135: {  	v47 =	vld [tilespmem:s13+$0x1A0]  }
0x136: {  	v48 =	vld [tilespmem:s13+$0x1B0]  }
0x137: {  	v49 =	vld [tilespmem:s13+$0x1C0]  }
0x138: {  	v50 =	vld [tilespmem:s13+$0x1D0]  }
0x139: {  	v46 =	vshll.u32 v46, $0x1  }
0x13a: {  	v47 =	vshll.u32 v47, $0x1;
	v46 =	vor.u32 v0, v46  }
0x13b: {  	v53 =	vshll.u32 v48, $0x1;
	v52 =	vor.u32 v0, v47;
	[tilespmem:s13+$0x190] =	vst v46  }
0x13c: {  	v55 =	vshll.u32 v49, $0x1;
	v54 =	vor.u32 v0, v53;
	[tilespmem:s13+$0x1A0] =	vst v52  }
0x13d: {  	v57 =	vshll.u32 v50, $0x1;
	v56 =	vor.u32 v0, v55;
	[tilespmem:s13+$0x1B0] =	vst v54  }
0x13e: {  	v58 =	vor.u32 v0, v57;
	[tilespmem:s13+$0x1C0] =	vst v56  }
0x13f: {  	s14 =	sadd.s32 $0x190, s13;
	[tilespmem:s13+$0x1D0] =	vst v58  }
0x140: {  	[tilespmem:s28], [sflag:$0x1] =	stream.indirect.gather [hbm4b:s1+s25], $0x40, s14, s25, $0xb8;
	[tilespmem:$0x19F00] =	vst v63  }
0x141: {  	_ =	swait.ge [sflag:s6], $0x1400  }
0x142: {  	[sflag:s6] =	ssyncset.done $0x0  }
0x143: {  	[sflag:s6] =	ssyncadd.s32 $0xFFFFEC00  }
0x144: {  	v59 =	vld [tilespmem:s13+$0x1E0]  }
0x145: {  	v60 =	vld [tilespmem:s13+$0x1F0]  }
0x146: {  	v61 =	vld [tilespmem:s13+$0x200]  }
0x147: {  	v62 =	vld [tilespmem:s13+$0x210]  }
0x148: {  	v63 =	vld [tilespmem:s13+$0x220]  }
0x149: {  	v46 =	vshll.u32 v59, $0x1  }
0x14a: {  	v47 =	vshll.u32 v60, $0x1;
	v46 =	vor.u32 v0, v46  }
0x14b: {  	v52 =	vshll.u32 v61, $0x1;
	v51 =	vor.u32 v0, v47;
	[tilespmem:s13+$0x1E0] =	vst v46  }
0x14c: {  	v54 =	vshll.u32 v62, $0x1;
	v53 =	vor.u32 v0, v52;
	[tilespmem:s13+$0x1F0] =	vst v51  }
0x14d: {  	v56 =	vshll.u32 v63, $0x1;
	v55 =	vor.u32 v0, v54;
	[tilespmem:s13+$0x200] =	vst v53  }
0x14e: {  	v57 =	vor.u32 v0, v56;
	[tilespmem:s13+$0x210] =	vst v55  }
0x14f: {  	s14 =	sadd.s32 $0x1E0, s13;
	[tilespmem:s13+$0x220] =	vst v57  }
0x150: {  	[tilespmem:s30], [sflag:$0x2] =	stream.indirect.gather [hbm4b:s1+s25], $0x40, s14, s25, $0xb8;
	[tilespmem:$0x19F00] =	vst v63  }
0x151: {  	_ =	swait.ge [sflag:s7], $0x1400  }
0x152: {  	[sflag:s7] =	ssyncset.done $0x0  }
0x153: {  	[sflag:s7] =	ssyncadd.s32 $0xFFFFEC00  }
0x154: {  	v58 =	vld [tilespmem:s13+$0x230]  }
0x155: {  	v59 =	vld [tilespmem:s13+$0x240]  }
0x156: {  	v60 =	vld [tilespmem:s13+$0x250]  }
0x157: {  	v61 =	vld [tilespmem:s13+$0x260]  }
0x158: {  	v62 =	vld [tilespmem:s13+$0x270]  }
0x159: {  	v46 =	vshll.u32 v58, $0x1  }
0x15a: {  	v47 =	vshll.u32 v59, $0x1;
	v46 =	vor.u32 v0, v46  }
0x15b: {  	v48 =	vshll.u32 v60, $0x1;
	v63 =	vor.u32 v0, v47;
	[tilespmem:s13+$0x230] =	vst v46  }
0x15c: {  	v52 =	vshll.u32 v61, $0x1;
	v51 =	vor.u32 v0, v48;
	[tilespmem:s13+$0x240] =	vst v63  }
0x15d: {  	v54 =	vshll.u32 v62, $0x1;
	v53 =	vor.u32 v0, v52;
	[tilespmem:s13+$0x250] =	vst v51  }
0x15e: {  	v55 =	vor.u32 v0, v54;
	[tilespmem:s13+$0x260] =	vst v53  }
0x15f: {  	s14 =	sadd.s32 $0x230, s13;
	[tilespmem:s13+$0x270] =	vst v55  }
0x160: {  	[tilespmem:s2], [sflag:$0x3] =	stream.indirect.gather [hbm4b:s1+s25], $0x40, s14, s25, $0xb8;
	[tilespmem:$0x19F00] =	vst v63  }
0x161: {  	_ =	swait.ge [sflag:s8], $0x1400  }
0x162: {  	[sflag:s8] =	ssyncset.done $0x0  }
0x163: {  	[sflag:s8] =	ssyncadd.s32 $0xFFFFEC00  }
0x164: {  	v56 =	vld [tilespmem:s13+$0x280]  }
0x165: {  	v57 =	vld [tilespmem:s13+$0x290]  }
0x166: {  	v58 =	vld [tilespmem:s13+$0x2A0]  }
0x167: {  	v59 =	vld [tilespmem:s13+$0x2B0]  }
0x168: {  	v60 =	vld [tilespmem:s13+$0x2C0]  }
0x169: {  	v46 =	vshll.u32 v56, $0x1  }
0x16a: {  	v47 =	vshll.u32 v57, $0x1;
	v46 =	vor.u32 v0, v46  }
0x16b: {  	v62 =	vshll.u32 v58, $0x1;
	v61 =	vor.u32 v0, v47;
	[tilespmem:s13+$0x280] =	vst v46  }
0x16c: {  	v48 =	vshll.u32 v59, $0x1;
	v63 =	vor.u32 v0, v62;
	[tilespmem:s13+$0x290] =	vst v61  }
0x16d: {  	v50 =	vshll.u32 v60, $0x1;
	v49 =	vor.u32 v0, v48;
	[tilespmem:s13+$0x2A0] =	vst v63  }
0x16e: {  	v51 =	vor.u32 v0, v50;
	[tilespmem:s13+$0x2B0] =	vst v49  }
0x16f: {  	s14 =	sadd.s32 $0x280, s13;
	[tilespmem:s13+$0x2C0] =	vst v51  }
0x170: {  	[tilespmem:s22], [sflag:$0x4] =	stream.indirect.gather [hbm4b:s1+s25], $0x40, s14, s25, $0xb8;
	[tilespmem:$0x19F00] =	vst v63  }
0x171: {  	_ =	swait.ge [sflag:s10], $0x1400  }
0x172: {  	[sflag:s10] =	ssyncset.done $0x0  }
0x173: {  	[sflag:s10] =	ssyncadd.s32 $0xFFFFEC00  }
0x174: {  	v52 =	vld [tilespmem:s13+$0x2D0]  }
0x175: {  	v53 =	vld [tilespmem:s13+$0x2E0]  }
0x176: {  	v54 =	vld [tilespmem:s13+$0x2F0]  }
0x177: {  	v55 =	vld [tilespmem:s13+$0x300]  }
0x178: {  	v56 =	vld [tilespmem:s13+$0x310]  }
0x179: {  	v46 =	vshll.u32 v52, $0x1  }
0x17a: {  	v47 =	vshll.u32 v53, $0x1;
	v46 =	vor.u32 v0, v46  }
0x17b: {  	v58 =	vshll.u32 v54, $0x1;
	v57 =	vor.u32 v0, v47;
	[tilespmem:s13+$0x2D0] =	vst v46  }
.Ltmp3:
0x17c: {  	v60 =	vshll.u32 v55, $0x1;
	v59 =	vor.u32 v0, v58;
	[tilespmem:s13+$0x2E0] =	vst v57;
	(pc) =	sbr.rel .LBB2_2-.Ltmp3, $4  }
0x17d: {  	v62 =	vshll.u32 v56, $0x1;
	v61 =	vor.u32 v0, v60;
	[tilespmem:s13+$0x2F0] =	vst v59  }
0x17e: {  	v63 =	vor.u32 v0, v62;
	[tilespmem:s13+$0x300] =	vst v61  }
0x17f: {  	s12 =	sadd.s32 $0x640, s12;
	s14 =	sadd.s32 $0x2D0, s13;
	[tilespmem:s13+$0x310] =	vst v63  }
0x180: {  	[tilespmem:s24], [sflag:$0x5] =	stream.indirect.gather [hbm4b:s1+s25], $0x40, s14, s25, $0xb8;
	[tilespmem:$0x19F00] =	vst v63  }
.LBB2_5:
0x181: {  	_ =	sfence.sel $0x180000  }
0x182: {  	[bflag:$0x0] =	sbarrier.arrive $0xFFFF  }
0x183: {  	_ =	strace $0x90000047  }
0x184: {  	[bflag:$0x2] =	sbarrier.arrive $0xFFFF  }
0x185: {  	s0 =	rddreg [dreg:$0x4]  }
0x186: {  	s0 =	sadd.s32 @!p0 $0x100000, s0  }
0x187: {  	[sflag:s0] =	ssyncadd.tile.s32 @!p0 $0x1;
	_ =	shalt  }
.Lfunc_end2:
_tile_overlayer_lowered:
.L_overlay_start_2:
0x188: {  	(tag) =	ssettag $0x2  }
0x189: {  	s0 =	rddreg [dreg:$0x0];
	s2 =	stileid.u32  }
0x18a: {  	s1 =	rddreg [dreg:$0x1];
	p0 =	sne.s32 s2, $0x0  }
0x18b: {  	s3 =	rddreg [dreg:$0x2];
	[bflag:$0x3] =	sbarrier.arrive $0xFFFF;
	s2 =	simm.s32 @!p0 $0x1C0B  }
0x18c: {  	[timem:s3], [sflag:s2] =	dma.local @!p0 [hbm:s0], s1  }
0x18d: {  	s0 =	simm.s32 @!p0 $0xB  }
0x18e: {  	_ =	swait.ge @!p0 [sflag:s0], s1  }
0x18f: {  	s1 =	ssub.s32 @!p0 $0x0, s1;
	[sflag:s0] =	ssyncset.done @!p0 $0x0  }
0x190: {  	[sflag:s0] =	ssyncadd.s32 @!p0 s1  }
0x191: {  	[bflag:$0x3] =	sbarrier.arrive $0xFFFF  }
0x192: {  	_ =	shalt  }

// kernel: kernel.9.cloned.1.call-start
scs
__scs_entry_jumppad:
0x0: {  	(pc) =	sbr.rel $0x88, $3  }
0x1: {  	(tag) =	ssettag $0x0;
	lr =	simm.s32 $0x1  }
0x2: {  	[smem:$0x3F91] =	sst lr;
	_ =	strace $0xD0000000  }
0x3: {  	_ = 	snop  }
0x4: {  	_ = 	snop  }
0x5: {  	_ = 	snop  }
0x6: {  	_ = 	snop  }
0x7: {  	_ = 	snop  }
__scs_overlays_trampoline_lowered:
0x8: {  	[smem:$0x3FA0] =	sst s0  }
0x9: {  	[smem:$0x3FA1] =	sst s1  }
0xa: {  	[smem:$0x3FA2] =	sst s2  }
0xb: {  	[smem:$0x3FA3] =	sst s3  }
0xc: {  	[smem:$0x3FA4] =	sst s4  }
0xd: {  	[smem:$0x3FA5] =	sst s5  }
0xe: {  	[smem:$0x3FA6] =	sst s6  }
0xf: {  	[smem:$0x3FA7] =	sst s7  }
0x10: {  	[smem:$0x3FA8] =	sst s8  }
0x11: {  	[smem:$0x3FA9] =	sst s9;
	s0 =	simm.s32 @!p0 $0x0  }
0x12: {  	s1 =	sld [smem:$0x3F8F];
	s0 =	simm.s32 @p0 $0x1  }
0x13: {  	[smem:$0x3FAA] =	sst s0;
	s0 =	simm.s32 @!p1 $0x0  }
0x14: {  	s2 =	sld [smem:$0x3F8E];
	s0 =	simm.s32 @p1 $0x1  }
0x15: {  	[smem:$0x3FAB] =	sst s0;
	s0 =	simm.s32 @!p2 $0x0  }
0x16: {  	s3 =	sld [smem:$0x3FDB];
	s0 =	simm.s32 @p2 $0x1  }
0x17: {  	s4 =	simm.s32 $0x1BF5;
	[smem:$0x3FAD] =	sst s0  }
0x18: {  	s0 =	sld [smem:$0x3F90];
	_ =	swait.ge [sflag:s4], $0x0  }
0x19: {  	s7 =	sld [smem:$0x3F91]  }
0x1a: {  	s8 =	sadd.s32 $0xFFFFE003, lr  }
0x1b: {  	s9 =	sadd.s32 $0xFFFFFEF7, lr;
	s5 =	simm.s32 $0xFFFFFFFF;
	p2 =	slt.u32 s8, $0xFFFFF086  }
0x1c: {  	p1 =	slt.u32 s9, $0xF7A;
	s5 =	simm.s32 @!p2 $0x0  }
0x1d: {  	s5 =	simm.s32 @p1 $0x1;
	p0 =	seq.s32 s7, s2  }
0x1e: {  	s7 =	smul.u32 @!p0 $0xF7A, s2;
	p2 =	seq.s32 @!p0 s5, $0x0  }
0x1f: {  	s9 =	smul.u32 $0xF7A, s1;
	s8 =	simm.s32 @!p0 $0x1BF5;
	p2 =	por !p2, p0  }
0x20: {  	[sflag:s8] =	ssyncset.s32 @!p0 $0xFFFFF086;
	s6 =	sadd.s32 @!p0 s3, s7;
	s7 =	simm.s32 @!p0 $0x108  }
0x21: {  	s3 =	sadd.s32 s3, s9;
	s6 =	sadd.s32 @!p0 $0x88, s6;
	s7 =	simm.s32 @p2 $0x1082  }
0x22: {  	[simem:s7], [sflag:s8] =	dma.local @!p0 [hbm:s6], $0xF7A  }
0x23: {  	s9 =	sor.u32 $0xD0000000, s2;
	s6 =	simm.s32 $0x108;
	_ =	swait.ge @!p0 [sflag:s8], $0x0  }
0x24: {  	s3 =	sadd.s32 $0x88, s3;
	s6 =	simm.s32 @!p1 $0x1082;
	[sflag:s4] =	ssyncset.s32 $0xFFFFF086  }
0x25: {  	[simem:s6], [sflag:s4] =	dma.local [hbm:s3], $0xF7A  }
0x26: {  	[smem:$0x3F91] =	sst s1;
	(tag) =	ssettag s2;
	_ =	strace s9  }
0x27: {  	s1 =	sld [smem:$0x3FA1]  }
0x28: {  	s2 =	sld [smem:$0x3FA2]  }
0x29: {  	s4 =	sld [smem:$0x3FA4]  }
0x2a: {  	p0 =	seq.s32 s5, $0x0;
	s5 =	sld [smem:$0x3FA5]  }
0x2b: {  	s6 =	sld [smem:$0x3FA6]  }
0x2c: {  	s7 =	sld [smem:$0x3FA7]  }
0x2d: {  	s3 =	simm.s32 $0x108;
	s8 =	sld [smem:$0x3FA8]  }
0x2e: {  	s3 =	simm.s32 @!p0 $0x1082;
	s9 =	sld [smem:$0x3FA9]  }
0x2f: {  	lr =	sadd.s32 s0, s3;
	s0 =	sld [smem:$0x3FA0]  }
0x30: {  	s3 =	sld [smem:$0x3FA3]  }
0x31: {  	[smem:$0x3FAC] =	sst s10  }
0x32: {  	s10 =	sld [smem:$0x3FAA];
	_ =	sdelay $0x3  }
0x33: {  	p0 =	seq.s32 s10, $0x1;
	s10 =	sld [smem:$0x3FAC];
	_ =	sdelay $0x3  }
0x34: {  	[smem:$0x3FAC] =	sst s10  }
0x35: {  	s10 =	sld [smem:$0x3FAB];
	_ =	sdelay $0x3  }
0x36: {  	p1 =	seq.s32 s10, $0x1;
	s10 =	sld [smem:$0x3FAC];
	_ =	sdelay $0x3  }
0x37: {  	[smem:$0x3FAC] =	sst s10  }
0x38: {  	s10 =	sld [smem:$0x3FAD]  }
0x39: {  	_ = 	snop;
	(pc) =	sbr.ind lr, $3  }
0x3a: {  	_ = 	snop  }
0x3b: {  	_ = 	snop  }
0x3c: {  	p2 =	seq.s32 s10, $0x1;
	s10 =	sld [smem:$0x3FAC]  }
0x3d: {  	_ =	shalt  }
0x3e: {  	_ =	shalt  }
0x3f: {  	_ =	shalt  }
0x40: {  	_ =	shalt  }
0x41: {  	_ =	shalt  }
0x42: {  	_ =	shalt  }
0x43: {  	_ =	shalt  }
0x44: {  	_ =	shalt  }
0x45: {  	_ =	shalt  }
0x46: {  	_ =	shalt  }
0x47: {  	_ =	shalt  }
0x48: {  	_ =	shalt  }
0x49: {  	_ =	shalt  }
0x4a: {  	_ =	shalt  }
0x4b: {  	_ =	shalt  }
0x4c: {  	_ =	shalt  }
0x4d: {  	_ =	shalt  }
0x4e: {  	_ =	shalt  }
0x4f: {  	_ =	shalt  }
0x50: {  	_ =	shalt  }
0x51: {  	_ =	shalt  }
0x52: {  	_ =	shalt  }
0x53: {  	_ =	shalt  }
0x54: {  	_ =	shalt  }
0x55: {  	_ =	shalt  }
0x56: {  	_ =	shalt  }
0x57: {  	_ =	shalt  }
0x58: {  	_ =	shalt  }
0x59: {  	_ =	shalt  }
0x5a: {  	_ =	shalt  }
0x5b: {  	_ =	shalt  }
0x5c: {  	_ =	shalt  }
0x5d: {  	_ =	shalt  }
0x5e: {  	_ =	shalt  }
0x5f: {  	_ =	shalt  }
0x60: {  	_ =	shalt  }
0x61: {  	_ =	shalt  }
0x62: {  	_ =	shalt  }
0x63: {  	_ =	shalt  }
0x64: {  	_ =	shalt  }
0x65: {  	_ =	shalt  }
0x66: {  	_ =	shalt  }
0x67: {  	_ =	shalt  }
0x68: {  	_ =	shalt  }
0x69: {  	_ =	shalt  }
0x6a: {  	_ =	shalt  }
0x6b: {  	_ =	shalt  }
0x6c: {  	_ =	shalt  }
0x6d: {  	_ =	shalt  }
0x6e: {  	_ =	shalt  }
0x6f: {  	_ =	shalt  }
0x70: {  	_ =	shalt  }
0x71: {  	_ =	shalt  }
0x72: {  	_ =	shalt  }
0x73: {  	_ =	shalt  }
0x74: {  	_ =	shalt  }
0x75: {  	_ =	shalt  }
0x76: {  	_ =	shalt  }
0x77: {  	_ =	shalt  }
0x78: {  	_ =	shalt  }
0x79: {  	_ =	shalt  }
0x7a: {  	_ =	shalt  }
0x7b: {  	_ =	shalt  }
0x7c: {  	_ =	shalt  }
0x7d: {  	_ =	shalt  }
0x7e: {  	_ =	shalt  }
0x7f: {  	_ =	shalt  }
0x80: {  	_ =	shalt  }
0x81: {  	_ =	shalt  }
0x82: {  	_ =	shalt  }
0x83: {  	_ =	shalt  }
0x84: {  	_ =	shalt  }
0x85: {  	_ =	shalt  }
0x86: {  	_ =	shalt  }
0x87: {  	_ =	shalt  }
.Lfunc_end0:
.L_simem_size_0:
called_computation.1_lowered:
.L_overlay_start_0:
0x88: {  	s2 =	sld [smem:$0x3FD9]  }
0x89: {  	s3 =	sld [smem:$0x3FFE];
	_ =	sdelay $0x1  }
0x8a: {  	s1 =	srdreg.scid  }
0x8b: {  	s0 =	sand.u32 $0x1, s1  }
0x8c: {  	s14 =	sshll.u32 s0, $0xA;
	s2 =	sadd.s32 s3, s2  }
0x8d: {  	s2 =	sadd.s32 s2, s14  }
0x8e: {  	[smem:$0x3FB8] =	sst s2  }
0x8f: {  	_ = 	snop  }
0x90: {  	s2 =	sld [smem:$0x3FD0];
	_ =	sdelay $0x2  }
0x91: {  	s15 =	simm.s32 $0xA;
	s4 =	simm.s32 $0x10  }
0x92: {  	[smem:s4], [sflag:s15] =	dma.local [hbm:s2], $0x1  }
0x93: {  	_ =	swait.eq [sflag:s15], $0x1  }
0x94: {  	[sflag:s15] =	ssyncset.done $0x0  }
0x95: {  	s16 =	sld [smem:$0x10];
	[sflag:s15] =	ssyncadd.s32 $0xFFFFFFFF  }
0x96: {  	s17 =	sld [smem:$0x11];
	(tm) =	ssettm $0x1  }
0x97: {  	s18 =	sld [smem:$0x3FFB];
	_ =	sdelay $0x3  }
0x98: {  	_ =	strace s18  }
0x99: {  	s4 =	sld [smem:$0x3FFC];
	_ =	sdelay $0x3  }
0x9a: {  	_ =	strace s4  }
0x9b: {  	s4 =	sld [smem:$0x3FFD];
	_ =	sdelay $0x3  }
0x9c: {  	_ =	strace s4  }
0x9d: {  	_ =	strace $0x8FFFFFFF  }
0x9e: {  	s19 =	sld [smem:$0x3FDB];
	_ =	sdelay $0x1  }
0x9f: {  	s5 =	simm.s32 $_scs_section_size  }
0xa0: {  	s6 =	simm.s32 $_size__tile_overlayer_lowered;
	s7 =	simm.s32 $_tile_overlayer_lowered  }
0xa1: {  	s22 =	simm.s32 $0x1BFF;
	s21 =	sshll.u32 s7, $0x1;
	s4 =	sadd.s32 s5, s19  }
0xa2: {  	s8 =	simm.s32 $0x0;
	s20 =	sshll.u32 s6, $0x1;
	s6 =	sadd.s32 s21, s4  }
0xa3: {  	[timem:s8], [sflag:s22] =	dma.local [hbm:s6], s20  }
0xa4: {  	_ =	swait.ge [sflag:s22], s20  }
0xa5: {  	s5 =	ssub.s32 $0x0, s20;
	[sflag:s22] =	ssyncset.done $0x0  }
0xa6: {  	[sflag:s22] =	ssyncadd.s32 s5;
	_ =	sdelay $0x1  }
0xa7: {  	s23 =	simm.s32 $0x1B8B  }
0xa8: {  	_ =	swait.ge [sflag:s23], $0x1  }
0xa9: {  	[sflag:s23] =	ssyncset.done $0x0  }
0xaa: {  	s25 =	simm.s32 $0x1B8E;
	s24 =	sld [smem:$0x3FFE];
	[sflag:s23] =	ssyncadd.s32 $0xFFFFFFFF  }
0xab: {  	s26 =	simm.s32 $execute0_lowered;
	[smem:$0x3FD2] =	sst s25  }
0xac: {  	s6 =	sshll.u32 s26, $0x1;
	_ =	strace $0x80000049;
	[dreg:$0x1] =	wrdreg $0xFFFFFFFF  }
0xad: {  	s28 =	simm.s32 $_size_execute0_lowered;
	s4 =	sadd.s32 s4, s6;
	[dreg:$0x0] =	wrdreg $0x0  }
0xae: {  	s6 =	sshll.u32 s28, $0x1;
	[dreg:$0x2] =	wrdreg s4  }
0xaf: {  	[dreg:$0x3] =	wrdreg s6  }
0xb0: {  	[dreg:$0x4] =	wrdreg $0xC0  }
0xb1: {  	_ =	task [dreg:s8], $0x5FFFF  }
0xb2: {  	[dreg:$0x1] =	wrdreg $0xFFFFFFFF  }
0xb3: {  	[dreg:$0x0] =	wrdreg $0x60  }
0xb4: {  	[dreg:$0x2] =	wrdreg s17  }
0xb5: {  	[dreg:$0x3] =	wrdreg s24  }
0xb6: {  	[dreg:$0x4] =	wrdreg s16  }
0xb7: {  	[dreg:$0x5] =	wrdreg $0xB2200  }
0xb8: {  	[dreg:$0x6] =	wrdreg $0x9  }
0xb9: {  	_ =	task.clear_ibuf [dreg:s8], $0x7FFFF;
	_ =	strace $0x90000049  }
0xba: {  	s29 =	simm.s32 $0x9;
	_ =	strace $0x8000004B  }
0xbb: {  	_ =	swait.ge [sflag:s29], $0x1  }
0xbc: {  	[sflag:s29] =	ssyncadd.s32 $0xFFFFFFFF  }
0xbd: {  	_ =	strace $0x9000004B  }
0xbe: {  	_ =	sfence  }
0xbf: {  	s30 =	sld [smem:$0x0];
	_ =	sdelay $0x2  }
0xc0: {  	s31 =	sshll.u32 s1, $0xD;
	s1 =	sshrl.u32 s1, $0x2  }
0xc1: {  	s3 =	sand.u32 $0x4000, s31;
	s1 =	sadd.s32 s1, s30  }
0xc2: {  	s0 =	sor.u32 s3, s0;
	s1 =	sshll.u32 s1, $0x11  }
0xc3: {  	s0 =	sor.u32 s1, s0  }
0xc4: {  	s0 =	sadd.s32 $0x8F2B, s0  }
0xc5: {  	[sflag:s0] =	ssyncadd.remote.s32 $0x1  }
0xc6: {  	_ =	sfence.sel $0xFFFF  }
0xc7: {  	[dreg:$0x0] =	wrdreg $0xFFFFFFFF;
	(pc) =	sbr.abs _section_cstart, $3  }
0xc8: {  	[dreg:$0x1] =	wrdreg $0xFFFFFFFF  }
0xc9: {  	_ =	task.clear_ibuf [dreg:s8], $0x2FFFF;
	_ =	strace $0x9FFFFFFF  }
0xca: {  	(tm) =	ssettm $0x7FFFFFFF  }
0xcb: {  	_ =	shalt  }
tec
execute0_lowered:
.L_overlay_start_1:
0x0: {  	(tag) =	ssettag $0x1  }
0x1: {  	s0 =	rddreg [dreg:$0x0]  }
0x2: {  	s4 =	rddreg [dreg:$0x1]  }
0x3: {  	s1 =	srdreg.scid;
	s5 =	rddreg [dreg:$0x2]  }
0x4: {  	s11 =	stileid.u32;
	s2 =	rddreg [dreg:$0x3]  }
0x5: {  	s16 =	simm.s32 $0x50;
	s17 =	simm.s32 $0x4E20;
	s18 =	simm.s32 $0x6220  }
0x6: {  	s20 =	simm.s32 $0x7620;
	s28 =	simm.s32 $0x3;
	s29 =	simm.s32 $0x4  }
0x7: {  	s30 =	simm.s32 $0x5;
	s31 =	simm.s32 $0x6;
	s19 =	simm.s32 $0x9  }
0x8: {  	s21 =	simm.s32 $0xA;
	s1 =	sand.u32 $0x1, s1;
	s10 =	smul.u32 $0x9C00, s11  }
0x9: {  	s15 =	sadd.s32 $0x9C000, s2;
	p0 =	sne.s32 s11, $0x0;
	s26 =	sshll.u32 s11, $0x6  }
0xa: {  	s3 =	sshll.u32 s1, $0x4;
	s8 =	ssub.s32 $0x2, s1;
	s1 =	smul.u32 $0x9C400, s1  }
0xb: {  	s13 =	sor.u32 $0x1C0B, s26;
	s15 =	sshrl.u32 @!p0 s15, $0x3;
	s26 =	simm.s32 $0x2  }
0xc: {  	s6 =	sor.u32 s11, s3;
	s3 =	simm.s32 $0x0;
	s9 =	sshrl.u32 s8, $0x1  }
0xd: {  	s22 =	sadd.s32 s10, s2;
	s23 =	sshrl.u32 s10, $0x3;
	s11 =	simm.s32 $0xB  }
0xe: {  	s6 =	smul.u32 $0x4E2, s6;
	[smem:$0x7FF] =	sst s3;
	s12 =	ssub.s32 s8, s9  }
0xf: {  	s24 =	sadd.s32 s10, s1;
	s1 =	sshrl.u32 s1, $0x3;
	s14 =	sshrl.u32 s22, $0x3  }
0x10: {  	s22 =	simm.s32 $0x8A20;
	_ =	strace $0x8000004A;
	s25 =	sshrl.u32 s24, $0x3  }
0x11: {  	s10 =	smax.u32 s12, $0x1;
	s24 =	simm.s32 $0x9E20;
	s12 =	simm.s32 $0x8  }
0x12: {  	s7 =	sadd.s32 s6, s4;
	s4 =	sadd.s32 $0xC400, s4;
	s5 =	sadd.s32 s5, s6  }
0x13: {  	s6 =	sadd.s32 s0, s23;
	s23 =	simm.s32 $0x0;
	[dreg:$0x6] =	wrdreg s5  }
0x14: {  	s7 =	sadd.s32 $0x2600, s7;
	[dreg:$0x7] =	wrdreg s6;
	s1 =	sadd.s32 s4, s1  }
0x15: {  	s8 =	sadd.s32 s4, s25;
	s25 =	simm.s32 $0x1;
	[dreg:$0x5] =	wrdreg s7  }
0x16: {  	s7 =	sadd.s32 $0x13800, s0;
	s9 =	sadd.s32 $0x13800, s1;
	s1 =	simm.s32 $0x7  }
.LBB2_1:
0x17: {  	s4 =	rddreg [dreg:$0x5]  }
0x18: {  	[tilespmem:s3], [sflag:$0xB] =	stream.linear.gather [hbm4b:s4+s3], $0x2710, $0x38;
	[tilespmem:$0x14E60] =	vst v63  }
0x19: {  	_ =	swait.ge [sflag:s11], $0x2710  }
0x1a: {  	[sflag:s11] =	ssyncset.done $0x0  }
0x1b: {  	s5 =	simm.s32 $0x2710;
	s6 =	rddreg [dreg:$0x6];
	[sflag:s11] =	ssyncadd.s32 $0xFFFFD8F0  }
0x1c: {  	[tilespmem:s5], [sflag:$0xB] =	stream.linear.gather [hbm4b:s6+s3], $0x2710, $0x38;
	[tilespmem:$0x14E60] =	vst v63  }
0x1d: {  	_ =	swait.ge [sflag:s11], $0x2710  }
0x1e: {  	[sflag:s11] =	ssyncset.done $0x0  }
0x1f: {  	s6 =	rddreg [dreg:$0x7];
	[sflag:s11] =	ssyncadd.s32 $0xFFFFD8F0  }
0x20: {  	[spmem:s14], [sflag:s13] =	dma.local [hbm:s6], $0x1380  }
0x21: {  	_ =	swait.ge [sflag:s11], $0x1380  }
0x22: {  	[sflag:s11] =	ssyncset.done $0x0  }
0x23: {  	s4 =	simm.s32 @!p0 $0xB;
	[sflag:s11] =	ssyncadd.s32 $0xFFFFEC80  }
0x24: {  	[spmem:s15], [sflag:s13] =	dma.local @!p0 [hbm:s7], $0x80  }
0x25: {  	_ =	swait.ge @!p0 [sflag:s4], $0x80  }
0x26: {  	[sflag:s4] =	ssyncset.done @!p0 $0x0  }
0x27: {  	[sflag:s4] =	ssyncadd.s32 @!p0 $0xFFFFFF80  }
0x28: {  	[bflag:$0x0] =	sbarrier.arrive $0xFFFF  }
0x29: {  	[tilespmem:s17], [sflag:$0x1] =	stream.indirect.gather [hbm4b:s0+s16], $0x40, s3, s16, $0xb8;
	[tilespmem:$0x14E60] =	vst v63  }
0x2a: {  	_ = 	snop  }
0x2b: {  	[tilespmem:s18], [sflag:$0x2] =	stream.indirect.gather [hbm4b:s0+s16], $0x40, s16, s16, $0xb8;
	[tilespmem:$0x14E60] =	vst v63  }
0x2c: {  	s5 =	simm.s32 $0xA0  }
0x2d: {  	[tilespmem:s20], [sflag:$0x3] =	stream.indirect.gather [hbm4b:s0+s16], $0x40, s5, s16, $0xb8;
	[tilespmem:$0x14E60] =	vst v63  }
0x2e: {  	s6 =	simm.s32 $0xF0  }
0x2f: {  	[tilespmem:s22], [sflag:$0x4] =	stream.indirect.gather [hbm4b:s0+s16], $0x40, s6, s16, $0xb8;
	[tilespmem:$0x14E60] =	vst v63  }
0x30: {  	s5 =	simm.s32 $0x140  }
0x31: {  	[tilespmem:s24], [sflag:$0x5] =	stream.indirect.gather [hbm4b:s0+s16], $0x40, s5, s16, $0xb8;
	[tilespmem:$0x14E60] =	vst v63  }
0x32: {  	_ =	swait.ge [sflag:s25], $0x1400  }
0x33: {  	[sflag:s25] =	ssyncset.done $0x0  }
0x34: {  	s6 =	simm.s32 $0x2710;
	[sflag:s25] =	ssyncadd.s32 $0xFFFFEC00  }
0x35: {  	[spmem:s2] =	stream.indirect.scatter.add.f32 [tilespmem:s17], [sflag:$0x6], $0x40, s6, s16, $0xb8;
	[tilespmem:$0x14E60] =	vst v63  }
0x36: {  	_ =	swait.ge [sflag:s26], $0x1400  }
0x37: {  	[sflag:s26] =	ssyncset.done $0x0  }
0x38: {  	s5 =	simm.s32 $0x2760;
	[sflag:s26] =	ssyncadd.s32 $0xFFFFEC00  }
0x39: {  	[spmem:s2] =	stream.indirect.scatter.add.f32 [tilespmem:s18], [sflag:$0x7], $0x40, s5, s16, $0xb8;
	[tilespmem:$0x14E60] =	vst v63  }
0x3a: {  	_ =	swait.ge [sflag:s28], $0x1400  }
0x3b: {  	[sflag:s28] =	ssyncset.done $0x0  }
0x3c: {  	s6 =	simm.s32 $0x27B0;
	[sflag:s28] =	ssyncadd.s32 $0xFFFFEC00  }
0x3d: {  	[spmem:s2] =	stream.indirect.scatter.add.f32 [tilespmem:s20], [sflag:$0x8], $0x40, s6, s16, $0xb8;
	[tilespmem:$0x14E60] =	vst v63  }
0x3e: {  	_ =	swait.ge [sflag:s29], $0x1400  }
0x3f: {  	[sflag:s29] =	ssyncset.done $0x0  }
0x40: {  	s5 =	simm.s32 $0x2800;
	[sflag:s29] =	ssyncadd.s32 $0xFFFFEC00  }
0x41: {  	[spmem:s2] =	stream.indirect.scatter.add.f32 [tilespmem:s22], [sflag:$0x9], $0x40, s5, s16, $0xb8;
	[tilespmem:$0x14E60] =	vst v63  }
0x42: {  	_ =	swait.ge [sflag:s30], $0x1400  }
0x43: {  	[sflag:s30] =	ssyncset.done $0x0  }
0x44: {  	s6 =	simm.s32 $0x2850;
	[sflag:s30] =	ssyncadd.s32 $0xFFFFEC00  }
0x45: {  	[spmem:s2] =	stream.indirect.scatter.add.f32 [tilespmem:s24], [sflag:$0xA], $0x40, s6, s16, $0xb8;
	[tilespmem:$0x14E60] =	vst v63  }
0x46: {  	_ =	swait.ge [sflag:s31], $0x1400  }
0x47: {  	[sflag:s31] =	ssyncset.done $0x0  }
0x48: {  	s5 =	simm.s32 $0x190;
	[sflag:s31] =	ssyncadd.s32 $0xFFFFEC00  }
0x49: {  	[tilespmem:s17], [sflag:$0x1] =	stream.indirect.gather [hbm4b:s0+s16], $0x40, s5, s16, $0xb8;
	[tilespmem:$0x14E60] =	vst v63  }
0x4a: {  	_ =	swait.ge [sflag:s1], $0x1400  }
0x4b: {  	[sflag:s1] =	ssyncset.done $0x0  }
0x4c: {  	s6 =	simm.s32 $0x1E0;
	[sflag:s1] =	ssyncadd.s32 $0xFFFFEC00  }
0x4d: {  	[tilespmem:s18], [sflag:$0x2] =	stream.indirect.gather [hbm4b:s0+s16], $0x40, s6, s16, $0xb8;
	[tilespmem:$0x14E60] =	vst v63  }
0x4e: {  	_ =	swait.ge [sflag:s12], $0x1400  }
0x4f: {  	[sflag:s12] =	ssyncset.done $0x0  }
0x50: {  	s5 =	simm.s32 $0x230;
	[sflag:s12] =	ssyncadd.s32 $0xFFFFEC00  }
0x51: {  	[tilespmem:s20], [sflag:$0x3] =	stream.indirect.gather [hbm4b:s0+s16], $0x40, s5, s16, $0xb8;
	[tilespmem:$0x14E60] =	vst v63  }
0x52: {  	_ =	swait.ge [sflag:s19], $0x1400  }
0x53: {  	[sflag:s19] =	ssyncset.done $0x0  }
0x54: {  	s6 =	simm.s32 $0x280;
	[sflag:s19] =	ssyncadd.s32 $0xFFFFEC00  }
0x55: {  	[tilespmem:s22], [sflag:$0x4] =	stream.indirect.gather [hbm4b:s0+s16], $0x40, s6, s16, $0xb8;
	[tilespmem:$0x14E60] =	vst v63  }
0x56: {  	_ =	swait.ge [sflag:s21], $0x1400  }
0x57: {  	[sflag:s21] =	ssyncset.done $0x0  }
0x58: {  	s4 =	simm.s32 $0x640;
	s5 =	simm.s32 $0x2D0;
	[sflag:s21] =	ssyncadd.s32 $0xFFFFEC00  }
.LBB2_2:
0x59: {  	[tilespmem:s24], [sflag:$0x5] =	stream.indirect.gather [hbm4b:s0+s16], $0x40, s5, s16, $0xb8;
	[tilespmem:$0x14E60] =	vst v63  }
0x5a: {  	s5 =	smov.u32 s4  }
0x5b: {  	p1 =	sne.s32 s4, $0x8FC0;
	s4 =	sadd.s32 $0x640, s4;
	_ =	swait.ge [sflag:s25], $0x1400  }
0x5c: {  	s5 =	sshra.s32 s5, $0x2;
	[sflag:s25] =	ssyncset.done $0x0  }
0x5d: {  	s6 =	sadd.s32 $0x2710, s5;
	[sflag:s25] =	ssyncadd.s32 $0xFFFFEC00  }
0x5e: {  	[spmem:s2] =	stream.indirect.scatter.add.f32 [tilespmem:s17], [sflag:$0x6], $0x40, s6, s16, $0xb8;
	[tilespmem:$0x14E60] =	vst v63  }
0x5f: {  	_ =	swait.ge [sflag:s26], $0x1400  }
0x60: {  	[sflag:s26] =	ssyncset.done $0x0  }
0x61: {  	s6 =	sadd.s32 $0x2760, s5;
	[sflag:s26] =	ssyncadd.s32 $0xFFFFEC00  }
0x62: {  	[spmem:s2] =	stream.indirect.scatter.add.f32 [tilespmem:s18], [sflag:$0x7], $0x40, s6, s16, $0xb8;
	[tilespmem:$0x14E60] =	vst v63  }
0x63: {  	_ =	swait.ge [sflag:s28], $0x1400  }
0x64: {  	[sflag:s28] =	ssyncset.done $0x0  }
0x65: {  	s6 =	sadd.s32 $0x27B0, s5;
	[sflag:s28] =	ssyncadd.s32 $0xFFFFEC00  }
0x66: {  	[spmem:s2] =	stream.indirect.scatter.add.f32 [tilespmem:s20], [sflag:$0x8], $0x40, s6, s16, $0xb8;
	[tilespmem:$0x14E60] =	vst v63  }
0x67: {  	_ =	swait.ge [sflag:s29], $0x1400  }
0x68: {  	[sflag:s29] =	ssyncset.done $0x0  }
0x69: {  	s6 =	sadd.s32 $0x2800, s5;
	[sflag:s29] =	ssyncadd.s32 $0xFFFFEC00  }
0x6a: {  	[spmem:s2] =	stream.indirect.scatter.add.f32 [tilespmem:s22], [sflag:$0x9], $0x40, s6, s16, $0xb8;
	[tilespmem:$0x14E60] =	vst v63  }
0x6b: {  	_ =	swait.ge [sflag:s30], $0x1400  }
0x6c: {  	[sflag:s30] =	ssyncset.done $0x0  }
0x6d: {  	s6 =	sadd.s32 $0x2850, s5;
	[sflag:s30] =	ssyncadd.s32 $0xFFFFEC00  }
0x6e: {  	[spmem:s2] =	stream.indirect.scatter.add.f32 [tilespmem:s24], [sflag:$0xA], $0x40, s6, s16, $0xb8;
	[tilespmem:$0x14E60] =	vst v63  }
0x6f: {  	_ =	swait.ge [sflag:s31], $0x1400  }
0x70: {  	[sflag:s31] =	ssyncset.done $0x0  }
0x71: {  	s6 =	sadd.s32 $0x190, s5;
	[sflag:s31] =	ssyncadd.s32 $0xFFFFEC00  }
0x72: {  	[tilespmem:s17], [sflag:$0x1] =	stream.indirect.gather [hbm4b:s0+s16], $0x40, s6, s16, $0xb8;
	[tilespmem:$0x14E60] =	vst v63  }
0x73: {  	_ =	swait.ge [sflag:s1], $0x1400  }
0x74: {  	[sflag:s1] =	ssyncset.done $0x0  }
0x75: {  	s6 =	sadd.s32 $0x1E0, s5;
	[sflag:s1] =	ssyncadd.s32 $0xFFFFEC00  }
0x76: {  	[tilespmem:s18], [sflag:$0x2] =	stream.indirect.gather [hbm4b:s0+s16], $0x40, s6, s16, $0xb8;
	[tilespmem:$0x14E60] =	vst v63  }
0x77: {  	_ =	swait.ge [sflag:s12], $0x1400  }
0x78: {  	[sflag:s12] =	ssyncset.done $0x0  }
0x79: {  	s6 =	sadd.s32 $0x230, s5;
	[sflag:s12] =	ssyncadd.s32 $0xFFFFEC00  }
0x7a: {  	[tilespmem:s20], [sflag:$0x3] =	stream.indirect.gather [hbm4b:s0+s16], $0x40, s6, s16, $0xb8;
	[tilespmem:$0x14E60] =	vst v63  }
0x7b: {  	_ =	swait.ge [sflag:s19], $0x1400  }
0x7c: {  	[sflag:s19] =	ssyncset.done $0x0  }
.Ltmp0:
0x7d: {  	s6 =	sadd.s32 $0x280, s5;
	[sflag:s19] =	ssyncadd.s32 $0xFFFFEC00;
	(pc) =	sbr.rel @p1 .LBB2_2-.Ltmp0, $4  }
0x7e: {  	[tilespmem:s22], [sflag:$0x4] =	stream.indirect.gather [hbm4b:s0+s16], $0x40, s6, s16, $0xb8;
	[tilespmem:$0x14E60] =	vst v63  }
0x7f: {  	_ =	swait.ge [sflag:s21], $0x1400  }
0x80: {  	[sflag:s21] =	ssyncset.done $0x0  }
0x81: {  	s5 =	sadd.s32 $0x2D0, s5;
	[sflag:s21] =	ssyncadd.s32 $0xFFFFEC00  }
0x82: {  	[tilespmem:s24], [sflag:$0x5] =	stream.indirect.gather [hbm4b:s0+s16], $0x40, s5, s16, $0xb8;
	[tilespmem:$0x14E60] =	vst v63  }
0x83: {  	_ =	swait.ge [sflag:s25], $0x1400  }
0x84: {  	[sflag:s25] =	ssyncset.done $0x0  }
0x85: {  	s4 =	simm.s32 $0x4C90;
	[sflag:s25] =	ssyncadd.s32 $0xFFFFEC00  }
0x86: {  	[spmem:s2] =	stream.indirect.scatter.add.f32 [tilespmem:s17], [sflag:$0x6], $0x40, s4, s16, $0xb8;
	[tilespmem:$0x14E60] =	vst v63  }
0x87: {  	_ =	swait.ge [sflag:s26], $0x1400  }
0x88: {  	[sflag:s26] =	ssyncset.done $0x0  }
0x89: {  	s5 =	simm.s32 $0x4CE0;
	[sflag:s26] =	ssyncadd.s32 $0xFFFFEC00  }
0x8a: {  	[spmem:s2] =	stream.indirect.scatter.add.f32 [tilespmem:s18], [sflag:$0x7], $0x40, s5, s16, $0xb8;
	[tilespmem:$0x14E60] =	vst v63  }
0x8b: {  	_ =	swait.ge [sflag:s28], $0x1400  }
0x8c: {  	[sflag:s28] =	ssyncset.done $0x0  }
0x8d: {  	s6 =	simm.s32 $0x4D30;
	[sflag:s28] =	ssyncadd.s32 $0xFFFFEC00  }
0x8e: {  	[spmem:s2] =	stream.indirect.scatter.add.f32 [tilespmem:s20], [sflag:$0x8], $0x40, s6, s16, $0xb8;
	[tilespmem:$0x14E60] =	vst v63  }
0x8f: {  	_ =	swait.ge [sflag:s29], $0x1400  }
0x90: {  	[sflag:s29] =	ssyncset.done $0x0  }
0x91: {  	s5 =	simm.s32 $0x4D80;
	[sflag:s29] =	ssyncadd.s32 $0xFFFFEC00  }
0x92: {  	[spmem:s2] =	stream.indirect.scatter.add.f32 [tilespmem:s22], [sflag:$0x9], $0x40, s5, s16, $0xb8;
	[tilespmem:$0x14E60] =	vst v63  }
0x93: {  	_ =	swait.ge [sflag:s30], $0x1400  }
0x94: {  	[sflag:s30] =	ssyncset.done $0x0  }
0x95: {  	s6 =	simm.s32 $0x4DD0;
	[sflag:s30] =	ssyncadd.s32 $0xFFFFEC00  }
0x96: {  	[spmem:s2] =	stream.indirect.scatter.add.f32 [tilespmem:s24], [sflag:$0xA], $0x40, s6, s16, $0xb8;
	[tilespmem:$0x14E60] =	vst v63  }
0x97: {  	_ =	swait.ge [sflag:s31], $0x1400  }
0x98: {  	[sflag:s31] =	ssyncset.done $0x0  }
0x99: {  	[sflag:s31] =	ssyncadd.s32 $0xFFFFEC00  }
0x9a: {  	_ =	swait.ge [sflag:s1], $0x1400  }
0x9b: {  	[sflag:s1] =	ssyncset.done $0x0  }
0x9c: {  	[sflag:s1] =	ssyncadd.s32 $0xFFFFEC00  }
0x9d: {  	_ =	swait.ge [sflag:s12], $0x1400  }
0x9e: {  	[sflag:s12] =	ssyncset.done $0x0  }
0x9f: {  	[sflag:s12] =	ssyncadd.s32 $0xFFFFEC00  }
0xa0: {  	_ =	swait.ge [sflag:s19], $0x1400  }
0xa1: {  	[sflag:s19] =	ssyncset.done $0x0  }
0xa2: {  	[sflag:s19] =	ssyncadd.s32 $0xFFFFEC00  }
0xa3: {  	_ =	swait.ge [sflag:s21], $0x1400  }
0xa4: {  	[sflag:s21] =	ssyncset.done $0x0  }
0xa5: {  	[sflag:s21] =	ssyncadd.s32 $0xFFFFEC00  }
0xa6: {  	[bflag:$0x0] =	sbarrier.arrive $0xFFFF  }
0xa7: {  	[hbm:s8], [sflag:s13] =	dma.local [spmem:s14], $0x1380  }
0xa8: {  	s23 =	sadd.s32 $0x1, s23;
	_ =	swait.ge [sflag:s11], $0x1380  }
0xa9: {  	p1 =	sne.s32 s23, s10;
	[sflag:s11] =	ssyncset.done $0x0  }
.Ltmp1:
0xaa: {  	s4 =	simm.s32 @!p0 $0xB;
	[sflag:s11] =	ssyncadd.s32 $0xFFFFEC80;
	(pc) =	sbr.rel @p1 .LBB2_1-.Ltmp1, $4  }
0xab: {  	[hbm:s9], [sflag:s13] =	dma.local @!p0 [spmem:s15], $0x80  }
0xac: {  	_ =	swait.ge @!p0 [sflag:s4], $0x80  }
0xad: {  	[sflag:s4] =	ssyncset.done @!p0 $0x0  }
0xae: {  	[sflag:s4] =	ssyncadd.s32 @!p0 $0xFFFFFF80  }
0xaf: {  	_ =	sfence.sel $0x180000  }
0xb0: {  	[bflag:$0x0] =	sbarrier.arrive $0xFFFF  }
0xb1: {  	_ =	strace $0x9000004A  }
0xb2: {  	[bflag:$0x2] =	sbarrier.arrive $0xFFFF  }
0xb3: {  	s0 =	rddreg [dreg:$0x4]  }
0xb4: {  	s0 =	sadd.s32 @!p0 $0x100000, s0  }
0xb5: {  	[sflag:s0] =	ssyncadd.tile.s32 @!p0 $0x1;
	_ =	shalt  }
.Lfunc_end2:
_tile_overlayer_lowered:
.L_overlay_start_2:
0xb6: {  	(tag) =	ssettag $0x2  }
0xb7: {  	s0 =	rddreg [dreg:$0x0];
	s2 =	stileid.u32  }
0xb8: {  	s1 =	rddreg [dreg:$0x1];
	p0 =	sne.s32 s2, $0x0  }
0xb9: {  	s3 =	rddreg [dreg:$0x2];
	[bflag:$0x3] =	sbarrier.arrive $0xFFFF;
	s2 =	simm.s32 @!p0 $0x1C0B  }
0xba: {  	[timem:s3], [sflag:s2] =	dma.local @!p0 [hbm:s0], s1  }
0xbb: {  	s0 =	simm.s32 @!p0 $0xB  }
0xbc: {  	_ =	swait.ge @!p0 [sflag:s0], s1  }
0xbd: {  	s1 =	ssub.s32 @!p0 $0x0, s1;
	[sflag:s0] =	ssyncset.done @!p0 $0x0  }
0xbe: {  	[sflag:s0] =	ssyncadd.s32 @!p0 s1  }
0xbf: {  	[bflag:$0x3] =	sbarrier.arrive $0xFFFF  }
0xc0: {  	_ =	shalt  }

</sc_bundles>
